<compile_context>
chip_gen: v7x
topology: tpu7x:2x2x1
jax: 0.10.2.dev20260603
libtpu: 0.0.44.dev20260713+nightly
codegen_flags: <defaults>
</compile_context>

<pallas_src>
import jax
import jax.numpy as jnp
import numpy as np
from jax import lax
from jax.experimental import pallas as pl
from jax.experimental.pallas import tpu as pltpu
from jax.experimental.pallas import tpu_sc as plsc
from jax._src.pallas import mpmd as _mpmd

_P = 1.0
_LB = 0.8
_HB = 1.2
_F = 4096
_N_TS = 65536
_D = 1024

with jax.default_device(jax.local_devices(backend="cpu")[0]):
    _key = jax.random.key(42)
    _k1, _k2, _k3 = jax.random.split(_key, 3)
    _coin = float(jax.random.uniform(_k1, ()))
    _selection = np.asarray(jax.random.choice(_k2, _N_TS, (_F,), replace=False))
    _factor = float((_HB - _LB) * jax.random.uniform(_k3, ()) + _LB)
    _apply = bool(_coin < _P)

_NC = 2
_NS = 16
_NW = _NC * _NS
_CH = 32
_LANES = 16

_NCH = _F // (_NW * _CH)
_owned = _selection.astype(np.int32).reshape(_NW, _NCH, _CH)

_ROWS = 2048


def _tc_copy_body(x_ref, o_ref):
    o_ref[...] = x_ref[...]


def _tc_copy(data):
    return pl.pallas_call(
        _tc_copy_body,
        grid=(_N_TS // _ROWS,),
        in_specs=[pl.BlockSpec((_ROWS, _D), lambda i: (i, 0))],
        out_specs=pl.BlockSpec((_ROWS, _D), lambda i: (i, 0)),
        out_shape=jax.ShapeDtypeStruct((_N_TS, _D), jnp.float32),
    )(data)


_mesh = plsc.VectorSubcoreMesh(core_axis_name="c", subcore_axis_name="s")


def _sc_scatter_body(copied_hbm, data_hbm, owned_hbm, out_hbm, idxs, buf0,
                     buf1, g0, g1, s0, s1):
    del copied_hbm
    wid = lax.axis_index("s") * _NC + lax.axis_index("c")
    bufs = (buf0, buf1)
    gsems = (g0, g1)
    ssems = (s0, s1)

    def _gather(c, b):
        pltpu.async_copy(data_hbm.at[idxs[c]], bufs[b], gsems[b])

    def _gather_wait(c, b):
        pltpu.make_async_copy(data_hbm.at[idxs[c]], bufs[b],
                              gsems[b]).wait()

    def _scatter(c, b):
        pltpu.async_copy(bufs[b], out_hbm.at[idxs[c]], ssems[b])

    def _scatter_wait(c, b):
        pltpu.make_async_copy(bufs[b], out_hbm.at[idxs[c]],
                              ssems[b]).wait()

    for c in range(_NCH):
        pltpu.sync_copy(owned_hbm.at[wid, c], idxs[c])
    _gather(0, 0)
    for c in range(_NCH):
        b = c % 2
        _gather_wait(c, b)
        if c + 1 < _NCH:
            if c >= 1:
                _scatter_wait(c - 1, 1 - b)
            _gather(c + 1, 1 - b)

        def _scale_row(r, carry, _buf=bufs[b]):
            for j in range(_D // _LANES):
                sl = pl.ds(j * _LANES, _LANES)
                _buf[r, sl] = _buf[r, sl] * _factor
            return carry

        lax.fori_loop(0, _CH, _scale_row, 0)
        _scatter(c, b)
    _scatter_wait(_NCH - 2, _NCH % 2)
    _scatter_wait(_NCH - 1, (_NCH - 1) % 2)


_sc_scatter = _mpmd._mpmd_map(
    [(_mesh, _sc_scatter_body)],
    jax.ShapeDtypeStruct((_N_TS, _D), jnp.float32),
    input_output_aliases={0: 0},
    scratch_types=[
        [pltpu.VMEM((_CH,), jnp.int32) for _ in range(_NCH)],
        pltpu.VMEM((_CH, _D), jnp.float32),
        pltpu.VMEM((_CH, _D), jnp.float32),
        pltpu.SemaphoreType.DMA,
        pltpu.SemaphoreType.DMA,
        pltpu.SemaphoreType.DMA,
        pltpu.SemaphoreType.DMA,
    ],
)


def kernel(data):
    if not _apply:
        return data
    copied = _tc_copy(data)
    return _sc_scatter(copied, data, jnp.asarray(_owned))

# --- scband reference (transcript-rebuilt; emitter-appended) ---
"""Pipeline reference for scband-random-scaling-1657857377039 (READ-ONLY COPY).

The authoritative reference and input builder live on the scoring server;
editing this copy changes nothing except your own understanding.
"""

import jax, jax.numpy as jnp
import numpy as np

P = 1.0
LB = 0.8
HB = 1.2
F = 4096
N_TS = 65536
D = 1024


def setup_inputs(seed: int = 0) -> dict:
    key = jax.random.key(seed)
    data = jax.random.normal(key, (N_TS, D), dtype=jnp.float32)
    return {"data": data}


def reference(data):
    n_ts = data.shape[0]
    k = jax.random.key(42)
    k1, k2, k3 = jax.random.split(k, 3)
    # coin flip: torch.rand(1) < self.p
    coin = jax.random.uniform(k1, ())
    # selection = np.random.choice(n_ts, f, replace=False)
    selection = jax.random.choice(k2, n_ts, (F,), replace=False)
    # factor = (hb - lb) * np.random.random_sample() + lb
    factor = (HB - LB) * jax.random.uniform(k3, ()) + LB
    # gather selected rows, scale, scatter-overwrite back
    data_to_amplify = data[selection, :]
    scaled = data.at[selection, :].set(factor * data_to_amplify)
    # apply only if coin < p (with p=1.0 this always fires)
    out = jnp.where(coin < P, scaled, data)
    return out

if __name__ == "__main__":
    import jax
    _d = setup_inputs()
    print(jax.jit(kernel)(*tuple(_d.values())))

</pallas_src>

<mosaic_0001>
#map = affine_map<(d0, d1) -> (0, 0)>
#map1 = affine_map<(d0, d1) -> (0, 0, 0)>
module attributes {stable_mosaic.version = 14 : i64} {
  func.func @_sc_scatter_body(%arg0: i32, %arg1: i32, %arg2: memref<65536x1024xf32, #tpu.memory_space<hbm>>, %arg3: memref<65536x1024xf32, #tpu.memory_space<hbm>>, %arg4: memref<32x4x32xi32, #tpu.memory_space<hbm>>, %arg5: memref<65536x1024xf32, #tpu.memory_space<hbm>>, %arg6: memref<32xi32, #tpu.memory_space<vmem>>, %arg7: memref<32xi32, #tpu.memory_space<vmem>>, %arg8: memref<32xi32, #tpu.memory_space<vmem>>, %arg9: memref<32xi32, #tpu.memory_space<vmem>>, %arg10: memref<32x1024xf32, #tpu.memory_space<vmem>>, %arg11: memref<32x1024xf32, #tpu.memory_space<vmem>>, %arg12: memref<!tpu.dma_semaphore, #tpu.memory_space<semaphore_mem>>, %arg13: memref<!tpu.dma_semaphore, #tpu.memory_space<semaphore_mem>>, %arg14: memref<!tpu.dma_semaphore, #tpu.memory_space<semaphore_mem>>, %arg15: memref<!tpu.dma_semaphore, #tpu.memory_space<semaphore_mem>>) attributes {dimension_semantics = [#tpu.dimension_semantics<core_parallel>, #tpu.dimension_semantics<subcore_parallel>], iteration_bounds = array<i64: 2, 16>, scalar_prefetch = 0 : i64, scratch_operands = 10 : i64, tpu.core_type = #tpu.core_type<sc_vector_subcore>, window_params = [{transform_indices = #map}, {transform_indices = #map}, {transform_indices = #map1}, {transform_indices = #map}]} {
    %mul3A = arith.constant 2 : i32
    %mul3A_0 = arith.muli %arg1, %mul3A : i32
    %add3A = arith.addi %mul3A_0, %arg0 : i32
    %run_scoped3A = arith.constant 0 : i32
    "tpu.region"() ({
      %run_scoped3A_73 = tpu.sem_alloc : memref<!tpu.dma_semaphore, #tpu.memory_space<semaphore_mem>>
      %dma_start3A_74 = arith.constant 0 : i32
      %dma_start3A_75 = tpu.memref_slice %arg4[%add3A, %run_scoped3A, %dma_start3A_74] : memref<32x4x32xi32, #tpu.memory_space<hbm>> -> memref<1x1x32xi32, #tpu.memory_space<hbm>>
      %dma_start3A_76 = tpu.memref_squeeze %dma_start3A_75 : memref<1x1x32xi32, #tpu.memory_space<hbm>> -> memref<32xi32, #tpu.memory_space<hbm>>
      %dma_start3A_77 = arith.constant 0 : i32
      %dma_start3A_78 = tpu.memref_slice %arg4[%add3A, %run_scoped3A, %dma_start3A_77] : memref<32x4x32xi32, #tpu.memory_space<hbm>> -> memref<1x1x32xi32, #tpu.memory_space<hbm>>
      %dma_start3A_79 = tpu.memref_squeeze %dma_start3A_78 : memref<1x1x32xi32, #tpu.memory_space<hbm>> -> memref<32xi32, #tpu.memory_space<hbm>>
      tpu.enqueue_dma source(%dma_start3A_79 : memref<32xi32, #tpu.memory_space<hbm>>) target(%arg6 : memref<32xi32, #tpu.memory_space<vmem>>) target_semaphore(%run_scoped3A_73 : memref<!tpu.dma_semaphore, #tpu.memory_space<semaphore_mem>>)
      %dma_wait3A_80 = arith.constant 0 : i32
      %dma_wait3A_81 = tpu.memref_slice %arg4[%add3A, %run_scoped3A, %dma_wait3A_80] : memref<32x4x32xi32, #tpu.memory_space<hbm>> -> memref<1x1x32xi32, #tpu.memory_space<hbm>>
      %dma_wait3A_82 = tpu.memref_squeeze %dma_wait3A_81 : memref<1x1x32xi32, #tpu.memory_space<hbm>> -> memref<32xi32, #tpu.memory_space<hbm>>
      %dma_wait3A_83 = arith.constant 0 : i32
      %dma_wait3A_84 = tpu.memref_slice %arg4[%add3A, %run_scoped3A, %dma_wait3A_83] : memref<32x4x32xi32, #tpu.memory_space<hbm>> -> memref<1x1x32xi32, #tpu.memory_space<hbm>>
      %dma_wait3A_85 = tpu.memref_squeeze %dma_wait3A_84 : memref<1x1x32xi32, #tpu.memory_space<hbm>> -> memref<32xi32, #tpu.memory_space<hbm>>
      tpu.wait_dma2 semaphore(%run_scoped3A_73 : memref<!tpu.dma_semaphore, #tpu.memory_space<semaphore_mem>>) src(%dma_wait3A_85 : memref<32xi32, #tpu.memory_space<hbm>>) dst(%arg6 : memref<32xi32, #tpu.memory_space<vmem>>)
      tpu.yield
    }) : () -> ()
    %run_scoped3A_1 = arith.constant 1 : i32
    "tpu.region"() ({
      %run_scoped3A_73 = tpu.sem_alloc : memref<!tpu.dma_semaphore, #tpu.memory_space<semaphore_mem>>
      %dma_start3A_74 = arith.constant 0 : i32
      %dma_start3A_75 = tpu.memref_slice %arg4[%add3A, %run_scoped3A_1, %dma_start3A_74] : memref<32x4x32xi32, #tpu.memory_space<hbm>> -> memref<1x1x32xi32, #tpu.memory_space<hbm>>
      %dma_start3A_76 = tpu.memref_squeeze %dma_start3A_75 : memref<1x1x32xi32, #tpu.memory_space<hbm>> -> memref<32xi32, #tpu.memory_space<hbm>>
      %dma_start3A_77 = arith.constant 0 : i32
      %dma_start3A_78 = tpu.memref_slice %arg4[%add3A, %run_scoped3A_1, %dma_start3A_77] : memref<32x4x32xi32, #tpu.memory_space<hbm>> -> memref<1x1x32xi32, #tpu.memory_space<hbm>>
      %dma_start3A_79 = tpu.memref_squeeze %dma_start3A_78 : memref<1x1x32xi32, #tpu.memory_space<hbm>> -> memref<32xi32, #tpu.memory_space<hbm>>
      tpu.enqueue_dma source(%dma_start3A_79 : memref<32xi32, #tpu.memory_space<hbm>>) target(%arg7 : memref<32xi32, #tpu.memory_space<vmem>>) target_semaphore(%run_scoped3A_73 : memref<!tpu.dma_semaphore, #tpu.memory_space<semaphore_mem>>)
      %dma_wait3A_80 = arith.constant 0 : i32
      %dma_wait3A_81 = tpu.memref_slice %arg4[%add3A, %run_scoped3A_1, %dma_wait3A_80] : memref<32x4x32xi32, #tpu.memory_space<hbm>> -> memref<1x1x32xi32, #tpu.memory_space<hbm>>
      %dma_wait3A_82 = tpu.memref_squeeze %dma_wait3A_81 : memref<1x1x32xi32, #tpu.memory_space<hbm>> -> memref<32xi32, #tpu.memory_space<hbm>>
      %dma_wait3A_83 = arith.constant 0 : i32
      %dma_wait3A_84 = tpu.memref_slice %arg4[%add3A, %run_scoped3A_1, %dma_wait3A_83] : memref<32x4x32xi32, #tpu.memory_space<hbm>> -> memref<1x1x32xi32, #tpu.memory_space<hbm>>
      %dma_wait3A_85 = tpu.memref_squeeze %dma_wait3A_84 : memref<1x1x32xi32, #tpu.memory_space<hbm>> -> memref<32xi32, #tpu.memory_space<hbm>>
      tpu.wait_dma2 semaphore(%run_scoped3A_73 : memref<!tpu.dma_semaphore, #tpu.memory_space<semaphore_mem>>) src(%dma_wait3A_85 : memref<32xi32, #tpu.memory_space<hbm>>) dst(%arg7 : memref<32xi32, #tpu.memory_space<vmem>>)
      tpu.yield
    }) : () -> ()
    %run_scoped3A_2 = arith.constant 2 : i32
    "tpu.region"() ({
      %run_scoped3A_73 = tpu.sem_alloc : memref<!tpu.dma_semaphore, #tpu.memory_space<semaphore_mem>>
      %dma_start3A_74 = arith.constant 0 : i32
      %dma_start3A_75 = tpu.memref_slice %arg4[%add3A, %run_scoped3A_2, %dma_start3A_74] : memref<32x4x32xi32, #tpu.memory_space<hbm>> -> memref<1x1x32xi32, #tpu.memory_space<hbm>>
      %dma_start3A_76 = tpu.memref_squeeze %dma_start3A_75 : memref<1x1x32xi32, #tpu.memory_space<hbm>> -> memref<32xi32, #tpu.memory_space<hbm>>
      %dma_start3A_77 = arith.constant 0 : i32
      %dma_start3A_78 = tpu.memref_slice %arg4[%add3A, %run_scoped3A_2, %dma_start3A_77] : memref<32x4x32xi32, #tpu.memory_space<hbm>> -> memref<1x1x32xi32, #tpu.memory_space<hbm>>
      %dma_start3A_79 = tpu.memref_squeeze %dma_start3A_78 : memref<1x1x32xi32, #tpu.memory_space<hbm>> -> memref<32xi32, #tpu.memory_space<hbm>>
      tpu.enqueue_dma source(%dma_start3A_79 : memref<32xi32, #tpu.memory_space<hbm>>) target(%arg8 : memref<32xi32, #tpu.memory_space<vmem>>) target_semaphore(%run_scoped3A_73 : memref<!tpu.dma_semaphore, #tpu.memory_space<semaphore_mem>>)
      %dma_wait3A_80 = arith.constant 0 : i32
      %dma_wait3A_81 = tpu.memref_slice %arg4[%add3A, %run_scoped3A_2, %dma_wait3A_80] : memref<32x4x32xi32, #tpu.memory_space<hbm>> -> memref<1x1x32xi32, #tpu.memory_space<hbm>>
      %dma_wait3A_82 = tpu.memref_squeeze %dma_wait3A_81 : memref<1x1x32xi32, #tpu.memory_space<hbm>> -> memref<32xi32, #tpu.memory_space<hbm>>
      %dma_wait3A_83 = arith.constant 0 : i32
      %dma_wait3A_84 = tpu.memref_slice %arg4[%add3A, %run_scoped3A_2, %dma_wait3A_83] : memref<32x4x32xi32, #tpu.memory_space<hbm>> -> memref<1x1x32xi32, #tpu.memory_space<hbm>>
      %dma_wait3A_85 = tpu.memref_squeeze %dma_wait3A_84 : memref<1x1x32xi32, #tpu.memory_space<hbm>> -> memref<32xi32, #tpu.memory_space<hbm>>
      tpu.wait_dma2 semaphore(%run_scoped3A_73 : memref<!tpu.dma_semaphore, #tpu.memory_space<semaphore_mem>>) src(%dma_wait3A_85 : memref<32xi32, #tpu.memory_space<hbm>>) dst(%arg8 : memref<32xi32, #tpu.memory_space<vmem>>)
      tpu.yield
    }) : () -> ()
    %run_scoped3A_3 = arith.constant 3 : i32
    "tpu.region"() ({
      %run_scoped3A_73 = tpu.sem_alloc : memref<!tpu.dma_semaphore, #tpu.memory_space<semaphore_mem>>
      %dma_start3A_74 = arith.constant 0 : i32
      %dma_start3A_75 = tpu.memref_slice %arg4[%add3A, %run_scoped3A_3, %dma_start3A_74] : memref<32x4x32xi32, #tpu.memory_space<hbm>> -> memref<1x1x32xi32, #tpu.memory_space<hbm>>
      %dma_start3A_76 = tpu.memref_squeeze %dma_start3A_75 : memref<1x1x32xi32, #tpu.memory_space<hbm>> -> memref<32xi32, #tpu.memory_space<hbm>>
      %dma_start3A_77 = arith.constant 0 : i32
      %dma_start3A_78 = tpu.memref_slice %arg4[%add3A, %run_scoped3A_3, %dma_start3A_77] : memref<32x4x32xi32, #tpu.memory_space<hbm>> -> memref<1x1x32xi32, #tpu.memory_space<hbm>>
      %dma_start3A_79 = tpu.memref_squeeze %dma_start3A_78 : memref<1x1x32xi32, #tpu.memory_space<hbm>> -> memref<32xi32, #tpu.memory_space<hbm>>
      tpu.enqueue_dma source(%dma_start3A_79 : memref<32xi32, #tpu.memory_space<hbm>>) target(%arg9 : memref<32xi32, #tpu.memory_space<vmem>>) target_semaphore(%run_scoped3A_73 : memref<!tpu.dma_semaphore, #tpu.memory_space<semaphore_mem>>)
      %dma_wait3A_80 = arith.constant 0 : i32
      %dma_wait3A_81 = tpu.memref_slice %arg4[%add3A, %run_scoped3A_3, %dma_wait3A_80] : memref<32x4x32xi32, #tpu.memory_space<hbm>> -> memref<1x1x32xi32, #tpu.memory_space<hbm>>
      %dma_wait3A_82 = tpu.memref_squeeze %dma_wait3A_81 : memref<1x1x32xi32, #tpu.memory_space<hbm>> -> memref<32xi32, #tpu.memory_space<hbm>>
      %dma_wait3A_83 = arith.constant 0 : i32
      %dma_wait3A_84 = tpu.memref_slice %arg4[%add3A, %run_scoped3A_3, %dma_wait3A_83] : memref<32x4x32xi32, #tpu.memory_space<hbm>> -> memref<1x1x32xi32, #tpu.memory_space<hbm>>
      %dma_wait3A_85 = tpu.memref_squeeze %dma_wait3A_84 : memref<1x1x32xi32, #tpu.memory_space<hbm>> -> memref<32xi32, #tpu.memory_space<hbm>>
      tpu.wait_dma2 semaphore(%run_scoped3A_73 : memref<!tpu.dma_semaphore, #tpu.memory_space<semaphore_mem>>) src(%dma_wait3A_85 : memref<32xi32, #tpu.memory_space<hbm>>) dst(%arg9 : memref<32xi32, #tpu.memory_space<vmem>>)
      tpu.yield
    }) : () -> ()
    %dma_start3A = arith.constant 0 : i32
    %dma_start3A_4 = arith.constant 0 : i32
    %dma_start3A_5 = tpu.memref_slice %arg3[%dma_start3A, %dma_start3A_4] : memref<65536x1024xf32, #tpu.memory_space<hbm>> -> memref<65536x1024xf32, #tpu.memory_space<hbm>>
    tpu.enqueue_indirect_dma source(%dma_start3A_5 : memref<65536x1024xf32, #tpu.memory_space<hbm>>) target(%arg10 : memref<32x1024xf32, #tpu.memory_space<vmem>>) offsets(%arg6 : memref<32xi32, #tpu.memory_space<vmem>>) semaphore(%arg12 : memref<!tpu.dma_semaphore, #tpu.memory_space<semaphore_mem>>)
    %dma_wait3A = arith.constant 0 : i32
    %dma_wait3A_6 = arith.constant 0 : i32
    %dma_wait3A_7 = tpu.memref_slice %arg3[%dma_wait3A, %dma_wait3A_6] : memref<65536x1024xf32, #tpu.memory_space<hbm>> -> memref<65536x1024xf32, #tpu.memory_space<hbm>>
    tpu.wait_indirect_dma semaphore(%arg12 : memref<!tpu.dma_semaphore, #tpu.memory_space<semaphore_mem>>) src(%dma_wait3A_7 : memref<65536x1024xf32, #tpu.memory_space<hbm>>) dst(%arg10 : memref<32x1024xf32, #tpu.memory_space<vmem>>)
    %dma_start3A_8 = arith.constant 0 : i32
    %dma_start3A_9 = arith.constant 0 : i32
    %dma_start3A_10 = tpu.memref_slice %arg3[%dma_start3A_8, %dma_start3A_9] : memref<65536x1024xf32, #tpu.memory_space<hbm>> -> memref<65536x1024xf32, #tpu.memory_space<hbm>>
    tpu.enqueue_indirect_dma source(%dma_start3A_10 : memref<65536x1024xf32, #tpu.memory_space<hbm>>) target(%arg11 : memref<32x1024xf32, #tpu.memory_space<vmem>>) offsets(%arg7 : memref<32xi32, #tpu.memory_space<vmem>>) semaphore(%arg13 : memref<!tpu.dma_semaphore, #tpu.memory_space<semaphore_mem>>)
    %scan3A = arith.constant 0 : i32
    %scan3A_11 = arith.constant 0 : i32
    %scan3A_12 = arith.constant 32 : i32
    %scan3A_13 = arith.addi %scan3A_11, %scan3A_12 : i32
    %scan3A_14 = arith.constant 1 : i32
    scf.for %scan3A_73 = %scan3A_11 to %scan3A_13 step %scan3A_14  : i32 {
      %get3A = arith.index_cast %scan3A_73 : i32 to index
      %get3A_74 = arith.constant 0 : index
      %get3A_75 = tpu.vector_load %arg10[%get3A, %get3A_74] {strides = array<i32>} : memref<32x1024xf32, #tpu.memory_space<vmem>>, vector<1x16xf32>,
      %get3A_76 = vector.shape_cast %get3A_75 : vector<1x16xf32> to vector<16xf32>
      %mul3A_77 = arith.constant 1.0668962 : f32
      %mul3A_78 = vector.broadcast %mul3A_77 : f32 to vector<16xf32>
      %mul3A_79 = arith.mulf %get3A_76, %mul3A_78 : vector<16xf32>
      %swap3A = arith.index_cast %scan3A_73 : i32 to index
      %swap3A_80 = arith.constant 0 : index
      %swap3A_81 = tpu.vector_load %arg10[%swap3A, %swap3A_80] {strides = array<i32>} : memref<32x1024xf32, #tpu.memory_space<vmem>>, vector<1x16xf32>,
      %swap3A_82 = vector.shape_cast %swap3A_81 : vector<1x16xf32> to vector<16xf32>
      %swap3A_83 = vector.shape_cast %mul3A_79 : vector<16xf32> to vector<1x16xf32>
      tpu.vector_store %arg10[%swap3A, %swap3A_80], %swap3A_83 {strides = array<i32>} : memref<32x1024xf32, #tpu.memory_space<vmem>>, vector<1x16xf32>,
      %get3A_84 = arith.index_cast %scan3A_73 : i32 to index
      %get3A_85 = arith.constant 16 : index
      %get3A_86 = tpu.vector_load %arg10[%get3A_84, %get3A_85] {strides = array<i32>} : memref<32x1024xf32, #tpu.memory_space<vmem>>, vector<1x16xf32>,
      %get3A_87 = vector.shape_cast %get3A_86 : vector<1x16xf32> to vector<16xf32>
      %mul3A_88 = arith.constant 1.0668962 : f32
      %mul3A_89 = vector.broadcast %mul3A_88 : f32 to vector<16xf32>
      %mul3A_90 = arith.mulf %get3A_87, %mul3A_89 : vector<16xf32>
      %swap3A_91 = arith.index_cast %scan3A_73 : i32 to index
      %swap3A_92 = arith.constant 16 : index
      %swap3A_93 = tpu.vector_load %arg10[%swap3A_91, %swap3A_92] {strides = array<i32>} : memref<32x1024xf32, #tpu.memory_space<vmem>>, vector<1x16xf32>,
      %swap3A_94 = vector.shape_cast %swap3A_93 : vector<1x16xf32> to vector<16xf32>
      %swap3A_95 = vector.shape_cast %mul3A_90 : vector<16xf32> to vector<1x16xf32>
      tpu.vector_store %arg10[%swap3A_91, %swap3A_92], %swap3A_95 {strides = array<i32>} : memref<32x1024xf32, #tpu.memory_space<vmem>>, vector<1x16xf32>,
      %get3A_96 = arith.index_cast %scan3A_73 : i32 to index
      %get3A_97 = arith.constant 32 : index
      %get3A_98 = tpu.vector_load %arg10[%get3A_96, %get3A_97] {strides = array<i32>} : memref<32x1024xf32, #tpu.memory_space<vmem>>, vector<1x16xf32>,
      %get3A_99 = vector.shape_cast %get3A_98 : vector<1x16xf32> to vector<16xf32>
      %mul3A_100 = arith.constant 1.0668962 : f32
      %mul3A_101 = vector.broadcast %mul3A_100 : f32 to vector<16xf32>
      %mul3A_102 = arith.mulf %get3A_99, %mul3A_101 : vector<16xf32>
      %swap3A_103 = arith.index_cast %scan3A_73 : i32 to index
      %swap3A_104 = arith.constant 32 : index
      %swap3A_105 = tpu.vector_load %arg10[%swap3A_103, %swap3A_104] {strides = array<i32>} : memref<32x1024xf32, #tpu.memory_space<vmem>>, vector<1x16xf32>,
      %swap3A_106 = vector.shape_cast %swap3A_105 : vector<1x16xf32> to vector<16xf32>
      %swap3A_107 = vector.shape_cast %mul3A_102 : vector<16xf32> to vector<1x16xf32>
      tpu.vector_store %arg10[%swap3A_103, %swap3A_104], %swap3A_107 {strides = array<i32>} : memref<32x1024xf32, #tpu.memory_space<vmem>>, vector<1x16xf32>,
      %get3A_108 = arith.index_cast %scan3A_73 : i32 to index
      %get3A_109 = arith.constant 48 : index
      %get3A_110 = tpu.vector_load %arg10[%get3A_108, %get3A_109] {strides = array<i32>} : memref<32x1024xf32, #tpu.memory_space<vmem>>, vector<1x16xf32>,
      %get3A_111 = vector.shape_cast %get3A_110 : vector<1x16xf32> to vector<16xf32>
      %mul3A_112 = arith.constant 1.0668962 : f32
      %mul3A_113 = vector.broadcast %mul3A_112 : f32 to vector<16xf32>
      %mul3A_114 = arith.mulf %get3A_111, %mul3A_113 : vector<16xf32>
      %swap3A_115 = arith.index_cast %scan3A_73 : i32 to index
      %swap3A_116 = arith.constant 48 : index
      %swap3A_117 = tpu.vector_load %arg10[%swap3A_115, %swap3A_116] {strides = array<i32>} : memref<32x1024xf32, #tpu.memory_space<vmem>>, vector<1x16xf32>,
      %swap3A_118 = vector.shape_cast %swap3A_117 : vector<1x16xf32> to vector<16xf32>
      %swap3A_119 = vector.shape_cast %mul3A_114 : vector<16xf32> to vector<1x16xf32>
      tpu.vector_store %arg10[%swap3A_115, %swap3A_116], %swap3A_119 {strides = array<i32>} : memref<32x1024xf32, #tpu.memory_space<vmem>>, vector<1x16xf32>,
      %get3A_120 = arith.index_cast %scan3A_73 : i32 to index
      %get3A_121 = arith.constant 64 : index
      %get3A_122 = tpu.vector_load %arg10[%get3A_120, %get3A_121] {strides = array<i32>} : memref<32x1024xf32, #tpu.memory_space<vmem>>, vector<1x16xf32>,
      %get3A_123 = vector.shape_cast %get3A_122 : vector<1x16xf32> to vector<16xf32>
      %mul3A_124 = arith.constant 1.0668962 : f32
      %mul3A_125 = vector.broadcast %mul3A_124 : f32 to vector<16xf32>
      %mul3A_126 = arith.mulf %get3A_123, %mul3A_125 : vector<16xf32>
      %swap3A_127 = arith.index_cast %scan3A_73 : i32 to index
      %swap3A_128 = arith.constant 64 : index
      %swap3A_129 = tpu.vector_load %arg10[%swap3A_127, %swap3A_128] {strides = array<i32>} : memref<32x1024xf32, #tpu.memory_space<vmem>>, vector<1x16xf32>,
      %swap3A_130 = vector.shape_cast %swap3A_129 : vector<1x16xf32> to vector<16xf32>
      %swap3A_131 = vector.shape_cast %mul3A_126 : vector<16xf32> to vector<1x16xf32>
      tpu.vector_store %arg10[%swap3A_127, %swap3A_128], %swap3A_131 {strides = array<i32>} : memref<32x1024xf32, #tpu.memory_space<vmem>>, vector<1x16xf32>,
      %get3A_132 = arith.index_cast %scan3A_73 : i32 to index
      %get3A_133 = arith.constant 80 : index
      %get3A_134 = tpu.vector_load %arg10[%get3A_132, %get3A_133] {strides = array<i32>} : memref<32x1024xf32, #tpu.memory_space<vmem>>, vector<1x16xf32>,
      %get3A_135 = vector.shape_cast %get3A_134 : vector<1x16xf32> to vector<16xf32>
      %mul3A_136 = arith.constant 1.0668962 : f32
      %mul3A_137 = vector.broadcast %mul3A_136 : f32 to vector<16xf32>
      %mul3A_138 = arith.mulf %get3A_135, %mul3A_137 : vector<16xf32>
      %swap3A_139 = arith.index_cast %scan3A_73 : i32 to index
      %swap3A_140 = arith.constant 80 : index
      %swap3A_141 = tpu.vector_load %arg10[%swap3A_139, %swap3A_140] {strides = array<i32>} : memref<32x1024xf32, #tpu.memory_space<vmem>>, vector<1x16xf32>,
      %swap3A_142 = vector.shape_cast %swap3A_141 : vector<1x16xf32> to vector<16xf32>
      %swap3A_143 = vector.shape_cast %mul3A_138 : vector<16xf32> to vector<1x16xf32>
      tpu.vector_store %arg10[%swap3A_139, %swap3A_140], %swap3A_143 {strides = array<i32>} : memref<32x1024xf32, #tpu.memory_space<vmem>>, vector<1x16xf32>,
      %get3A_144 = arith.index_cast %scan3A_73 : i32 to index
      %get3A_145 = arith.constant 96 : index
      %get3A_146 = tpu.vector_load %arg10[%get3A_144, %get3A_145] {strides = array<i32>} : memref<32x1024xf32, #tpu.memory_space<vmem>>, vector<1x16xf32>,
      %get3A_147 = vector.shape_cast %get3A_146 : vector<1x16xf32> to vector<16xf32>
      %mul3A_148 = arith.constant 1.0668962 : f32
      %mul3A_149 = vector.broadcast %mul3A_148 : f32 to vector<16xf32>
      %mul3A_150 = arith.mulf %get3A_147, %mul3A_149 : vector<16xf32>
      %swap3A_151 = arith.index_cast %scan3A_73 : i32 to index
      %swap3A_152 = arith.constant 96 : index
      %swap3A_153 = tpu.vector_load %arg10[%swap3A_151, %swap3A_152] {strides = array<i32>} : memref<32x1024xf32, #tpu.memory_space<vmem>>, vector<1x16xf32>,
      %swap3A_154 = vector.shape_cast %swap3A_153 : vector<1x16xf32> to vector<16xf32>
      %swap3A_155 = vector.shape_cast %mul3A_150 : vector<16xf32> to vector<1x16xf32>
      tpu.vector_store %arg10[%swap3A_151, %swap3A_152], %swap3A_155 {strides = array<i32>} : memref<32x1024xf32, #tpu.memory_space<vmem>>, vector<1x16xf32>,
      %get3A_156 = arith.index_cast %scan3A_73 : i32 to index
      %get3A_157 = arith.constant 112 : index
      %get3A_158 = tpu.vector_load %arg10[%get3A_156, %get3A_157] {strides = array<i32>} : memref<32x1024xf32, #tpu.memory_space<vmem>>, vector<1x16xf32>,
      %get3A_159 = vector.shape_cast %get3A_158 : vector<1x16xf32> to vector<16xf32>
      %mul3A_160 = arith.constant 1.0668962 : f32
      %mul3A_161 = vector.broadcast %mul3A_160 : f32 to vector<16xf32>
      %mul3A_162 = arith.mulf %get3A_159, %mul3A_161 : vector<16xf32>
      %swap3A_163 = arith.index_cast %scan3A_73 : i32 to index
      %swap3A_164 = arith.constant 112 : index
      %swap3A_165 = tpu.vector_load %arg10[%swap3A_163, %swap3A_164] {strides = array<i32>} : memref<32x1024xf32, #tpu.memory_space<vmem>>, vector<1x16xf32>,
      %swap3A_166 = vector.shape_cast %swap3A_165 : vector<1x16xf32> to vector<16xf32>
      %swap3A_167 = vector.shape_cast %mul3A_162 : vector<16xf32> to vector<1x16xf32>
      tpu.vector_store %arg10[%swap3A_163, %swap3A_164], %swap3A_167 {strides = array<i32>} : memref<32x1024xf32, #tpu.memory_space<vmem>>, vector<1x16xf32>,
      %get3A_168 = arith.index_cast %scan3A_73 : i32 to index
      %get3A_169 = arith.constant 128 : index
      %get3A_170 = tpu.vector_load %arg10[%get3A_168, %get3A_169] {strides = array<i32>} : memref<32x1024xf32, #tpu.memory_space<vmem>>, vector<1x16xf32>,
      %get3A_171 = vector.shape_cast %get3A_170 : vector<1x16xf32> to vector<16xf32>
      %mul3A_172 = arith.constant 1.0668962 : f32
      %mul3A_173 = vector.broadcast %mul3A_172 : f32 to vector<16xf32>
      %mul3A_174 = arith.mulf %get3A_171, %mul3A_173 : vector<16xf32>
      %swap3A_175 = arith.index_cast %scan3A_73 : i32 to index
      %swap3A_176 = arith.constant 128 : index
      %swap3A_177 = tpu.vector_load %arg10[%swap3A_175, %swap3A_176] {strides = array<i32>} : memref<32x1024xf32, #tpu.memory_space<vmem>>, vector<1x16xf32>,
      %swap3A_178 = vector.shape_cast %swap3A_177 : vector<1x16xf32> to vector<16xf32>
      %swap3A_179 = vector.shape_cast %mul3A_174 : vector<16xf32> to vector<1x16xf32>
      tpu.vector_store %arg10[%swap3A_175, %swap3A_176], %swap3A_179 {strides = array<i32>} : memref<32x1024xf32, #tpu.memory_space<vmem>>, vector<1x16xf32>,
      %get3A_180 = arith.index_cast %scan3A_73 : i32 to index
      %get3A_181 = arith.constant 144 : index
      %get3A_182 = tpu.vector_load %arg10[%get3A_180, %get3A_181] {strides = array<i32>} : memref<32x1024xf32, #tpu.memory_space<vmem>>, vector<1x16xf32>,
      %get3A_183 = vector.shape_cast %get3A_182 : vector<1x16xf32> to vector<16xf32>
      %mul3A_184 = arith.constant 1.0668962 : f32
      %mul3A_185 = vector.broadcast %mul3A_184 : f32 to vector<16xf32>
      %mul3A_186 = arith.mulf %get3A_183, %mul3A_185 : vector<16xf32>
      %swap3A_187 = arith.index_cast %scan3A_73 : i32 to index
      %swap3A_188 = arith.constant 144 : index
      %swap3A_189 = tpu.vector_load %arg10[%swap3A_187, %swap3A_188] {strides = array<i32>} : memref<32x1024xf32, #tpu.memory_space<vmem>>, vector<1x16xf32>,
      %swap3A_190 = vector.shape_cast %swap3A_189 : vector<1x16xf32> to vector<16xf32>
      %swap3A_191 = vector.shape_cast %mul3A_186 : vector<16xf32> to vector<1x16xf32>
      tpu.vector_store %arg10[%swap3A_187, %swap3A_188], %swap3A_191 {strides = array<i32>} : memref<32x1024xf32, #tpu.memory_space<vmem>>, vector<1x16xf32>,
      %get3A_192 = arith.index_cast %scan3A_73 : i32 to index
      %get3A_193 = arith.constant 160 : index
      %get3A_194 = tpu.vector_load %arg10[%get3A_192, %get3A_193] {strides = array<i32>} : memref<32x1024xf32, #tpu.memory_space<vmem>>, vector<1x16xf32>,
      %get3A_195 = vector.shape_cast %get3A_194 : vector<1x16xf32> to vector<16xf32>
      %mul3A_196 = arith.constant 1.0668962 : f32
      %mul3A_197 = vector.broadcast %mul3A_196 : f32 to vector<16xf32>
      %mul3A_198 = arith.mulf %get3A_195, %mul3A_197 : vector<16xf32>
      %swap3A_199 = arith.index_cast %scan3A_73 : i32 to index
      %swap3A_200 = arith.constant 160 : index
      %swap3A_201 = tpu.vector_load %arg10[%swap3A_199, %swap3A_200] {strides = array<i32>} : memref<32x1024xf32, #tpu.memory_space<vmem>>, vector<1x16xf32>,
      %swap3A_202 = vector.shape_cast %swap3A_201 : vector<1x16xf32> to vector<16xf32>
      %swap3A_203 = vector.shape_cast %mul3A_198 : vector<16xf32> to vector<1x16xf32>
      tpu.vector_store %arg10[%swap3A_199, %swap3A_200], %swap3A_203 {strides = array<i32>} : memref<32x1024xf32, #tpu.memory_space<vmem>>, vector<1x16xf32>,
      %get3A_204 = arith.index_cast %scan3A_73 : i32 to index
      %get3A_205 = arith.constant 176 : index
      %get3A_206 = tpu.vector_load %arg10[%get3A_204, %get3A_205] {strides = array<i32>} : memref<32x1024xf32, #tpu.memory_space<vmem>>, vector<1x16xf32>,
      %get3A_207 = vector.shape_cast %get3A_206 : vector<1x16xf32> to vector<16xf32>
      %mul3A_208 = arith.constant 1.0668962 : f32
      %mul3A_209 = vector.broadcast %mul3A_208 : f32 to vector<16xf32>
      %mul3A_210 = arith.mulf %get3A_207, %mul3A_209 : vector<16xf32>
      %swap3A_211 = arith.index_cast %scan3A_73 : i32 to index
      %swap3A_212 = arith.constant 176 : index
      %swap3A_213 = tpu.vector_load %arg10[%swap3A_211, %swap3A_212] {strides = array<i32>} : memref<32x1024xf32, #tpu.memory_space<vmem>>, vector<1x16xf32>,
      %swap3A_214 = vector.shape_cast %swap3A_213 : vector<1x16xf32> to vector<16xf32>
      %swap3A_215 = vector.shape_cast %mul3A_210 : vector<16xf32> to vector<1x16xf32>
      tpu.vector_store %arg10[%swap3A_211, %swap3A_212], %swap3A_215 {strides = array<i32>} : memref<32x1024xf32, #tpu.memory_space<vmem>>, vector<1x16xf32>,
      %get3A_216 = arith.index_cast %scan3A_73 : i32 to index
      %get3A_217 = arith.constant 192 : index
      %get3A_218 = tpu.vector_load %arg10[%get3A_216, %get3A_217] {strides = array<i32>} : memref<32x1024xf32, #tpu.memory_space<vmem>>, vector<1x16xf32>,
      %get3A_219 = vector.shape_cast %get3A_218 : vector<1x16xf32> to vector<16xf32>
      %mul3A_220 = arith.constant 1.0668962 : f32
      %mul3A_221 = vector.broadcast %mul3A_220 : f32 to vector<16xf32>
      %mul3A_222 = arith.mulf %get3A_219, %mul3A_221 : vector<16xf32>
      %swap3A_223 = arith.index_cast %scan3A_73 : i32 to index
      %swap3A_224 = arith.constant 192 : index
      %swap3A_225 = tpu.vector_load %arg10[%swap3A_223, %swap3A_224] {strides = array<i32>} : memref<32x1024xf32, #tpu.memory_space<vmem>>, vector<1x16xf32>,
      %swap3A_226 = vector.shape_cast %swap3A_225 : vector<1x16xf32> to vector<16xf32>
      %swap3A_227 = vector.shape_cast %mul3A_222 : vector<16xf32> to vector<1x16xf32>
      tpu.vector_store %arg10[%swap3A_223, %swap3A_224], %swap3A_227 {strides = array<i32>} : memref<32x1024xf32, #tpu.memory_space<vmem>>, vector<1x16xf32>,
      %get3A_228 = arith.index_cast %scan3A_73 : i32 to index
      %get3A_229 = arith.constant 208 : index
      %get3A_230 = tpu.vector_load %arg10[%get3A_228, %get3A_229] {strides = array<i32>} : memref<32x1024xf32, #tpu.memory_space<vmem>>, vector<1x16xf32>,
      %get3A_231 = vector.shape_cast %get3A_230 : vector<1x16xf32> to vector<16xf32>
      %mul3A_232 = arith.constant 1.0668962 : f32
      %mul3A_233 = vector.broadcast %mul3A_232 : f32 to vector<16xf32>
      %mul3A_234 = arith.mulf %get3A_231, %mul3A_233 : vector<16xf32>
      %swap3A_235 = arith.index_cast %scan3A_73 : i32 to index
      %swap3A_236 = arith.constant 208 : index
      %swap3A_237 = tpu.vector_load %arg10[%swap3A_235, %swap3A_236] {strides = array<i32>} : memref<32x1024xf32, #tpu.memory_space<vmem>>, vector<1x16xf32>,
      %swap3A_238 = vector.shape_cast %swap3A_237 : vector<1x16xf32> to vector<16xf32>
      %swap3A_239 = vector.shape_cast %mul3A_234 : vector<16xf32> to vector<1x16xf32>
      tpu.vector_store %arg10[%swap3A_235, %swap3A_236], %swap3A_239 {strides = array<i32>} : memref<32x1024xf32, #tpu.memory_space<vmem>>, vector<1x16xf32>,
      %get3A_240 = arith.index_cast %scan3A_73 : i32 to index
      %get3A_241 = arith.constant 224 : index
      %get3A_242 = tpu.vector_load %arg10[%get3A_240, %get3A_241] {strides = array<i32>} : memref<32x1024xf32, #tpu.memory_space<vmem>>, vector<1x16xf32>,
      %get3A_243 = vector.shape_cast %get3A_242 : vector<1x16xf32> to vector<16xf32>
      %mul3A_244 = arith.constant 1.0668962 : f32
      %mul3A_245 = vector.broadcast %mul3A_244 : f32 to vector<16xf32>
      %mul3A_246 = arith.mulf %get3A_243, %mul3A_245 : vector<16xf32>
      %swap3A_247 = arith.index_cast %scan3A_73 : i32 to index
      %swap3A_248 = arith.constant 224 : index
      %swap3A_249 = tpu.vector_load %arg10[%swap3A_247, %swap3A_248] {strides = array<i32>} : memref<32x1024xf32, #tpu.memory_space<vmem>>, vector<1x16xf32>,
      %swap3A_250 = vector.shape_cast %swap3A_249 : vector<1x16xf32> to vector<16xf32>
      %swap3A_251 = vector.shape_cast %mul3A_246 : vector<16xf32> to vector<1x16xf32>
      tpu.vector_store %arg10[%swap3A_247, %swap3A_248], %swap3A_251 {strides = array<i32>} : memref<32x1024xf32, #tpu.memory_space<vmem>>, vector<1x16xf32>,
      %get3A_252 = arith.index_cast %scan3A_73 : i32 to index
      %get3A_253 = arith.constant 240 : index
      %get3A_254 = tpu.vector_load %arg10[%get3A_252, %get3A_253] {strides = array<i32>} : memref<32x1024xf32, #tpu.memory_space<vmem>>, vector<1x16xf32>,
      %get3A_255 = vector.shape_cast %get3A_254 : vector<1x16xf32> to vector<16xf32>
      %mul3A_256 = arith.constant 1.0668962 : f32
      %mul3A_257 = vector.broadcast %mul3A_256 : f32 to vector<16xf32>
      %mul3A_258 = arith.mulf %get3A_255, %mul3A_257 : vector<16xf32>
      %swap3A_259 = arith.index_cast %scan3A_73 : i32 to index
      %swap3A_260 = arith.constant 240 : index
      %swap3A_261 = tpu.vector_load %arg10[%swap3A_259, %swap3A_260] {strides = array<i32>} : memref<32x1024xf32, #tpu.memory_space<vmem>>, vector<1x16xf32>,
      %swap3A_262 = vector.shape_cast %swap3A_261 : vector<1x16xf32> to vector<16xf32>
      %swap3A_263 = vector.shape_cast %mul3A_258 : vector<16xf32> to vector<1x16xf32>
      tpu.vector_store %arg10[%swap3A_259, %swap3A_260], %swap3A_263 {strides = array<i32>} : memref<32x1024xf32, #tpu.memory_space<vmem>>, vector<1x16xf32>,
      %get3A_264 = arith.index_cast %scan3A_73 : i32 to index
      %get3A_265 = arith.constant 256 : index
      %get3A_266 = tpu.vector_load %arg10[%get3A_264, %get3A_265] {strides = array<i32>} : memref<32x1024xf32, #tpu.memory_space<vmem>>, vector<1x16xf32>,
      %get3A_267 = vector.shape_cast %get3A_266 : vector<1x16xf32> to vector<16xf32>
      %mul3A_268 = arith.constant 1.0668962 : f32
      %mul3A_269 = vector.broadcast %mul3A_268 : f32 to vector<16xf32>
      %mul3A_270 = arith.mulf %get3A_267, %mul3A_269 : vector<16xf32>
      %swap3A_271 = arith.index_cast %scan3A_73 : i32 to index
      %swap3A_272 = arith.constant 256 : index
      %swap3A_273 = tpu.vector_load %arg10[%swap3A_271, %swap3A_272] {strides = array<i32>} : memref<32x1024xf32, #tpu.memory_space<vmem>>, vector<1x16xf32>,
      %swap3A_274 = vector.shape_cast %swap3A_273 : vector<1x16xf32> to vector<16xf32>
      %swap3A_275 = vector.shape_cast %mul3A_270 : vector<16xf32> to vector<1x16xf32>
      tpu.vector_store %arg10[%swap3A_271, %swap3A_272], %swap3A_275 {strides = array<i32>} : memref<32x1024xf32, #tpu.memory_space<vmem>>, vector<1x16xf32>,
      %get3A_276 = arith.index_cast %scan3A_73 : i32 to index
      %get3A_277 = arith.constant 272 : index
      %get3A_278 = tpu.vector_load %arg10[%get3A_276, %get3A_277] {strides = array<i32>} : memref<32x1024xf32, #tpu.memory_space<vmem>>, vector<1x16xf32>,
      %get3A_279 = vector.shape_cast %get3A_278 : vector<1x16xf32> to vector<16xf32>
      %mul3A_280 = arith.constant 1.0668962 : f32
      %mul3A_281 = vector.broadcast %mul3A_280 : f32 to vector<16xf32>
      %mul3A_282 = arith.mulf %get3A_279, %mul3A_281 : vector<16xf32>
      %swap3A_283 = arith.index_cast %scan3A_73 : i32 to index
      %swap3A_284 = arith.constant 272 : index
      %swap3A_285 = tpu.vector_load %arg10[%swap3A_283, %swap3A_284] {strides = array<i32>} : memref<32x1024xf32, #tpu.memory_space<vmem>>, vector<1x16xf32>,
      %swap3A_286 = vector.shape_cast %swap3A_285 : vector<1x16xf32> to vector<16xf32>
      %swap3A_287 = vector.shape_cast %mul3A_282 : vector<16xf32> to vector<1x16xf32>
      tpu.vector_store %arg10[%swap3A_283, %swap3A_284], %swap3A_287 {strides = array<i32>} : memref<32x1024xf32, #tpu.memory_space<vmem>>, vector<1x16xf32>,
      %get3A_288 = arith.index_cast %scan3A_73 : i32 to index
      %get3A_289 = arith.constant 288 : index
      %get3A_290 = tpu.vector_load %arg10[%get3A_288, %get3A_289] {strides = array<i32>} : memref<32x1024xf32, #tpu.memory_space<vmem>>, vector<1x16xf32>,
      %get3A_291 = vector.shape_cast %get3A_290 : vector<1x16xf32> to vector<16xf32>
      %mul3A_292 = arith.constant 1.0668962 : f32
      %mul3A_293 = vector.broadcast %mul3A_292 : f32 to vector<16xf32>
      %mul3A_294 = arith.mulf %get3A_291, %mul3A_293 : vector<16xf32>
      %swap3A_295 = arith.index_cast %scan3A_73 : i32 to index
      %swap3A_296 = arith.constant 288 : index
      %swap3A_297 = tpu.vector_load %arg10[%swap3A_295, %swap3A_296] {strides = array<i32>} : memref<32x1024xf32, #tpu.memory_space<vmem>>, vector<1x16xf32>,
      %swap3A_298 = vector.shape_cast %swap3A_297 : vector<1x16xf32> to vector<16xf32>
      %swap3A_299 = vector.shape_cast %mul3A_294 : vector<16xf32> to vector<1x16xf32>
      tpu.vector_store %arg10[%swap3A_295, %swap3A_296], %swap3A_299 {strides = array<i32>} : memref<32x1024xf32, #tpu.memory_space<vmem>>, vector<1x16xf32>,
      %get3A_300 = arith.index_cast %scan3A_73 : i32 to index
      %get3A_301 = arith.constant 304 : index
      %get3A_302 = tpu.vector_load %arg10[%get3A_300, %get3A_301] {strides = array<i32>} : memref<32x1024xf32, #tpu.memory_space<vmem>>, vector<1x16xf32>,
      %get3A_303 = vector.shape_cast %get3A_302 : vector<1x16xf32> to vector<16xf32>
      %mul3A_304 = arith.constant 1.0668962 : f32
      %mul3A_305 = vector.broadcast %mul3A_304 : f32 to vector<16xf32>
      %mul3A_306 = arith.mulf %get3A_303, %mul3A_305 : vector<16xf32>
      %swap3A_307 = arith.index_cast %scan3A_73 : i32 to index
      %swap3A_308 = arith.constant 304 : index
      %swap3A_309 = tpu.vector_load %arg10[%swap3A_307, %swap3A_308] {strides = array<i32>} : memref<32x1024xf32, #tpu.memory_space<vmem>>, vector<1x16xf32>,
      %swap3A_310 = vector.shape_cast %swap3A_309 : vector<1x16xf32> to vector<16xf32>
      %swap3A_311 = vector.shape_cast %mul3A_306 : vector<16xf32> to vector<1x16xf32>
      tpu.vector_store %arg10[%swap3A_307, %swap3A_308], %swap3A_311 {strides = array<i32>} : memref<32x1024xf32, #tpu.memory_space<vmem>>, vector<1x16xf32>,
      %get3A_312 = arith.index_cast %scan3A_73 : i32 to index
      %get3A_313 = arith.constant 320 : index
      %get3A_314 = tpu.vector_load %arg10[%get3A_312, %get3A_313] {strides = array<i32>} : memref<32x1024xf32, #tpu.memory_space<vmem>>, vector<1x16xf32>,
      %get3A_315 = vector.shape_cast %get3A_314 : vector<1x16xf32> to vector<16xf32>
      %mul3A_316 = arith.constant 1.0668962 : f32
      %mul3A_317 = vector.broadcast %mul3A_316 : f32 to vector<16xf32>
      %mul3A_318 = arith.mulf %get3A_315, %mul3A_317 : vector<16xf32>
      %swap3A_319 = arith.index_cast %scan3A_73 : i32 to index
      %swap3A_320 = arith.constant 320 : index
      %swap3A_321 = tpu.vector_load %arg10[%swap3A_319, %swap3A_320] {strides = array<i32>} : memref<32x1024xf32, #tpu.memory_space<vmem>>, vector<1x16xf32>,
      %swap3A_322 = vector.shape_cast %swap3A_321 : vector<1x16xf32> to vector<16xf32>
      %swap3A_323 = vector.shape_cast %mul3A_318 : vector<16xf32> to vector<1x16xf32>
      tpu.vector_store %arg10[%swap3A_319, %swap3A_320], %swap3A_323 {strides = array<i32>} : memref<32x1024xf32, #tpu.memory_space<vmem>>, vector<1x16xf32>,
      %get3A_324 = arith.index_cast %scan3A_73 : i32 to index
      %get3A_325 = arith.constant 336 : index
      %get3A_326 = tpu.vector_load %arg10[%get3A_324, %get3A_325] {strides = array<i32>} : memref<32x1024xf32, #tpu.memory_space<vmem>>, vector<1x16xf32>,
      %get3A_327 = vector.shape_cast %get3A_326 : vector<1x16xf32> to vector<16xf32>
      %mul3A_328 = arith.constant 1.0668962 : f32
      %mul3A_329 = vector.broadcast %mul3A_328 : f32 to vector<16xf32>
      %mul3A_330 = arith.mulf %get3A_327, %mul3A_329 : vector<16xf32>
      %swap3A_331 = arith.index_cast %scan3A_73 : i32 to index
      %swap3A_332 = arith.constant 336 : index
      %swap3A_333 = tpu.vector_load %arg10[%swap3A_331, %swap3A_332] {strides = array<i32>} : memref<32x1024xf32, #tpu.memory_space<vmem>>, vector<1x16xf32>,
      %swap3A_334 = vector.shape_cast %swap3A_333 : vector<1x16xf32> to vector<16xf32>
      %swap3A_335 = vector.shape_cast %mul3A_330 : vector<16xf32> to vector<1x16xf32>
      tpu.vector_store %arg10[%swap3A_331, %swap3A_332], %swap3A_335 {strides = array<i32>} : memref<32x1024xf32, #tpu.memory_space<vmem>>, vector<1x16xf32>,
      %get3A_336 = arith.index_cast %scan3A_73 : i32 to index
      %get3A_337 = arith.constant 352 : index
      %get3A_338 = tpu.vector_load %arg10[%get3A_336, %get3A_337] {strides = array<i32>} : memref<32x1024xf32, #tpu.memory_space<vmem>>, vector<1x16xf32>,
      %get3A_339 = vector.shape_cast %get3A_338 : vector<1x16xf32> to vector<16xf32>
      %mul3A_340 = arith.constant 1.0668962 : f32
      %mul3A_341 = vector.broadcast %mul3A_340 : f32 to vector<16xf32>
      %mul3A_342 = arith.mulf %get3A_339, %mul3A_341 : vector<16xf32>
      %swap3A_343 = arith.index_cast %scan3A_73 : i32 to index
      %swap3A_344 = arith.constant 352 : index
      %swap3A_345 = tpu.vector_load %arg10[%swap3A_343, %swap3A_344] {strides = array<i32>} : memref<32x1024xf32, #tpu.memory_space<vmem>>, vector<1x16xf32>,
      %swap3A_346 = vector.shape_cast %swap3A_345 : vector<1x16xf32> to vector<16xf32>
      %swap3A_347 = vector.shape_cast %mul3A_342 : vector<16xf32> to vector<1x16xf32>
      tpu.vector_store %arg10[%swap3A_343, %swap3A_344], %swap3A_347 {strides = array<i32>} : memref<32x1024xf32, #tpu.memory_space<vmem>>, vector<1x16xf32>,
      %get3A_348 = arith.index_cast %scan3A_73 : i32 to index
      %get3A_349 = arith.constant 368 : index
      %get3A_350 = tpu.vector_load %arg10[%get3A_348, %get3A_349] {strides = array<i32>} : memref<32x1024xf32, #tpu.memory_space<vmem>>, vector<1x16xf32>,
      %get3A_351 = vector.shape_cast %get3A_350 : vector<1x16xf32> to vector<16xf32>
      %mul3A_352 = arith.constant 1.0668962 : f32
      %mul3A_353 = vector.broadcast %mul3A_352 : f32 to vector<16xf32>
      %mul3A_354 = arith.mulf %get3A_351, %mul3A_353 : vector<16xf32>
      %swap3A_355 = arith.index_cast %scan3A_73 : i32 to index
      %swap3A_356 = arith.constant 368 : index
      %swap3A_357 = tpu.vector_load %arg10[%swap3A_355, %swap3A_356] {strides = array<i32>} : memref<32x1024xf32, #tpu.memory_space<vmem>>, vector<1x16xf32>,
      %swap3A_358 = vector.shape_cast %swap3A_357 : vector<1x16xf32> to vector<16xf32>
      %swap3A_359 = vector.shape_cast %mul3A_354 : vector<16xf32> to vector<1x16xf32>
      tpu.vector_store %arg10[%swap3A_355, %swap3A_356], %swap3A_359 {strides = array<i32>} : memref<32x1024xf32, #tpu.memory_space<vmem>>, vector<1x16xf32>,
      %get3A_360 = arith.index_cast %scan3A_73 : i32 to index
      %get3A_361 = arith.constant 384 : index
      %get3A_362 = tpu.vector_load %arg10[%get3A_360, %get3A_361] {strides = array<i32>} : memref<32x1024xf32, #tpu.memory_space<vmem>>, vector<1x16xf32>,
      %get3A_363 = vector.shape_cast %get3A_362 : vector<1x16xf32> to vector<16xf32>
      %mul3A_364 = arith.constant 1.0668962 : f32
      %mul3A_365 = vector.broadcast %mul3A_364 : f32 to vector<16xf32>
      %mul3A_366 = arith.mulf %get3A_363, %mul3A_365 : vector<16xf32>
      %swap3A_367 = arith.index_cast %scan3A_73 : i32 to index
      %swap3A_368 = arith.constant 384 : index
      %swap3A_369 = tpu.vector_load %arg10[%swap3A_367, %swap3A_368] {strides = array<i32>} : memref<32x1024xf32, #tpu.memory_space<vmem>>, vector<1x16xf32>,
      %swap3A_370 = vector.shape_cast %swap3A_369 : vector<1x16xf32> to vector<16xf32>
      %swap3A_371 = vector.shape_cast %mul3A_366 : vector<16xf32> to vector<1x16xf32>
      tpu.vector_store %arg10[%swap3A_367, %swap3A_368], %swap3A_371 {strides = array<i32>} : memref<32x1024xf32, #tpu.memory_space<vmem>>, vector<1x16xf32>,
      %get3A_372 = arith.index_cast %scan3A_73 : i32 to index
      %get3A_373 = arith.constant 400 : index
      %get3A_374 = tpu.vector_load %arg10[%get3A_372, %get3A_373] {strides = array<i32>} : memref<32x1024xf32, #tpu.memory_space<vmem>>, vector<1x16xf32>,
      %get3A_375 = vector.shape_cast %get3A_374 : vector<1x16xf32> to vector<16xf32>
      %mul3A_376 = arith.constant 1.0668962 : f32
      %mul3A_377 = vector.broadcast %mul3A_376 : f32 to vector<16xf32>
      %mul3A_378 = arith.mulf %get3A_375, %mul3A_377 : vector<16xf32>
      %swap3A_379 = arith.index_cast %scan3A_73 : i32 to index
      %swap3A_380 = arith.constant 400 : index
      %swap3A_381 = tpu.vector_load %arg10[%swap3A_379, %swap3A_380] {strides = array<i32>} : memref<32x1024xf32, #tpu.memory_space<vmem>>, vector<1x16xf32>,
      %swap3A_382 = vector.shape_cast %swap3A_381 : vector<1x16xf32> to vector<16xf32>
      %swap3A_383 = vector.shape_cast %mul3A_378 : vector<16xf32> to vector<1x16xf32>
      tpu.vector_store %arg10[%swap3A_379, %swap3A_380], %swap3A_383 {strides = array<i32>} : memref<32x1024xf32, #tpu.memory_space<vmem>>, vector<1x16xf32>,
      %get3A_384 = arith.index_cast %scan3A_73 : i32 to index
      %get3A_385 = arith.constant 416 : index
      %get3A_386 = tpu.vector_load %arg10[%get3A_384, %get3A_385] {strides = array<i32>} : memref<32x1024xf32, #tpu.memory_space<vmem>>, vector<1x16xf32>,
      %get3A_387 = vector.shape_cast %get3A_386 : vector<1x16xf32> to vector<16xf32>
      %mul3A_388 = arith.constant 1.0668962 : f32
      %mul3A_389 = vector.broadcast %mul3A_388 : f32 to vector<16xf32>
      %mul3A_390 = arith.mulf %get3A_387, %mul3A_389 : vector<16xf32>
      %swap3A_391 = arith.index_cast %scan3A_73 : i32 to index
      %swap3A_392 = arith.constant 416 : index
      %swap3A_393 = tpu.vector_load %arg10[%swap3A_391, %swap3A_392] {strides = array<i32>} : memref<32x1024xf32, #tpu.memory_space<vmem>>, vector<1x16xf32>,
      %swap3A_394 = vector.shape_cast %swap3A_393 : vector<1x16xf32> to vector<16xf32>
      %swap3A_395 = vector.shape_cast %mul3A_390 : vector<16xf32> to vector<1x16xf32>
      tpu.vector_store %arg10[%swap3A_391, %swap3A_392], %swap3A_395 {strides = array<i32>} : memref<32x1024xf32, #tpu.memory_space<vmem>>, vector<1x16xf32>,
      %get3A_396 = arith.index_cast %scan3A_73 : i32 to index
      %get3A_397 = arith.constant 432 : index
      %get3A_398 = tpu.vector_load %arg10[%get3A_396, %get3A_397] {strides = array<i32>} : memref<32x1024xf32, #tpu.memory_space<vmem>>, vector<1x16xf32>,
      %get3A_399 = vector.shape_cast %get3A_398 : vector<1x16xf32> to vector<16xf32>
      %mul3A_400 = arith.constant 1.0668962 : f32
      %mul3A_401 = vector.broadcast %mul3A_400 : f32 to vector<16xf32>
      %mul3A_402 = arith.mulf %get3A_399, %mul3A_401 : vector<16xf32>
      %swap3A_403 = arith.index_cast %scan3A_73 : i32 to index
      %swap3A_404 = arith.constant 432 : index
      %swap3A_405 = tpu.vector_load %arg10[%swap3A_403, %swap3A_404] {strides = array<i32>} : memref<32x1024xf32, #tpu.memory_space<vmem>>, vector<1x16xf32>,
      %swap3A_406 = vector.shape_cast %swap3A_405 : vector<1x16xf32> to vector<16xf32>
      %swap3A_407 = vector.shape_cast %mul3A_402 : vector<16xf32> to vector<1x16xf32>
      tpu.vector_store %arg10[%swap3A_403, %swap3A_404], %swap3A_407 {strides = array<i32>} : memref<32x1024xf32, #tpu.memory_space<vmem>>, vector<1x16xf32>,
      %get3A_408 = arith.index_cast %scan3A_73 : i32 to index
      %get3A_409 = arith.constant 448 : index
      %get3A_410 = tpu.vector_load %arg10[%get3A_408, %get3A_409] {strides = array<i32>} : memref<32x1024xf32, #tpu.memory_space<vmem>>, vector<1x16xf32>,
      %get3A_411 = vector.shape_cast %get3A_410 : vector<1x16xf32> to vector<16xf32>
      %mul3A_412 = arith.constant 1.0668962 : f32
      %mul3A_413 = vector.broadcast %mul3A_412 : f32 to vector<16xf32>
      %mul3A_414 = arith.mulf %get3A_411, %mul3A_413 : vector<16xf32>
      %swap3A_415 = arith.index_cast %scan3A_73 : i32 to index
      %swap3A_416 = arith.constant 448 : index
      %swap3A_417 = tpu.vector_load %arg10[%swap3A_415, %swap3A_416] {strides = array<i32>} : memref<32x1024xf32, #tpu.memory_space<vmem>>, vector<1x16xf32>,
      %swap3A_418 = vector.shape_cast %swap3A_417 : vector<1x16xf32> to vector<16xf32>
      %swap3A_419 = vector.shape_cast %mul3A_414 : vector<16xf32> to vector<1x16xf32>
      tpu.vector_store %arg10[%swap3A_415, %swap3A_416], %swap3A_419 {strides = array<i32>} : memref<32x1024xf32, #tpu.memory_space<vmem>>, vector<1x16xf32>,
      %get3A_420 = arith.index_cast %scan3A_73 : i32 to index
      %get3A_421 = arith.constant 464 : index
      %get3A_422 = tpu.vector_load %arg10[%get3A_420, %get3A_421] {strides = array<i32>} : memref<32x1024xf32, #tpu.memory_space<vmem>>, vector<1x16xf32>,
      %get3A_423 = vector.shape_cast %get3A_422 : vector<1x16xf32> to vector<16xf32>
      %mul3A_424 = arith.constant 1.0668962 : f32
      %mul3A_425 = vector.broadcast %mul3A_424 : f32 to vector<16xf32>
      %mul3A_426 = arith.mulf %get3A_423, %mul3A_425 : vector<16xf32>
      %swap3A_427 = arith.index_cast %scan3A_73 : i32 to index
      %swap3A_428 = arith.constant 464 : index
      %swap3A_429 = tpu.vector_load %arg10[%swap3A_427, %swap3A_428] {strides = array<i32>} : memref<32x1024xf32, #tpu.memory_space<vmem>>, vector<1x16xf32>,
      %swap3A_430 = vector.shape_cast %swap3A_429 : vector<1x16xf32> to vector<16xf32>
      %swap3A_431 = vector.shape_cast %mul3A_426 : vector<16xf32> to vector<1x16xf32>
      tpu.vector_store %arg10[%swap3A_427, %swap3A_428], %swap3A_431 {strides = array<i32>} : memref<32x1024xf32, #tpu.memory_space<vmem>>, vector<1x16xf32>,
      %get3A_432 = arith.index_cast %scan3A_73 : i32 to index
      %get3A_433 = arith.constant 480 : index
      %get3A_434 = tpu.vector_load %arg10[%get3A_432, %get3A_433] {strides = array<i32>} : memref<32x1024xf32, #tpu.memory_space<vmem>>, vector<1x16xf32>,
      %get3A_435 = vector.shape_cast %get3A_434 : vector<1x16xf32> to vector<16xf32>
      %mul3A_436 = arith.constant 1.0668962 : f32
      %mul3A_437 = vector.broadcast %mul3A_436 : f32 to vector<16xf32>
      %mul3A_438 = arith.mulf %get3A_435, %mul3A_437 : vector<16xf32>
      %swap3A_439 = arith.index_cast %scan3A_73 : i32 to index
      %swap3A_440 = arith.constant 480 : index
      %swap3A_441 = tpu.vector_load %arg10[%swap3A_439, %swap3A_440] {strides = array<i32>} : memref<32x1024xf32, #tpu.memory_space<vmem>>, vector<1x16xf32>,
      %swap3A_442 = vector.shape_cast %swap3A_441 : vector<1x16xf32> to vector<16xf32>
      %swap3A_443 = vector.shape_cast %mul3A_438 : vector<16xf32> to vector<1x16xf32>
      tpu.vector_store %arg10[%swap3A_439, %swap3A_440], %swap3A_443 {strides = array<i32>} : memref<32x1024xf32, #tpu.memory_space<vmem>>, vector<1x16xf32>,
      %get3A_444 = arith.index_cast %scan3A_73 : i32 to index
      %get3A_445 = arith.constant 496 : index
      %get3A_446 = tpu.vector_load %arg10[%get3A_444, %get3A_445] {strides = array<i32>} : memref<32x1024xf32, #tpu.memory_space<vmem>>, vector<1x16xf32>,
      %get3A_447 = vector.shape_cast %get3A_446 : vector<1x16xf32> to vector<16xf32>
      %mul3A_448 = arith.constant 1.0668962 : f32
      %mul3A_449 = vector.broadcast %mul3A_448 : f32 to vector<16xf32>
      %mul3A_450 = arith.mulf %get3A_447, %mul3A_449 : vector<16xf32>
      %swap3A_451 = arith.index_cast %scan3A_73 : i32 to index
      %swap3A_452 = arith.constant 496 : index
      %swap3A_453 = tpu.vector_load %arg10[%swap3A_451, %swap3A_452] {strides = array<i32>} : memref<32x1024xf32, #tpu.memory_space<vmem>>, vector<1x16xf32>,
      %swap3A_454 = vector.shape_cast %swap3A_453 : vector<1x16xf32> to vector<16xf32>
      %swap3A_455 = vector.shape_cast %mul3A_450 : vector<16xf32> to vector<1x16xf32>
      tpu.vector_store %arg10[%swap3A_451, %swap3A_452], %swap3A_455 {strides = array<i32>} : memref<32x1024xf32, #tpu.memory_space<vmem>>, vector<1x16xf32>,
      %get3A_456 = arith.index_cast %scan3A_73 : i32 to index
      %get3A_457 = arith.constant 512 : index
      %get3A_458 = tpu.vector_load %arg10[%get3A_456, %get3A_457] {strides = array<i32>} : memref<32x1024xf32, #tpu.memory_space<vmem>>, vector<1x16xf32>,
      %get3A_459 = vector.shape_cast %get3A_458 : vector<1x16xf32> to vector<16xf32>
      %mul3A_460 = arith.constant 1.0668962 : f32
      %mul3A_461 = vector.broadcast %mul3A_460 : f32 to vector<16xf32>
      %mul3A_462 = arith.mulf %get3A_459, %mul3A_461 : vector<16xf32>
      %swap3A_463 = arith.index_cast %scan3A_73 : i32 to index
      %swap3A_464 = arith.constant 512 : index
      %swap3A_465 = tpu.vector_load %arg10[%swap3A_463, %swap3A_464] {strides = array<i32>} : memref<32x1024xf32, #tpu.memory_space<vmem>>, vector<1x16xf32>,
      %swap3A_466 = vector.shape_cast %swap3A_465 : vector<1x16xf32> to vector<16xf32>
      %swap3A_467 = vector.shape_cast %mul3A_462 : vector<16xf32> to vector<1x16xf32>
      tpu.vector_store %arg10[%swap3A_463, %swap3A_464], %swap3A_467 {strides = array<i32>} : memref<32x1024xf32, #tpu.memory_space<vmem>>, vector<1x16xf32>,
      %get3A_468 = arith.index_cast %scan3A_73 : i32 to index
      %get3A_469 = arith.constant 528 : index
      %get3A_470 = tpu.vector_load %arg10[%get3A_468, %get3A_469] {strides = array<i32>} : memref<32x1024xf32, #tpu.memory_space<vmem>>, vector<1x16xf32>,
      %get3A_471 = vector.shape_cast %get3A_470 : vector<1x16xf32> to vector<16xf32>
      %mul3A_472 = arith.constant 1.0668962 : f32
      %mul3A_473 = vector.broadcast %mul3A_472 : f32 to vector<16xf32>
      %mul3A_474 = arith.mulf %get3A_471, %mul3A_473 : vector<16xf32>
      %swap3A_475 = arith.index_cast %scan3A_73 : i32 to index
      %swap3A_476 = arith.constant 528 : index
      %swap3A_477 = tpu.vector_load %arg10[%swap3A_475, %swap3A_476] {strides = array<i32>} : memref<32x1024xf32, #tpu.memory_space<vmem>>, vector<1x16xf32>,
      %swap3A_478 = vector.shape_cast %swap3A_477 : vector<1x16xf32> to vector<16xf32>
      %swap3A_479 = vector.shape_cast %mul3A_474 : vector<16xf32> to vector<1x16xf32>
      tpu.vector_store %arg10[%swap3A_475, %swap3A_476], %swap3A_479 {strides = array<i32>} : memref<32x1024xf32, #tpu.memory_space<vmem>>, vector<1x16xf32>,
      %get3A_480 = arith.index_cast %scan3A_73 : i32 to index
      %get3A_481 = arith.constant 544 : index
      %get3A_482 = tpu.vector_load %arg10[%get3A_480, %get3A_481] {strides = array<i32>} : memref<32x1024xf32, #tpu.memory_space<vmem>>, vector<1x16xf32>,
      %get3A_483 = vector.shape_cast %get3A_482 : vector<1x16xf32> to vector<16xf32>
      %mul3A_484 = arith.constant 1.0668962 : f32
      %mul3A_485 = vector.broadcast %mul3A_484 : f32 to vector<16xf32>
      %mul3A_486 = arith.mulf %get3A_483, %mul3A_485 : vector<16xf32>
      %swap3A_487 = arith.index_cast %scan3A_73 : i32 to index
      %swap3A_488 = arith.constant 544 : index
      %swap3A_489 = tpu.vector_load %arg10[%swap3A_487, %swap3A_488] {strides = array<i32>} : memref<32x1024xf32, #tpu.memory_space<vmem>>, vector<1x16xf32>,
      %swap3A_490 = vector.shape_cast %swap3A_489 : vector<1x16xf32> to vector<16xf32>
      %swap3A_491 = vector.shape_cast %mul3A_486 : vector<16xf32> to vector<1x16xf32>
      tpu.vector_store %arg10[%swap3A_487, %swap3A_488], %swap3A_491 {strides = array<i32>} : memref<32x1024xf32, #tpu.memory_space<vmem>>, vector<1x16xf32>,
      %get3A_492 = arith.index_cast %scan3A_73 : i32 to index
      %get3A_493 = arith.constant 560 : index
      %get3A_494 = tpu.vector_load %arg10[%get3A_492, %get3A_493] {strides = array<i32>} : memref<32x1024xf32, #tpu.memory_space<vmem>>, vector<1x16xf32>,
      %get3A_495 = vector.shape_cast %get3A_494 : vector<1x16xf32> to vector<16xf32>
      %mul3A_496 = arith.constant 1.0668962 : f32
      %mul3A_497 = vector.broadcast %mul3A_496 : f32 to vector<16xf32>
      %mul3A_498 = arith.mulf %get3A_495, %mul3A_497 : vector<16xf32>
      %swap3A_499 = arith.index_cast %scan3A_73 : i32 to index
      %swap3A_500 = arith.constant 560 : index
      %swap3A_501 = tpu.vector_load %arg10[%swap3A_499, %swap3A_500] {strides = array<i32>} : memref<32x1024xf32, #tpu.memory_space<vmem>>, vector<1x16xf32>,
      %swap3A_502 = vector.shape_cast %swap3A_501 : vector<1x16xf32> to vector<16xf32>
      %swap3A_503 = vector.shape_cast %mul3A_498 : vector<16xf32> to vector<1x16xf32>
      tpu.vector_store %arg10[%swap3A_499, %swap3A_500], %swap3A_503 {strides = array<i32>} : memref<32x1024xf32, #tpu.memory_space<vmem>>, vector<1x16xf32>,
      %get3A_504 = arith.index_cast %scan3A_73 : i32 to index
      %get3A_505 = arith.constant 576 : index
      %get3A_506 = tpu.vector_load %arg10[%get3A_504, %get3A_505] {strides = array<i32>} : memref<32x1024xf32, #tpu.memory_space<vmem>>, vector<1x16xf32>,
      %get3A_507 = vector.shape_cast %get3A_506 : vector<1x16xf32> to vector<16xf32>
      %mul3A_508 = arith.constant 1.0668962 : f32
      %mul3A_509 = vector.broadcast %mul3A_508 : f32 to vector<16xf32>
      %mul3A_510 = arith.mulf %get3A_507, %mul3A_509 : vector<16xf32>
      %swap3A_511 = arith.index_cast %scan3A_73 : i32 to index
      %swap3A_512 = arith.constant 576 : index
      %swap3A_513 = tpu.vector_load %arg10[%swap3A_511, %swap3A_512] {strides = array<i32>} : memref<32x1024xf32, #tpu.memory_space<vmem>>, vector<1x16xf32>,
      %swap3A_514 = vector.shape_cast %swap3A_513 : vector<1x16xf32> to vector<16xf32>
      %swap3A_515 = vector.shape_cast %mul3A_510 : vector<16xf32> to vector<1x16xf32>
      tpu.vector_store %arg10[%swap3A_511, %swap3A_512], %swap3A_515 {strides = array<i32>} : memref<32x1024xf32, #tpu.memory_space<vmem>>, vector<1x16xf32>,
      %get3A_516 = arith.index_cast %scan3A_73 : i32 to index
      %get3A_517 = arith.constant 592 : index
      %get3A_518 = tpu.vector_load %arg10[%get3A_516, %get3A_517] {strides = array<i32>} : memref<32x1024xf32, #tpu.memory_space<vmem>>, vector<1x16xf32>,
      %get3A_519 = vector.shape_cast %get3A_518 : vector<1x16xf32> to vector<16xf32>
      %mul3A_520 = arith.constant 1.0668962 : f32
      %mul3A_521 = vector.broadcast %mul3A_520 : f32 to vector<16xf32>
      %mul3A_522 = arith.mulf %get3A_519, %mul3A_521 : vector<16xf32>
      %swap3A_523 = arith.index_cast %scan3A_73 : i32 to index
      %swap3A_524 = arith.constant 592 : index
      %swap3A_525 = tpu.vector_load %arg10[%swap3A_523, %swap3A_524] {strides = array<i32>} : memref<32x1024xf32, #tpu.memory_space<vmem>>, vector<1x16xf32>,
      %swap3A_526 = vector.shape_cast %swap3A_525 : vector<1x16xf32> to vector<16xf32>
      %swap3A_527 = vector.shape_cast %mul3A_522 : vector<16xf32> to vector<1x16xf32>
      tpu.vector_store %arg10[%swap3A_523, %swap3A_524], %swap3A_527 {strides = array<i32>} : memref<32x1024xf32, #tpu.memory_space<vmem>>, vector<1x16xf32>,
      %get3A_528 = arith.index_cast %scan3A_73 : i32 to index
      %get3A_529 = arith.constant 608 : index
      %get3A_530 = tpu.vector_load %arg10[%get3A_528, %get3A_529] {strides = array<i32>} : memref<32x1024xf32, #tpu.memory_space<vmem>>, vector<1x16xf32>,
      %get3A_531 = vector.shape_cast %get3A_530 : vector<1x16xf32> to vector<16xf32>
      %mul3A_532 = arith.constant 1.0668962 : f32
      %mul3A_533 = vector.broadcast %mul3A_532 : f32 to vector<16xf32>
      %mul3A_534 = arith.mulf %get3A_531, %mul3A_533 : vector<16xf32>
      %swap3A_535 = arith.index_cast %scan3A_73 : i32 to index
      %swap3A_536 = arith.constant 608 : index
      %swap3A_537 = tpu.vector_load %arg10[%swap3A_535, %swap3A_536] {strides = array<i32>} : memref<32x1024xf32, #tpu.memory_space<vmem>>, vector<1x16xf32>,
      %swap3A_538 = vector.shape_cast %swap3A_537 : vector<1x16xf32> to vector<16xf32>
      %swap3A_539 = vector.shape_cast %mul3A_534 : vector<16xf32> to vector<1x16xf32>
      tpu.vector_store %arg10[%swap3A_535, %swap3A_536], %swap3A_539 {strides = array<i32>} : memref<32x1024xf32, #tpu.memory_space<vmem>>, vector<1x16xf32>,
      %get3A_540 = arith.index_cast %scan3A_73 : i32 to index
      %get3A_541 = arith.constant 624 : index
      %get3A_542 = tpu.vector_load %arg10[%get3A_540, %get3A_541] {strides = array<i32>} : memref<32x1024xf32, #tpu.memory_space<vmem>>, vector<1x16xf32>,
      %get3A_543 = vector.shape_cast %get3A_542 : vector<1x16xf32> to vector<16xf32>
      %mul3A_544 = arith.constant 1.0668962 : f32
      %mul3A_545 = vector.broadcast %mul3A_544 : f32 to vector<16xf32>
      %mul3A_546 = arith.mulf %get3A_543, %mul3A_545 : vector<16xf32>
      %swap3A_547 = arith.index_cast %scan3A_73 : i32 to index
      %swap3A_548 = arith.constant 624 : index
      %swap3A_549 = tpu.vector_load %arg10[%swap3A_547, %swap3A_548] {strides = array<i32>} : memref<32x1024xf32, #tpu.memory_space<vmem>>, vector<1x16xf32>,
      %swap3A_550 = vector.shape_cast %swap3A_549 : vector<1x16xf32> to vector<16xf32>
      %swap3A_551 = vector.shape_cast %mul3A_546 : vector<16xf32> to vector<1x16xf32>
      tpu.vector_store %arg10[%swap3A_547, %swap3A_548], %swap3A_551 {strides = array<i32>} : memref<32x1024xf32, #tpu.memory_space<vmem>>, vector<1x16xf32>,
      %get3A_552 = arith.index_cast %scan3A_73 : i32 to index
      %get3A_553 = arith.constant 640 : index
      %get3A_554 = tpu.vector_load %arg10[%get3A_552, %get3A_553] {strides = array<i32>} : memref<32x1024xf32, #tpu.memory_space<vmem>>, vector<1x16xf32>,
      %get3A_555 = vector.shape_cast %get3A_554 : vector<1x16xf32> to vector<16xf32>
      %mul3A_556 = arith.constant 1.0668962 : f32
      %mul3A_557 = vector.broadcast %mul3A_556 : f32 to vector<16xf32>
      %mul3A_558 = arith.mulf %get3A_555, %mul3A_557 : vector<16xf32>
      %swap3A_559 = arith.index_cast %scan3A_73 : i32 to index
      %swap3A_560 = arith.constant 640 : index
      %swap3A_561 = tpu.vector_load %arg10[%swap3A_559, %swap3A_560] {strides = array<i32>} : memref<32x1024xf32, #tpu.memory_space<vmem>>, vector<1x16xf32>,
      %swap3A_562 = vector.shape_cast %swap3A_561 : vector<1x16xf32> to vector<16xf32>
      %swap3A_563 = vector.shape_cast %mul3A_558 : vector<16xf32> to vector<1x16xf32>
      tpu.vector_store %arg10[%swap3A_559, %swap3A_560], %swap3A_563 {strides = array<i32>} : memref<32x1024xf32, #tpu.memory_space<vmem>>, vector<1x16xf32>,
      %get3A_564 = arith.index_cast %scan3A_73 : i32 to index
      %get3A_565 = arith.constant 656 : index
      %get3A_566 = tpu.vector_load %arg10[%get3A_564, %get3A_565] {strides = array<i32>} : memref<32x1024xf32, #tpu.memory_space<vmem>>, vector<1x16xf32>,
      %get3A_567 = vector.shape_cast %get3A_566 : vector<1x16xf32> to vector<16xf32>
      %mul3A_568 = arith.constant 1.0668962 : f32
      %mul3A_569 = vector.broadcast %mul3A_568 : f32 to vector<16xf32>
      %mul3A_570 = arith.mulf %get3A_567, %mul3A_569 : vector<16xf32>
      %swap3A_571 = arith.index_cast %scan3A_73 : i32 to index
      %swap3A_572 = arith.constant 656 : index
      %swap3A_573 = tpu.vector_load %arg10[%swap3A_571, %swap3A_572] {strides = array<i32>} : memref<32x1024xf32, #tpu.memory_space<vmem>>, vector<1x16xf32>,
      %swap3A_574 = vector.shape_cast %swap3A_573 : vector<1x16xf32> to vector<16xf32>
      %swap3A_575 = vector.shape_cast %mul3A_570 : vector<16xf32> to vector<1x16xf32>
      tpu.vector_store %arg10[%swap3A_571, %swap3A_572], %swap3A_575 {strides = array<i32>} : memref<32x1024xf32, #tpu.memory_space<vmem>>, vector<1x16xf32>,
      %get3A_576 = arith.index_cast %scan3A_73 : i32 to index
      %get3A_577 = arith.constant 672 : index
      %get3A_578 = tpu.vector_load %arg10[%get3A_576, %get3A_577] {strides = array<i32>} : memref<32x1024xf32, #tpu.memory_space<vmem>>, vector<1x16xf32>,
      %get3A_579 = vector.shape_cast %get3A_578 : vector<1x16xf32> to vector<16xf32>
      %mul3A_580 = arith.constant 1.0668962 : f32
      %mul3A_581 = vector.broadcast %mul3A_580 : f32 to vector<16xf32>
      %mul3A_582 = arith.mulf %get3A_579, %mul3A_581 : vector<16xf32>
      %swap3A_583 = arith.index_cast %scan3A_73 : i32 to index
      %swap3A_584 = arith.constant 672 : index
      %swap3A_585 = tpu.vector_load %arg10[%swap3A_583, %swap3A_584] {strides = array<i32>} : memref<32x1024xf32, #tpu.memory_space<vmem>>, vector<1x16xf32>,
      %swap3A_586 = vector.shape_cast %swap3A_585 : vector<1x16xf32> to vector<16xf32>
      %swap3A_587 = vector.shape_cast %mul3A_582 : vector<16xf32> to vector<1x16xf32>
      tpu.vector_store %arg10[%swap3A_583, %swap3A_584], %swap3A_587 {strides = array<i32>} : memref<32x1024xf32, #tpu.memory_space<vmem>>, vector<1x16xf32>,
      %get3A_588 = arith.index_cast %scan3A_73 : i32 to index
      %get3A_589 = arith.constant 688 : index
      %get3A_590 = tpu.vector_load %arg10[%get3A_588, %get3A_589] {strides = array<i32>} : memref<32x1024xf32, #tpu.memory_space<vmem>>, vector<1x16xf32>,
      %get3A_591 = vector.shape_cast %get3A_590 : vector<1x16xf32> to vector<16xf32>
      %mul3A_592 = arith.constant 1.0668962 : f32
      %mul3A_593 = vector.broadcast %mul3A_592 : f32 to vector<16xf32>
      %mul3A_594 = arith.mulf %get3A_591, %mul3A_593 : vector<16xf32>
      %swap3A_595 = arith.index_cast %scan3A_73 : i32 to index
      %swap3A_596 = arith.constant 688 : index
      %swap3A_597 = tpu.vector_load %arg10[%swap3A_595, %swap3A_596] {strides = array<i32>} : memref<32x1024xf32, #tpu.memory_space<vmem>>, vector<1x16xf32>,
      %swap3A_598 = vector.shape_cast %swap3A_597 : vector<1x16xf32> to vector<16xf32>
      %swap3A_599 = vector.shape_cast %mul3A_594 : vector<16xf32> to vector<1x16xf32>
      tpu.vector_store %arg10[%swap3A_595, %swap3A_596], %swap3A_599 {strides = array<i32>} : memref<32x1024xf32, #tpu.memory_space<vmem>>, vector<1x16xf32>,
      %get3A_600 = arith.index_cast %scan3A_73 : i32 to index
      %get3A_601 = arith.constant 704 : index
      %get3A_602 = tpu.vector_load %arg10[%get3A_600, %get3A_601] {strides = array<i32>} : memref<32x1024xf32, #tpu.memory_space<vmem>>, vector<1x16xf32>,
      %get3A_603 = vector.shape_cast %get3A_602 : vector<1x16xf32> to vector<16xf32>
      %mul3A_604 = arith.constant 1.0668962 : f32
      %mul3A_605 = vector.broadcast %mul3A_604 : f32 to vector<16xf32>
      %mul3A_606 = arith.mulf %get3A_603, %mul3A_605 : vector<16xf32>
      %swap3A_607 = arith.index_cast %scan3A_73 : i32 to index
      %swap3A_608 = arith.constant 704 : index
      %swap3A_609 = tpu.vector_load %arg10[%swap3A_607, %swap3A_608] {strides = array<i32>} : memref<32x1024xf32, #tpu.memory_space<vmem>>, vector<1x16xf32>,
      %swap3A_610 = vector.shape_cast %swap3A_609 : vector<1x16xf32> to vector<16xf32>
      %swap3A_611 = vector.shape_cast %mul3A_606 : vector<16xf32> to vector<1x16xf32>
      tpu.vector_store %arg10[%swap3A_607, %swap3A_608], %swap3A_611 {strides = array<i32>} : memref<32x1024xf32, #tpu.memory_space<vmem>>, vector<1x16xf32>,
      %get3A_612 = arith.index_cast %scan3A_73 : i32 to index
      %get3A_613 = arith.constant 720 : index
      %get3A_614 = tpu.vector_load %arg10[%get3A_612, %get3A_613] {strides = array<i32>} : memref<32x1024xf32, #tpu.memory_space<vmem>>, vector<1x16xf32>,
      %get3A_615 = vector.shape_cast %get3A_614 : vector<1x16xf32> to vector<16xf32>
      %mul3A_616 = arith.constant 1.0668962 : f32
      %mul3A_617 = vector.broadcast %mul3A_616 : f32 to vector<16xf32>
      %mul3A_618 = arith.mulf %get3A_615, %mul3A_617 : vector<16xf32>
      %swap3A_619 = arith.index_cast %scan3A_73 : i32 to index
      %swap3A_620 = arith.constant 720 : index
      %swap3A_621 = tpu.vector_load %arg10[%swap3A_619, %swap3A_620] {strides = array<i32>} : memref<32x1024xf32, #tpu.memory_space<vmem>>, vector<1x16xf32>,
      %swap3A_622 = vector.shape_cast %swap3A_621 : vector<1x16xf32> to vector<16xf32>
      %swap3A_623 = vector.shape_cast %mul3A_618 : vector<16xf32> to vector<1x16xf32>
      tpu.vector_store %arg10[%swap3A_619, %swap3A_620], %swap3A_623 {strides = array<i32>} : memref<32x1024xf32, #tpu.memory_space<vmem>>, vector<1x16xf32>,
      %get3A_624 = arith.index_cast %scan3A_73 : i32 to index
      %get3A_625 = arith.constant 736 : index
      %get3A_626 = tpu.vector_load %arg10[%get3A_624, %get3A_625] {strides = array<i32>} : memref<32x1024xf32, #tpu.memory_space<vmem>>, vector<1x16xf32>,
      %get3A_627 = vector.shape_cast %get3A_626 : vector<1x16xf32> to vector<16xf32>
      %mul3A_628 = arith.constant 1.0668962 : f32
      %mul3A_629 = vector.broadcast %mul3A_628 : f32 to vector<16xf32>
      %mul3A_630 = arith.mulf %get3A_627, %mul3A_629 : vector<16xf32>
      %swap3A_631 = arith.index_cast %scan3A_73 : i32 to index
      %swap3A_632 = arith.constant 736 : index
      %swap3A_633 = tpu.vector_load %arg10[%swap3A_631, %swap3A_632] {strides = array<i32>} : memref<32x1024xf32, #tpu.memory_space<vmem>>, vector<1x16xf32>,
      %swap3A_634 = vector.shape_cast %swap3A_633 : vector<1x16xf32> to vector<16xf32>
      %swap3A_635 = vector.shape_cast %mul3A_630 : vector<16xf32> to vector<1x16xf32>
      tpu.vector_store %arg10[%swap3A_631, %swap3A_632], %swap3A_635 {strides = array<i32>} : memref<32x1024xf32, #tpu.memory_space<vmem>>, vector<1x16xf32>,
      %get3A_636 = arith.index_cast %scan3A_73 : i32 to index
      %get3A_637 = arith.constant 752 : index
      %get3A_638 = tpu.vector_load %arg10[%get3A_636, %get3A_637] {strides = array<i32>} : memref<32x1024xf32, #tpu.memory_space<vmem>>, vector<1x16xf32>,
      %get3A_639 = vector.shape_cast %get3A_638 : vector<1x16xf32> to vector<16xf32>
      %mul3A_640 = arith.constant 1.0668962 : f32
      %mul3A_641 = vector.broadcast %mul3A_640 : f32 to vector<16xf32>
      %mul3A_642 = arith.mulf %get3A_639, %mul3A_641 : vector<16xf32>
      %swap3A_643 = arith.index_cast %scan3A_73 : i32 to index
      %swap3A_644 = arith.constant 752 : index
      %swap3A_645 = tpu.vector_load %arg10[%swap3A_643, %swap3A_644] {strides = array<i32>} : memref<32x1024xf32, #tpu.memory_space<vmem>>, vector<1x16xf32>,
      %swap3A_646 = vector.shape_cast %swap3A_645 : vector<1x16xf32> to vector<16xf32>
      %swap3A_647 = vector.shape_cast %mul3A_642 : vector<16xf32> to vector<1x16xf32>
      tpu.vector_store %arg10[%swap3A_643, %swap3A_644], %swap3A_647 {strides = array<i32>} : memref<32x1024xf32, #tpu.memory_space<vmem>>, vector<1x16xf32>,
      %get3A_648 = arith.index_cast %scan3A_73 : i32 to index
      %get3A_649 = arith.constant 768 : index
      %get3A_650 = tpu.vector_load %arg10[%get3A_648, %get3A_649] {strides = array<i32>} : memref<32x1024xf32, #tpu.memory_space<vmem>>, vector<1x16xf32>,
      %get3A_651 = vector.shape_cast %get3A_650 : vector<1x16xf32> to vector<16xf32>
      %mul3A_652 = arith.constant 1.0668962 : f32
      %mul3A_653 = vector.broadcast %mul3A_652 : f32 to vector<16xf32>
      %mul3A_654 = arith.mulf %get3A_651, %mul3A_653 : vector<16xf32>
      %swap3A_655 = arith.index_cast %scan3A_73 : i32 to index
      %swap3A_656 = arith.constant 768 : index
      %swap3A_657 = tpu.vector_load %arg10[%swap3A_655, %swap3A_656] {strides = array<i32>} : memref<32x1024xf32, #tpu.memory_space<vmem>>, vector<1x16xf32>,
      %swap3A_658 = vector.shape_cast %swap3A_657 : vector<1x16xf32> to vector<16xf32>
      %swap3A_659 = vector.shape_cast %mul3A_654 : vector<16xf32> to vector<1x16xf32>
      tpu.vector_store %arg10[%swap3A_655, %swap3A_656], %swap3A_659 {strides = array<i32>} : memref<32x1024xf32, #tpu.memory_space<vmem>>, vector<1x16xf32>,
      %get3A_660 = arith.index_cast %scan3A_73 : i32 to index
      %get3A_661 = arith.constant 784 : index
      %get3A_662 = tpu.vector_load %arg10[%get3A_660, %get3A_661] {strides = array<i32>} : memref<32x1024xf32, #tpu.memory_space<vmem>>, vector<1x16xf32>,
      %get3A_663 = vector.shape_cast %get3A_662 : vector<1x16xf32> to vector<16xf32>
      %mul3A_664 = arith.constant 1.0668962 : f32
      %mul3A_665 = vector.broadcast %mul3A_664 : f32 to vector<16xf32>
      %mul3A_666 = arith.mulf %get3A_663, %mul3A_665 : vector<16xf32>
      %swap3A_667 = arith.index_cast %scan3A_73 : i32 to index
      %swap3A_668 = arith.constant 784 : index
      %swap3A_669 = tpu.vector_load %arg10[%swap3A_667, %swap3A_668] {strides = array<i32>} : memref<32x1024xf32, #tpu.memory_space<vmem>>, vector<1x16xf32>,
      %swap3A_670 = vector.shape_cast %swap3A_669 : vector<1x16xf32> to vector<16xf32>
      %swap3A_671 = vector.shape_cast %mul3A_666 : vector<16xf32> to vector<1x16xf32>
      tpu.vector_store %arg10[%swap3A_667, %swap3A_668], %swap3A_671 {strides = array<i32>} : memref<32x1024xf32, #tpu.memory_space<vmem>>, vector<1x16xf32>,
      %get3A_672 = arith.index_cast %scan3A_73 : i32 to index
      %get3A_673 = arith.constant 800 : index
      %get3A_674 = tpu.vector_load %arg10[%get3A_672, %get3A_673] {strides = array<i32>} : memref<32x1024xf32, #tpu.memory_space<vmem>>, vector<1x16xf32>,
      %get3A_675 = vector.shape_cast %get3A_674 : vector<1x16xf32> to vector<16xf32>
      %mul3A_676 = arith.constant 1.0668962 : f32
      %mul3A_677 = vector.broadcast %mul3A_676 : f32 to vector<16xf32>
      %mul3A_678 = arith.mulf %get3A_675, %mul3A_677 : vector<16xf32>
      %swap3A_679 = arith.index_cast %scan3A_73 : i32 to index
      %swap3A_680 = arith.constant 800 : index
      %swap3A_681 = tpu.vector_load %arg10[%swap3A_679, %swap3A_680] {strides = array<i32>} : memref<32x1024xf32, #tpu.memory_space<vmem>>, vector<1x16xf32>,
      %swap3A_682 = vector.shape_cast %swap3A_681 : vector<1x16xf32> to vector<16xf32>
      %swap3A_683 = vector.shape_cast %mul3A_678 : vector<16xf32> to vector<1x16xf32>
      tpu.vector_store %arg10[%swap3A_679, %swap3A_680], %swap3A_683 {strides = array<i32>} : memref<32x1024xf32, #tpu.memory_space<vmem>>, vector<1x16xf32>,
      %get3A_684 = arith.index_cast %scan3A_73 : i32 to index
      %get3A_685 = arith.constant 816 : index
      %get3A_686 = tpu.vector_load %arg10[%get3A_684, %get3A_685] {strides = array<i32>} : memref<32x1024xf32, #tpu.memory_space<vmem>>, vector<1x16xf32>,
      %get3A_687 = vector.shape_cast %get3A_686 : vector<1x16xf32> to vector<16xf32>
      %mul3A_688 = arith.constant 1.0668962 : f32
      %mul3A_689 = vector.broadcast %mul3A_688 : f32 to vector<16xf32>
      %mul3A_690 = arith.mulf %get3A_687, %mul3A_689 : vector<16xf32>
      %swap3A_691 = arith.index_cast %scan3A_73 : i32 to index
      %swap3A_692 = arith.constant 816 : index
      %swap3A_693 = tpu.vector_load %arg10[%swap3A_691, %swap3A_692] {strides = array<i32>} : memref<32x1024xf32, #tpu.memory_space<vmem>>, vector<1x16xf32>,
      %swap3A_694 = vector.shape_cast %swap3A_693 : vector<1x16xf32> to vector<16xf32>
      %swap3A_695 = vector.shape_cast %mul3A_690 : vector<16xf32> to vector<1x16xf32>
      tpu.vector_store %arg10[%swap3A_691, %swap3A_692], %swap3A_695 {strides = array<i32>} : memref<32x1024xf32, #tpu.memory_space<vmem>>, vector<1x16xf32>,
      %get3A_696 = arith.index_cast %scan3A_73 : i32 to index
      %get3A_697 = arith.constant 832 : index
      %get3A_698 = tpu.vector_load %arg10[%get3A_696, %get3A_697] {strides = array<i32>} : memref<32x1024xf32, #tpu.memory_space<vmem>>, vector<1x16xf32>,
      %get3A_699 = vector.shape_cast %get3A_698 : vector<1x16xf32> to vector<16xf32>
      %mul3A_700 = arith.constant 1.0668962 : f32
      %mul3A_701 = vector.broadcast %mul3A_700 : f32 to vector<16xf32>
      %mul3A_702 = arith.mulf %get3A_699, %mul3A_701 : vector<16xf32>
      %swap3A_703 = arith.index_cast %scan3A_73 : i32 to index
      %swap3A_704 = arith.constant 832 : index
      %swap3A_705 = tpu.vector_load %arg10[%swap3A_703, %swap3A_704] {strides = array<i32>} : memref<32x1024xf32, #tpu.memory_space<vmem>>, vector<1x16xf32>,
      %swap3A_706 = vector.shape_cast %swap3A_705 : vector<1x16xf32> to vector<16xf32>
      %swap3A_707 = vector.shape_cast %mul3A_702 : vector<16xf32> to vector<1x16xf32>
      tpu.vector_store %arg10[%swap3A_703, %swap3A_704], %swap3A_707 {strides = array<i32>} : memref<32x1024xf32, #tpu.memory_space<vmem>>, vector<1x16xf32>,
      %get3A_708 = arith.index_cast %scan3A_73 : i32 to index
      %get3A_709 = arith.constant 848 : index
      %get3A_710 = tpu.vector_load %arg10[%get3A_708, %get3A_709] {strides = array<i32>} : memref<32x1024xf32, #tpu.memory_space<vmem>>, vector<1x16xf32>,
      %get3A_711 = vector.shape_cast %get3A_710 : vector<1x16xf32> to vector<16xf32>
      %mul3A_712 = arith.constant 1.0668962 : f32
      %mul3A_713 = vector.broadcast %mul3A_712 : f32 to vector<16xf32>
      %mul3A_714 = arith.mulf %get3A_711, %mul3A_713 : vector<16xf32>
      %swap3A_715 = arith.index_cast %scan3A_73 : i32 to index
      %swap3A_716 = arith.constant 848 : index
      %swap3A_717 = tpu.vector_load %arg10[%swap3A_715, %swap3A_716] {strides = array<i32>} : memref<32x1024xf32, #tpu.memory_space<vmem>>, vector<1x16xf32>,
      %swap3A_718 = vector.shape_cast %swap3A_717 : vector<1x16xf32> to vector<16xf32>
      %swap3A_719 = vector.shape_cast %mul3A_714 : vector<16xf32> to vector<1x16xf32>
      tpu.vector_store %arg10[%swap3A_715, %swap3A_716], %swap3A_719 {strides = array<i32>} : memref<32x1024xf32, #tpu.memory_space<vmem>>, vector<1x16xf32>,
      %get3A_720 = arith.index_cast %scan3A_73 : i32 to index
      %get3A_721 = arith.constant 864 : index
      %get3A_722 = tpu.vector_load %arg10[%get3A_720, %get3A_721] {strides = array<i32>} : memref<32x1024xf32, #tpu.memory_space<vmem>>, vector<1x16xf32>,
      %get3A_723 = vector.shape_cast %get3A_722 : vector<1x16xf32> to vector<16xf32>
      %mul3A_724 = arith.constant 1.0668962 : f32
      %mul3A_725 = vector.broadcast %mul3A_724 : f32 to vector<16xf32>
      %mul3A_726 = arith.mulf %get3A_723, %mul3A_725 : vector<16xf32>
      %swap3A_727 = arith.index_cast %scan3A_73 : i32 to index
      %swap3A_728 = arith.constant 864 : index
      %swap3A_729 = tpu.vector_load %arg10[%swap3A_727, %swap3A_728] {strides = array<i32>} : memref<32x1024xf32, #tpu.memory_space<vmem>>, vector<1x16xf32>,
      %swap3A_730 = vector.shape_cast %swap3A_729 : vector<1x16xf32> to vector<16xf32>
      %swap3A_731 = vector.shape_cast %mul3A_726 : vector<16xf32> to vector<1x16xf32>
      tpu.vector_store %arg10[%swap3A_727, %swap3A_728], %swap3A_731 {strides = array<i32>} : memref<32x1024xf32, #tpu.memory_space<vmem>>, vector<1x16xf32>,
      %get3A_732 = arith.index_cast %scan3A_73 : i32 to index
      %get3A_733 = arith.constant 880 : index
      %get3A_734 = tpu.vector_load %arg10[%get3A_732, %get3A_733] {strides = array<i32>} : memref<32x1024xf32, #tpu.memory_space<vmem>>, vector<1x16xf32>,
      %get3A_735 = vector.shape_cast %get3A_734 : vector<1x16xf32> to vector<16xf32>
      %mul3A_736 = arith.constant 1.0668962 : f32
      %mul3A_737 = vector.broadcast %mul3A_736 : f32 to vector<16xf32>
      %mul3A_738 = arith.mulf %get3A_735, %mul3A_737 : vector<16xf32>
      %swap3A_739 = arith.index_cast %scan3A_73 : i32 to index
      %swap3A_740 = arith.constant 880 : index
      %swap3A_741 = tpu.vector_load %arg10[%swap3A_739, %swap3A_740] {strides = array<i32>} : memref<32x1024xf32, #tpu.memory_space<vmem>>, vector<1x16xf32>,
      %swap3A_742 = vector.shape_cast %swap3A_741 : vector<1x16xf32> to vector<16xf32>
      %swap3A_743 = vector.shape_cast %mul3A_738 : vector<16xf32> to vector<1x16xf32>
      tpu.vector_store %arg10[%swap3A_739, %swap3A_740], %swap3A_743 {strides = array<i32>} : memref<32x1024xf32, #tpu.memory_space<vmem>>, vector<1x16xf32>,
      %get3A_744 = arith.index_cast %scan3A_73 : i32 to index
      %get3A_745 = arith.constant 896 : index
      %get3A_746 = tpu.vector_load %arg10[%get3A_744, %get3A_745] {strides = array<i32>} : memref<32x1024xf32, #tpu.memory_space<vmem>>, vector<1x16xf32>,
      %get3A_747 = vector.shape_cast %get3A_746 : vector<1x16xf32> to vector<16xf32>
      %mul3A_748 = arith.constant 1.0668962 : f32
      %mul3A_749 = vector.broadcast %mul3A_748 : f32 to vector<16xf32>
      %mul3A_750 = arith.mulf %get3A_747, %mul3A_749 : vector<16xf32>
      %swap3A_751 = arith.index_cast %scan3A_73 : i32 to index
      %swap3A_752 = arith.constant 896 : index
      %swap3A_753 = tpu.vector_load %arg10[%swap3A_751, %swap3A_752] {strides = array<i32>} : memref<32x1024xf32, #tpu.memory_space<vmem>>, vector<1x16xf32>,
      %swap3A_754 = vector.shape_cast %swap3A_753 : vector<1x16xf32> to vector<16xf32>
      %swap3A_755 = vector.shape_cast %mul3A_750 : vector<16xf32> to vector<1x16xf32>
      tpu.vector_store %arg10[%swap3A_751, %swap3A_752], %swap3A_755 {strides = array<i32>} : memref<32x1024xf32, #tpu.memory_space<vmem>>, vector<1x16xf32>,
      %get3A_756 = arith.index_cast %scan3A_73 : i32 to index
      %get3A_757 = arith.constant 912 : index
      %get3A_758 = tpu.vector_load %arg10[%get3A_756, %get3A_757] {strides = array<i32>} : memref<32x1024xf32, #tpu.memory_space<vmem>>, vector<1x16xf32>,
      %get3A_759 = vector.shape_cast %get3A_758 : vector<1x16xf32> to vector<16xf32>
      %mul3A_760 = arith.constant 1.0668962 : f32
      %mul3A_761 = vector.broadcast %mul3A_760 : f32 to vector<16xf32>
      %mul3A_762 = arith.mulf %get3A_759, %mul3A_761 : vector<16xf32>
      %swap3A_763 = arith.index_cast %scan3A_73 : i32 to index
      %swap3A_764 = arith.constant 912 : index
      %swap3A_765 = tpu.vector_load %arg10[%swap3A_763, %swap3A_764] {strides = array<i32>} : memref<32x1024xf32, #tpu.memory_space<vmem>>, vector<1x16xf32>,
      %swap3A_766 = vector.shape_cast %swap3A_765 : vector<1x16xf32> to vector<16xf32>
      %swap3A_767 = vector.shape_cast %mul3A_762 : vector<16xf32> to vector<1x16xf32>
      tpu.vector_store %arg10[%swap3A_763, %swap3A_764], %swap3A_767 {strides = array<i32>} : memref<32x1024xf32, #tpu.memory_space<vmem>>, vector<1x16xf32>,
      %get3A_768 = arith.index_cast %scan3A_73 : i32 to index
      %get3A_769 = arith.constant 928 : index
      %get3A_770 = tpu.vector_load %arg10[%get3A_768, %get3A_769] {strides = array<i32>} : memref<32x1024xf32, #tpu.memory_space<vmem>>, vector<1x16xf32>,
      %get3A_771 = vector.shape_cast %get3A_770 : vector<1x16xf32> to vector<16xf32>
      %mul3A_772 = arith.constant 1.0668962 : f32
      %mul3A_773 = vector.broadcast %mul3A_772 : f32 to vector<16xf32>
      %mul3A_774 = arith.mulf %get3A_771, %mul3A_773 : vector<16xf32>
      %swap3A_775 = arith.index_cast %scan3A_73 : i32 to index
      %swap3A_776 = arith.constant 928 : index
      %swap3A_777 = tpu.vector_load %arg10[%swap3A_775, %swap3A_776] {strides = array<i32>} : memref<32x1024xf32, #tpu.memory_space<vmem>>, vector<1x16xf32>,
      %swap3A_778 = vector.shape_cast %swap3A_777 : vector<1x16xf32> to vector<16xf32>
      %swap3A_779 = vector.shape_cast %mul3A_774 : vector<16xf32> to vector<1x16xf32>
      tpu.vector_store %arg10[%swap3A_775, %swap3A_776], %swap3A_779 {strides = array<i32>} : memref<32x1024xf32, #tpu.memory_space<vmem>>, vector<1x16xf32>,
      %get3A_780 = arith.index_cast %scan3A_73 : i32 to index
      %get3A_781 = arith.constant 944 : index
      %get3A_782 = tpu.vector_load %arg10[%get3A_780, %get3A_781] {strides = array<i32>} : memref<32x1024xf32, #tpu.memory_space<vmem>>, vector<1x16xf32>,
      %get3A_783 = vector.shape_cast %get3A_782 : vector<1x16xf32> to vector<16xf32>
      %mul3A_784 = arith.constant 1.0668962 : f32
      %mul3A_785 = vector.broadcast %mul3A_784 : f32 to vector<16xf32>
      %mul3A_786 = arith.mulf %get3A_783, %mul3A_785 : vector<16xf32>
      %swap3A_787 = arith.index_cast %scan3A_73 : i32 to index
      %swap3A_788 = arith.constant 944 : index
      %swap3A_789 = tpu.vector_load %arg10[%swap3A_787, %swap3A_788] {strides = array<i32>} : memref<32x1024xf32, #tpu.memory_space<vmem>>, vector<1x16xf32>,
      %swap3A_790 = vector.shape_cast %swap3A_789 : vector<1x16xf32> to vector<16xf32>
      %swap3A_791 = vector.shape_cast %mul3A_786 : vector<16xf32> to vector<1x16xf32>
      tpu.vector_store %arg10[%swap3A_787, %swap3A_788], %swap3A_791 {strides = array<i32>} : memref<32x1024xf32, #tpu.memory_space<vmem>>, vector<1x16xf32>,
      %get3A_792 = arith.index_cast %scan3A_73 : i32 to index
      %get3A_793 = arith.constant 960 : index
      %get3A_794 = tpu.vector_load %arg10[%get3A_792, %get3A_793] {strides = array<i32>} : memref<32x1024xf32, #tpu.memory_space<vmem>>, vector<1x16xf32>,
      %get3A_795 = vector.shape_cast %get3A_794 : vector<1x16xf32> to vector<16xf32>
      %mul3A_796 = arith.constant 1.0668962 : f32
      %mul3A_797 = vector.broadcast %mul3A_796 : f32 to vector<16xf32>
      %mul3A_798 = arith.mulf %get3A_795, %mul3A_797 : vector<16xf32>
      %swap3A_799 = arith.index_cast %scan3A_73 : i32 to index
      %swap3A_800 = arith.constant 960 : index
      %swap3A_801 = tpu.vector_load %arg10[%swap3A_799, %swap3A_800] {strides = array<i32>} : memref<32x1024xf32, #tpu.memory_space<vmem>>, vector<1x16xf32>,
      %swap3A_802 = vector.shape_cast %swap3A_801 : vector<1x16xf32> to vector<16xf32>
      %swap3A_803 = vector.shape_cast %mul3A_798 : vector<16xf32> to vector<1x16xf32>
      tpu.vector_store %arg10[%swap3A_799, %swap3A_800], %swap3A_803 {strides = array<i32>} : memref<32x1024xf32, #tpu.memory_space<vmem>>, vector<1x16xf32>,
      %get3A_804 = arith.index_cast %scan3A_73 : i32 to index
      %get3A_805 = arith.constant 976 : index
      %get3A_806 = tpu.vector_load %arg10[%get3A_804, %get3A_805] {strides = array<i32>} : memref<32x1024xf32, #tpu.memory_space<vmem>>, vector<1x16xf32>,
      %get3A_807 = vector.shape_cast %get3A_806 : vector<1x16xf32> to vector<16xf32>
      %mul3A_808 = arith.constant 1.0668962 : f32
      %mul3A_809 = vector.broadcast %mul3A_808 : f32 to vector<16xf32>
      %mul3A_810 = arith.mulf %get3A_807, %mul3A_809 : vector<16xf32>
      %swap3A_811 = arith.index_cast %scan3A_73 : i32 to index
      %swap3A_812 = arith.constant 976 : index
      %swap3A_813 = tpu.vector_load %arg10[%swap3A_811, %swap3A_812] {strides = array<i32>} : memref<32x1024xf32, #tpu.memory_space<vmem>>, vector<1x16xf32>,
      %swap3A_814 = vector.shape_cast %swap3A_813 : vector<1x16xf32> to vector<16xf32>
      %swap3A_815 = vector.shape_cast %mul3A_810 : vector<16xf32> to vector<1x16xf32>
      tpu.vector_store %arg10[%swap3A_811, %swap3A_812], %swap3A_815 {strides = array<i32>} : memref<32x1024xf32, #tpu.memory_space<vmem>>, vector<1x16xf32>,
      %get3A_816 = arith.index_cast %scan3A_73 : i32 to index
      %get3A_817 = arith.constant 992 : index
      %get3A_818 = tpu.vector_load %arg10[%get3A_816, %get3A_817] {strides = array<i32>} : memref<32x1024xf32, #tpu.memory_space<vmem>>, vector<1x16xf32>,
      %get3A_819 = vector.shape_cast %get3A_818 : vector<1x16xf32> to vector<16xf32>
      %mul3A_820 = arith.constant 1.0668962 : f32
      %mul3A_821 = vector.broadcast %mul3A_820 : f32 to vector<16xf32>
      %mul3A_822 = arith.mulf %get3A_819, %mul3A_821 : vector<16xf32>
      %swap3A_823 = arith.index_cast %scan3A_73 : i32 to index
      %swap3A_824 = arith.constant 992 : index
      %swap3A_825 = tpu.vector_load %arg10[%swap3A_823, %swap3A_824] {strides = array<i32>} : memref<32x1024xf32, #tpu.memory_space<vmem>>, vector<1x16xf32>,
      %swap3A_826 = vector.shape_cast %swap3A_825 : vector<1x16xf32> to vector<16xf32>
      %swap3A_827 = vector.shape_cast %mul3A_822 : vector<16xf32> to vector<1x16xf32>
      tpu.vector_store %arg10[%swap3A_823, %swap3A_824], %swap3A_827 {strides = array<i32>} : memref<32x1024xf32, #tpu.memory_space<vmem>>, vector<1x16xf32>,
      %get3A_828 = arith.index_cast %scan3A_73 : i32 to index
      %get3A_829 = arith.constant 1008 : index
      %get3A_830 = tpu.vector_load %arg10[%get3A_828, %get3A_829] {strides = array<i32>} : memref<32x1024xf32, #tpu.memory_space<vmem>>, vector<1x16xf32>,
      %get3A_831 = vector.shape_cast %get3A_830 : vector<1x16xf32> to vector<16xf32>
      %mul3A_832 = arith.constant 1.0668962 : f32
      %mul3A_833 = vector.broadcast %mul3A_832 : f32 to vector<16xf32>
      %mul3A_834 = arith.mulf %get3A_831, %mul3A_833 : vector<16xf32>
      %swap3A_835 = arith.index_cast %scan3A_73 : i32 to index
      %swap3A_836 = arith.constant 1008 : index
      %swap3A_837 = tpu.vector_load %arg10[%swap3A_835, %swap3A_836] {strides = array<i32>} : memref<32x1024xf32, #tpu.memory_space<vmem>>, vector<1x16xf32>,
      %swap3A_838 = vector.shape_cast %swap3A_837 : vector<1x16xf32> to vector<16xf32>
      %swap3A_839 = vector.shape_cast %mul3A_834 : vector<16xf32> to vector<1x16xf32>
      tpu.vector_store %arg10[%swap3A_835, %swap3A_836], %swap3A_839 {strides = array<i32>} : memref<32x1024xf32, #tpu.memory_space<vmem>>, vector<1x16xf32>,
    }
    %scan3A_15 = arith.constant 32 : i32
    %dma_start3A_16 = arith.constant 0 : i32
    %dma_start3A_17 = arith.constant 0 : i32
    %dma_start3A_18 = tpu.memref_slice %arg5[%dma_start3A_16, %dma_start3A_17] : memref<65536x1024xf32, #tpu.memory_space<hbm>> -> memref<65536x1024xf32, #tpu.memory_space<hbm>>
    tpu.enqueue_indirect_dma source(%arg10 : memref<32x1024xf32, #tpu.memory_space<vmem>>) target(%dma_start3A_18 : memref<65536x1024xf32, #tpu.memory_space<hbm>>) offsets(%arg6 : memref<32xi32, #tpu.memory_space<vmem>>) semaphore(%arg14 : memref<!tpu.dma_semaphore, #tpu.memory_space<semaphore_mem>>)
    %dma_wait3A_19 = arith.constant 0 : i32
    %dma_wait3A_20 = arith.constant 0 : i32
    %dma_wait3A_21 = tpu.memref_slice %arg3[%dma_wait3A_19, %dma_wait3A_20] : memref<65536x1024xf32, #tpu.memory_space<hbm>> -> memref<65536x1024xf32, #tpu.memory_space<hbm>>
    tpu.wait_indirect_dma semaphore(%arg13 : memref<!tpu.dma_semaphore, #tpu.memory_space<semaphore_mem>>) src(%dma_wait3A_21 : memref<65536x1024xf32, #tpu.memory_space<hbm>>) dst(%arg11 : memref<32x1024xf32, #tpu.memory_space<vmem>>)
    %dma_wait3A_22 = arith.constant 0 : i32
    %dma_wait3A_23 = arith.constant 0 : i32
    %dma_wait3A_24 = tpu.memref_slice %arg5[%dma_wait3A_22, %dma_wait3A_23] : memref<65536x1024xf32, #tpu.memory_space<hbm>> -> memref<65536x1024xf32, #tpu.memory_space<hbm>>
    tpu.wait_indirect_dma semaphore(%arg14 : memref<!tpu.dma_semaphore, #tpu.memory_space<semaphore_mem>>) src(%arg10 : memref<32x1024xf32, #tpu.memory_space<vmem>>) dst(%dma_wait3A_24 : memref<65536x1024xf32, #tpu.memory_space<hbm>>)
    %dma_start3A_25 = arith.constant 0 : i32
    %dma_start3A_26 = arith.constant 0 : i32
    %dma_start3A_27 = tpu.memref_slice %arg3[%dma_start3A_25, %dma_start3A_26] : memref<65536x1024xf32, #tpu.memory_space<hbm>> -> memref<65536x1024xf32, #tpu.memory_space<hbm>>
    tpu.enqueue_indirect_dma source(%dma_start3A_27 : memref<65536x1024xf32, #tpu.memory_space<hbm>>) target(%arg10 : memref<32x1024xf32, #tpu.memory_space<vmem>>) offsets(%arg8 : memref<32xi32, #tpu.memory_space<vmem>>) semaphore(%arg12 : memref<!tpu.dma_semaphore, #tpu.memory_space<semaphore_mem>>)
    %scan3A_28 = arith.constant 0 : i32
    %scan3A_29 = arith.constant 0 : i32
    %scan3A_30 = arith.constant 32 : i32
    %scan3A_31 = arith.addi %scan3A_29, %scan3A_30 : i32
    %scan3A_32 = arith.constant 1 : i32
    scf.for %scan3A_73 = %scan3A_29 to %scan3A_31 step %scan3A_32  : i32 {
      %get3A = arith.index_cast %scan3A_73 : i32 to index
      %get3A_74 = arith.constant 0 : index
      %get3A_75 = tpu.vector_load %arg11[%get3A, %get3A_74] {strides = array<i32>} : memref<32x1024xf32, #tpu.memory_space<vmem>>, vector<1x16xf32>,
      %get3A_76 = vector.shape_cast %get3A_75 : vector<1x16xf32> to vector<16xf32>
      %mul3A_77 = arith.constant 1.0668962 : f32
      %mul3A_78 = vector.broadcast %mul3A_77 : f32 to vector<16xf32>
      %mul3A_79 = arith.mulf %get3A_76, %mul3A_78 : vector<16xf32>
      %swap3A = arith.index_cast %scan3A_73 : i32 to index
      %swap3A_80 = arith.constant 0 : index
      %swap3A_81 = tpu.vector_load %arg11[%swap3A, %swap3A_80] {strides = array<i32>} : memref<32x1024xf32, #tpu.memory_space<vmem>>, vector<1x16xf32>,
      %swap3A_82 = vector.shape_cast %swap3A_81 : vector<1x16xf32> to vector<16xf32>
      %swap3A_83 = vector.shape_cast %mul3A_79 : vector<16xf32> to vector<1x16xf32>
      tpu.vector_store %arg11[%swap3A, %swap3A_80], %swap3A_83 {strides = array<i32>} : memref<32x1024xf32, #tpu.memory_space<vmem>>, vector<1x16xf32>,
      %get3A_84 = arith.index_cast %scan3A_73 : i32 to index
      %get3A_85 = arith.constant 16 : index
      %get3A_86 = tpu.vector_load %arg11[%get3A_84, %get3A_85] {strides = array<i32>} : memref<32x1024xf32, #tpu.memory_space<vmem>>, vector<1x16xf32>,
      %get3A_87 = vector.shape_cast %get3A_86 : vector<1x16xf32> to vector<16xf32>
      %mul3A_88 = arith.constant 1.0668962 : f32
      %mul3A_89 = vector.broadcast %mul3A_88 : f32 to vector<16xf32>
      %mul3A_90 = arith.mulf %get3A_87, %mul3A_89 : vector<16xf32>
      %swap3A_91 = arith.index_cast %scan3A_73 : i32 to index
      %swap3A_92 = arith.constant 16 : index
      %swap3A_93 = tpu.vector_load %arg11[%swap3A_91, %swap3A_92] {strides = array<i32>} : memref<32x1024xf32, #tpu.memory_space<vmem>>, vector<1x16xf32>,
      %swap3A_94 = vector.shape_cast %swap3A_93 : vector<1x16xf32> to vector<16xf32>
      %swap3A_95 = vector.shape_cast %mul3A_90 : vector<16xf32> to vector<1x16xf32>
      tpu.vector_store %arg11[%swap3A_91, %swap3A_92], %swap3A_95 {strides = array<i32>} : memref<32x1024xf32, #tpu.memory_space<vmem>>, vector<1x16xf32>,
      %get3A_96 = arith.index_cast %scan3A_73 : i32 to index
      %get3A_97 = arith.constant 32 : index
      %get3A_98 = tpu.vector_load %arg11[%get3A_96, %get3A_97] {strides = array<i32>} : memref<32x1024xf32, #tpu.memory_space<vmem>>, vector<1x16xf32>,
      %get3A_99 = vector.shape_cast %get3A_98 : vector<1x16xf32> to vector<16xf32>
      %mul3A_100 = arith.constant 1.0668962 : f32
      %mul3A_101 = vector.broadcast %mul3A_100 : f32 to vector<16xf32>
      %mul3A_102 = arith.mulf %get3A_99, %mul3A_101 : vector<16xf32>
      %swap3A_103 = arith.index_cast %scan3A_73 : i32 to index
      %swap3A_104 = arith.constant 32 : index
      %swap3A_105 = tpu.vector_load %arg11[%swap3A_103, %swap3A_104] {strides = array<i32>} : memref<32x1024xf32, #tpu.memory_space<vmem>>, vector<1x16xf32>,
      %swap3A_106 = vector.shape_cast %swap3A_105 : vector<1x16xf32> to vector<16xf32>
      %swap3A_107 = vector.shape_cast %mul3A_102 : vector<16xf32> to vector<1x16xf32>
      tpu.vector_store %arg11[%swap3A_103, %swap3A_104], %swap3A_107 {strides = array<i32>} : memref<32x1024xf32, #tpu.memory_space<vmem>>, vector<1x16xf32>,
      %get3A_108 = arith.index_cast %scan3A_73 : i32 to index
      %get3A_109 = arith.constant 48 : index
      %get3A_110 = tpu.vector_load %arg11[%get3A_108, %get3A_109] {strides = array<i32>} : memref<32x1024xf32, #tpu.memory_space<vmem>>, vector<1x16xf32>,
      %get3A_111 = vector.shape_cast %get3A_110 : vector<1x16xf32> to vector<16xf32>
      %mul3A_112 = arith.constant 1.0668962 : f32
      %mul3A_113 = vector.broadcast %mul3A_112 : f32 to vector<16xf32>
      %mul3A_114 = arith.mulf %get3A_111, %mul3A_113 : vector<16xf32>
      %swap3A_115 = arith.index_cast %scan3A_73 : i32 to index
      %swap3A_116 = arith.constant 48 : index
      %swap3A_117 = tpu.vector_load %arg11[%swap3A_115, %swap3A_116] {strides = array<i32>} : memref<32x1024xf32, #tpu.memory_space<vmem>>, vector<1x16xf32>,
      %swap3A_118 = vector.shape_cast %swap3A_117 : vector<1x16xf32> to vector<16xf32>
      %swap3A_119 = vector.shape_cast %mul3A_114 : vector<16xf32> to vector<1x16xf32>
      tpu.vector_store %arg11[%swap3A_115, %swap3A_116], %swap3A_119 {strides = array<i32>} : memref<32x1024xf32, #tpu.memory_space<vmem>>, vector<1x16xf32>,
      %get3A_120 = arith.index_cast %scan3A_73 : i32 to index
      %get3A_121 = arith.constant 64 : index
      %get3A_122 = tpu.vector_load %arg11[%get3A_120, %get3A_121] {strides = array<i32>} : memref<32x1024xf32, #tpu.memory_space<vmem>>, vector<1x16xf32>,
      %get3A_123 = vector.shape_cast %get3A_122 : vector<1x16xf32> to vector<16xf32>
      %mul3A_124 = arith.constant 1.0668962 : f32
      %mul3A_125 = vector.broadcast %mul3A_124 : f32 to vector<16xf32>
      %mul3A_126 = arith.mulf %get3A_123, %mul3A_125 : vector<16xf32>
      %swap3A_127 = arith.index_cast %scan3A_73 : i32 to index
      %swap3A_128 = arith.constant 64 : index
      %swap3A_129 = tpu.vector_load %arg11[%swap3A_127, %swap3A_128] {strides = array<i32>} : memref<32x1024xf32, #tpu.memory_space<vmem>>, vector<1x16xf32>,
      %swap3A_130 = vector.shape_cast %swap3A_129 : vector<1x16xf32> to vector<16xf32>
      %swap3A_131 = vector.shape_cast %mul3A_126 : vector<16xf32> to vector<1x16xf32>
      tpu.vector_store %arg11[%swap3A_127, %swap3A_128], %swap3A_131 {strides = array<i32>} : memref<32x1024xf32, #tpu.memory_space<vmem>>, vector<1x16xf32>,
      %get3A_132 = arith.index_cast %scan3A_73 : i32 to index
      %get3A_133 = arith.constant 80 : index
      %get3A_134 = tpu.vector_load %arg11[%get3A_132, %get3A_133] {strides = array<i32>} : memref<32x1024xf32, #tpu.memory_space<vmem>>, vector<1x16xf32>,
      %get3A_135 = vector.shape_cast %get3A_134 : vector<1x16xf32> to vector<16xf32>
      %mul3A_136 = arith.constant 1.0668962 : f32
      %mul3A_137 = vector.broadcast %mul3A_136 : f32 to vector<16xf32>
      %mul3A_138 = arith.mulf %get3A_135, %mul3A_137 : vector<16xf32>
      %swap3A_139 = arith.index_cast %scan3A_73 : i32 to index
      %swap3A_140 = arith.constant 80 : index
      %swap3A_141 = tpu.vector_load %arg11[%swap3A_139, %swap3A_140] {strides = array<i32>} : memref<32x1024xf32, #tpu.memory_space<vmem>>, vector<1x16xf32>,
      %swap3A_142 = vector.shape_cast %swap3A_141 : vector<1x16xf32> to vector<16xf32>
      %swap3A_143 = vector.shape_cast %mul3A_138 : vector<16xf32> to vector<1x16xf32>
      tpu.vector_store %arg11[%swap3A_139, %swap3A_140], %swap3A_143 {strides = array<i32>} : memref<32x1024xf32, #tpu.memory_space<vmem>>, vector<1x16xf32>,
      %get3A_144 = arith.index_cast %scan3A_73 : i32 to index
      %get3A_145 = arith.constant 96 : index
      %get3A_146 = tpu.vector_load %arg11[%get3A_144, %get3A_145] {strides = array<i32>} : memref<32x1024xf32, #tpu.memory_space<vmem>>, vector<1x16xf32>,
      %get3A_147 = vector.shape_cast %get3A_146 : vector<1x16xf32> to vector<16xf32>
      %mul3A_148 = arith.constant 1.0668962 : f32
      %mul3A_149 = vector.broadcast %mul3A_148 : f32 to vector<16xf32>
      %mul3A_150 = arith.mulf %get3A_147, %mul3A_149 : vector<16xf32>
      %swap3A_151 = arith.index_cast %scan3A_73 : i32 to index
      %swap3A_152 = arith.constant 96 : index
      %swap3A_153 = tpu.vector_load %arg11[%swap3A_151, %swap3A_152] {strides = array<i32>} : memref<32x1024xf32, #tpu.memory_space<vmem>>, vector<1x16xf32>,
      %swap3A_154 = vector.shape_cast %swap3A_153 : vector<1x16xf32> to vector<16xf32>
      %swap3A_155 = vector.shape_cast %mul3A_150 : vector<16xf32> to vector<1x16xf32>
      tpu.vector_store %arg11[%swap3A_151, %swap3A_152], %swap3A_155 {strides = array<i32>} : memref<32x1024xf32, #tpu.memory_space<vmem>>, vector<1x16xf32>,
      %get3A_156 = arith.index_cast %scan3A_73 : i32 to index
      %get3A_157 = arith.constant 112 : index
      %get3A_158 = tpu.vector_load %arg11[%get3A_156, %get3A_157] {strides = array<i32>} : memref<32x1024xf32, #tpu.memory_space<vmem>>, vector<1x16xf32>,
      %get3A_159 = vector.shape_cast %get3A_158 : vector<1x16xf32> to vector<16xf32>
      %mul3A_160 = arith.constant 1.0668962 : f32
      %mul3A_161 = vector.broadcast %mul3A_160 : f32 to vector<16xf32>
      %mul3A_162 = arith.mulf %get3A_159, %mul3A_161 : vector<16xf32>
      %swap3A_163 = arith.index_cast %scan3A_73 : i32 to index
      %swap3A_164 = arith.constant 112 : index
      %swap3A_165 = tpu.vector_load %arg11[%swap3A_163, %swap3A_164] {strides = array<i32>} : memref<32x1024xf32, #tpu.memory_space<vmem>>, vector<1x16xf32>,
      %swap3A_166 = vector.shape_cast %swap3A_165 : vector<1x16xf32> to vector<16xf32>
      %swap3A_167 = vector.shape_cast %mul3A_162 : vector<16xf32> to vector<1x16xf32>
      tpu.vector_store %arg11[%swap3A_163, %swap3A_164], %swap3A_167 {strides = array<i32>} : memref<32x1024xf32, #tpu.memory_space<vmem>>, vector<1x16xf32>,
      %get3A_168 = arith.index_cast %scan3A_73 : i32 to index
      %get3A_169 = arith.constant 128 : index
      %get3A_170 = tpu.vector_load %arg11[%get3A_168, %get3A_169] {strides = array<i32>} : memref<32x1024xf32, #tpu.memory_space<vmem>>, vector<1x16xf32>,
      %get3A_171 = vector.shape_cast %get3A_170 : vector<1x16xf32> to vector<16xf32>
      %mul3A_172 = arith.constant 1.0668962 : f32
      %mul3A_173 = vector.broadcast %mul3A_172 : f32 to vector<16xf32>
      %mul3A_174 = arith.mulf %get3A_171, %mul3A_173 : vector<16xf32>
      %swap3A_175 = arith.index_cast %scan3A_73 : i32 to index
      %swap3A_176 = arith.constant 128 : index
      %swap3A_177 = tpu.vector_load %arg11[%swap3A_175, %swap3A_176] {strides = array<i32>} : memref<32x1024xf32, #tpu.memory_space<vmem>>, vector<1x16xf32>,
      %swap3A_178 = vector.shape_cast %swap3A_177 : vector<1x16xf32> to vector<16xf32>
      %swap3A_179 = vector.shape_cast %mul3A_174 : vector<16xf32> to vector<1x16xf32>
      tpu.vector_store %arg11[%swap3A_175, %swap3A_176], %swap3A_179 {strides = array<i32>} : memref<32x1024xf32, #tpu.memory_space<vmem>>, vector<1x16xf32>,
      %get3A_180 = arith.index_cast %scan3A_73 : i32 to index
      %get3A_181 = arith.constant 144 : index
      %get3A_182 = tpu.vector_load %arg11[%get3A_180, %get3A_181] {strides = array<i32>} : memref<32x1024xf32, #tpu.memory_space<vmem>>, vector<1x16xf32>,
      %get3A_183 = vector.shape_cast %get3A_182 : vector<1x16xf32> to vector<16xf32>
      %mul3A_184 = arith.constant 1.0668962 : f32
      %mul3A_185 = vector.broadcast %mul3A_184 : f32 to vector<16xf32>
      %mul3A_186 = arith.mulf %get3A_183, %mul3A_185 : vector<16xf32>
      %swap3A_187 = arith.index_cast %scan3A_73 : i32 to index
      %swap3A_188 = arith.constant 144 : index
      %swap3A_189 = tpu.vector_load %arg11[%swap3A_187, %swap3A_188] {strides = array<i32>} : memref<32x1024xf32, #tpu.memory_space<vmem>>, vector<1x16xf32>,
      %swap3A_190 = vector.shape_cast %swap3A_189 : vector<1x16xf32> to vector<16xf32>
      %swap3A_191 = vector.shape_cast %mul3A_186 : vector<16xf32> to vector<1x16xf32>
      tpu.vector_store %arg11[%swap3A_187, %swap3A_188], %swap3A_191 {strides = array<i32>} : memref<32x1024xf32, #tpu.memory_space<vmem>>, vector<1x16xf32>,
      %get3A_192 = arith.index_cast %scan3A_73 : i32 to index
      %get3A_193 = arith.constant 160 : index
      %get3A_194 = tpu.vector_load %arg11[%get3A_192, %get3A_193] {strides = array<i32>} : memref<32x1024xf32, #tpu.memory_space<vmem>>, vector<1x16xf32>,
      %get3A_195 = vector.shape_cast %get3A_194 : vector<1x16xf32> to vector<16xf32>
      %mul3A_196 = arith.constant 1.0668962 : f32
      %mul3A_197 = vector.broadcast %mul3A_196 : f32 to vector<16xf32>
      %mul3A_198 = arith.mulf %get3A_195, %mul3A_197 : vector<16xf32>
      %swap3A_199 = arith.index_cast %scan3A_73 : i32 to index
      %swap3A_200 = arith.constant 160 : index
      %swap3A_201 = tpu.vector_load %arg11[%swap3A_199, %swap3A_200] {strides = array<i32>} : memref<32x1024xf32, #tpu.memory_space<vmem>>, vector<1x16xf32>,
      %swap3A_202 = vector.shape_cast %swap3A_201 : vector<1x16xf32> to vector<16xf32>
      %swap3A_203 = vector.shape_cast %mul3A_198 : vector<16xf32> to vector<1x16xf32>
      tpu.vector_store %arg11[%swap3A_199, %swap3A_200], %swap3A_203 {strides = array<i32>} : memref<32x1024xf32, #tpu.memory_space<vmem>>, vector<1x16xf32>,
      %get3A_204 = arith.index_cast %scan3A_73 : i32 to index
      %get3A_205 = arith.constant 176 : index
      %get3A_206 = tpu.vector_load %arg11[%get3A_204, %get3A_205] {strides = array<i32>} : memref<32x1024xf32, #tpu.memory_space<vmem>>, vector<1x16xf32>,
      %get3A_207 = vector.shape_cast %get3A_206 : vector<1x16xf32> to vector<16xf32>
      %mul3A_208 = arith.constant 1.0668962 : f32
      %mul3A_209 = vector.broadcast %mul3A_208 : f32 to vector<16xf32>
      %mul3A_210 = arith.mulf %get3A_207, %mul3A_209 : vector<16xf32>
      %swap3A_211 = arith.index_cast %scan3A_73 : i32 to index
      %swap3A_212 = arith.constant 176 : index
      %swap3A_213 = tpu.vector_load %arg11[%swap3A_211, %swap3A_212] {strides = array<i32>} : memref<32x1024xf32, #tpu.memory_space<vmem>>, vector<1x16xf32>,
      %swap3A_214 = vector.shape_cast %swap3A_213 : vector<1x16xf32> to vector<16xf32>
      %swap3A_215 = vector.shape_cast %mul3A_210 : vector<16xf32> to vector<1x16xf32>
      tpu.vector_store %arg11[%swap3A_211, %swap3A_212], %swap3A_215 {strides = array<i32>} : memref<32x1024xf32, #tpu.memory_space<vmem>>, vector<1x16xf32>,
      %get3A_216 = arith.index_cast %scan3A_73 : i32 to index
      %get3A_217 = arith.constant 192 : index
      %get3A_218 = tpu.vector_load %arg11[%get3A_216, %get3A_217] {strides = array<i32>} : memref<32x1024xf32, #tpu.memory_space<vmem>>, vector<1x16xf32>,
      %get3A_219 = vector.shape_cast %get3A_218 : vector<1x16xf32> to vector<16xf32>
      %mul3A_220 = arith.constant 1.0668962 : f32
      %mul3A_221 = vector.broadcast %mul3A_220 : f32 to vector<16xf32>
      %mul3A_222 = arith.mulf %get3A_219, %mul3A_221 : vector<16xf32>
      %swap3A_223 = arith.index_cast %scan3A_73 : i32 to index
      %swap3A_224 = arith.constant 192 : index
      %swap3A_225 = tpu.vector_load %arg11[%swap3A_223, %swap3A_224] {strides = array<i32>} : memref<32x1024xf32, #tpu.memory_space<vmem>>, vector<1x16xf32>,
      %swap3A_226 = vector.shape_cast %swap3A_225 : vector<1x16xf32> to vector<16xf32>
      %swap3A_227 = vector.shape_cast %mul3A_222 : vector<16xf32> to vector<1x16xf32>
      tpu.vector_store %arg11[%swap3A_223, %swap3A_224], %swap3A_227 {strides = array<i32>} : memref<32x1024xf32, #tpu.memory_space<vmem>>, vector<1x16xf32>,
      %get3A_228 = arith.index_cast %scan3A_73 : i32 to index
      %get3A_229 = arith.constant 208 : index
      %get3A_230 = tpu.vector_load %arg11[%get3A_228, %get3A_229] {strides = array<i32>} : memref<32x1024xf32, #tpu.memory_space<vmem>>, vector<1x16xf32>,
      %get3A_231 = vector.shape_cast %get3A_230 : vector<1x16xf32> to vector<16xf32>
      %mul3A_232 = arith.constant 1.0668962 : f32
      %mul3A_233 = vector.broadcast %mul3A_232 : f32 to vector<16xf32>
      %mul3A_234 = arith.mulf %get3A_231, %mul3A_233 : vector<16xf32>
      %swap3A_235 = arith.index_cast %scan3A_73 : i32 to index
      %swap3A_236 = arith.constant 208 : index
      %swap3A_237 = tpu.vector_load %arg11[%swap3A_235, %swap3A_236] {strides = array<i32>} : memref<32x1024xf32, #tpu.memory_space<vmem>>, vector<1x16xf32>,
      %swap3A_238 = vector.shape_cast %swap3A_237 : vector<1x16xf32> to vector<16xf32>
      %swap3A_239 = vector.shape_cast %mul3A_234 : vector<16xf32> to vector<1x16xf32>
      tpu.vector_store %arg11[%swap3A_235, %swap3A_236], %swap3A_239 {strides = array<i32>} : memref<32x1024xf32, #tpu.memory_space<vmem>>, vector<1x16xf32>,
      %get3A_240 = arith.index_cast %scan3A_73 : i32 to index
      %get3A_241 = arith.constant 224 : index
      %get3A_242 = tpu.vector_load %arg11[%get3A_240, %get3A_241] {strides = array<i32>} : memref<32x1024xf32, #tpu.memory_space<vmem>>, vector<1x16xf32>,
      %get3A_243 = vector.shape_cast %get3A_242 : vector<1x16xf32> to vector<16xf32>
      %mul3A_244 = arith.constant 1.0668962 : f32
      %mul3A_245 = vector.broadcast %mul3A_244 : f32 to vector<16xf32>
      %mul3A_246 = arith.mulf %get3A_243, %mul3A_245 : vector<16xf32>
      %swap3A_247 = arith.index_cast %scan3A_73 : i32 to index
      %swap3A_248 = arith.constant 224 : index
      %swap3A_249 = tpu.vector_load %arg11[%swap3A_247, %swap3A_248] {strides = array<i32>} : memref<32x1024xf32, #tpu.memory_space<vmem>>, vector<1x16xf32>,
      %swap3A_250 = vector.shape_cast %swap3A_249 : vector<1x16xf32> to vector<16xf32>
      %swap3A_251 = vector.shape_cast %mul3A_246 : vector<16xf32> to vector<1x16xf32>
      tpu.vector_store %arg11[%swap3A_247, %swap3A_248], %swap3A_251 {strides = array<i32>} : memref<32x1024xf32, #tpu.memory_space<vmem>>, vector<1x16xf32>,
      %get3A_252 = arith.index_cast %scan3A_73 : i32 to index
      %get3A_253 = arith.constant 240 : index
      %get3A_254 = tpu.vector_load %arg11[%get3A_252, %get3A_253] {strides = array<i32>} : memref<32x1024xf32, #tpu.memory_space<vmem>>, vector<1x16xf32>,
      %get3A_255 = vector.shape_cast %get3A_254 : vector<1x16xf32> to vector<16xf32>
      %mul3A_256 = arith.constant 1.0668962 : f32
      %mul3A_257 = vector.broadcast %mul3A_256 : f32 to vector<16xf32>
      %mul3A_258 = arith.mulf %get3A_255, %mul3A_257 : vector<16xf32>
      %swap3A_259 = arith.index_cast %scan3A_73 : i32 to index
      %swap3A_260 = arith.constant 240 : index
      %swap3A_261 = tpu.vector_load %arg11[%swap3A_259, %swap3A_260] {strides = array<i32>} : memref<32x1024xf32, #tpu.memory_space<vmem>>, vector<1x16xf32>,
      %swap3A_262 = vector.shape_cast %swap3A_261 : vector<1x16xf32> to vector<16xf32>
      %swap3A_263 = vector.shape_cast %mul3A_258 : vector<16xf32> to vector<1x16xf32>
      tpu.vector_store %arg11[%swap3A_259, %swap3A_260], %swap3A_263 {strides = array<i32>} : memref<32x1024xf32, #tpu.memory_space<vmem>>, vector<1x16xf32>,
      %get3A_264 = arith.index_cast %scan3A_73 : i32 to index
      %get3A_265 = arith.constant 256 : index
      %get3A_266 = tpu.vector_load %arg11[%get3A_264, %get3A_265] {strides = array<i32>} : memref<32x1024xf32, #tpu.memory_space<vmem>>, vector<1x16xf32>,
      %get3A_267 = vector.shape_cast %get3A_266 : vector<1x16xf32> to vector<16xf32>
      %mul3A_268 = arith.constant 1.0668962 : f32
      %mul3A_269 = vector.broadcast %mul3A_268 : f32 to vector<16xf32>
      %mul3A_270 = arith.mulf %get3A_267, %mul3A_269 : vector<16xf32>
      %swap3A_271 = arith.index_cast %scan3A_73 : i32 to index
      %swap3A_272 = arith.constant 256 : index
      %swap3A_273 = tpu.vector_load %arg11[%swap3A_271, %swap3A_272] {strides = array<i32>} : memref<32x1024xf32, #tpu.memory_space<vmem>>, vector<1x16xf32>,
      %swap3A_274 = vector.shape_cast %swap3A_273 : vector<1x16xf32> to vector<16xf32>
      %swap3A_275 = vector.shape_cast %mul3A_270 : vector<16xf32> to vector<1x16xf32>
      tpu.vector_store %arg11[%swap3A_271, %swap3A_272], %swap3A_275 {strides = array<i32>} : memref<32x1024xf32, #tpu.memory_space<vmem>>, vector<1x16xf32>,
      %get3A_276 = arith.index_cast %scan3A_73 : i32 to index
      %get3A_277 = arith.constant 272 : index
      %get3A_278 = tpu.vector_load %arg11[%get3A_276, %get3A_277] {strides = array<i32>} : memref<32x1024xf32, #tpu.memory_space<vmem>>, vector<1x16xf32>,
      %get3A_279 = vector.shape_cast %get3A_278 : vector<1x16xf32> to vector<16xf32>
      %mul3A_280 = arith.constant 1.0668962 : f32
      %mul3A_281 = vector.broadcast %mul3A_280 : f32 to vector<16xf32>
      %mul3A_282 = arith.mulf %get3A_279, %mul3A_281 : vector<16xf32>
      %swap3A_283 = arith.index_cast %scan3A_73 : i32 to index
      %swap3A_284 = arith.constant 272 : index
      %swap3A_285 = tpu.vector_load %arg11[%swap3A_283, %swap3A_284] {strides = array<i32>} : memref<32x1024xf32, #tpu.memory_space<vmem>>, vector<1x16xf32>,
      %swap3A_286 = vector.shape_cast %swap3A_285 : vector<1x16xf32> to vector<16xf32>
      %swap3A_287 = vector.shape_cast %mul3A_282 : vector<16xf32> to vector<1x16xf32>
      tpu.vector_store %arg11[%swap3A_283, %swap3A_284], %swap3A_287 {strides = array<i32>} : memref<32x1024xf32, #tpu.memory_space<vmem>>, vector<1x16xf32>,
      %get3A_288 = arith.index_cast %scan3A_73 : i32 to index
      %get3A_289 = arith.constant 288 : index
      %get3A_290 = tpu.vector_load %arg11[%get3A_288, %get3A_289] {strides = array<i32>} : memref<32x1024xf32, #tpu.memory_space<vmem>>, vector<1x16xf32>,
      %get3A_291 = vector.shape_cast %get3A_290 : vector<1x16xf32> to vector<16xf32>
      %mul3A_292 = arith.constant 1.0668962 : f32
      %mul3A_293 = vector.broadcast %mul3A_292 : f32 to vector<16xf32>
      %mul3A_294 = arith.mulf %get3A_291, %mul3A_293 : vector<16xf32>
      %swap3A_295 = arith.index_cast %scan3A_73 : i32 to index
      %swap3A_296 = arith.constant 288 : index
      %swap3A_297 = tpu.vector_load %arg11[%swap3A_295, %swap3A_296] {strides = array<i32>} : memref<32x1024xf32, #tpu.memory_space<vmem>>, vector<1x16xf32>,
      %swap3A_298 = vector.shape_cast %swap3A_297 : vector<1x16xf32> to vector<16xf32>
      %swap3A_299 = vector.shape_cast %mul3A_294 : vector<16xf32> to vector<1x16xf32>
      tpu.vector_store %arg11[%swap3A_295, %swap3A_296], %swap3A_299 {strides = array<i32>} : memref<32x1024xf32, #tpu.memory_space<vmem>>, vector<1x16xf32>,
      %get3A_300 = arith.index_cast %scan3A_73 : i32 to index
      %get3A_301 = arith.constant 304 : index
      %get3A_302 = tpu.vector_load %arg11[%get3A_300, %get3A_301] {strides = array<i32>} : memref<32x1024xf32, #tpu.memory_space<vmem>>, vector<1x16xf32>,
      %get3A_303 = vector.shape_cast %get3A_302 : vector<1x16xf32> to vector<16xf32>
      %mul3A_304 = arith.constant 1.0668962 : f32
      %mul3A_305 = vector.broadcast %mul3A_304 : f32 to vector<16xf32>
      %mul3A_306 = arith.mulf %get3A_303, %mul3A_305 : vector<16xf32>
      %swap3A_307 = arith.index_cast %scan3A_73 : i32 to index
      %swap3A_308 = arith.constant 304 : index
      %swap3A_309 = tpu.vector_load %arg11[%swap3A_307, %swap3A_308] {strides = array<i32>} : memref<32x1024xf32, #tpu.memory_space<vmem>>, vector<1x16xf32>,
      %swap3A_310 = vector.shape_cast %swap3A_309 : vector<1x16xf32> to vector<16xf32>
      %swap3A_311 = vector.shape_cast %mul3A_306 : vector<16xf32> to vector<1x16xf32>
      tpu.vector_store %arg11[%swap3A_307, %swap3A_308], %swap3A_311 {strides = array<i32>} : memref<32x1024xf32, #tpu.memory_space<vmem>>, vector<1x16xf32>,
      %get3A_312 = arith.index_cast %scan3A_73 : i32 to index
      %get3A_313 = arith.constant 320 : index
      %get3A_314 = tpu.vector_load %arg11[%get3A_312, %get3A_313] {strides = array<i32>} : memref<32x1024xf32, #tpu.memory_space<vmem>>, vector<1x16xf32>,
      %get3A_315 = vector.shape_cast %get3A_314 : vector<1x16xf32> to vector<16xf32>
      %mul3A_316 = arith.constant 1.0668962 : f32
      %mul3A_317 = vector.broadcast %mul3A_316 : f32 to vector<16xf32>
      %mul3A_318 = arith.mulf %get3A_315, %mul3A_317 : vector<16xf32>
      %swap3A_319 = arith.index_cast %scan3A_73 : i32 to index
      %swap3A_320 = arith.constant 320 : index
      %swap3A_321 = tpu.vector_load %arg11[%swap3A_319, %swap3A_320] {strides = array<i32>} : memref<32x1024xf32, #tpu.memory_space<vmem>>, vector<1x16xf32>,
      %swap3A_322 = vector.shape_cast %swap3A_321 : vector<1x16xf32> to vector<16xf32>
      %swap3A_323 = vector.shape_cast %mul3A_318 : vector<16xf32> to vector<1x16xf32>
      tpu.vector_store %arg11[%swap3A_319, %swap3A_320], %swap3A_323 {strides = array<i32>} : memref<32x1024xf32, #tpu.memory_space<vmem>>, vector<1x16xf32>,
      %get3A_324 = arith.index_cast %scan3A_73 : i32 to index
      %get3A_325 = arith.constant 336 : index
      %get3A_326 = tpu.vector_load %arg11[%get3A_324, %get3A_325] {strides = array<i32>} : memref<32x1024xf32, #tpu.memory_space<vmem>>, vector<1x16xf32>,
      %get3A_327 = vector.shape_cast %get3A_326 : vector<1x16xf32> to vector<16xf32>
      %mul3A_328 = arith.constant 1.0668962 : f32
      %mul3A_329 = vector.broadcast %mul3A_328 : f32 to vector<16xf32>
      %mul3A_330 = arith.mulf %get3A_327, %mul3A_329 : vector<16xf32>
      %swap3A_331 = arith.index_cast %scan3A_73 : i32 to index
      %swap3A_332 = arith.constant 336 : index
      %swap3A_333 = tpu.vector_load %arg11[%swap3A_331, %swap3A_332] {strides = array<i32>} : memref<32x1024xf32, #tpu.memory_space<vmem>>, vector<1x16xf32>,
      %swap3A_334 = vector.shape_cast %swap3A_333 : vector<1x16xf32> to vector<16xf32>
      %swap3A_335 = vector.shape_cast %mul3A_330 : vector<16xf32> to vector<1x16xf32>
      tpu.vector_store %arg11[%swap3A_331, %swap3A_332], %swap3A_335 {strides = array<i32>} : memref<32x1024xf32, #tpu.memory_space<vmem>>, vector<1x16xf32>,
      %get3A_336 = arith.index_cast %scan3A_73 : i32 to index
      %get3A_337 = arith.constant 352 : index
      %get3A_338 = tpu.vector_load %arg11[%get3A_336, %get3A_337] {strides = array<i32>} : memref<32x1024xf32, #tpu.memory_space<vmem>>, vector<1x16xf32>,
      %get3A_339 = vector.shape_cast %get3A_338 : vector<1x16xf32> to vector<16xf32>
      %mul3A_340 = arith.constant 1.0668962 : f32
      %mul3A_341 = vector.broadcast %mul3A_340 : f32 to vector<16xf32>
      %mul3A_342 = arith.mulf %get3A_339, %mul3A_341 : vector<16xf32>
      %swap3A_343 = arith.index_cast %scan3A_73 : i32 to index
      %swap3A_344 = arith.constant 352 : index
      %swap3A_345 = tpu.vector_load %arg11[%swap3A_343, %swap3A_344] {strides = array<i32>} : memref<32x1024xf32, #tpu.memory_space<vmem>>, vector<1x16xf32>,
      %swap3A_346 = vector.shape_cast %swap3A_345 : vector<1x16xf32> to vector<16xf32>
      %swap3A_347 = vector.shape_cast %mul3A_342 : vector<16xf32> to vector<1x16xf32>
      tpu.vector_store %arg11[%swap3A_343, %swap3A_344], %swap3A_347 {strides = array<i32>} : memref<32x1024xf32, #tpu.memory_space<vmem>>, vector<1x16xf32>,
      %get3A_348 = arith.index_cast %scan3A_73 : i32 to index
      %get3A_349 = arith.constant 368 : index
      %get3A_350 = tpu.vector_load %arg11[%get3A_348, %get3A_349] {strides = array<i32>} : memref<32x1024xf32, #tpu.memory_space<vmem>>, vector<1x16xf32>,
      %get3A_351 = vector.shape_cast %get3A_350 : vector<1x16xf32> to vector<16xf32>
      %mul3A_352 = arith.constant 1.0668962 : f32
      %mul3A_353 = vector.broadcast %mul3A_352 : f32 to vector<16xf32>
      %mul3A_354 = arith.mulf %get3A_351, %mul3A_353 : vector<16xf32>
      %swap3A_355 = arith.index_cast %scan3A_73 : i32 to index
      %swap3A_356 = arith.constant 368 : index
      %swap3A_357 = tpu.vector_load %arg11[%swap3A_355, %swap3A_356] {strides = array<i32>} : memref<32x1024xf32, #tpu.memory_space<vmem>>, vector<1x16xf32>,
      %swap3A_358 = vector.shape_cast %swap3A_357 : vector<1x16xf32> to vector<16xf32>
      %swap3A_359 = vector.shape_cast %mul3A_354 : vector<16xf32> to vector<1x16xf32>
      tpu.vector_store %arg11[%swap3A_355, %swap3A_356], %swap3A_359 {strides = array<i32>} : memref<32x1024xf32, #tpu.memory_space<vmem>>, vector<1x16xf32>,
      %get3A_360 = arith.index_cast %scan3A_73 : i32 to index
      %get3A_361 = arith.constant 384 : index
      %get3A_362 = tpu.vector_load %arg11[%get3A_360, %get3A_361] {strides = array<i32>} : memref<32x1024xf32, #tpu.memory_space<vmem>>, vector<1x16xf32>,
      %get3A_363 = vector.shape_cast %get3A_362 : vector<1x16xf32> to vector<16xf32>
      %mul3A_364 = arith.constant 1.0668962 : f32
      %mul3A_365 = vector.broadcast %mul3A_364 : f32 to vector<16xf32>
      %mul3A_366 = arith.mulf %get3A_363, %mul3A_365 : vector<16xf32>
      %swap3A_367 = arith.index_cast %scan3A_73 : i32 to index
      %swap3A_368 = arith.constant 384 : index
      %swap3A_369 = tpu.vector_load %arg11[%swap3A_367, %swap3A_368] {strides = array<i32>} : memref<32x1024xf32, #tpu.memory_space<vmem>>, vector<1x16xf32>,
      %swap3A_370 = vector.shape_cast %swap3A_369 : vector<1x16xf32> to vector<16xf32>
      %swap3A_371 = vector.shape_cast %mul3A_366 : vector<16xf32> to vector<1x16xf32>
      tpu.vector_store %arg11[%swap3A_367, %swap3A_368], %swap3A_371 {strides = array<i32>} : memref<32x1024xf32, #tpu.memory_space<vmem>>, vector<1x16xf32>,
      %get3A_372 = arith.index_cast %scan3A_73 : i32 to index
      %get3A_373 = arith.constant 400 : index
      %get3A_374 = tpu.vector_load %arg11[%get3A_372, %get3A_373] {strides = array<i32>} : memref<32x1024xf32, #tpu.memory_space<vmem>>, vector<1x16xf32>,
      %get3A_375 = vector.shape_cast %get3A_374 : vector<1x16xf32> to vector<16xf32>
      %mul3A_376 = arith.constant 1.0668962 : f32
      %mul3A_377 = vector.broadcast %mul3A_376 : f32 to vector<16xf32>
      %mul3A_378 = arith.mulf %get3A_375, %mul3A_377 : vector<16xf32>
      %swap3A_379 = arith.index_cast %scan3A_73 : i32 to index
      %swap3A_380 = arith.constant 400 : index
      %swap3A_381 = tpu.vector_load %arg11[%swap3A_379, %swap3A_380] {strides = array<i32>} : memref<32x1024xf32, #tpu.memory_space<vmem>>, vector<1x16xf32>,
      %swap3A_382 = vector.shape_cast %swap3A_381 : vector<1x16xf32> to vector<16xf32>
      %swap3A_383 = vector.shape_cast %mul3A_378 : vector<16xf32> to vector<1x16xf32>
      tpu.vector_store %arg11[%swap3A_379, %swap3A_380], %swap3A_383 {strides = array<i32>} : memref<32x1024xf32, #tpu.memory_space<vmem>>, vector<1x16xf32>,
      %get3A_384 = arith.index_cast %scan3A_73 : i32 to index
      %get3A_385 = arith.constant 416 : index
      %get3A_386 = tpu.vector_load %arg11[%get3A_384, %get3A_385] {strides = array<i32>} : memref<32x1024xf32, #tpu.memory_space<vmem>>, vector<1x16xf32>,
      %get3A_387 = vector.shape_cast %get3A_386 : vector<1x16xf32> to vector<16xf32>
      %mul3A_388 = arith.constant 1.0668962 : f32
      %mul3A_389 = vector.broadcast %mul3A_388 : f32 to vector<16xf32>
      %mul3A_390 = arith.mulf %get3A_387, %mul3A_389 : vector<16xf32>
      %swap3A_391 = arith.index_cast %scan3A_73 : i32 to index
      %swap3A_392 = arith.constant 416 : index
      %swap3A_393 = tpu.vector_load %arg11[%swap3A_391, %swap3A_392] {strides = array<i32>} : memref<32x1024xf32, #tpu.memory_space<vmem>>, vector<1x16xf32>,
      %swap3A_394 = vector.shape_cast %swap3A_393 : vector<1x16xf32> to vector<16xf32>
      %swap3A_395 = vector.shape_cast %mul3A_390 : vector<16xf32> to vector<1x16xf32>
      tpu.vector_store %arg11[%swap3A_391, %swap3A_392], %swap3A_395 {strides = array<i32>} : memref<32x1024xf32, #tpu.memory_space<vmem>>, vector<1x16xf32>,
      %get3A_396 = arith.index_cast %scan3A_73 : i32 to index
      %get3A_397 = arith.constant 432 : index
      %get3A_398 = tpu.vector_load %arg11[%get3A_396, %get3A_397] {strides = array<i32>} : memref<32x1024xf32, #tpu.memory_space<vmem>>, vector<1x16xf32>,
      %get3A_399 = vector.shape_cast %get3A_398 : vector<1x16xf32> to vector<16xf32>
      %mul3A_400 = arith.constant 1.0668962 : f32
      %mul3A_401 = vector.broadcast %mul3A_400 : f32 to vector<16xf32>
      %mul3A_402 = arith.mulf %get3A_399, %mul3A_401 : vector<16xf32>
      %swap3A_403 = arith.index_cast %scan3A_73 : i32 to index
      %swap3A_404 = arith.constant 432 : index
      %swap3A_405 = tpu.vector_load %arg11[%swap3A_403, %swap3A_404] {strides = array<i32>} : memref<32x1024xf32, #tpu.memory_space<vmem>>, vector<1x16xf32>,
      %swap3A_406 = vector.shape_cast %swap3A_405 : vector<1x16xf32> to vector<16xf32>
      %swap3A_407 = vector.shape_cast %mul3A_402 : vector<16xf32> to vector<1x16xf32>
      tpu.vector_store %arg11[%swap3A_403, %swap3A_404], %swap3A_407 {strides = array<i32>} : memref<32x1024xf32, #tpu.memory_space<vmem>>, vector<1x16xf32>,
      %get3A_408 = arith.index_cast %scan3A_73 : i32 to index
      %get3A_409 = arith.constant 448 : index
      %get3A_410 = tpu.vector_load %arg11[%get3A_408, %get3A_409] {strides = array<i32>} : memref<32x1024xf32, #tpu.memory_space<vmem>>, vector<1x16xf32>,
      %get3A_411 = vector.shape_cast %get3A_410 : vector<1x16xf32> to vector<16xf32>
      %mul3A_412 = arith.constant 1.0668962 : f32
      %mul3A_413 = vector.broadcast %mul3A_412 : f32 to vector<16xf32>
      %mul3A_414 = arith.mulf %get3A_411, %mul3A_413 : vector<16xf32>
      %swap3A_415 = arith.index_cast %scan3A_73 : i32 to index
      %swap3A_416 = arith.constant 448 : index
      %swap3A_417 = tpu.vector_load %arg11[%swap3A_415, %swap3A_416] {strides = array<i32>} : memref<32x1024xf32, #tpu.memory_space<vmem>>, vector<1x16xf32>,
      %swap3A_418 = vector.shape_cast %swap3A_417 : vector<1x16xf32> to vector<16xf32>
      %swap3A_419 = vector.shape_cast %mul3A_414 : vector<16xf32> to vector<1x16xf32>
      tpu.vector_store %arg11[%swap3A_415, %swap3A_416], %swap3A_419 {strides = array<i32>} : memref<32x1024xf32, #tpu.memory_space<vmem>>, vector<1x16xf32>,
      %get3A_420 = arith.index_cast %scan3A_73 : i32 to index
      %get3A_421 = arith.constant 464 : index
      %get3A_422 = tpu.vector_load %arg11[%get3A_420, %get3A_421] {strides = array<i32>} : memref<32x1024xf32, #tpu.memory_space<vmem>>, vector<1x16xf32>,
      %get3A_423 = vector.shape_cast %get3A_422 : vector<1x16xf32> to vector<16xf32>
      %mul3A_424 = arith.constant 1.0668962 : f32
      %mul3A_425 = vector.broadcast %mul3A_424 : f32 to vector<16xf32>
      %mul3A_426 = arith.mulf %get3A_423, %mul3A_425 : vector<16xf32>
      %swap3A_427 = arith.index_cast %scan3A_73 : i32 to index
      %swap3A_428 = arith.constant 464 : index
      %swap3A_429 = tpu.vector_load %arg11[%swap3A_427, %swap3A_428] {strides = array<i32>} : memref<32x1024xf32, #tpu.memory_space<vmem>>, vector<1x16xf32>,
      %swap3A_430 = vector.shape_cast %swap3A_429 : vector<1x16xf32> to vector<16xf32>
      %swap3A_431 = vector.shape_cast %mul3A_426 : vector<16xf32> to vector<1x16xf32>
      tpu.vector_store %arg11[%swap3A_427, %swap3A_428], %swap3A_431 {strides = array<i32>} : memref<32x1024xf32, #tpu.memory_space<vmem>>, vector<1x16xf32>,
      %get3A_432 = arith.index_cast %scan3A_73 : i32 to index
      %get3A_433 = arith.constant 480 : index
      %get3A_434 = tpu.vector_load %arg11[%get3A_432, %get3A_433] {strides = array<i32>} : memref<32x1024xf32, #tpu.memory_space<vmem>>, vector<1x16xf32>,
      %get3A_435 = vector.shape_cast %get3A_434 : vector<1x16xf32> to vector<16xf32>
      %mul3A_436 = arith.constant 1.0668962 : f32
      %mul3A_437 = vector.broadcast %mul3A_436 : f32 to vector<16xf32>
      %mul3A_438 = arith.mulf %get3A_435, %mul3A_437 : vector<16xf32>
      %swap3A_439 = arith.index_cast %scan3A_73 : i32 to index
      %swap3A_440 = arith.constant 480 : index
      %swap3A_441 = tpu.vector_load %arg11[%swap3A_439, %swap3A_440] {strides = array<i32>} : memref<32x1024xf32, #tpu.memory_space<vmem>>, vector<1x16xf32>,
      %swap3A_442 = vector.shape_cast %swap3A_441 : vector<1x16xf32> to vector<16xf32>
      %swap3A_443 = vector.shape_cast %mul3A_438 : vector<16xf32> to vector<1x16xf32>
      tpu.vector_store %arg11[%swap3A_439, %swap3A_440], %swap3A_443 {strides = array<i32>} : memref<32x1024xf32, #tpu.memory_space<vmem>>, vector<1x16xf32>,
      %get3A_444 = arith.index_cast %scan3A_73 : i32 to index
      %get3A_445 = arith.constant 496 : index
      %get3A_446 = tpu.vector_load %arg11[%get3A_444, %get3A_445] {strides = array<i32>} : memref<32x1024xf32, #tpu.memory_space<vmem>>, vector<1x16xf32>,
      %get3A_447 = vector.shape_cast %get3A_446 : vector<1x16xf32> to vector<16xf32>
      %mul3A_448 = arith.constant 1.0668962 : f32
      %mul3A_449 = vector.broadcast %mul3A_448 : f32 to vector<16xf32>
      %mul3A_450 = arith.mulf %get3A_447, %mul3A_449 : vector<16xf32>
      %swap3A_451 = arith.index_cast %scan3A_73 : i32 to index
      %swap3A_452 = arith.constant 496 : index
      %swap3A_453 = tpu.vector_load %arg11[%swap3A_451, %swap3A_452] {strides = array<i32>} : memref<32x1024xf32, #tpu.memory_space<vmem>>, vector<1x16xf32>,
      %swap3A_454 = vector.shape_cast %swap3A_453 : vector<1x16xf32> to vector<16xf32>
      %swap3A_455 = vector.shape_cast %mul3A_450 : vector<16xf32> to vector<1x16xf32>
      tpu.vector_store %arg11[%swap3A_451, %swap3A_452], %swap3A_455 {strides = array<i32>} : memref<32x1024xf32, #tpu.memory_space<vmem>>, vector<1x16xf32>,
      %get3A_456 = arith.index_cast %scan3A_73 : i32 to index
      %get3A_457 = arith.constant 512 : index
      %get3A_458 = tpu.vector_load %arg11[%get3A_456, %get3A_457] {strides = array<i32>} : memref<32x1024xf32, #tpu.memory_space<vmem>>, vector<1x16xf32>,
      %get3A_459 = vector.shape_cast %get3A_458 : vector<1x16xf32> to vector<16xf32>
      %mul3A_460 = arith.constant 1.0668962 : f32
      %mul3A_461 = vector.broadcast %mul3A_460 : f32 to vector<16xf32>
      %mul3A_462 = arith.mulf %get3A_459, %mul3A_461 : vector<16xf32>
      %swap3A_463 = arith.index_cast %scan3A_73 : i32 to index
      %swap3A_464 = arith.constant 512 : index
      %swap3A_465 = tpu.vector_load %arg11[%swap3A_463, %swap3A_464] {strides = array<i32>} : memref<32x1024xf32, #tpu.memory_space<vmem>>, vector<1x16xf32>,
      %swap3A_466 = vector.shape_cast %swap3A_465 : vector<1x16xf32> to vector<16xf32>
      %swap3A_467 = vector.shape_cast %mul3A_462 : vector<16xf32> to vector<1x16xf32>
      tpu.vector_store %arg11[%swap3A_463, %swap3A_464], %swap3A_467 {strides = array<i32>} : memref<32x1024xf32, #tpu.memory_space<vmem>>, vector<1x16xf32>,
      %get3A_468 = arith.index_cast %scan3A_73 : i32 to index
      %get3A_469 = arith.constant 528 : index
      %get3A_470 = tpu.vector_load %arg11[%get3A_468, %get3A_469] {strides = array<i32>} : memref<32x1024xf32, #tpu.memory_space<vmem>>, vector<1x16xf32>,
      %get3A_471 = vector.shape_cast %get3A_470 : vector<1x16xf32> to vector<16xf32>
      %mul3A_472 = arith.constant 1.0668962 : f32
      %mul3A_473 = vector.broadcast %mul3A_472 : f32 to vector<16xf32>
      %mul3A_474 = arith.mulf %get3A_471, %mul3A_473 : vector<16xf32>
      %swap3A_475 = arith.index_cast %scan3A_73 : i32 to index
      %swap3A_476 = arith.constant 528 : index
      %swap3A_477 = tpu.vector_load %arg11[%swap3A_475, %swap3A_476] {strides = array<i32>} : memref<32x1024xf32, #tpu.memory_space<vmem>>, vector<1x16xf32>,
      %swap3A_478 = vector.shape_cast %swap3A_477 : vector<1x16xf32> to vector<16xf32>
      %swap3A_479 = vector.shape_cast %mul3A_474 : vector<16xf32> to vector<1x16xf32>
      tpu.vector_store %arg11[%swap3A_475, %swap3A_476], %swap3A_479 {strides = array<i32>} : memref<32x1024xf32, #tpu.memory_space<vmem>>, vector<1x16xf32>,
      %get3A_480 = arith.index_cast %scan3A_73 : i32 to index
      %get3A_481 = arith.constant 544 : index
      %get3A_482 = tpu.vector_load %arg11[%get3A_480, %get3A_481] {strides = array<i32>} : memref<32x1024xf32, #tpu.memory_space<vmem>>, vector<1x16xf32>,
      %get3A_483 = vector.shape_cast %get3A_482 : vector<1x16xf32> to vector<16xf32>
      %mul3A_484 = arith.constant 1.0668962 : f32
      %mul3A_485 = vector.broadcast %mul3A_484 : f32 to vector<16xf32>
      %mul3A_486 = arith.mulf %get3A_483, %mul3A_485 : vector<16xf32>
      %swap3A_487 = arith.index_cast %scan3A_73 : i32 to index
      %swap3A_488 = arith.constant 544 : index
      %swap3A_489 = tpu.vector_load %arg11[%swap3A_487, %swap3A_488] {strides = array<i32>} : memref<32x1024xf32, #tpu.memory_space<vmem>>, vector<1x16xf32>,
      %swap3A_490 = vector.shape_cast %swap3A_489 : vector<1x16xf32> to vector<16xf32>
      %swap3A_491 = vector.shape_cast %mul3A_486 : vector<16xf32> to vector<1x16xf32>
      tpu.vector_store %arg11[%swap3A_487, %swap3A_488], %swap3A_491 {strides = array<i32>} : memref<32x1024xf32, #tpu.memory_space<vmem>>, vector<1x16xf32>,
      %get3A_492 = arith.index_cast %scan3A_73 : i32 to index
      %get3A_493 = arith.constant 560 : index
      %get3A_494 = tpu.vector_load %arg11[%get3A_492, %get3A_493] {strides = array<i32>} : memref<32x1024xf32, #tpu.memory_space<vmem>>, vector<1x16xf32>,
      %get3A_495 = vector.shape_cast %get3A_494 : vector<1x16xf32> to vector<16xf32>
      %mul3A_496 = arith.constant 1.0668962 : f32
      %mul3A_497 = vector.broadcast %mul3A_496 : f32 to vector<16xf32>
      %mul3A_498 = arith.mulf %get3A_495, %mul3A_497 : vector<16xf32>
      %swap3A_499 = arith.index_cast %scan3A_73 : i32 to index
      %swap3A_500 = arith.constant 560 : index
      %swap3A_501 = tpu.vector_load %arg11[%swap3A_499, %swap3A_500] {strides = array<i32>} : memref<32x1024xf32, #tpu.memory_space<vmem>>, vector<1x16xf32>,
      %swap3A_502 = vector.shape_cast %swap3A_501 : vector<1x16xf32> to vector<16xf32>
      %swap3A_503 = vector.shape_cast %mul3A_498 : vector<16xf32> to vector<1x16xf32>
      tpu.vector_store %arg11[%swap3A_499, %swap3A_500], %swap3A_503 {strides = array<i32>} : memref<32x1024xf32, #tpu.memory_space<vmem>>, vector<1x16xf32>,
      %get3A_504 = arith.index_cast %scan3A_73 : i32 to index
      %get3A_505 = arith.constant 576 : index
      %get3A_506 = tpu.vector_load %arg11[%get3A_504, %get3A_505] {strides = array<i32>} : memref<32x1024xf32, #tpu.memory_space<vmem>>, vector<1x16xf32>,
      %get3A_507 = vector.shape_cast %get3A_506 : vector<1x16xf32> to vector<16xf32>
      %mul3A_508 = arith.constant 1.0668962 : f32
      %mul3A_509 = vector.broadcast %mul3A_508 : f32 to vector<16xf32>
      %mul3A_510 = arith.mulf %get3A_507, %mul3A_509 : vector<16xf32>
      %swap3A_511 = arith.index_cast %scan3A_73 : i32 to index
      %swap3A_512 = arith.constant 576 : index
      %swap3A_513 = tpu.vector_load %arg11[%swap3A_511, %swap3A_512] {strides = array<i32>} : memref<32x1024xf32, #tpu.memory_space<vmem>>, vector<1x16xf32>,
      %swap3A_514 = vector.shape_cast %swap3A_513 : vector<1x16xf32> to vector<16xf32>
      %swap3A_515 = vector.shape_cast %mul3A_510 : vector<16xf32> to vector<1x16xf32>
      tpu.vector_store %arg11[%swap3A_511, %swap3A_512], %swap3A_515 {strides = array<i32>} : memref<32x1024xf32, #tpu.memory_space<vmem>>, vector<1x16xf32>,
      %get3A_516 = arith.index_cast %scan3A_73 : i32 to index
      %get3A_517 = arith.constant 592 : index
      %get3A_518 = tpu.vector_load %arg11[%get3A_516, %get3A_517] {strides = array<i32>} : memref<32x1024xf32, #tpu.memory_space<vmem>>, vector<1x16xf32>,
      %get3A_519 = vector.shape_cast %get3A_518 : vector<1x16xf32> to vector<16xf32>
      %mul3A_520 = arith.constant 1.0668962 : f32
      %mul3A_521 = vector.broadcast %mul3A_520 : f32 to vector<16xf32>
      %mul3A_522 = arith.mulf %get3A_519, %mul3A_521 : vector<16xf32>
      %swap3A_523 = arith.index_cast %scan3A_73 : i32 to index
      %swap3A_524 = arith.constant 592 : index
      %swap3A_525 = tpu.vector_load %arg11[%swap3A_523, %swap3A_524] {strides = array<i32>} : memref<32x1024xf32, #tpu.memory_space<vmem>>, vector<1x16xf32>,
      %swap3A_526 = vector.shape_cast %swap3A_525 : vector<1x16xf32> to vector<16xf32>
      %swap3A_527 = vector.shape_cast %mul3A_522 : vector<16xf32> to vector<1x16xf32>
      tpu.vector_store %arg11[%swap3A_523, %swap3A_524], %swap3A_527 {strides = array<i32>} : memref<32x1024xf32, #tpu.memory_space<vmem>>, vector<1x16xf32>,
      %get3A_528 = arith.index_cast %scan3A_73 : i32 to index
      %get3A_529 = arith.constant 608 : index
      %get3A_530 = tpu.vector_load %arg11[%get3A_528, %get3A_529] {strides = array<i32>} : memref<32x1024xf32, #tpu.memory_space<vmem>>, vector<1x16xf32>,
      %get3A_531 = vector.shape_cast %get3A_530 : vector<1x16xf32> to vector<16xf32>
      %mul3A_532 = arith.constant 1.0668962 : f32
      %mul3A_533 = vector.broadcast %mul3A_532 : f32 to vector<16xf32>
      %mul3A_534 = arith.mulf %get3A_531, %mul3A_533 : vector<16xf32>
      %swap3A_535 = arith.index_cast %scan3A_73 : i32 to index
      %swap3A_536 = arith.constant 608 : index
      %swap3A_537 = tpu.vector_load %arg11[%swap3A_535, %swap3A_536] {strides = array<i32>} : memref<32x1024xf32, #tpu.memory_space<vmem>>, vector<1x16xf32>,
      %swap3A_538 = vector.shape_cast %swap3A_537 : vector<1x16xf32> to vector<16xf32>
      %swap3A_539 = vector.shape_cast %mul3A_534 : vector<16xf32> to vector<1x16xf32>
      tpu.vector_store %arg11[%swap3A_535, %swap3A_536], %swap3A_539 {strides = array<i32>} : memref<32x1024xf32, #tpu.memory_space<vmem>>, vector<1x16xf32>,
      %get3A_540 = arith.index_cast %scan3A_73 : i32 to index
      %get3A_541 = arith.constant 624 : index
      %get3A_542 = tpu.vector_load %arg11[%get3A_540, %get3A_541] {strides = array<i32>} : memref<32x1024xf32, #tpu.memory_space<vmem>>, vector<1x16xf32>,
      %get3A_543 = vector.shape_cast %get3A_542 : vector<1x16xf32> to vector<16xf32>
      %mul3A_544 = arith.constant 1.0668962 : f32
      %mul3A_545 = vector.broadcast %mul3A_544 : f32 to vector<16xf32>
      %mul3A_546 = arith.mulf %get3A_543, %mul3A_545 : vector<16xf32>
      %swap3A_547 = arith.index_cast %scan3A_73 : i32 to index
      %swap3A_548 = arith.constant 624 : index
      %swap3A_549 = tpu.vector_load %arg11[%swap3A_547, %swap3A_548] {strides = array<i32>} : memref<32x1024xf32, #tpu.memory_space<vmem>>, vector<1x16xf32>,
      %swap3A_550 = vector.shape_cast %swap3A_549 : vector<1x16xf32> to vector<16xf32>
      %swap3A_551 = vector.shape_cast %mul3A_546 : vector<16xf32> to vector<1x16xf32>
      tpu.vector_store %arg11[%swap3A_547, %swap3A_548], %swap3A_551 {strides = array<i32>} : memref<32x1024xf32, #tpu.memory_space<vmem>>, vector<1x16xf32>,
      %get3A_552 = arith.index_cast %scan3A_73 : i32 to index
      %get3A_553 = arith.constant 640 : index
      %get3A_554 = tpu.vector_load %arg11[%get3A_552, %get3A_553] {strides = array<i32>} : memref<32x1024xf32, #tpu.memory_space<vmem>>, vector<1x16xf32>,
      %get3A_555 = vector.shape_cast %get3A_554 : vector<1x16xf32> to vector<16xf32>
      %mul3A_556 = arith.constant 1.0668962 : f32
      %mul3A_557 = vector.broadcast %mul3A_556 : f32 to vector<16xf32>
      %mul3A_558 = arith.mulf %get3A_555, %mul3A_557 : vector<16xf32>
      %swap3A_559 = arith.index_cast %scan3A_73 : i32 to index
      %swap3A_560 = arith.constant 640 : index
      %swap3A_561 = tpu.vector_load %arg11[%swap3A_559, %swap3A_560] {strides = array<i32>} : memref<32x1024xf32, #tpu.memory_space<vmem>>, vector<1x16xf32>,
      %swap3A_562 = vector.shape_cast %swap3A_561 : vector<1x16xf32> to vector<16xf32>
      %swap3A_563 = vector.shape_cast %mul3A_558 : vector<16xf32> to vector<1x16xf32>
      tpu.vector_store %arg11[%swap3A_559, %swap3A_560], %swap3A_563 {strides = array<i32>} : memref<32x1024xf32, #tpu.memory_space<vmem>>, vector<1x16xf32>,
      %get3A_564 = arith.index_cast %scan3A_73 : i32 to index
      %get3A_565 = arith.constant 656 : index
      %get3A_566 = tpu.vector_load %arg11[%get3A_564, %get3A_565] {strides = array<i32>} : memref<32x1024xf32, #tpu.memory_space<vmem>>, vector<1x16xf32>,
      %get3A_567 = vector.shape_cast %get3A_566 : vector<1x16xf32> to vector<16xf32>
      %mul3A_568 = arith.constant 1.0668962 : f32
      %mul3A_569 = vector.broadcast %mul3A_568 : f32 to vector<16xf32>
      %mul3A_570 = arith.mulf %get3A_567, %mul3A_569 : vector<16xf32>
      %swap3A_571 = arith.index_cast %scan3A_73 : i32 to index
      %swap3A_572 = arith.constant 656 : index
      %swap3A_573 = tpu.vector_load %arg11[%swap3A_571, %swap3A_572] {strides = array<i32>} : memref<32x1024xf32, #tpu.memory_space<vmem>>, vector<1x16xf32>,
      %swap3A_574 = vector.shape_cast %swap3A_573 : vector<1x16xf32> to vector<16xf32>
      %swap3A_575 = vector.shape_cast %mul3A_570 : vector<16xf32> to vector<1x16xf32>
      tpu.vector_store %arg11[%swap3A_571, %swap3A_572], %swap3A_575 {strides = array<i32>} : memref<32x1024xf32, #tpu.memory_space<vmem>>, vector<1x16xf32>,
      %get3A_576 = arith.index_cast %scan3A_73 : i32 to index
      %get3A_577 = arith.constant 672 : index
      %get3A_578 = tpu.vector_load %arg11[%get3A_576, %get3A_577] {strides = array<i32>} : memref<32x1024xf32, #tpu.memory_space<vmem>>, vector<1x16xf32>,
      %get3A_579 = vector.shape_cast %get3A_578 : vector<1x16xf32> to vector<16xf32>
      %mul3A_580 = arith.constant 1.0668962 : f32
      %mul3A_581 = vector.broadcast %mul3A_580 : f32 to vector<16xf32>
      %mul3A_582 = arith.mulf %get3A_579, %mul3A_581 : vector<16xf32>
      %swap3A_583 = arith.index_cast %scan3A_73 : i32 to index
      %swap3A_584 = arith.constant 672 : index
      %swap3A_585 = tpu.vector_load %arg11[%swap3A_583, %swap3A_584] {strides = array<i32>} : memref<32x1024xf32, #tpu.memory_space<vmem>>, vector<1x16xf32>,
      %swap3A_586 = vector.shape_cast %swap3A_585 : vector<1x16xf32> to vector<16xf32>
      %swap3A_587 = vector.shape_cast %mul3A_582 : vector<16xf32> to vector<1x16xf32>
      tpu.vector_store %arg11[%swap3A_583, %swap3A_584], %swap3A_587 {strides = array<i32>} : memref<32x1024xf32, #tpu.memory_space<vmem>>, vector<1x16xf32>,
      %get3A_588 = arith.index_cast %scan3A_73 : i32 to index
      %get3A_589 = arith.constant 688 : index
      %get3A_590 = tpu.vector_load %arg11[%get3A_588, %get3A_589] {strides = array<i32>} : memref<32x1024xf32, #tpu.memory_space<vmem>>, vector<1x16xf32>,
      %get3A_591 = vector.shape_cast %get3A_590 : vector<1x16xf32> to vector<16xf32>
      %mul3A_592 = arith.constant 1.0668962 : f32
      %mul3A_593 = vector.broadcast %mul3A_592 : f32 to vector<16xf32>
      %mul3A_594 = arith.mulf %get3A_591, %mul3A_593 : vector<16xf32>
      %swap3A_595 = arith.index_cast %scan3A_73 : i32 to index
      %swap3A_596 = arith.constant 688 : index
      %swap3A_597 = tpu.vector_load %arg11[%swap3A_595, %swap3A_596] {strides = array<i32>} : memref<32x1024xf32, #tpu.memory_space<vmem>>, vector<1x16xf32>,
      %swap3A_598 = vector.shape_cast %swap3A_597 : vector<1x16xf32> to vector<16xf32>
      %swap3A_599 = vector.shape_cast %mul3A_594 : vector<16xf32> to vector<1x16xf32>
      tpu.vector_store %arg11[%swap3A_595, %swap3A_596], %swap3A_599 {strides = array<i32>} : memref<32x1024xf32, #tpu.memory_space<vmem>>, vector<1x16xf32>,
      %get3A_600 = arith.index_cast %scan3A_73 : i32 to index
      %get3A_601 = arith.constant 704 : index
      %get3A_602 = tpu.vector_load %arg11[%get3A_600, %get3A_601] {strides = array<i32>} : memref<32x1024xf32, #tpu.memory_space<vmem>>, vector<1x16xf32>,
      %get3A_603 = vector.shape_cast %get3A_602 : vector<1x16xf32> to vector<16xf32>
      %mul3A_604 = arith.constant 1.0668962 : f32
      %mul3A_605 = vector.broadcast %mul3A_604 : f32 to vector<16xf32>
      %mul3A_606 = arith.mulf %get3A_603, %mul3A_605 : vector<16xf32>
      %swap3A_607 = arith.index_cast %scan3A_73 : i32 to index
      %swap3A_608 = arith.constant 704 : index
      %swap3A_609 = tpu.vector_load %arg11[%swap3A_607, %swap3A_608] {strides = array<i32>} : memref<32x1024xf32, #tpu.memory_space<vmem>>, vector<1x16xf32>,
      %swap3A_610 = vector.shape_cast %swap3A_609 : vector<1x16xf32> to vector<16xf32>
      %swap3A_611 = vector.shape_cast %mul3A_606 : vector<16xf32> to vector<1x16xf32>
      tpu.vector_store %arg11[%swap3A_607, %swap3A_608], %swap3A_611 {strides = array<i32>} : memref<32x1024xf32, #tpu.memory_space<vmem>>, vector<1x16xf32>,
      %get3A_612 = arith.index_cast %scan3A_73 : i32 to index
      %get3A_613 = arith.constant 720 : index
      %get3A_614 = tpu.vector_load %arg11[%get3A_612, %get3A_613] {strides = array<i32>} : memref<32x1024xf32, #tpu.memory_space<vmem>>, vector<1x16xf32>,
      %get3A_615 = vector.shape_cast %get3A_614 : vector<1x16xf32> to vector<16xf32>
      %mul3A_616 = arith.constant 1.0668962 : f32
      %mul3A_617 = vector.broadcast %mul3A_616 : f32 to vector<16xf32>
      %mul3A_618 = arith.mulf %get3A_615, %mul3A_617 : vector<16xf32>
      %swap3A_619 = arith.index_cast %scan3A_73 : i32 to index
      %swap3A_620 = arith.constant 720 : index
      %swap3A_621 = tpu.vector_load %arg11[%swap3A_619, %swap3A_620] {strides = array<i32>} : memref<32x1024xf32, #tpu.memory_space<vmem>>, vector<1x16xf32>,
      %swap3A_622 = vector.shape_cast %swap3A_621 : vector<1x16xf32> to vector<16xf32>
      %swap3A_623 = vector.shape_cast %mul3A_618 : vector<16xf32> to vector<1x16xf32>
      tpu.vector_store %arg11[%swap3A_619, %swap3A_620], %swap3A_623 {strides = array<i32>} : memref<32x1024xf32, #tpu.memory_space<vmem>>, vector<1x16xf32>,
      %get3A_624 = arith.index_cast %scan3A_73 : i32 to index
      %get3A_625 = arith.constant 736 : index
      %get3A_626 = tpu.vector_load %arg11[%get3A_624, %get3A_625] {strides = array<i32>} : memref<32x1024xf32, #tpu.memory_space<vmem>>, vector<1x16xf32>,
      %get3A_627 = vector.shape_cast %get3A_626 : vector<1x16xf32> to vector<16xf32>
      %mul3A_628 = arith.constant 1.0668962 : f32
      %mul3A_629 = vector.broadcast %mul3A_628 : f32 to vector<16xf32>
      %mul3A_630 = arith.mulf %get3A_627, %mul3A_629 : vector<16xf32>
      %swap3A_631 = arith.index_cast %scan3A_73 : i32 to index
      %swap3A_632 = arith.constant 736 : index
      %swap3A_633 = tpu.vector_load %arg11[%swap3A_631, %swap3A_632] {strides = array<i32>} : memref<32x1024xf32, #tpu.memory_space<vmem>>, vector<1x16xf32>,
      %swap3A_634 = vector.shape_cast %swap3A_633 : vector<1x16xf32> to vector<16xf32>
      %swap3A_635 = vector.shape_cast %mul3A_630 : vector<16xf32> to vector<1x16xf32>
      tpu.vector_store %arg11[%swap3A_631, %swap3A_632], %swap3A_635 {strides = array<i32>} : memref<32x1024xf32, #tpu.memory_space<vmem>>, vector<1x16xf32>,
      %get3A_636 = arith.index_cast %scan3A_73 : i32 to index
      %get3A_637 = arith.constant 752 : index
      %get3A_638 = tpu.vector_load %arg11[%get3A_636, %get3A_637] {strides = array<i32>} : memref<32x1024xf32, #tpu.memory_space<vmem>>, vector<1x16xf32>,
      %get3A_639 = vector.shape_cast %get3A_638 : vector<1x16xf32> to vector<16xf32>
      %mul3A_640 = arith.constant 1.0668962 : f32
      %mul3A_641 = vector.broadcast %mul3A_640 : f32 to vector<16xf32>
      %mul3A_642 = arith.mulf %get3A_639, %mul3A_641 : vector<16xf32>
      %swap3A_643 = arith.index_cast %scan3A_73 : i32 to index
      %swap3A_644 = arith.constant 752 : index
      %swap3A_645 = tpu.vector_load %arg11[%swap3A_643, %swap3A_644] {strides = array<i32>} : memref<32x1024xf32, #tpu.memory_space<vmem>>, vector<1x16xf32>,
      %swap3A_646 = vector.shape_cast %swap3A_645 : vector<1x16xf32> to vector<16xf32>
      %swap3A_647 = vector.shape_cast %mul3A_642 : vector<16xf32> to vector<1x16xf32>
      tpu.vector_store %arg11[%swap3A_643, %swap3A_644], %swap3A_647 {strides = array<i32>} : memref<32x1024xf32, #tpu.memory_space<vmem>>, vector<1x16xf32>,
      %get3A_648 = arith.index_cast %scan3A_73 : i32 to index
      %get3A_649 = arith.constant 768 : index
      %get3A_650 = tpu.vector_load %arg11[%get3A_648, %get3A_649] {strides = array<i32>} : memref<32x1024xf32, #tpu.memory_space<vmem>>, vector<1x16xf32>,
      %get3A_651 = vector.shape_cast %get3A_650 : vector<1x16xf32> to vector<16xf32>
      %mul3A_652 = arith.constant 1.0668962 : f32
      %mul3A_653 = vector.broadcast %mul3A_652 : f32 to vector<16xf32>
      %mul3A_654 = arith.mulf %get3A_651, %mul3A_653 : vector<16xf32>
      %swap3A_655 = arith.index_cast %scan3A_73 : i32 to index
      %swap3A_656 = arith.constant 768 : index
      %swap3A_657 = tpu.vector_load %arg11[%swap3A_655, %swap3A_656] {strides = array<i32>} : memref<32x1024xf32, #tpu.memory_space<vmem>>, vector<1x16xf32>,
      %swap3A_658 = vector.shape_cast %swap3A_657 : vector<1x16xf32> to vector<16xf32>
      %swap3A_659 = vector.shape_cast %mul3A_654 : vector<16xf32> to vector<1x16xf32>
      tpu.vector_store %arg11[%swap3A_655, %swap3A_656], %swap3A_659 {strides = array<i32>} : memref<32x1024xf32, #tpu.memory_space<vmem>>, vector<1x16xf32>,
      %get3A_660 = arith.index_cast %scan3A_73 : i32 to index
      %get3A_661 = arith.constant 784 : index
      %get3A_662 = tpu.vector_load %arg11[%get3A_660, %get3A_661] {strides = array<i32>} : memref<32x1024xf32, #tpu.memory_space<vmem>>, vector<1x16xf32>,
      %get3A_663 = vector.shape_cast %get3A_662 : vector<1x16xf32> to vector<16xf32>
      %mul3A_664 = arith.constant 1.0668962 : f32
      %mul3A_665 = vector.broadcast %mul3A_664 : f32 to vector<16xf32>
      %mul3A_666 = arith.mulf %get3A_663, %mul3A_665 : vector<16xf32>
      %swap3A_667 = arith.index_cast %scan3A_73 : i32 to index
      %swap3A_668 = arith.constant 784 : index
      %swap3A_669 = tpu.vector_load %arg11[%swap3A_667, %swap3A_668] {strides = array<i32>} : memref<32x1024xf32, #tpu.memory_space<vmem>>, vector<1x16xf32>,
      %swap3A_670 = vector.shape_cast %swap3A_669 : vector<1x16xf32> to vector<16xf32>
      %swap3A_671 = vector.shape_cast %mul3A_666 : vector<16xf32> to vector<1x16xf32>
      tpu.vector_store %arg11[%swap3A_667, %swap3A_668], %swap3A_671 {strides = array<i32>} : memref<32x1024xf32, #tpu.memory_space<vmem>>, vector<1x16xf32>,
      %get3A_672 = arith.index_cast %scan3A_73 : i32 to index
      %get3A_673 = arith.constant 800 : index
      %get3A_674 = tpu.vector_load %arg11[%get3A_672, %get3A_673] {strides = array<i32>} : memref<32x1024xf32, #tpu.memory_space<vmem>>, vector<1x16xf32>,
      %get3A_675 = vector.shape_cast %get3A_674 : vector<1x16xf32> to vector<16xf32>
      %mul3A_676 = arith.constant 1.0668962 : f32
      %mul3A_677 = vector.broadcast %mul3A_676 : f32 to vector<16xf32>
      %mul3A_678 = arith.mulf %get3A_675, %mul3A_677 : vector<16xf32>
      %swap3A_679 = arith.index_cast %scan3A_73 : i32 to index
      %swap3A_680 = arith.constant 800 : index
      %swap3A_681 = tpu.vector_load %arg11[%swap3A_679, %swap3A_680] {strides = array<i32>} : memref<32x1024xf32, #tpu.memory_space<vmem>>, vector<1x16xf32>,
      %swap3A_682 = vector.shape_cast %swap3A_681 : vector<1x16xf32> to vector<16xf32>
      %swap3A_683 = vector.shape_cast %mul3A_678 : vector<16xf32> to vector<1x16xf32>
      tpu.vector_store %arg11[%swap3A_679, %swap3A_680], %swap3A_683 {strides = array<i32>} : memref<32x1024xf32, #tpu.memory_space<vmem>>, vector<1x16xf32>,
      %get3A_684 = arith.index_cast %scan3A_73 : i32 to index
      %get3A_685 = arith.constant 816 : index
      %get3A_686 = tpu.vector_load %arg11[%get3A_684, %get3A_685] {strides = array<i32>} : memref<32x1024xf32, #tpu.memory_space<vmem>>, vector<1x16xf32>,
      %get3A_687 = vector.shape_cast %get3A_686 : vector<1x16xf32> to vector<16xf32>
      %mul3A_688 = arith.constant 1.0668962 : f32
      %mul3A_689 = vector.broadcast %mul3A_688 : f32 to vector<16xf32>
      %mul3A_690 = arith.mulf %get3A_687, %mul3A_689 : vector<16xf32>
      %swap3A_691 = arith.index_cast %scan3A_73 : i32 to index
      %swap3A_692 = arith.constant 816 : index
      %swap3A_693 = tpu.vector_load %arg11[%swap3A_691, %swap3A_692] {strides = array<i32>} : memref<32x1024xf32, #tpu.memory_space<vmem>>, vector<1x16xf32>,
      %swap3A_694 = vector.shape_cast %swap3A_693 : vector<1x16xf32> to vector<16xf32>
      %swap3A_695 = vector.shape_cast %mul3A_690 : vector<16xf32> to vector<1x16xf32>
      tpu.vector_store %arg11[%swap3A_691, %swap3A_692], %swap3A_695 {strides = array<i32>} : memref<32x1024xf32, #tpu.memory_space<vmem>>, vector<1x16xf32>,
      %get3A_696 = arith.index_cast %scan3A_73 : i32 to index
      %get3A_697 = arith.constant 832 : index
      %get3A_698 = tpu.vector_load %arg11[%get3A_696, %get3A_697] {strides = array<i32>} : memref<32x1024xf32, #tpu.memory_space<vmem>>, vector<1x16xf32>,
      %get3A_699 = vector.shape_cast %get3A_698 : vector<1x16xf32> to vector<16xf32>
      %mul3A_700 = arith.constant 1.0668962 : f32
      %mul3A_701 = vector.broadcast %mul3A_700 : f32 to vector<16xf32>
      %mul3A_702 = arith.mulf %get3A_699, %mul3A_701 : vector<16xf32>
      %swap3A_703 = arith.index_cast %scan3A_73 : i32 to index
      %swap3A_704 = arith.constant 832 : index
      %swap3A_705 = tpu.vector_load %arg11[%swap3A_703, %swap3A_704] {strides = array<i32>} : memref<32x1024xf32, #tpu.memory_space<vmem>>, vector<1x16xf32>,
      %swap3A_706 = vector.shape_cast %swap3A_705 : vector<1x16xf32> to vector<16xf32>
      %swap3A_707 = vector.shape_cast %mul3A_702 : vector<16xf32> to vector<1x16xf32>
      tpu.vector_store %arg11[%swap3A_703, %swap3A_704], %swap3A_707 {strides = array<i32>} : memref<32x1024xf32, #tpu.memory_space<vmem>>, vector<1x16xf32>,
      %get3A_708 = arith.index_cast %scan3A_73 : i32 to index
      %get3A_709 = arith.constant 848 : index
      %get3A_710 = tpu.vector_load %arg11[%get3A_708, %get3A_709] {strides = array<i32>} : memref<32x1024xf32, #tpu.memory_space<vmem>>, vector<1x16xf32>,
      %get3A_711 = vector.shape_cast %get3A_710 : vector<1x16xf32> to vector<16xf32>
      %mul3A_712 = arith.constant 1.0668962 : f32
      %mul3A_713 = vector.broadcast %mul3A_712 : f32 to vector<16xf32>
      %mul3A_714 = arith.mulf %get3A_711, %mul3A_713 : vector<16xf32>
      %swap3A_715 = arith.index_cast %scan3A_73 : i32 to index
      %swap3A_716 = arith.constant 848 : index
      %swap3A_717 = tpu.vector_load %arg11[%swap3A_715, %swap3A_716] {strides = array<i32>} : memref<32x1024xf32, #tpu.memory_space<vmem>>, vector<1x16xf32>,
      %swap3A_718 = vector.shape_cast %swap3A_717 : vector<1x16xf32> to vector<16xf32>
      %swap3A_719 = vector.shape_cast %mul3A_714 : vector<16xf32> to vector<1x16xf32>
      tpu.vector_store %arg11[%swap3A_715, %swap3A_716], %swap3A_719 {strides = array<i32>} : memref<32x1024xf32, #tpu.memory_space<vmem>>, vector<1x16xf32>,
      %get3A_720 = arith.index_cast %scan3A_73 : i32 to index
      %get3A_721 = arith.constant 864 : index
      %get3A_722 = tpu.vector_load %arg11[%get3A_720, %get3A_721] {strides = array<i32>} : memref<32x1024xf32, #tpu.memory_space<vmem>>, vector<1x16xf32>,
      %get3A_723 = vector.shape_cast %get3A_722 : vector<1x16xf32> to vector<16xf32>
      %mul3A_724 = arith.constant 1.0668962 : f32
      %mul3A_725 = vector.broadcast %mul3A_724 : f32 to vector<16xf32>
      %mul3A_726 = arith.mulf %get3A_723, %mul3A_725 : vector<16xf32>
      %swap3A_727 = arith.index_cast %scan3A_73 : i32 to index
      %swap3A_728 = arith.constant 864 : index
      %swap3A_729 = tpu.vector_load %arg11[%swap3A_727, %swap3A_728] {strides = array<i32>} : memref<32x1024xf32, #tpu.memory_space<vmem>>, vector<1x16xf32>,
      %swap3A_730 = vector.shape_cast %swap3A_729 : vector<1x16xf32> to vector<16xf32>
      %swap3A_731 = vector.shape_cast %mul3A_726 : vector<16xf32> to vector<1x16xf32>
      tpu.vector_store %arg11[%swap3A_727, %swap3A_728], %swap3A_731 {strides = array<i32>} : memref<32x1024xf32, #tpu.memory_space<vmem>>, vector<1x16xf32>,
      %get3A_732 = arith.index_cast %scan3A_73 : i32 to index
      %get3A_733 = arith.constant 880 : index
      %get3A_734 = tpu.vector_load %arg11[%get3A_732, %get3A_733] {strides = array<i32>} : memref<32x1024xf32, #tpu.memory_space<vmem>>, vector<1x16xf32>,
      %get3A_735 = vector.shape_cast %get3A_734 : vector<1x16xf32> to vector<16xf32>
      %mul3A_736 = arith.constant 1.0668962 : f32
      %mul3A_737 = vector.broadcast %mul3A_736 : f32 to vector<16xf32>
      %mul3A_738 = arith.mulf %get3A_735, %mul3A_737 : vector<16xf32>
      %swap3A_739 = arith.index_cast %scan3A_73 : i32 to index
      %swap3A_740 = arith.constant 880 : index
      %swap3A_741 = tpu.vector_load %arg11[%swap3A_739, %swap3A_740] {strides = array<i32>} : memref<32x1024xf32, #tpu.memory_space<vmem>>, vector<1x16xf32>,
      %swap3A_742 = vector.shape_cast %swap3A_741 : vector<1x16xf32> to vector<16xf32>
      %swap3A_743 = vector.shape_cast %mul3A_738 : vector<16xf32> to vector<1x16xf32>
      tpu.vector_store %arg11[%swap3A_739, %swap3A_740], %swap3A_743 {strides = array<i32>} : memref<32x1024xf32, #tpu.memory_space<vmem>>, vector<1x16xf32>,
      %get3A_744 = arith.index_cast %scan3A_73 : i32 to index
      %get3A_745 = arith.constant 896 : index
      %get3A_746 = tpu.vector_load %arg11[%get3A_744, %get3A_745] {strides = array<i32>} : memref<32x1024xf32, #tpu.memory_space<vmem>>, vector<1x16xf32>,
      %get3A_747 = vector.shape_cast %get3A_746 : vector<1x16xf32> to vector<16xf32>
      %mul3A_748 = arith.constant 1.0668962 : f32
      %mul3A_749 = vector.broadcast %mul3A_748 : f32 to vector<16xf32>
      %mul3A_750 = arith.mulf %get3A_747, %mul3A_749 : vector<16xf32>
      %swap3A_751 = arith.index_cast %scan3A_73 : i32 to index
      %swap3A_752 = arith.constant 896 : index
      %swap3A_753 = tpu.vector_load %arg11[%swap3A_751, %swap3A_752] {strides = array<i32>} : memref<32x1024xf32, #tpu.memory_space<vmem>>, vector<1x16xf32>,
      %swap3A_754 = vector.shape_cast %swap3A_753 : vector<1x16xf32> to vector<16xf32>
      %swap3A_755 = vector.shape_cast %mul3A_750 : vector<16xf32> to vector<1x16xf32>
      tpu.vector_store %arg11[%swap3A_751, %swap3A_752], %swap3A_755 {strides = array<i32>} : memref<32x1024xf32, #tpu.memory_space<vmem>>, vector<1x16xf32>,
      %get3A_756 = arith.index_cast %scan3A_73 : i32 to index
      %get3A_757 = arith.constant 912 : index
      %get3A_758 = tpu.vector_load %arg11[%get3A_756, %get3A_757] {strides = array<i32>} : memref<32x1024xf32, #tpu.memory_space<vmem>>, vector<1x16xf32>,
      %get3A_759 = vector.shape_cast %get3A_758 : vector<1x16xf32> to vector<16xf32>
      %mul3A_760 = arith.constant 1.0668962 : f32
      %mul3A_761 = vector.broadcast %mul3A_760 : f32 to vector<16xf32>
      %mul3A_762 = arith.mulf %get3A_759, %mul3A_761 : vector<16xf32>
      %swap3A_763 = arith.index_cast %scan3A_73 : i32 to index
      %swap3A_764 = arith.constant 912 : index
      %swap3A_765 = tpu.vector_load %arg11[%swap3A_763, %swap3A_764] {strides = array<i32>} : memref<32x1024xf32, #tpu.memory_space<vmem>>, vector<1x16xf32>,
      %swap3A_766 = vector.shape_cast %swap3A_765 : vector<1x16xf32> to vector<16xf32>
      %swap3A_767 = vector.shape_cast %mul3A_762 : vector<16xf32> to vector<1x16xf32>
      tpu.vector_store %arg11[%swap3A_763, %swap3A_764], %swap3A_767 {strides = array<i32>} : memref<32x1024xf32, #tpu.memory_space<vmem>>, vector<1x16xf32>,
      %get3A_768 = arith.index_cast %scan3A_73 : i32 to index
      %get3A_769 = arith.constant 928 : index
      %get3A_770 = tpu.vector_load %arg11[%get3A_768, %get3A_769] {strides = array<i32>} : memref<32x1024xf32, #tpu.memory_space<vmem>>, vector<1x16xf32>,
      %get3A_771 = vector.shape_cast %get3A_770 : vector<1x16xf32> to vector<16xf32>
      %mul3A_772 = arith.constant 1.0668962 : f32
      %mul3A_773 = vector.broadcast %mul3A_772 : f32 to vector<16xf32>
      %mul3A_774 = arith.mulf %get3A_771, %mul3A_773 : vector<16xf32>
      %swap3A_775 = arith.index_cast %scan3A_73 : i32 to index
      %swap3A_776 = arith.constant 928 : index
      %swap3A_777 = tpu.vector_load %arg11[%swap3A_775, %swap3A_776] {strides = array<i32>} : memref<32x1024xf32, #tpu.memory_space<vmem>>, vector<1x16xf32>,
      %swap3A_778 = vector.shape_cast %swap3A_777 : vector<1x16xf32> to vector<16xf32>
      %swap3A_779 = vector.shape_cast %mul3A_774 : vector<16xf32> to vector<1x16xf32>
      tpu.vector_store %arg11[%swap3A_775, %swap3A_776], %swap3A_779 {strides = array<i32>} : memref<32x1024xf32, #tpu.memory_space<vmem>>, vector<1x16xf32>,
      %get3A_780 = arith.index_cast %scan3A_73 : i32 to index
      %get3A_781 = arith.constant 944 : index
      %get3A_782 = tpu.vector_load %arg11[%get3A_780, %get3A_781] {strides = array<i32>} : memref<32x1024xf32, #tpu.memory_space<vmem>>, vector<1x16xf32>,
      %get3A_783 = vector.shape_cast %get3A_782 : vector<1x16xf32> to vector<16xf32>
      %mul3A_784 = arith.constant 1.0668962 : f32
      %mul3A_785 = vector.broadcast %mul3A_784 : f32 to vector<16xf32>
      %mul3A_786 = arith.mulf %get3A_783, %mul3A_785 : vector<16xf32>
      %swap3A_787 = arith.index_cast %scan3A_73 : i32 to index
      %swap3A_788 = arith.constant 944 : index
      %swap3A_789 = tpu.vector_load %arg11[%swap3A_787, %swap3A_788] {strides = array<i32>} : memref<32x1024xf32, #tpu.memory_space<vmem>>, vector<1x16xf32>,
      %swap3A_790 = vector.shape_cast %swap3A_789 : vector<1x16xf32> to vector<16xf32>
      %swap3A_791 = vector.shape_cast %mul3A_786 : vector<16xf32> to vector<1x16xf32>
      tpu.vector_store %arg11[%swap3A_787, %swap3A_788], %swap3A_791 {strides = array<i32>} : memref<32x1024xf32, #tpu.memory_space<vmem>>, vector<1x16xf32>,
      %get3A_792 = arith.index_cast %scan3A_73 : i32 to index
      %get3A_793 = arith.constant 960 : index
      %get3A_794 = tpu.vector_load %arg11[%get3A_792, %get3A_793] {strides = array<i32>} : memref<32x1024xf32, #tpu.memory_space<vmem>>, vector<1x16xf32>,
      %get3A_795 = vector.shape_cast %get3A_794 : vector<1x16xf32> to vector<16xf32>
      %mul3A_796 = arith.constant 1.0668962 : f32
      %mul3A_797 = vector.broadcast %mul3A_796 : f32 to vector<16xf32>
      %mul3A_798 = arith.mulf %get3A_795, %mul3A_797 : vector<16xf32>
      %swap3A_799 = arith.index_cast %scan3A_73 : i32 to index
      %swap3A_800 = arith.constant 960 : index
      %swap3A_801 = tpu.vector_load %arg11[%swap3A_799, %swap3A_800] {strides = array<i32>} : memref<32x1024xf32, #tpu.memory_space<vmem>>, vector<1x16xf32>,
      %swap3A_802 = vector.shape_cast %swap3A_801 : vector<1x16xf32> to vector<16xf32>
      %swap3A_803 = vector.shape_cast %mul3A_798 : vector<16xf32> to vector<1x16xf32>
      tpu.vector_store %arg11[%swap3A_799, %swap3A_800], %swap3A_803 {strides = array<i32>} : memref<32x1024xf32, #tpu.memory_space<vmem>>, vector<1x16xf32>,
      %get3A_804 = arith.index_cast %scan3A_73 : i32 to index
      %get3A_805 = arith.constant 976 : index
      %get3A_806 = tpu.vector_load %arg11[%get3A_804, %get3A_805] {strides = array<i32>} : memref<32x1024xf32, #tpu.memory_space<vmem>>, vector<1x16xf32>,
      %get3A_807 = vector.shape_cast %get3A_806 : vector<1x16xf32> to vector<16xf32>
      %mul3A_808 = arith.constant 1.0668962 : f32
      %mul3A_809 = vector.broadcast %mul3A_808 : f32 to vector<16xf32>
      %mul3A_810 = arith.mulf %get3A_807, %mul3A_809 : vector<16xf32>
      %swap3A_811 = arith.index_cast %scan3A_73 : i32 to index
      %swap3A_812 = arith.constant 976 : index
      %swap3A_813 = tpu.vector_load %arg11[%swap3A_811, %swap3A_812] {strides = array<i32>} : memref<32x1024xf32, #tpu.memory_space<vmem>>, vector<1x16xf32>,
      %swap3A_814 = vector.shape_cast %swap3A_813 : vector<1x16xf32> to vector<16xf32>
      %swap3A_815 = vector.shape_cast %mul3A_810 : vector<16xf32> to vector<1x16xf32>
      tpu.vector_store %arg11[%swap3A_811, %swap3A_812], %swap3A_815 {strides = array<i32>} : memref<32x1024xf32, #tpu.memory_space<vmem>>, vector<1x16xf32>,
      %get3A_816 = arith.index_cast %scan3A_73 : i32 to index
      %get3A_817 = arith.constant 992 : index
      %get3A_818 = tpu.vector_load %arg11[%get3A_816, %get3A_817] {strides = array<i32>} : memref<32x1024xf32, #tpu.memory_space<vmem>>, vector<1x16xf32>,
      %get3A_819 = vector.shape_cast %get3A_818 : vector<1x16xf32> to vector<16xf32>
      %mul3A_820 = arith.constant 1.0668962 : f32
      %mul3A_821 = vector.broadcast %mul3A_820 : f32 to vector<16xf32>
      %mul3A_822 = arith.mulf %get3A_819, %mul3A_821 : vector<16xf32>
      %swap3A_823 = arith.index_cast %scan3A_73 : i32 to index
      %swap3A_824 = arith.constant 992 : index
      %swap3A_825 = tpu.vector_load %arg11[%swap3A_823, %swap3A_824] {strides = array<i32>} : memref<32x1024xf32, #tpu.memory_space<vmem>>, vector<1x16xf32>,
      %swap3A_826 = vector.shape_cast %swap3A_825 : vector<1x16xf32> to vector<16xf32>
      %swap3A_827 = vector.shape_cast %mul3A_822 : vector<16xf32> to vector<1x16xf32>
      tpu.vector_store %arg11[%swap3A_823, %swap3A_824], %swap3A_827 {strides = array<i32>} : memref<32x1024xf32, #tpu.memory_space<vmem>>, vector<1x16xf32>,
      %get3A_828 = arith.index_cast %scan3A_73 : i32 to index
      %get3A_829 = arith.constant 1008 : index
      %get3A_830 = tpu.vector_load %arg11[%get3A_828, %get3A_829] {strides = array<i32>} : memref<32x1024xf32, #tpu.memory_space<vmem>>, vector<1x16xf32>,
      %get3A_831 = vector.shape_cast %get3A_830 : vector<1x16xf32> to vector<16xf32>
      %mul3A_832 = arith.constant 1.0668962 : f32
      %mul3A_833 = vector.broadcast %mul3A_832 : f32 to vector<16xf32>
      %mul3A_834 = arith.mulf %get3A_831, %mul3A_833 : vector<16xf32>
      %swap3A_835 = arith.index_cast %scan3A_73 : i32 to index
      %swap3A_836 = arith.constant 1008 : index
      %swap3A_837 = tpu.vector_load %arg11[%swap3A_835, %swap3A_836] {strides = array<i32>} : memref<32x1024xf32, #tpu.memory_space<vmem>>, vector<1x16xf32>,
      %swap3A_838 = vector.shape_cast %swap3A_837 : vector<1x16xf32> to vector<16xf32>
      %swap3A_839 = vector.shape_cast %mul3A_834 : vector<16xf32> to vector<1x16xf32>
      tpu.vector_store %arg11[%swap3A_835, %swap3A_836], %swap3A_839 {strides = array<i32>} : memref<32x1024xf32, #tpu.memory_space<vmem>>, vector<1x16xf32>,
    }
    %scan3A_33 = arith.constant 32 : i32
    %dma_start3A_34 = arith.constant 0 : i32
    %dma_start3A_35 = arith.constant 0 : i32
    %dma_start3A_36 = tpu.memref_slice %arg5[%dma_start3A_34, %dma_start3A_35] : memref<65536x1024xf32, #tpu.memory_space<hbm>> -> memref<65536x1024xf32, #tpu.memory_space<hbm>>
    tpu.enqueue_indirect_dma source(%arg11 : memref<32x1024xf32, #tpu.memory_space<vmem>>) target(%dma_start3A_36 : memref<65536x1024xf32, #tpu.memory_space<hbm>>) offsets(%arg7 : memref<32xi32, #tpu.memory_space<vmem>>) semaphore(%arg15 : memref<!tpu.dma_semaphore, #tpu.memory_space<semaphore_mem>>)
    %dma_wait3A_37 = arith.constant 0 : i32
    %dma_wait3A_38 = arith.constant 0 : i32
    %dma_wait3A_39 = tpu.memref_slice %arg3[%dma_wait3A_37, %dma_wait3A_38] : memref<65536x1024xf32, #tpu.memory_space<hbm>> -> memref<65536x1024xf32, #tpu.memory_space<hbm>>
    tpu.wait_indirect_dma semaphore(%arg12 : memref<!tpu.dma_semaphore, #tpu.memory_space<semaphore_mem>>) src(%dma_wait3A_39 : memref<65536x1024xf32, #tpu.memory_space<hbm>>) dst(%arg10 : memref<32x1024xf32, #tpu.memory_space<vmem>>)
    %dma_wait3A_40 = arith.constant 0 : i32
    %dma_wait3A_41 = arith.constant 0 : i32
    %dma_wait3A_42 = tpu.memref_slice %arg5[%dma_wait3A_40, %dma_wait3A_41] : memref<65536x1024xf32, #tpu.memory_space<hbm>> -> memref<65536x1024xf32, #tpu.memory_space<hbm>>
    tpu.wait_indirect_dma semaphore(%arg15 : memref<!tpu.dma_semaphore, #tpu.memory_space<semaphore_mem>>) src(%arg11 : memref<32x1024xf32, #tpu.memory_space<vmem>>) dst(%dma_wait3A_42 : memref<65536x1024xf32, #tpu.memory_space<hbm>>)
    %dma_start3A_43 = arith.constant 0 : i32
    %dma_start3A_44 = arith.constant 0 : i32
    %dma_start3A_45 = tpu.memref_slice %arg3[%dma_start3A_43, %dma_start3A_44] : memref<65536x1024xf32, #tpu.memory_space<hbm>> -> memref<65536x1024xf32, #tpu.memory_space<hbm>>
    tpu.enqueue_indirect_dma source(%dma_start3A_45 : memref<65536x1024xf32, #tpu.memory_space<hbm>>) target(%arg11 : memref<32x1024xf32, #tpu.memory_space<vmem>>) offsets(%arg9 : memref<32xi32, #tpu.memory_space<vmem>>) semaphore(%arg13 : memref<!tpu.dma_semaphore, #tpu.memory_space<semaphore_mem>>)
    %scan3A_46 = arith.constant 0 : i32
    %scan3A_47 = arith.constant 0 : i32
    %scan3A_48 = arith.constant 32 : i32
    %scan3A_49 = arith.addi %scan3A_47, %scan3A_48 : i32
    %scan3A_50 = arith.constant 1 : i32
    scf.for %scan3A_73 = %scan3A_47 to %scan3A_49 step %scan3A_50  : i32 {
      %get3A = arith.index_cast %scan3A_73 : i32 to index
      %get3A_74 = arith.constant 0 : index
      %get3A_75 = tpu.vector_load %arg10[%get3A, %get3A_74] {strides = array<i32>} : memref<32x1024xf32, #tpu.memory_space<vmem>>, vector<1x16xf32>,
      %get3A_76 = vector.shape_cast %get3A_75 : vector<1x16xf32> to vector<16xf32>
      %mul3A_77 = arith.constant 1.0668962 : f32
      %mul3A_78 = vector.broadcast %mul3A_77 : f32 to vector<16xf32>
      %mul3A_79 = arith.mulf %get3A_76, %mul3A_78 : vector<16xf32>
      %swap3A = arith.index_cast %scan3A_73 : i32 to index
      %swap3A_80 = arith.constant 0 : index
      %swap3A_81 = tpu.vector_load %arg10[%swap3A, %swap3A_80] {strides = array<i32>} : memref<32x1024xf32, #tpu.memory_space<vmem>>, vector<1x16xf32>,
      %swap3A_82 = vector.shape_cast %swap3A_81 : vector<1x16xf32> to vector<16xf32>
      %swap3A_83 = vector.shape_cast %mul3A_79 : vector<16xf32> to vector<1x16xf32>
      tpu.vector_store %arg10[%swap3A, %swap3A_80], %swap3A_83 {strides = array<i32>} : memref<32x1024xf32, #tpu.memory_space<vmem>>, vector<1x16xf32>,
      %get3A_84 = arith.index_cast %scan3A_73 : i32 to index
      %get3A_85 = arith.constant 16 : index
      %get3A_86 = tpu.vector_load %arg10[%get3A_84, %get3A_85] {strides = array<i32>} : memref<32x1024xf32, #tpu.memory_space<vmem>>, vector<1x16xf32>,
      %get3A_87 = vector.shape_cast %get3A_86 : vector<1x16xf32> to vector<16xf32>
      %mul3A_88 = arith.constant 1.0668962 : f32
      %mul3A_89 = vector.broadcast %mul3A_88 : f32 to vector<16xf32>
      %mul3A_90 = arith.mulf %get3A_87, %mul3A_89 : vector<16xf32>
      %swap3A_91 = arith.index_cast %scan3A_73 : i32 to index
      %swap3A_92 = arith.constant 16 : index
      %swap3A_93 = tpu.vector_load %arg10[%swap3A_91, %swap3A_92] {strides = array<i32>} : memref<32x1024xf32, #tpu.memory_space<vmem>>, vector<1x16xf32>,
      %swap3A_94 = vector.shape_cast %swap3A_93 : vector<1x16xf32> to vector<16xf32>
      %swap3A_95 = vector.shape_cast %mul3A_90 : vector<16xf32> to vector<1x16xf32>
      tpu.vector_store %arg10[%swap3A_91, %swap3A_92], %swap3A_95 {strides = array<i32>} : memref<32x1024xf32, #tpu.memory_space<vmem>>, vector<1x16xf32>,
      %get3A_96 = arith.index_cast %scan3A_73 : i32 to index
      %get3A_97 = arith.constant 32 : index
      %get3A_98 = tpu.vector_load %arg10[%get3A_96, %get3A_97] {strides = array<i32>} : memref<32x1024xf32, #tpu.memory_space<vmem>>, vector<1x16xf32>,
      %get3A_99 = vector.shape_cast %get3A_98 : vector<1x16xf32> to vector<16xf32>
      %mul3A_100 = arith.constant 1.0668962 : f32
      %mul3A_101 = vector.broadcast %mul3A_100 : f32 to vector<16xf32>
      %mul3A_102 = arith.mulf %get3A_99, %mul3A_101 : vector<16xf32>
      %swap3A_103 = arith.index_cast %scan3A_73 : i32 to index
      %swap3A_104 = arith.constant 32 : index
      %swap3A_105 = tpu.vector_load %arg10[%swap3A_103, %swap3A_104] {strides = array<i32>} : memref<32x1024xf32, #tpu.memory_space<vmem>>, vector<1x16xf32>,
      %swap3A_106 = vector.shape_cast %swap3A_105 : vector<1x16xf32> to vector<16xf32>
      %swap3A_107 = vector.shape_cast %mul3A_102 : vector<16xf32> to vector<1x16xf32>
      tpu.vector_store %arg10[%swap3A_103, %swap3A_104], %swap3A_107 {strides = array<i32>} : memref<32x1024xf32, #tpu.memory_space<vmem>>, vector<1x16xf32>,
      %get3A_108 = arith.index_cast %scan3A_73 : i32 to index
      %get3A_109 = arith.constant 48 : index
      %get3A_110 = tpu.vector_load %arg10[%get3A_108, %get3A_109] {strides = array<i32>} : memref<32x1024xf32, #tpu.memory_space<vmem>>, vector<1x16xf32>,
      %get3A_111 = vector.shape_cast %get3A_110 : vector<1x16xf32> to vector<16xf32>
      %mul3A_112 = arith.constant 1.0668962 : f32
      %mul3A_113 = vector.broadcast %mul3A_112 : f32 to vector<16xf32>
      %mul3A_114 = arith.mulf %get3A_111, %mul3A_113 : vector<16xf32>
      %swap3A_115 = arith.index_cast %scan3A_73 : i32 to index
      %swap3A_116 = arith.constant 48 : index
      %swap3A_117 = tpu.vector_load %arg10[%swap3A_115, %swap3A_116] {strides = array<i32>} : memref<32x1024xf32, #tpu.memory_space<vmem>>, vector<1x16xf32>,
      %swap3A_118 = vector.shape_cast %swap3A_117 : vector<1x16xf32> to vector<16xf32>
      %swap3A_119 = vector.shape_cast %mul3A_114 : vector<16xf32> to vector<1x16xf32>
      tpu.vector_store %arg10[%swap3A_115, %swap3A_116], %swap3A_119 {strides = array<i32>} : memref<32x1024xf32, #tpu.memory_space<vmem>>, vector<1x16xf32>,
      %get3A_120 = arith.index_cast %scan3A_73 : i32 to index
      %get3A_121 = arith.constant 64 : index
      %get3A_122 = tpu.vector_load %arg10[%get3A_120, %get3A_121] {strides = array<i32>} : memref<32x1024xf32, #tpu.memory_space<vmem>>, vector<1x16xf32>,
      %get3A_123 = vector.shape_cast %get3A_122 : vector<1x16xf32> to vector<16xf32>
      %mul3A_124 = arith.constant 1.0668962 : f32
      %mul3A_125 = vector.broadcast %mul3A_124 : f32 to vector<16xf32>
      %mul3A_126 = arith.mulf %get3A_123, %mul3A_125 : vector<16xf32>
      %swap3A_127 = arith.index_cast %scan3A_73 : i32 to index
      %swap3A_128 = arith.constant 64 : index
      %swap3A_129 = tpu.vector_load %arg10[%swap3A_127, %swap3A_128] {strides = array<i32>} : memref<32x1024xf32, #tpu.memory_space<vmem>>, vector<1x16xf32>,
      %swap3A_130 = vector.shape_cast %swap3A_129 : vector<1x16xf32> to vector<16xf32>
      %swap3A_131 = vector.shape_cast %mul3A_126 : vector<16xf32> to vector<1x16xf32>
      tpu.vector_store %arg10[%swap3A_127, %swap3A_128], %swap3A_131 {strides = array<i32>} : memref<32x1024xf32, #tpu.memory_space<vmem>>, vector<1x16xf32>,
      %get3A_132 = arith.index_cast %scan3A_73 : i32 to index
      %get3A_133 = arith.constant 80 : index
      %get3A_134 = tpu.vector_load %arg10[%get3A_132, %get3A_133] {strides = array<i32>} : memref<32x1024xf32, #tpu.memory_space<vmem>>, vector<1x16xf32>,
      %get3A_135 = vector.shape_cast %get3A_134 : vector<1x16xf32> to vector<16xf32>
      %mul3A_136 = arith.constant 1.0668962 : f32
      %mul3A_137 = vector.broadcast %mul3A_136 : f32 to vector<16xf32>
      %mul3A_138 = arith.mulf %get3A_135, %mul3A_137 : vector<16xf32>
      %swap3A_139 = arith.index_cast %scan3A_73 : i32 to index
      %swap3A_140 = arith.constant 80 : index
      %swap3A_141 = tpu.vector_load %arg10[%swap3A_139, %swap3A_140] {strides = array<i32>} : memref<32x1024xf32, #tpu.memory_space<vmem>>, vector<1x16xf32>,
      %swap3A_142 = vector.shape_cast %swap3A_141 : vector<1x16xf32> to vector<16xf32>
      %swap3A_143 = vector.shape_cast %mul3A_138 : vector<16xf32> to vector<1x16xf32>
      tpu.vector_store %arg10[%swap3A_139, %swap3A_140], %swap3A_143 {strides = array<i32>} : memref<32x1024xf32, #tpu.memory_space<vmem>>, vector<1x16xf32>,
      %get3A_144 = arith.index_cast %scan3A_73 : i32 to index
      %get3A_145 = arith.constant 96 : index
      %get3A_146 = tpu.vector_load %arg10[%get3A_144, %get3A_145] {strides = array<i32>} : memref<32x1024xf32, #tpu.memory_space<vmem>>, vector<1x16xf32>,
      %get3A_147 = vector.shape_cast %get3A_146 : vector<1x16xf32> to vector<16xf32>
      %mul3A_148 = arith.constant 1.0668962 : f32
      %mul3A_149 = vector.broadcast %mul3A_148 : f32 to vector<16xf32>
      %mul3A_150 = arith.mulf %get3A_147, %mul3A_149 : vector<16xf32>
      %swap3A_151 = arith.index_cast %scan3A_73 : i32 to index
      %swap3A_152 = arith.constant 96 : index
      %swap3A_153 = tpu.vector_load %arg10[%swap3A_151, %swap3A_152] {strides = array<i32>} : memref<32x1024xf32, #tpu.memory_space<vmem>>, vector<1x16xf32>,
      %swap3A_154 = vector.shape_cast %swap3A_153 : vector<1x16xf32> to vector<16xf32>
      %swap3A_155 = vector.shape_cast %mul3A_150 : vector<16xf32> to vector<1x16xf32>
      tpu.vector_store %arg10[%swap3A_151, %swap3A_152], %swap3A_155 {strides = array<i32>} : memref<32x1024xf32, #tpu.memory_space<vmem>>, vector<1x16xf32>,
      %get3A_156 = arith.index_cast %scan3A_73 : i32 to index
      %get3A_157 = arith.constant 112 : index
      %get3A_158 = tpu.vector_load %arg10[%get3A_156, %get3A_157] {strides = array<i32>} : memref<32x1024xf32, #tpu.memory_space<vmem>>, vector<1x16xf32>,
      %get3A_159 = vector.shape_cast %get3A_158 : vector<1x16xf32> to vector<16xf32>
      %mul3A_160 = arith.constant 1.0668962 : f32
      %mul3A_161 = vector.broadcast %mul3A_160 : f32 to vector<16xf32>
      %mul3A_162 = arith.mulf %get3A_159, %mul3A_161 : vector<16xf32>
      %swap3A_163 = arith.index_cast %scan3A_73 : i32 to index
      %swap3A_164 = arith.constant 112 : index
      %swap3A_165 = tpu.vector_load %arg10[%swap3A_163, %swap3A_164] {strides = array<i32>} : memref<32x1024xf32, #tpu.memory_space<vmem>>, vector<1x16xf32>,
      %swap3A_166 = vector.shape_cast %swap3A_165 : vector<1x16xf32> to vector<16xf32>
      %swap3A_167 = vector.shape_cast %mul3A_162 : vector<16xf32> to vector<1x16xf32>
      tpu.vector_store %arg10[%swap3A_163, %swap3A_164], %swap3A_167 {strides = array<i32>} : memref<32x1024xf32, #tpu.memory_space<vmem>>, vector<1x16xf32>,
      %get3A_168 = arith.index_cast %scan3A_73 : i32 to index
      %get3A_169 = arith.constant 128 : index
      %get3A_170 = tpu.vector_load %arg10[%get3A_168, %get3A_169] {strides = array<i32>} : memref<32x1024xf32, #tpu.memory_space<vmem>>, vector<1x16xf32>,
      %get3A_171 = vector.shape_cast %get3A_170 : vector<1x16xf32> to vector<16xf32>
      %mul3A_172 = arith.constant 1.0668962 : f32
      %mul3A_173 = vector.broadcast %mul3A_172 : f32 to vector<16xf32>
      %mul3A_174 = arith.mulf %get3A_171, %mul3A_173 : vector<16xf32>
      %swap3A_175 = arith.index_cast %scan3A_73 : i32 to index
      %swap3A_176 = arith.constant 128 : index
      %swap3A_177 = tpu.vector_load %arg10[%swap3A_175, %swap3A_176] {strides = array<i32>} : memref<32x1024xf32, #tpu.memory_space<vmem>>, vector<1x16xf32>,
      %swap3A_178 = vector.shape_cast %swap3A_177 : vector<1x16xf32> to vector<16xf32>
      %swap3A_179 = vector.shape_cast %mul3A_174 : vector<16xf32> to vector<1x16xf32>
      tpu.vector_store %arg10[%swap3A_175, %swap3A_176], %swap3A_179 {strides = array<i32>} : memref<32x1024xf32, #tpu.memory_space<vmem>>, vector<1x16xf32>,
      %get3A_180 = arith.index_cast %scan3A_73 : i32 to index
      %get3A_181 = arith.constant 144 : index
      %get3A_182 = tpu.vector_load %arg10[%get3A_180, %get3A_181] {strides = array<i32>} : memref<32x1024xf32, #tpu.memory_space<vmem>>, vector<1x16xf32>,
      %get3A_183 = vector.shape_cast %get3A_182 : vector<1x16xf32> to vector<16xf32>
      %mul3A_184 = arith.constant 1.0668962 : f32
      %mul3A_185 = vector.broadcast %mul3A_184 : f32 to vector<16xf32>
      %mul3A_186 = arith.mulf %get3A_183, %mul3A_185 : vector<16xf32>
      %swap3A_187 = arith.index_cast %scan3A_73 : i32 to index
      %swap3A_188 = arith.constant 144 : index
      %swap3A_189 = tpu.vector_load %arg10[%swap3A_187, %swap3A_188] {strides = array<i32>} : memref<32x1024xf32, #tpu.memory_space<vmem>>, vector<1x16xf32>,
      %swap3A_190 = vector.shape_cast %swap3A_189 : vector<1x16xf32> to vector<16xf32>
      %swap3A_191 = vector.shape_cast %mul3A_186 : vector<16xf32> to vector<1x16xf32>
      tpu.vector_store %arg10[%swap3A_187, %swap3A_188], %swap3A_191 {strides = array<i32>} : memref<32x1024xf32, #tpu.memory_space<vmem>>, vector<1x16xf32>,
      %get3A_192 = arith.index_cast %scan3A_73 : i32 to index
      %get3A_193 = arith.constant 160 : index
      %get3A_194 = tpu.vector_load %arg10[%get3A_192, %get3A_193] {strides = array<i32>} : memref<32x1024xf32, #tpu.memory_space<vmem>>, vector<1x16xf32>,
      %get3A_195 = vector.shape_cast %get3A_194 : vector<1x16xf32> to vector<16xf32>
      %mul3A_196 = arith.constant 1.0668962 : f32
      %mul3A_197 = vector.broadcast %mul3A_196 : f32 to vector<16xf32>
      %mul3A_198 = arith.mulf %get3A_195, %mul3A_197 : vector<16xf32>
      %swap3A_199 = arith.index_cast %scan3A_73 : i32 to index
      %swap3A_200 = arith.constant 160 : index
      %swap3A_201 = tpu.vector_load %arg10[%swap3A_199, %swap3A_200] {strides = array<i32>} : memref<32x1024xf32, #tpu.memory_space<vmem>>, vector<1x16xf32>,
      %swap3A_202 = vector.shape_cast %swap3A_201 : vector<1x16xf32> to vector<16xf32>
      %swap3A_203 = vector.shape_cast %mul3A_198 : vector<16xf32> to vector<1x16xf32>
      tpu.vector_store %arg10[%swap3A_199, %swap3A_200], %swap3A_203 {strides = array<i32>} : memref<32x1024xf32, #tpu.memory_space<vmem>>, vector<1x16xf32>,
      %get3A_204 = arith.index_cast %scan3A_73 : i32 to index
      %get3A_205 = arith.constant 176 : index
      %get3A_206 = tpu.vector_load %arg10[%get3A_204, %get3A_205] {strides = array<i32>} : memref<32x1024xf32, #tpu.memory_space<vmem>>, vector<1x16xf32>,
      %get3A_207 = vector.shape_cast %get3A_206 : vector<1x16xf32> to vector<16xf32>
      %mul3A_208 = arith.constant 1.0668962 : f32
      %mul3A_209 = vector.broadcast %mul3A_208 : f32 to vector<16xf32>
      %mul3A_210 = arith.mulf %get3A_207, %mul3A_209 : vector<16xf32>
      %swap3A_211 = arith.index_cast %scan3A_73 : i32 to index
      %swap3A_212 = arith.constant 176 : index
      %swap3A_213 = tpu.vector_load %arg10[%swap3A_211, %swap3A_212] {strides = array<i32>} : memref<32x1024xf32, #tpu.memory_space<vmem>>, vector<1x16xf32>,
      %swap3A_214 = vector.shape_cast %swap3A_213 : vector<1x16xf32> to vector<16xf32>
      %swap3A_215 = vector.shape_cast %mul3A_210 : vector<16xf32> to vector<1x16xf32>
      tpu.vector_store %arg10[%swap3A_211, %swap3A_212], %swap3A_215 {strides = array<i32>} : memref<32x1024xf32, #tpu.memory_space<vmem>>, vector<1x16xf32>,
      %get3A_216 = arith.index_cast %scan3A_73 : i32 to index
      %get3A_217 = arith.constant 192 : index
      %get3A_218 = tpu.vector_load %arg10[%get3A_216, %get3A_217] {strides = array<i32>} : memref<32x1024xf32, #tpu.memory_space<vmem>>, vector<1x16xf32>,
      %get3A_219 = vector.shape_cast %get3A_218 : vector<1x16xf32> to vector<16xf32>
      %mul3A_220 = arith.constant 1.0668962 : f32
      %mul3A_221 = vector.broadcast %mul3A_220 : f32 to vector<16xf32>
      %mul3A_222 = arith.mulf %get3A_219, %mul3A_221 : vector<16xf32>
      %swap3A_223 = arith.index_cast %scan3A_73 : i32 to index
      %swap3A_224 = arith.constant 192 : index
      %swap3A_225 = tpu.vector_load %arg10[%swap3A_223, %swap3A_224] {strides = array<i32>} : memref<32x1024xf32, #tpu.memory_space<vmem>>, vector<1x16xf32>,
      %swap3A_226 = vector.shape_cast %swap3A_225 : vector<1x16xf32> to vector<16xf32>
      %swap3A_227 = vector.shape_cast %mul3A_222 : vector<16xf32> to vector<1x16xf32>
      tpu.vector_store %arg10[%swap3A_223, %swap3A_224], %swap3A_227 {strides = array<i32>} : memref<32x1024xf32, #tpu.memory_space<vmem>>, vector<1x16xf32>,
      %get3A_228 = arith.index_cast %scan3A_73 : i32 to index
      %get3A_229 = arith.constant 208 : index
      %get3A_230 = tpu.vector_load %arg10[%get3A_228, %get3A_229] {strides = array<i32>} : memref<32x1024xf32, #tpu.memory_space<vmem>>, vector<1x16xf32>,
      %get3A_231 = vector.shape_cast %get3A_230 : vector<1x16xf32> to vector<16xf32>
      %mul3A_232 = arith.constant 1.0668962 : f32
      %mul3A_233 = vector.broadcast %mul3A_232 : f32 to vector<16xf32>
      %mul3A_234 = arith.mulf %get3A_231, %mul3A_233 : vector<16xf32>
      %swap3A_235 = arith.index_cast %scan3A_73 : i32 to index
      %swap3A_236 = arith.constant 208 : index
      %swap3A_237 = tpu.vector_load %arg10[%swap3A_235, %swap3A_236] {strides = array<i32>} : memref<32x1024xf32, #tpu.memory_space<vmem>>, vector<1x16xf32>,
      %swap3A_238 = vector.shape_cast %swap3A_237 : vector<1x16xf32> to vector<16xf32>
      %swap3A_239 = vector.shape_cast %mul3A_234 : vector<16xf32> to vector<1x16xf32>
      tpu.vector_store %arg10[%swap3A_235, %swap3A_236], %swap3A_239 {strides = array<i32>} : memref<32x1024xf32, #tpu.memory_space<vmem>>, vector<1x16xf32>,
      %get3A_240 = arith.index_cast %scan3A_73 : i32 to index
      %get3A_241 = arith.constant 224 : index
      %get3A_242 = tpu.vector_load %arg10[%get3A_240, %get3A_241] {strides = array<i32>} : memref<32x1024xf32, #tpu.memory_space<vmem>>, vector<1x16xf32>,
      %get3A_243 = vector.shape_cast %get3A_242 : vector<1x16xf32> to vector<16xf32>
      %mul3A_244 = arith.constant 1.0668962 : f32
      %mul3A_245 = vector.broadcast %mul3A_244 : f32 to vector<16xf32>
      %mul3A_246 = arith.mulf %get3A_243, %mul3A_245 : vector<16xf32>
      %swap3A_247 = arith.index_cast %scan3A_73 : i32 to index
      %swap3A_248 = arith.constant 224 : index
      %swap3A_249 = tpu.vector_load %arg10[%swap3A_247, %swap3A_248] {strides = array<i32>} : memref<32x1024xf32, #tpu.memory_space<vmem>>, vector<1x16xf32>,
      %swap3A_250 = vector.shape_cast %swap3A_249 : vector<1x16xf32> to vector<16xf32>
      %swap3A_251 = vector.shape_cast %mul3A_246 : vector<16xf32> to vector<1x16xf32>
      tpu.vector_store %arg10[%swap3A_247, %swap3A_248], %swap3A_251 {strides = array<i32>} : memref<32x1024xf32, #tpu.memory_space<vmem>>, vector<1x16xf32>,
      %get3A_252 = arith.index_cast %scan3A_73 : i32 to index
      %get3A_253 = arith.constant 240 : index
      %get3A_254 = tpu.vector_load %arg10[%get3A_252, %get3A_253] {strides = array<i32>} : memref<32x1024xf32, #tpu.memory_space<vmem>>, vector<1x16xf32>,
      %get3A_255 = vector.shape_cast %get3A_254 : vector<1x16xf32> to vector<16xf32>
      %mul3A_256 = arith.constant 1.0668962 : f32
      %mul3A_257 = vector.broadcast %mul3A_256 : f32 to vector<16xf32>
      %mul3A_258 = arith.mulf %get3A_255, %mul3A_257 : vector<16xf32>
      %swap3A_259 = arith.index_cast %scan3A_73 : i32 to index
      %swap3A_260 = arith.constant 240 : index
      %swap3A_261 = tpu.vector_load %arg10[%swap3A_259, %swap3A_260] {strides = array<i32>} : memref<32x1024xf32, #tpu.memory_space<vmem>>, vector<1x16xf32>,
      %swap3A_262 = vector.shape_cast %swap3A_261 : vector<1x16xf32> to vector<16xf32>
      %swap3A_263 = vector.shape_cast %mul3A_258 : vector<16xf32> to vector<1x16xf32>
      tpu.vector_store %arg10[%swap3A_259, %swap3A_260], %swap3A_263 {strides = array<i32>} : memref<32x1024xf32, #tpu.memory_space<vmem>>, vector<1x16xf32>,
      %get3A_264 = arith.index_cast %scan3A_73 : i32 to index
      %get3A_265 = arith.constant 256 : index
      %get3A_266 = tpu.vector_load %arg10[%get3A_264, %get3A_265] {strides = array<i32>} : memref<32x1024xf32, #tpu.memory_space<vmem>>, vector<1x16xf32>,
      %get3A_267 = vector.shape_cast %get3A_266 : vector<1x16xf32> to vector<16xf32>
      %mul3A_268 = arith.constant 1.0668962 : f32
      %mul3A_269 = vector.broadcast %mul3A_268 : f32 to vector<16xf32>
      %mul3A_270 = arith.mulf %get3A_267, %mul3A_269 : vector<16xf32>
      %swap3A_271 = arith.index_cast %scan3A_73 : i32 to index
      %swap3A_272 = arith.constant 256 : index
      %swap3A_273 = tpu.vector_load %arg10[%swap3A_271, %swap3A_272] {strides = array<i32>} : memref<32x1024xf32, #tpu.memory_space<vmem>>, vector<1x16xf32>,
      %swap3A_274 = vector.shape_cast %swap3A_273 : vector<1x16xf32> to vector<16xf32>
      %swap3A_275 = vector.shape_cast %mul3A_270 : vector<16xf32> to vector<1x16xf32>
      tpu.vector_store %arg10[%swap3A_271, %swap3A_272], %swap3A_275 {strides = array<i32>} : memref<32x1024xf32, #tpu.memory_space<vmem>>, vector<1x16xf32>,
      %get3A_276 = arith.index_cast %scan3A_73 : i32 to index
      %get3A_277 = arith.constant 272 : index
      %get3A_278 = tpu.vector_load %arg10[%get3A_276, %get3A_277] {strides = array<i32>} : memref<32x1024xf32, #tpu.memory_space<vmem>>, vector<1x16xf32>,
      %get3A_279 = vector.shape_cast %get3A_278 : vector<1x16xf32> to vector<16xf32>
      %mul3A_280 = arith.constant 1.0668962 : f32
      %mul3A_281 = vector.broadcast %mul3A_280 : f32 to vector<16xf32>
      %mul3A_282 = arith.mulf %get3A_279, %mul3A_281 : vector<16xf32>
      %swap3A_283 = arith.index_cast %scan3A_73 : i32 to index
      %swap3A_284 = arith.constant 272 : index
      %swap3A_285 = tpu.vector_load %arg10[%swap3A_283, %swap3A_284] {strides = array<i32>} : memref<32x1024xf32, #tpu.memory_space<vmem>>, vector<1x16xf32>,
      %swap3A_286 = vector.shape_cast %swap3A_285 : vector<1x16xf32> to vector<16xf32>
      %swap3A_287 = vector.shape_cast %mul3A_282 : vector<16xf32> to vector<1x16xf32>
      tpu.vector_store %arg10[%swap3A_283, %swap3A_284], %swap3A_287 {strides = array<i32>} : memref<32x1024xf32, #tpu.memory_space<vmem>>, vector<1x16xf32>,
      %get3A_288 = arith.index_cast %scan3A_73 : i32 to index
      %get3A_289 = arith.constant 288 : index
      %get3A_290 = tpu.vector_load %arg10[%get3A_288, %get3A_289] {strides = array<i32>} : memref<32x1024xf32, #tpu.memory_space<vmem>>, vector<1x16xf32>,
      %get3A_291 = vector.shape_cast %get3A_290 : vector<1x16xf32> to vector<16xf32>
      %mul3A_292 = arith.constant 1.0668962 : f32
      %mul3A_293 = vector.broadcast %mul3A_292 : f32 to vector<16xf32>
      %mul3A_294 = arith.mulf %get3A_291, %mul3A_293 : vector<16xf32>
      %swap3A_295 = arith.index_cast %scan3A_73 : i32 to index
      %swap3A_296 = arith.constant 288 : index
      %swap3A_297 = tpu.vector_load %arg10[%swap3A_295, %swap3A_296] {strides = array<i32>} : memref<32x1024xf32, #tpu.memory_space<vmem>>, vector<1x16xf32>,
      %swap3A_298 = vector.shape_cast %swap3A_297 : vector<1x16xf32> to vector<16xf32>
      %swap3A_299 = vector.shape_cast %mul3A_294 : vector<16xf32> to vector<1x16xf32>
      tpu.vector_store %arg10[%swap3A_295, %swap3A_296], %swap3A_299 {strides = array<i32>} : memref<32x1024xf32, #tpu.memory_space<vmem>>, vector<1x16xf32>,
      %get3A_300 = arith.index_cast %scan3A_73 : i32 to index
      %get3A_301 = arith.constant 304 : index
      %get3A_302 = tpu.vector_load %arg10[%get3A_300, %get3A_301] {strides = array<i32>} : memref<32x1024xf32, #tpu.memory_space<vmem>>, vector<1x16xf32>,
      %get3A_303 = vector.shape_cast %get3A_302 : vector<1x16xf32> to vector<16xf32>
      %mul3A_304 = arith.constant 1.0668962 : f32
      %mul3A_305 = vector.broadcast %mul3A_304 : f32 to vector<16xf32>
      %mul3A_306 = arith.mulf %get3A_303, %mul3A_305 : vector<16xf32>
      %swap3A_307 = arith.index_cast %scan3A_73 : i32 to index
      %swap3A_308 = arith.constant 304 : index
      %swap3A_309 = tpu.vector_load %arg10[%swap3A_307, %swap3A_308] {strides = array<i32>} : memref<32x1024xf32, #tpu.memory_space<vmem>>, vector<1x16xf32>,
      %swap3A_310 = vector.shape_cast %swap3A_309 : vector<1x16xf32> to vector<16xf32>
      %swap3A_311 = vector.shape_cast %mul3A_306 : vector<16xf32> to vector<1x16xf32>
      tpu.vector_store %arg10[%swap3A_307, %swap3A_308], %swap3A_311 {strides = array<i32>} : memref<32x1024xf32, #tpu.memory_space<vmem>>, vector<1x16xf32>,
      %get3A_312 = arith.index_cast %scan3A_73 : i32 to index
      %get3A_313 = arith.constant 320 : index
      %get3A_314 = tpu.vector_load %arg10[%get3A_312, %get3A_313] {strides = array<i32>} : memref<32x1024xf32, #tpu.memory_space<vmem>>, vector<1x16xf32>,
      %get3A_315 = vector.shape_cast %get3A_314 : vector<1x16xf32> to vector<16xf32>
      %mul3A_316 = arith.constant 1.0668962 : f32
      %mul3A_317 = vector.broadcast %mul3A_316 : f32 to vector<16xf32>
      %mul3A_318 = arith.mulf %get3A_315, %mul3A_317 : vector<16xf32>
      %swap3A_319 = arith.index_cast %scan3A_73 : i32 to index
      %swap3A_320 = arith.constant 320 : index
      %swap3A_321 = tpu.vector_load %arg10[%swap3A_319, %swap3A_320] {strides = array<i32>} : memref<32x1024xf32, #tpu.memory_space<vmem>>, vector<1x16xf32>,
      %swap3A_322 = vector.shape_cast %swap3A_321 : vector<1x16xf32> to vector<16xf32>
      %swap3A_323 = vector.shape_cast %mul3A_318 : vector<16xf32> to vector<1x16xf32>
      tpu.vector_store %arg10[%swap3A_319, %swap3A_320], %swap3A_323 {strides = array<i32>} : memref<32x1024xf32, #tpu.memory_space<vmem>>, vector<1x16xf32>,
      %get3A_324 = arith.index_cast %scan3A_73 : i32 to index
      %get3A_325 = arith.constant 336 : index
      %get3A_326 = tpu.vector_load %arg10[%get3A_324, %get3A_325] {strides = array<i32>} : memref<32x1024xf32, #tpu.memory_space<vmem>>, vector<1x16xf32>,
      %get3A_327 = vector.shape_cast %get3A_326 : vector<1x16xf32> to vector<16xf32>
      %mul3A_328 = arith.constant 1.0668962 : f32
      %mul3A_329 = vector.broadcast %mul3A_328 : f32 to vector<16xf32>
      %mul3A_330 = arith.mulf %get3A_327, %mul3A_329 : vector<16xf32>
      %swap3A_331 = arith.index_cast %scan3A_73 : i32 to index
      %swap3A_332 = arith.constant 336 : index
      %swap3A_333 = tpu.vector_load %arg10[%swap3A_331, %swap3A_332] {strides = array<i32>} : memref<32x1024xf32, #tpu.memory_space<vmem>>, vector<1x16xf32>,
      %swap3A_334 = vector.shape_cast %swap3A_333 : vector<1x16xf32> to vector<16xf32>
      %swap3A_335 = vector.shape_cast %mul3A_330 : vector<16xf32> to vector<1x16xf32>
      tpu.vector_store %arg10[%swap3A_331, %swap3A_332], %swap3A_335 {strides = array<i32>} : memref<32x1024xf32, #tpu.memory_space<vmem>>, vector<1x16xf32>,
      %get3A_336 = arith.index_cast %scan3A_73 : i32 to index
      %get3A_337 = arith.constant 352 : index
      %get3A_338 = tpu.vector_load %arg10[%get3A_336, %get3A_337] {strides = array<i32>} : memref<32x1024xf32, #tpu.memory_space<vmem>>, vector<1x16xf32>,
      %get3A_339 = vector.shape_cast %get3A_338 : vector<1x16xf32> to vector<16xf32>
      %mul3A_340 = arith.constant 1.0668962 : f32
      %mul3A_341 = vector.broadcast %mul3A_340 : f32 to vector<16xf32>
      %mul3A_342 = arith.mulf %get3A_339, %mul3A_341 : vector<16xf32>
      %swap3A_343 = arith.index_cast %scan3A_73 : i32 to index
      %swap3A_344 = arith.constant 352 : index
      %swap3A_345 = tpu.vector_load %arg10[%swap3A_343, %swap3A_344] {strides = array<i32>} : memref<32x1024xf32, #tpu.memory_space<vmem>>, vector<1x16xf32>,
      %swap3A_346 = vector.shape_cast %swap3A_345 : vector<1x16xf32> to vector<16xf32>
      %swap3A_347 = vector.shape_cast %mul3A_342 : vector<16xf32> to vector<1x16xf32>
      tpu.vector_store %arg10[%swap3A_343, %swap3A_344], %swap3A_347 {strides = array<i32>} : memref<32x1024xf32, #tpu.memory_space<vmem>>, vector<1x16xf32>,
      %get3A_348 = arith.index_cast %scan3A_73 : i32 to index
      %get3A_349 = arith.constant 368 : index
      %get3A_350 = tpu.vector_load %arg10[%get3A_348, %get3A_349] {strides = array<i32>} : memref<32x1024xf32, #tpu.memory_space<vmem>>, vector<1x16xf32>,
      %get3A_351 = vector.shape_cast %get3A_350 : vector<1x16xf32> to vector<16xf32>
      %mul3A_352 = arith.constant 1.0668962 : f32
      %mul3A_353 = vector.broadcast %mul3A_352 : f32 to vector<16xf32>
      %mul3A_354 = arith.mulf %get3A_351, %mul3A_353 : vector<16xf32>
      %swap3A_355 = arith.index_cast %scan3A_73 : i32 to index
      %swap3A_356 = arith.constant 368 : index
      %swap3A_357 = tpu.vector_load %arg10[%swap3A_355, %swap3A_356] {strides = array<i32>} : memref<32x1024xf32, #tpu.memory_space<vmem>>, vector<1x16xf32>,
      %swap3A_358 = vector.shape_cast %swap3A_357 : vector<1x16xf32> to vector<16xf32>
      %swap3A_359 = vector.shape_cast %mul3A_354 : vector<16xf32> to vector<1x16xf32>
      tpu.vector_store %arg10[%swap3A_355, %swap3A_356], %swap3A_359 {strides = array<i32>} : memref<32x1024xf32, #tpu.memory_space<vmem>>, vector<1x16xf32>,
      %get3A_360 = arith.index_cast %scan3A_73 : i32 to index
      %get3A_361 = arith.constant 384 : index
      %get3A_362 = tpu.vector_load %arg10[%get3A_360, %get3A_361] {strides = array<i32>} : memref<32x1024xf32, #tpu.memory_space<vmem>>, vector<1x16xf32>,
      %get3A_363 = vector.shape_cast %get3A_362 : vector<1x16xf32> to vector<16xf32>
      %mul3A_364 = arith.constant 1.0668962 : f32
      %mul3A_365 = vector.broadcast %mul3A_364 : f32 to vector<16xf32>
      %mul3A_366 = arith.mulf %get3A_363, %mul3A_365 : vector<16xf32>
      %swap3A_367 = arith.index_cast %scan3A_73 : i32 to index
      %swap3A_368 = arith.constant 384 : index
      %swap3A_369 = tpu.vector_load %arg10[%swap3A_367, %swap3A_368] {strides = array<i32>} : memref<32x1024xf32, #tpu.memory_space<vmem>>, vector<1x16xf32>,
      %swap3A_370 = vector.shape_cast %swap3A_369 : vector<1x16xf32> to vector<16xf32>
      %swap3A_371 = vector.shape_cast %mul3A_366 : vector<16xf32> to vector<1x16xf32>
      tpu.vector_store %arg10[%swap3A_367, %swap3A_368], %swap3A_371 {strides = array<i32>} : memref<32x1024xf32, #tpu.memory_space<vmem>>, vector<1x16xf32>,
      %get3A_372 = arith.index_cast %scan3A_73 : i32 to index
      %get3A_373 = arith.constant 400 : index
      %get3A_374 = tpu.vector_load %arg10[%get3A_372, %get3A_373] {strides = array<i32>} : memref<32x1024xf32, #tpu.memory_space<vmem>>, vector<1x16xf32>,
      %get3A_375 = vector.shape_cast %get3A_374 : vector<1x16xf32> to vector<16xf32>
      %mul3A_376 = arith.constant 1.0668962 : f32
      %mul3A_377 = vector.broadcast %mul3A_376 : f32 to vector<16xf32>
      %mul3A_378 = arith.mulf %get3A_375, %mul3A_377 : vector<16xf32>
      %swap3A_379 = arith.index_cast %scan3A_73 : i32 to index
      %swap3A_380 = arith.constant 400 : index
      %swap3A_381 = tpu.vector_load %arg10[%swap3A_379, %swap3A_380] {strides = array<i32>} : memref<32x1024xf32, #tpu.memory_space<vmem>>, vector<1x16xf32>,
      %swap3A_382 = vector.shape_cast %swap3A_381 : vector<1x16xf32> to vector<16xf32>
      %swap3A_383 = vector.shape_cast %mul3A_378 : vector<16xf32> to vector<1x16xf32>
      tpu.vector_store %arg10[%swap3A_379, %swap3A_380], %swap3A_383 {strides = array<i32>} : memref<32x1024xf32, #tpu.memory_space<vmem>>, vector<1x16xf32>,
      %get3A_384 = arith.index_cast %scan3A_73 : i32 to index
      %get3A_385 = arith.constant 416 : index
      %get3A_386 = tpu.vector_load %arg10[%get3A_384, %get3A_385] {strides = array<i32>} : memref<32x1024xf32, #tpu.memory_space<vmem>>, vector<1x16xf32>,
      %get3A_387 = vector.shape_cast %get3A_386 : vector<1x16xf32> to vector<16xf32>
      %mul3A_388 = arith.constant 1.0668962 : f32
      %mul3A_389 = vector.broadcast %mul3A_388 : f32 to vector<16xf32>
      %mul3A_390 = arith.mulf %get3A_387, %mul3A_389 : vector<16xf32>
      %swap3A_391 = arith.index_cast %scan3A_73 : i32 to index
      %swap3A_392 = arith.constant 416 : index
      %swap3A_393 = tpu.vector_load %arg10[%swap3A_391, %swap3A_392] {strides = array<i32>} : memref<32x1024xf32, #tpu.memory_space<vmem>>, vector<1x16xf32>,
      %swap3A_394 = vector.shape_cast %swap3A_393 : vector<1x16xf32> to vector<16xf32>
      %swap3A_395 = vector.shape_cast %mul3A_390 : vector<16xf32> to vector<1x16xf32>
      tpu.vector_store %arg10[%swap3A_391, %swap3A_392], %swap3A_395 {strides = array<i32>} : memref<32x1024xf32, #tpu.memory_space<vmem>>, vector<1x16xf32>,
      %get3A_396 = arith.index_cast %scan3A_73 : i32 to index
      %get3A_397 = arith.constant 432 : index
      %get3A_398 = tpu.vector_load %arg10[%get3A_396, %get3A_397] {strides = array<i32>} : memref<32x1024xf32, #tpu.memory_space<vmem>>, vector<1x16xf32>,
      %get3A_399 = vector.shape_cast %get3A_398 : vector<1x16xf32> to vector<16xf32>
      %mul3A_400 = arith.constant 1.0668962 : f32
      %mul3A_401 = vector.broadcast %mul3A_400 : f32 to vector<16xf32>
      %mul3A_402 = arith.mulf %get3A_399, %mul3A_401 : vector<16xf32>
      %swap3A_403 = arith.index_cast %scan3A_73 : i32 to index
      %swap3A_404 = arith.constant 432 : index
      %swap3A_405 = tpu.vector_load %arg10[%swap3A_403, %swap3A_404] {strides = array<i32>} : memref<32x1024xf32, #tpu.memory_space<vmem>>, vector<1x16xf32>,
      %swap3A_406 = vector.shape_cast %swap3A_405 : vector<1x16xf32> to vector<16xf32>
      %swap3A_407 = vector.shape_cast %mul3A_402 : vector<16xf32> to vector<1x16xf32>
      tpu.vector_store %arg10[%swap3A_403, %swap3A_404], %swap3A_407 {strides = array<i32>} : memref<32x1024xf32, #tpu.memory_space<vmem>>, vector<1x16xf32>,
      %get3A_408 = arith.index_cast %scan3A_73 : i32 to index
      %get3A_409 = arith.constant 448 : index
      %get3A_410 = tpu.vector_load %arg10[%get3A_408, %get3A_409] {strides = array<i32>} : memref<32x1024xf32, #tpu.memory_space<vmem>>, vector<1x16xf32>,
      %get3A_411 = vector.shape_cast %get3A_410 : vector<1x16xf32> to vector<16xf32>
      %mul3A_412 = arith.constant 1.0668962 : f32
      %mul3A_413 = vector.broadcast %mul3A_412 : f32 to vector<16xf32>
      %mul3A_414 = arith.mulf %get3A_411, %mul3A_413 : vector<16xf32>
      %swap3A_415 = arith.index_cast %scan3A_73 : i32 to index
      %swap3A_416 = arith.constant 448 : index
      %swap3A_417 = tpu.vector_load %arg10[%swap3A_415, %swap3A_416] {strides = array<i32>} : memref<32x1024xf32, #tpu.memory_space<vmem>>, vector<1x16xf32>,
      %swap3A_418 = vector.shape_cast %swap3A_417 : vector<1x16xf32> to vector<16xf32>
      %swap3A_419 = vector.shape_cast %mul3A_414 : vector<16xf32> to vector<1x16xf32>
      tpu.vector_store %arg10[%swap3A_415, %swap3A_416], %swap3A_419 {strides = array<i32>} : memref<32x1024xf32, #tpu.memory_space<vmem>>, vector<1x16xf32>,
      %get3A_420 = arith.index_cast %scan3A_73 : i32 to index
      %get3A_421 = arith.constant 464 : index
      %get3A_422 = tpu.vector_load %arg10[%get3A_420, %get3A_421] {strides = array<i32>} : memref<32x1024xf32, #tpu.memory_space<vmem>>, vector<1x16xf32>,
      %get3A_423 = vector.shape_cast %get3A_422 : vector<1x16xf32> to vector<16xf32>
      %mul3A_424 = arith.constant 1.0668962 : f32
      %mul3A_425 = vector.broadcast %mul3A_424 : f32 to vector<16xf32>
      %mul3A_426 = arith.mulf %get3A_423, %mul3A_425 : vector<16xf32>
      %swap3A_427 = arith.index_cast %scan3A_73 : i32 to index
      %swap3A_428 = arith.constant 464 : index
      %swap3A_429 = tpu.vector_load %arg10[%swap3A_427, %swap3A_428] {strides = array<i32>} : memref<32x1024xf32, #tpu.memory_space<vmem>>, vector<1x16xf32>,
      %swap3A_430 = vector.shape_cast %swap3A_429 : vector<1x16xf32> to vector<16xf32>
      %swap3A_431 = vector.shape_cast %mul3A_426 : vector<16xf32> to vector<1x16xf32>
      tpu.vector_store %arg10[%swap3A_427, %swap3A_428], %swap3A_431 {strides = array<i32>} : memref<32x1024xf32, #tpu.memory_space<vmem>>, vector<1x16xf32>,
      %get3A_432 = arith.index_cast %scan3A_73 : i32 to index
      %get3A_433 = arith.constant 480 : index
      %get3A_434 = tpu.vector_load %arg10[%get3A_432, %get3A_433] {strides = array<i32>} : memref<32x1024xf32, #tpu.memory_space<vmem>>, vector<1x16xf32>,
      %get3A_435 = vector.shape_cast %get3A_434 : vector<1x16xf32> to vector<16xf32>
      %mul3A_436 = arith.constant 1.0668962 : f32
      %mul3A_437 = vector.broadcast %mul3A_436 : f32 to vector<16xf32>
      %mul3A_438 = arith.mulf %get3A_435, %mul3A_437 : vector<16xf32>
      %swap3A_439 = arith.index_cast %scan3A_73 : i32 to index
      %swap3A_440 = arith.constant 480 : index
      %swap3A_441 = tpu.vector_load %arg10[%swap3A_439, %swap3A_440] {strides = array<i32>} : memref<32x1024xf32, #tpu.memory_space<vmem>>, vector<1x16xf32>,
      %swap3A_442 = vector.shape_cast %swap3A_441 : vector<1x16xf32> to vector<16xf32>
      %swap3A_443 = vector.shape_cast %mul3A_438 : vector<16xf32> to vector<1x16xf32>
      tpu.vector_store %arg10[%swap3A_439, %swap3A_440], %swap3A_443 {strides = array<i32>} : memref<32x1024xf32, #tpu.memory_space<vmem>>, vector<1x16xf32>,
      %get3A_444 = arith.index_cast %scan3A_73 : i32 to index
      %get3A_445 = arith.constant 496 : index
      %get3A_446 = tpu.vector_load %arg10[%get3A_444, %get3A_445] {strides = array<i32>} : memref<32x1024xf32, #tpu.memory_space<vmem>>, vector<1x16xf32>,
      %get3A_447 = vector.shape_cast %get3A_446 : vector<1x16xf32> to vector<16xf32>
      %mul3A_448 = arith.constant 1.0668962 : f32
      %mul3A_449 = vector.broadcast %mul3A_448 : f32 to vector<16xf32>
      %mul3A_450 = arith.mulf %get3A_447, %mul3A_449 : vector<16xf32>
      %swap3A_451 = arith.index_cast %scan3A_73 : i32 to index
      %swap3A_452 = arith.constant 496 : index
      %swap3A_453 = tpu.vector_load %arg10[%swap3A_451, %swap3A_452] {strides = array<i32>} : memref<32x1024xf32, #tpu.memory_space<vmem>>, vector<1x16xf32>,
      %swap3A_454 = vector.shape_cast %swap3A_453 : vector<1x16xf32> to vector<16xf32>
      %swap3A_455 = vector.shape_cast %mul3A_450 : vector<16xf32> to vector<1x16xf32>
      tpu.vector_store %arg10[%swap3A_451, %swap3A_452], %swap3A_455 {strides = array<i32>} : memref<32x1024xf32, #tpu.memory_space<vmem>>, vector<1x16xf32>,
      %get3A_456 = arith.index_cast %scan3A_73 : i32 to index
      %get3A_457 = arith.constant 512 : index
      %get3A_458 = tpu.vector_load %arg10[%get3A_456, %get3A_457] {strides = array<i32>} : memref<32x1024xf32, #tpu.memory_space<vmem>>, vector<1x16xf32>,
      %get3A_459 = vector.shape_cast %get3A_458 : vector<1x16xf32> to vector<16xf32>
      %mul3A_460 = arith.constant 1.0668962 : f32
      %mul3A_461 = vector.broadcast %mul3A_460 : f32 to vector<16xf32>
      %mul3A_462 = arith.mulf %get3A_459, %mul3A_461 : vector<16xf32>
      %swap3A_463 = arith.index_cast %scan3A_73 : i32 to index
      %swap3A_464 = arith.constant 512 : index
      %swap3A_465 = tpu.vector_load %arg10[%swap3A_463, %swap3A_464] {strides = array<i32>} : memref<32x1024xf32, #tpu.memory_space<vmem>>, vector<1x16xf32>,
      %swap3A_466 = vector.shape_cast %swap3A_465 : vector<1x16xf32> to vector<16xf32>
      %swap3A_467 = vector.shape_cast %mul3A_462 : vector<16xf32> to vector<1x16xf32>
      tpu.vector_store %arg10[%swap3A_463, %swap3A_464], %swap3A_467 {strides = array<i32>} : memref<32x1024xf32, #tpu.memory_space<vmem>>, vector<1x16xf32>,
      %get3A_468 = arith.index_cast %scan3A_73 : i32 to index
      %get3A_469 = arith.constant 528 : index
      %get3A_470 = tpu.vector_load %arg10[%get3A_468, %get3A_469] {strides = array<i32>} : memref<32x1024xf32, #tpu.memory_space<vmem>>, vector<1x16xf32>,
      %get3A_471 = vector.shape_cast %get3A_470 : vector<1x16xf32> to vector<16xf32>
      %mul3A_472 = arith.constant 1.0668962 : f32
      %mul3A_473 = vector.broadcast %mul3A_472 : f32 to vector<16xf32>
      %mul3A_474 = arith.mulf %get3A_471, %mul3A_473 : vector<16xf32>
      %swap3A_475 = arith.index_cast %scan3A_73 : i32 to index
      %swap3A_476 = arith.constant 528 : index
      %swap3A_477 = tpu.vector_load %arg10[%swap3A_475, %swap3A_476] {strides = array<i32>} : memref<32x1024xf32, #tpu.memory_space<vmem>>, vector<1x16xf32>,
      %swap3A_478 = vector.shape_cast %swap3A_477 : vector<1x16xf32> to vector<16xf32>
      %swap3A_479 = vector.shape_cast %mul3A_474 : vector<16xf32> to vector<1x16xf32>
      tpu.vector_store %arg10[%swap3A_475, %swap3A_476], %swap3A_479 {strides = array<i32>} : memref<32x1024xf32, #tpu.memory_space<vmem>>, vector<1x16xf32>,
      %get3A_480 = arith.index_cast %scan3A_73 : i32 to index
      %get3A_481 = arith.constant 544 : index
      %get3A_482 = tpu.vector_load %arg10[%get3A_480, %get3A_481] {strides = array<i32>} : memref<32x1024xf32, #tpu.memory_space<vmem>>, vector<1x16xf32>,
      %get3A_483 = vector.shape_cast %get3A_482 : vector<1x16xf32> to vector<16xf32>
      %mul3A_484 = arith.constant 1.0668962 : f32
      %mul3A_485 = vector.broadcast %mul3A_484 : f32 to vector<16xf32>
      %mul3A_486 = arith.mulf %get3A_483, %mul3A_485 : vector<16xf32>
      %swap3A_487 = arith.index_cast %scan3A_73 : i32 to index
      %swap3A_488 = arith.constant 544 : index
      %swap3A_489 = tpu.vector_load %arg10[%swap3A_487, %swap3A_488] {strides = array<i32>} : memref<32x1024xf32, #tpu.memory_space<vmem>>, vector<1x16xf32>,
      %swap3A_490 = vector.shape_cast %swap3A_489 : vector<1x16xf32> to vector<16xf32>
      %swap3A_491 = vector.shape_cast %mul3A_486 : vector<16xf32> to vector<1x16xf32>
      tpu.vector_store %arg10[%swap3A_487, %swap3A_488], %swap3A_491 {strides = array<i32>} : memref<32x1024xf32, #tpu.memory_space<vmem>>, vector<1x16xf32>,
      %get3A_492 = arith.index_cast %scan3A_73 : i32 to index
      %get3A_493 = arith.constant 560 : index
      %get3A_494 = tpu.vector_load %arg10[%get3A_492, %get3A_493] {strides = array<i32>} : memref<32x1024xf32, #tpu.memory_space<vmem>>, vector<1x16xf32>,
      %get3A_495 = vector.shape_cast %get3A_494 : vector<1x16xf32> to vector<16xf32>
      %mul3A_496 = arith.constant 1.0668962 : f32
      %mul3A_497 = vector.broadcast %mul3A_496 : f32 to vector<16xf32>
      %mul3A_498 = arith.mulf %get3A_495, %mul3A_497 : vector<16xf32>
      %swap3A_499 = arith.index_cast %scan3A_73 : i32 to index
      %swap3A_500 = arith.constant 560 : index
      %swap3A_501 = tpu.vector_load %arg10[%swap3A_499, %swap3A_500] {strides = array<i32>} : memref<32x1024xf32, #tpu.memory_space<vmem>>, vector<1x16xf32>,
      %swap3A_502 = vector.shape_cast %swap3A_501 : vector<1x16xf32> to vector<16xf32>
      %swap3A_503 = vector.shape_cast %mul3A_498 : vector<16xf32> to vector<1x16xf32>
      tpu.vector_store %arg10[%swap3A_499, %swap3A_500], %swap3A_503 {strides = array<i32>} : memref<32x1024xf32, #tpu.memory_space<vmem>>, vector<1x16xf32>,
      %get3A_504 = arith.index_cast %scan3A_73 : i32 to index
      %get3A_505 = arith.constant 576 : index
      %get3A_506 = tpu.vector_load %arg10[%get3A_504, %get3A_505] {strides = array<i32>} : memref<32x1024xf32, #tpu.memory_space<vmem>>, vector<1x16xf32>,
      %get3A_507 = vector.shape_cast %get3A_506 : vector<1x16xf32> to vector<16xf32>
      %mul3A_508 = arith.constant 1.0668962 : f32
      %mul3A_509 = vector.broadcast %mul3A_508 : f32 to vector<16xf32>
      %mul3A_510 = arith.mulf %get3A_507, %mul3A_509 : vector<16xf32>
      %swap3A_511 = arith.index_cast %scan3A_73 : i32 to index
      %swap3A_512 = arith.constant 576 : index
      %swap3A_513 = tpu.vector_load %arg10[%swap3A_511, %swap3A_512] {strides = array<i32>} : memref<32x1024xf32, #tpu.memory_space<vmem>>, vector<1x16xf32>,
      %swap3A_514 = vector.shape_cast %swap3A_513 : vector<1x16xf32> to vector<16xf32>
      %swap3A_515 = vector.shape_cast %mul3A_510 : vector<16xf32> to vector<1x16xf32>
      tpu.vector_store %arg10[%swap3A_511, %swap3A_512], %swap3A_515 {strides = array<i32>} : memref<32x1024xf32, #tpu.memory_space<vmem>>, vector<1x16xf32>,
      %get3A_516 = arith.index_cast %scan3A_73 : i32 to index
      %get3A_517 = arith.constant 592 : index
      %get3A_518 = tpu.vector_load %arg10[%get3A_516, %get3A_517] {strides = array<i32>} : memref<32x1024xf32, #tpu.memory_space<vmem>>, vector<1x16xf32>,
      %get3A_519 = vector.shape_cast %get3A_518 : vector<1x16xf32> to vector<16xf32>
      %mul3A_520 = arith.constant 1.0668962 : f32
      %mul3A_521 = vector.broadcast %mul3A_520 : f32 to vector<16xf32>
      %mul3A_522 = arith.mulf %get3A_519, %mul3A_521 : vector<16xf32>
      %swap3A_523 = arith.index_cast %scan3A_73 : i32 to index
      %swap3A_524 = arith.constant 592 : index
      %swap3A_525 = tpu.vector_load %arg10[%swap3A_523, %swap3A_524] {strides = array<i32>} : memref<32x1024xf32, #tpu.memory_space<vmem>>, vector<1x16xf32>,
      %swap3A_526 = vector.shape_cast %swap3A_525 : vector<1x16xf32> to vector<16xf32>
      %swap3A_527 = vector.shape_cast %mul3A_522 : vector<16xf32> to vector<1x16xf32>
      tpu.vector_store %arg10[%swap3A_523, %swap3A_524], %swap3A_527 {strides = array<i32>} : memref<32x1024xf32, #tpu.memory_space<vmem>>, vector<1x16xf32>,
      %get3A_528 = arith.index_cast %scan3A_73 : i32 to index
      %get3A_529 = arith.constant 608 : index
      %get3A_530 = tpu.vector_load %arg10[%get3A_528, %get3A_529] {strides = array<i32>} : memref<32x1024xf32, #tpu.memory_space<vmem>>, vector<1x16xf32>,
      %get3A_531 = vector.shape_cast %get3A_530 : vector<1x16xf32> to vector<16xf32>
      %mul3A_532 = arith.constant 1.0668962 : f32
      %mul3A_533 = vector.broadcast %mul3A_532 : f32 to vector<16xf32>
      %mul3A_534 = arith.mulf %get3A_531, %mul3A_533 : vector<16xf32>
      %swap3A_535 = arith.index_cast %scan3A_73 : i32 to index
      %swap3A_536 = arith.constant 608 : index
      %swap3A_537 = tpu.vector_load %arg10[%swap3A_535, %swap3A_536] {strides = array<i32>} : memref<32x1024xf32, #tpu.memory_space<vmem>>, vector<1x16xf32>,
      %swap3A_538 = vector.shape_cast %swap3A_537 : vector<1x16xf32> to vector<16xf32>
      %swap3A_539 = vector.shape_cast %mul3A_534 : vector<16xf32> to vector<1x16xf32>
      tpu.vector_store %arg10[%swap3A_535, %swap3A_536], %swap3A_539 {strides = array<i32>} : memref<32x1024xf32, #tpu.memory_space<vmem>>, vector<1x16xf32>,
      %get3A_540 = arith.index_cast %scan3A_73 : i32 to index
      %get3A_541 = arith.constant 624 : index
      %get3A_542 = tpu.vector_load %arg10[%get3A_540, %get3A_541] {strides = array<i32>} : memref<32x1024xf32, #tpu.memory_space<vmem>>, vector<1x16xf32>,
      %get3A_543 = vector.shape_cast %get3A_542 : vector<1x16xf32> to vector<16xf32>
      %mul3A_544 = arith.constant 1.0668962 : f32
      %mul3A_545 = vector.broadcast %mul3A_544 : f32 to vector<16xf32>
      %mul3A_546 = arith.mulf %get3A_543, %mul3A_545 : vector<16xf32>
      %swap3A_547 = arith.index_cast %scan3A_73 : i32 to index
      %swap3A_548 = arith.constant 624 : index
      %swap3A_549 = tpu.vector_load %arg10[%swap3A_547, %swap3A_548] {strides = array<i32>} : memref<32x1024xf32, #tpu.memory_space<vmem>>, vector<1x16xf32>,
      %swap3A_550 = vector.shape_cast %swap3A_549 : vector<1x16xf32> to vector<16xf32>
      %swap3A_551 = vector.shape_cast %mul3A_546 : vector<16xf32> to vector<1x16xf32>
      tpu.vector_store %arg10[%swap3A_547, %swap3A_548], %swap3A_551 {strides = array<i32>} : memref<32x1024xf32, #tpu.memory_space<vmem>>, vector<1x16xf32>,
      %get3A_552 = arith.index_cast %scan3A_73 : i32 to index
      %get3A_553 = arith.constant 640 : index
      %get3A_554 = tpu.vector_load %arg10[%get3A_552, %get3A_553] {strides = array<i32>} : memref<32x1024xf32, #tpu.memory_space<vmem>>, vector<1x16xf32>,
      %get3A_555 = vector.shape_cast %get3A_554 : vector<1x16xf32> to vector<16xf32>
      %mul3A_556 = arith.constant 1.0668962 : f32
      %mul3A_557 = vector.broadcast %mul3A_556 : f32 to vector<16xf32>
      %mul3A_558 = arith.mulf %get3A_555, %mul3A_557 : vector<16xf32>
      %swap3A_559 = arith.index_cast %scan3A_73 : i32 to index
      %swap3A_560 = arith.constant 640 : index
      %swap3A_561 = tpu.vector_load %arg10[%swap3A_559, %swap3A_560] {strides = array<i32>} : memref<32x1024xf32, #tpu.memory_space<vmem>>, vector<1x16xf32>,
      %swap3A_562 = vector.shape_cast %swap3A_561 : vector<1x16xf32> to vector<16xf32>
      %swap3A_563 = vector.shape_cast %mul3A_558 : vector<16xf32> to vector<1x16xf32>
      tpu.vector_store %arg10[%swap3A_559, %swap3A_560], %swap3A_563 {strides = array<i32>} : memref<32x1024xf32, #tpu.memory_space<vmem>>, vector<1x16xf32>,
      %get3A_564 = arith.index_cast %scan3A_73 : i32 to index
      %get3A_565 = arith.constant 656 : index
      %get3A_566 = tpu.vector_load %arg10[%get3A_564, %get3A_565] {strides = array<i32>} : memref<32x1024xf32, #tpu.memory_space<vmem>>, vector<1x16xf32>,
      %get3A_567 = vector.shape_cast %get3A_566 : vector<1x16xf32> to vector<16xf32>
      %mul3A_568 = arith.constant 1.0668962 : f32
      %mul3A_569 = vector.broadcast %mul3A_568 : f32 to vector<16xf32>
      %mul3A_570 = arith.mulf %get3A_567, %mul3A_569 : vector<16xf32>
      %swap3A_571 = arith.index_cast %scan3A_73 : i32 to index
      %swap3A_572 = arith.constant 656 : index
      %swap3A_573 = tpu.vector_load %arg10[%swap3A_571, %swap3A_572] {strides = array<i32>} : memref<32x1024xf32, #tpu.memory_space<vmem>>, vector<1x16xf32>,
      %swap3A_574 = vector.shape_cast %swap3A_573 : vector<1x16xf32> to vector<16xf32>
      %swap3A_575 = vector.shape_cast %mul3A_570 : vector<16xf32> to vector<1x16xf32>
      tpu.vector_store %arg10[%swap3A_571, %swap3A_572], %swap3A_575 {strides = array<i32>} : memref<32x1024xf32, #tpu.memory_space<vmem>>, vector<1x16xf32>,
      %get3A_576 = arith.index_cast %scan3A_73 : i32 to index
      %get3A_577 = arith.constant 672 : index
      %get3A_578 = tpu.vector_load %arg10[%get3A_576, %get3A_577] {strides = array<i32>} : memref<32x1024xf32, #tpu.memory_space<vmem>>, vector<1x16xf32>,
      %get3A_579 = vector.shape_cast %get3A_578 : vector<1x16xf32> to vector<16xf32>
      %mul3A_580 = arith.constant 1.0668962 : f32
      %mul3A_581 = vector.broadcast %mul3A_580 : f32 to vector<16xf32>
      %mul3A_582 = arith.mulf %get3A_579, %mul3A_581 : vector<16xf32>
      %swap3A_583 = arith.index_cast %scan3A_73 : i32 to index
      %swap3A_584 = arith.constant 672 : index
      %swap3A_585 = tpu.vector_load %arg10[%swap3A_583, %swap3A_584] {strides = array<i32>} : memref<32x1024xf32, #tpu.memory_space<vmem>>, vector<1x16xf32>,
      %swap3A_586 = vector.shape_cast %swap3A_585 : vector<1x16xf32> to vector<16xf32>
      %swap3A_587 = vector.shape_cast %mul3A_582 : vector<16xf32> to vector<1x16xf32>
      tpu.vector_store %arg10[%swap3A_583, %swap3A_584], %swap3A_587 {strides = array<i32>} : memref<32x1024xf32, #tpu.memory_space<vmem>>, vector<1x16xf32>,
      %get3A_588 = arith.index_cast %scan3A_73 : i32 to index
      %get3A_589 = arith.constant 688 : index
      %get3A_590 = tpu.vector_load %arg10[%get3A_588, %get3A_589] {strides = array<i32>} : memref<32x1024xf32, #tpu.memory_space<vmem>>, vector<1x16xf32>,
      %get3A_591 = vector.shape_cast %get3A_590 : vector<1x16xf32> to vector<16xf32>
      %mul3A_592 = arith.constant 1.0668962 : f32
      %mul3A_593 = vector.broadcast %mul3A_592 : f32 to vector<16xf32>
      %mul3A_594 = arith.mulf %get3A_591, %mul3A_593 : vector<16xf32>
      %swap3A_595 = arith.index_cast %scan3A_73 : i32 to index
      %swap3A_596 = arith.constant 688 : index
      %swap3A_597 = tpu.vector_load %arg10[%swap3A_595, %swap3A_596] {strides = array<i32>} : memref<32x1024xf32, #tpu.memory_space<vmem>>, vector<1x16xf32>,
      %swap3A_598 = vector.shape_cast %swap3A_597 : vector<1x16xf32> to vector<16xf32>
      %swap3A_599 = vector.shape_cast %mul3A_594 : vector<16xf32> to vector<1x16xf32>
      tpu.vector_store %arg10[%swap3A_595, %swap3A_596], %swap3A_599 {strides = array<i32>} : memref<32x1024xf32, #tpu.memory_space<vmem>>, vector<1x16xf32>,
      %get3A_600 = arith.index_cast %scan3A_73 : i32 to index
      %get3A_601 = arith.constant 704 : index
      %get3A_602 = tpu.vector_load %arg10[%get3A_600, %get3A_601] {strides = array<i32>} : memref<32x1024xf32, #tpu.memory_space<vmem>>, vector<1x16xf32>,
      %get3A_603 = vector.shape_cast %get3A_602 : vector<1x16xf32> to vector<16xf32>
      %mul3A_604 = arith.constant 1.0668962 : f32
      %mul3A_605 = vector.broadcast %mul3A_604 : f32 to vector<16xf32>
      %mul3A_606 = arith.mulf %get3A_603, %mul3A_605 : vector<16xf32>
      %swap3A_607 = arith.index_cast %scan3A_73 : i32 to index
      %swap3A_608 = arith.constant 704 : index
      %swap3A_609 = tpu.vector_load %arg10[%swap3A_607, %swap3A_608] {strides = array<i32>} : memref<32x1024xf32, #tpu.memory_space<vmem>>, vector<1x16xf32>,
      %swap3A_610 = vector.shape_cast %swap3A_609 : vector<1x16xf32> to vector<16xf32>
      %swap3A_611 = vector.shape_cast %mul3A_606 : vector<16xf32> to vector<1x16xf32>
      tpu.vector_store %arg10[%swap3A_607, %swap3A_608], %swap3A_611 {strides = array<i32>} : memref<32x1024xf32, #tpu.memory_space<vmem>>, vector<1x16xf32>,
      %get3A_612 = arith.index_cast %scan3A_73 : i32 to index
      %get3A_613 = arith.constant 720 : index
      %get3A_614 = tpu.vector_load %arg10[%get3A_612, %get3A_613] {strides = array<i32>} : memref<32x1024xf32, #tpu.memory_space<vmem>>, vector<1x16xf32>,
      %get3A_615 = vector.shape_cast %get3A_614 : vector<1x16xf32> to vector<16xf32>
      %mul3A_616 = arith.constant 1.0668962 : f32
      %mul3A_617 = vector.broadcast %mul3A_616 : f32 to vector<16xf32>
      %mul3A_618 = arith.mulf %get3A_615, %mul3A_617 : vector<16xf32>
      %swap3A_619 = arith.index_cast %scan3A_73 : i32 to index
      %swap3A_620 = arith.constant 720 : index
      %swap3A_621 = tpu.vector_load %arg10[%swap3A_619, %swap3A_620] {strides = array<i32>} : memref<32x1024xf32, #tpu.memory_space<vmem>>, vector<1x16xf32>,
      %swap3A_622 = vector.shape_cast %swap3A_621 : vector<1x16xf32> to vector<16xf32>
      %swap3A_623 = vector.shape_cast %mul3A_618 : vector<16xf32> to vector<1x16xf32>
      tpu.vector_store %arg10[%swap3A_619, %swap3A_620], %swap3A_623 {strides = array<i32>} : memref<32x1024xf32, #tpu.memory_space<vmem>>, vector<1x16xf32>,
      %get3A_624 = arith.index_cast %scan3A_73 : i32 to index
      %get3A_625 = arith.constant 736 : index
      %get3A_626 = tpu.vector_load %arg10[%get3A_624, %get3A_625] {strides = array<i32>} : memref<32x1024xf32, #tpu.memory_space<vmem>>, vector<1x16xf32>,
      %get3A_627 = vector.shape_cast %get3A_626 : vector<1x16xf32> to vector<16xf32>
      %mul3A_628 = arith.constant 1.0668962 : f32
      %mul3A_629 = vector.broadcast %mul3A_628 : f32 to vector<16xf32>
      %mul3A_630 = arith.mulf %get3A_627, %mul3A_629 : vector<16xf32>
      %swap3A_631 = arith.index_cast %scan3A_73 : i32 to index
      %swap3A_632 = arith.constant 736 : index
      %swap3A_633 = tpu.vector_load %arg10[%swap3A_631, %swap3A_632] {strides = array<i32>} : memref<32x1024xf32, #tpu.memory_space<vmem>>, vector<1x16xf32>,
      %swap3A_634 = vector.shape_cast %swap3A_633 : vector<1x16xf32> to vector<16xf32>
      %swap3A_635 = vector.shape_cast %mul3A_630 : vector<16xf32> to vector<1x16xf32>
      tpu.vector_store %arg10[%swap3A_631, %swap3A_632], %swap3A_635 {strides = array<i32>} : memref<32x1024xf32, #tpu.memory_space<vmem>>, vector<1x16xf32>,
      %get3A_636 = arith.index_cast %scan3A_73 : i32 to index
      %get3A_637 = arith.constant 752 : index
      %get3A_638 = tpu.vector_load %arg10[%get3A_636, %get3A_637] {strides = array<i32>} : memref<32x1024xf32, #tpu.memory_space<vmem>>, vector<1x16xf32>,
      %get3A_639 = vector.shape_cast %get3A_638 : vector<1x16xf32> to vector<16xf32>
      %mul3A_640 = arith.constant 1.0668962 : f32
      %mul3A_641 = vector.broadcast %mul3A_640 : f32 to vector<16xf32>
      %mul3A_642 = arith.mulf %get3A_639, %mul3A_641 : vector<16xf32>
      %swap3A_643 = arith.index_cast %scan3A_73 : i32 to index
      %swap3A_644 = arith.constant 752 : index
      %swap3A_645 = tpu.vector_load %arg10[%swap3A_643, %swap3A_644] {strides = array<i32>} : memref<32x1024xf32, #tpu.memory_space<vmem>>, vector<1x16xf32>,
      %swap3A_646 = vector.shape_cast %swap3A_645 : vector<1x16xf32> to vector<16xf32>
      %swap3A_647 = vector.shape_cast %mul3A_642 : vector<16xf32> to vector<1x16xf32>
      tpu.vector_store %arg10[%swap3A_643, %swap3A_644], %swap3A_647 {strides = array<i32>} : memref<32x1024xf32, #tpu.memory_space<vmem>>, vector<1x16xf32>,
      %get3A_648 = arith.index_cast %scan3A_73 : i32 to index
      %get3A_649 = arith.constant 768 : index
      %get3A_650 = tpu.vector_load %arg10[%get3A_648, %get3A_649] {strides = array<i32>} : memref<32x1024xf32, #tpu.memory_space<vmem>>, vector<1x16xf32>,
      %get3A_651 = vector.shape_cast %get3A_650 : vector<1x16xf32> to vector<16xf32>
      %mul3A_652 = arith.constant 1.0668962 : f32
      %mul3A_653 = vector.broadcast %mul3A_652 : f32 to vector<16xf32>
      %mul3A_654 = arith.mulf %get3A_651, %mul3A_653 : vector<16xf32>
      %swap3A_655 = arith.index_cast %scan3A_73 : i32 to index
      %swap3A_656 = arith.constant 768 : index
      %swap3A_657 = tpu.vector_load %arg10[%swap3A_655, %swap3A_656] {strides = array<i32>} : memref<32x1024xf32, #tpu.memory_space<vmem>>, vector<1x16xf32>,
      %swap3A_658 = vector.shape_cast %swap3A_657 : vector<1x16xf32> to vector<16xf32>
      %swap3A_659 = vector.shape_cast %mul3A_654 : vector<16xf32> to vector<1x16xf32>
      tpu.vector_store %arg10[%swap3A_655, %swap3A_656], %swap3A_659 {strides = array<i32>} : memref<32x1024xf32, #tpu.memory_space<vmem>>, vector<1x16xf32>,
      %get3A_660 = arith.index_cast %scan3A_73 : i32 to index
      %get3A_661 = arith.constant 784 : index
      %get3A_662 = tpu.vector_load %arg10[%get3A_660, %get3A_661] {strides = array<i32>} : memref<32x1024xf32, #tpu.memory_space<vmem>>, vector<1x16xf32>,
      %get3A_663 = vector.shape_cast %get3A_662 : vector<1x16xf32> to vector<16xf32>
      %mul3A_664 = arith.constant 1.0668962 : f32
      %mul3A_665 = vector.broadcast %mul3A_664 : f32 to vector<16xf32>
      %mul3A_666 = arith.mulf %get3A_663, %mul3A_665 : vector<16xf32>
      %swap3A_667 = arith.index_cast %scan3A_73 : i32 to index
      %swap3A_668 = arith.constant 784 : index
      %swap3A_669 = tpu.vector_load %arg10[%swap3A_667, %swap3A_668] {strides = array<i32>} : memref<32x1024xf32, #tpu.memory_space<vmem>>, vector<1x16xf32>,
      %swap3A_670 = vector.shape_cast %swap3A_669 : vector<1x16xf32> to vector<16xf32>
      %swap3A_671 = vector.shape_cast %mul3A_666 : vector<16xf32> to vector<1x16xf32>
      tpu.vector_store %arg10[%swap3A_667, %swap3A_668], %swap3A_671 {strides = array<i32>} : memref<32x1024xf32, #tpu.memory_space<vmem>>, vector<1x16xf32>,
      %get3A_672 = arith.index_cast %scan3A_73 : i32 to index
      %get3A_673 = arith.constant 800 : index
      %get3A_674 = tpu.vector_load %arg10[%get3A_672, %get3A_673] {strides = array<i32>} : memref<32x1024xf32, #tpu.memory_space<vmem>>, vector<1x16xf32>,
      %get3A_675 = vector.shape_cast %get3A_674 : vector<1x16xf32> to vector<16xf32>
      %mul3A_676 = arith.constant 1.0668962 : f32
      %mul3A_677 = vector.broadcast %mul3A_676 : f32 to vector<16xf32>
      %mul3A_678 = arith.mulf %get3A_675, %mul3A_677 : vector<16xf32>
      %swap3A_679 = arith.index_cast %scan3A_73 : i32 to index
      %swap3A_680 = arith.constant 800 : index
      %swap3A_681 = tpu.vector_load %arg10[%swap3A_679, %swap3A_680] {strides = array<i32>} : memref<32x1024xf32, #tpu.memory_space<vmem>>, vector<1x16xf32>,
      %swap3A_682 = vector.shape_cast %swap3A_681 : vector<1x16xf32> to vector<16xf32>
      %swap3A_683 = vector.shape_cast %mul3A_678 : vector<16xf32> to vector<1x16xf32>
      tpu.vector_store %arg10[%swap3A_679, %swap3A_680], %swap3A_683 {strides = array<i32>} : memref<32x1024xf32, #tpu.memory_space<vmem>>, vector<1x16xf32>,
      %get3A_684 = arith.index_cast %scan3A_73 : i32 to index
      %get3A_685 = arith.constant 816 : index
      %get3A_686 = tpu.vector_load %arg10[%get3A_684, %get3A_685] {strides = array<i32>} : memref<32x1024xf32, #tpu.memory_space<vmem>>, vector<1x16xf32>,
      %get3A_687 = vector.shape_cast %get3A_686 : vector<1x16xf32> to vector<16xf32>
      %mul3A_688 = arith.constant 1.0668962 : f32
      %mul3A_689 = vector.broadcast %mul3A_688 : f32 to vector<16xf32>
      %mul3A_690 = arith.mulf %get3A_687, %mul3A_689 : vector<16xf32>
      %swap3A_691 = arith.index_cast %scan3A_73 : i32 to index
      %swap3A_692 = arith.constant 816 : index
      %swap3A_693 = tpu.vector_load %arg10[%swap3A_691, %swap3A_692] {strides = array<i32>} : memref<32x1024xf32, #tpu.memory_space<vmem>>, vector<1x16xf32>,
      %swap3A_694 = vector.shape_cast %swap3A_693 : vector<1x16xf32> to vector<16xf32>
      %swap3A_695 = vector.shape_cast %mul3A_690 : vector<16xf32> to vector<1x16xf32>
      tpu.vector_store %arg10[%swap3A_691, %swap3A_692], %swap3A_695 {strides = array<i32>} : memref<32x1024xf32, #tpu.memory_space<vmem>>, vector<1x16xf32>,
      %get3A_696 = arith.index_cast %scan3A_73 : i32 to index
      %get3A_697 = arith.constant 832 : index
      %get3A_698 = tpu.vector_load %arg10[%get3A_696, %get3A_697] {strides = array<i32>} : memref<32x1024xf32, #tpu.memory_space<vmem>>, vector<1x16xf32>,
      %get3A_699 = vector.shape_cast %get3A_698 : vector<1x16xf32> to vector<16xf32>
      %mul3A_700 = arith.constant 1.0668962 : f32
      %mul3A_701 = vector.broadcast %mul3A_700 : f32 to vector<16xf32>
      %mul3A_702 = arith.mulf %get3A_699, %mul3A_701 : vector<16xf32>
      %swap3A_703 = arith.index_cast %scan3A_73 : i32 to index
      %swap3A_704 = arith.constant 832 : index
      %swap3A_705 = tpu.vector_load %arg10[%swap3A_703, %swap3A_704] {strides = array<i32>} : memref<32x1024xf32, #tpu.memory_space<vmem>>, vector<1x16xf32>,
      %swap3A_706 = vector.shape_cast %swap3A_705 : vector<1x16xf32> to vector<16xf32>
      %swap3A_707 = vector.shape_cast %mul3A_702 : vector<16xf32> to vector<1x16xf32>
      tpu.vector_store %arg10[%swap3A_703, %swap3A_704], %swap3A_707 {strides = array<i32>} : memref<32x1024xf32, #tpu.memory_space<vmem>>, vector<1x16xf32>,
      %get3A_708 = arith.index_cast %scan3A_73 : i32 to index
      %get3A_709 = arith.constant 848 : index
      %get3A_710 = tpu.vector_load %arg10[%get3A_708, %get3A_709] {strides = array<i32>} : memref<32x1024xf32, #tpu.memory_space<vmem>>, vector<1x16xf32>,
      %get3A_711 = vector.shape_cast %get3A_710 : vector<1x16xf32> to vector<16xf32>
      %mul3A_712 = arith.constant 1.0668962 : f32
      %mul3A_713 = vector.broadcast %mul3A_712 : f32 to vector<16xf32>
      %mul3A_714 = arith.mulf %get3A_711, %mul3A_713 : vector<16xf32>
      %swap3A_715 = arith.index_cast %scan3A_73 : i32 to index
      %swap3A_716 = arith.constant 848 : index
      %swap3A_717 = tpu.vector_load %arg10[%swap3A_715, %swap3A_716] {strides = array<i32>} : memref<32x1024xf32, #tpu.memory_space<vmem>>, vector<1x16xf32>,
      %swap3A_718 = vector.shape_cast %swap3A_717 : vector<1x16xf32> to vector<16xf32>
      %swap3A_719 = vector.shape_cast %mul3A_714 : vector<16xf32> to vector<1x16xf32>
      tpu.vector_store %arg10[%swap3A_715, %swap3A_716], %swap3A_719 {strides = array<i32>} : memref<32x1024xf32, #tpu.memory_space<vmem>>, vector<1x16xf32>,
      %get3A_720 = arith.index_cast %scan3A_73 : i32 to index
      %get3A_721 = arith.constant 864 : index
      %get3A_722 = tpu.vector_load %arg10[%get3A_720, %get3A_721] {strides = array<i32>} : memref<32x1024xf32, #tpu.memory_space<vmem>>, vector<1x16xf32>,
      %get3A_723 = vector.shape_cast %get3A_722 : vector<1x16xf32> to vector<16xf32>
      %mul3A_724 = arith.constant 1.0668962 : f32
      %mul3A_725 = vector.broadcast %mul3A_724 : f32 to vector<16xf32>
      %mul3A_726 = arith.mulf %get3A_723, %mul3A_725 : vector<16xf32>
      %swap3A_727 = arith.index_cast %scan3A_73 : i32 to index
      %swap3A_728 = arith.constant 864 : index
      %swap3A_729 = tpu.vector_load %arg10[%swap3A_727, %swap3A_728] {strides = array<i32>} : memref<32x1024xf32, #tpu.memory_space<vmem>>, vector<1x16xf32>,
      %swap3A_730 = vector.shape_cast %swap3A_729 : vector<1x16xf32> to vector<16xf32>
      %swap3A_731 = vector.shape_cast %mul3A_726 : vector<16xf32> to vector<1x16xf32>
      tpu.vector_store %arg10[%swap3A_727, %swap3A_728], %swap3A_731 {strides = array<i32>} : memref<32x1024xf32, #tpu.memory_space<vmem>>, vector<1x16xf32>,
      %get3A_732 = arith.index_cast %scan3A_73 : i32 to index
      %get3A_733 = arith.constant 880 : index
      %get3A_734 = tpu.vector_load %arg10[%get3A_732, %get3A_733] {strides = array<i32>} : memref<32x1024xf32, #tpu.memory_space<vmem>>, vector<1x16xf32>,
      %get3A_735 = vector.shape_cast %get3A_734 : vector<1x16xf32> to vector<16xf32>
      %mul3A_736 = arith.constant 1.0668962 : f32
      %mul3A_737 = vector.broadcast %mul3A_736 : f32 to vector<16xf32>
      %mul3A_738 = arith.mulf %get3A_735, %mul3A_737 : vector<16xf32>
      %swap3A_739 = arith.index_cast %scan3A_73 : i32 to index
      %swap3A_740 = arith.constant 880 : index
      %swap3A_741 = tpu.vector_load %arg10[%swap3A_739, %swap3A_740] {strides = array<i32>} : memref<32x1024xf32, #tpu.memory_space<vmem>>, vector<1x16xf32>,
      %swap3A_742 = vector.shape_cast %swap3A_741 : vector<1x16xf32> to vector<16xf32>
      %swap3A_743 = vector.shape_cast %mul3A_738 : vector<16xf32> to vector<1x16xf32>
      tpu.vector_store %arg10[%swap3A_739, %swap3A_740], %swap3A_743 {strides = array<i32>} : memref<32x1024xf32, #tpu.memory_space<vmem>>, vector<1x16xf32>,
      %get3A_744 = arith.index_cast %scan3A_73 : i32 to index
      %get3A_745 = arith.constant 896 : index
      %get3A_746 = tpu.vector_load %arg10[%get3A_744, %get3A_745] {strides = array<i32>} : memref<32x1024xf32, #tpu.memory_space<vmem>>, vector<1x16xf32>,
      %get3A_747 = vector.shape_cast %get3A_746 : vector<1x16xf32> to vector<16xf32>
      %mul3A_748 = arith.constant 1.0668962 : f32
      %mul3A_749 = vector.broadcast %mul3A_748 : f32 to vector<16xf32>
      %mul3A_750 = arith.mulf %get3A_747, %mul3A_749 : vector<16xf32>
      %swap3A_751 = arith.index_cast %scan3A_73 : i32 to index
      %swap3A_752 = arith.constant 896 : index
      %swap3A_753 = tpu.vector_load %arg10[%swap3A_751, %swap3A_752] {strides = array<i32>} : memref<32x1024xf32, #tpu.memory_space<vmem>>, vector<1x16xf32>,
      %swap3A_754 = vector.shape_cast %swap3A_753 : vector<1x16xf32> to vector<16xf32>
      %swap3A_755 = vector.shape_cast %mul3A_750 : vector<16xf32> to vector<1x16xf32>
      tpu.vector_store %arg10[%swap3A_751, %swap3A_752], %swap3A_755 {strides = array<i32>} : memref<32x1024xf32, #tpu.memory_space<vmem>>, vector<1x16xf32>,
      %get3A_756 = arith.index_cast %scan3A_73 : i32 to index
      %get3A_757 = arith.constant 912 : index
      %get3A_758 = tpu.vector_load %arg10[%get3A_756, %get3A_757] {strides = array<i32>} : memref<32x1024xf32, #tpu.memory_space<vmem>>, vector<1x16xf32>,
      %get3A_759 = vector.shape_cast %get3A_758 : vector<1x16xf32> to vector<16xf32>
      %mul3A_760 = arith.constant 1.0668962 : f32
      %mul3A_761 = vector.broadcast %mul3A_760 : f32 to vector<16xf32>
      %mul3A_762 = arith.mulf %get3A_759, %mul3A_761 : vector<16xf32>
      %swap3A_763 = arith.index_cast %scan3A_73 : i32 to index
      %swap3A_764 = arith.constant 912 : index
      %swap3A_765 = tpu.vector_load %arg10[%swap3A_763, %swap3A_764] {strides = array<i32>} : memref<32x1024xf32, #tpu.memory_space<vmem>>, vector<1x16xf32>,
      %swap3A_766 = vector.shape_cast %swap3A_765 : vector<1x16xf32> to vector<16xf32>
      %swap3A_767 = vector.shape_cast %mul3A_762 : vector<16xf32> to vector<1x16xf32>
      tpu.vector_store %arg10[%swap3A_763, %swap3A_764], %swap3A_767 {strides = array<i32>} : memref<32x1024xf32, #tpu.memory_space<vmem>>, vector<1x16xf32>,
      %get3A_768 = arith.index_cast %scan3A_73 : i32 to index
      %get3A_769 = arith.constant 928 : index
      %get3A_770 = tpu.vector_load %arg10[%get3A_768, %get3A_769] {strides = array<i32>} : memref<32x1024xf32, #tpu.memory_space<vmem>>, vector<1x16xf32>,
      %get3A_771 = vector.shape_cast %get3A_770 : vector<1x16xf32> to vector<16xf32>
      %mul3A_772 = arith.constant 1.0668962 : f32
      %mul3A_773 = vector.broadcast %mul3A_772 : f32 to vector<16xf32>
      %mul3A_774 = arith.mulf %get3A_771, %mul3A_773 : vector<16xf32>
      %swap3A_775 = arith.index_cast %scan3A_73 : i32 to index
      %swap3A_776 = arith.constant 928 : index
      %swap3A_777 = tpu.vector_load %arg10[%swap3A_775, %swap3A_776] {strides = array<i32>} : memref<32x1024xf32, #tpu.memory_space<vmem>>, vector<1x16xf32>,
      %swap3A_778 = vector.shape_cast %swap3A_777 : vector<1x16xf32> to vector<16xf32>
      %swap3A_779 = vector.shape_cast %mul3A_774 : vector<16xf32> to vector<1x16xf32>
      tpu.vector_store %arg10[%swap3A_775, %swap3A_776], %swap3A_779 {strides = array<i32>} : memref<32x1024xf32, #tpu.memory_space<vmem>>, vector<1x16xf32>,
      %get3A_780 = arith.index_cast %scan3A_73 : i32 to index
      %get3A_781 = arith.constant 944 : index
      %get3A_782 = tpu.vector_load %arg10[%get3A_780, %get3A_781] {strides = array<i32>} : memref<32x1024xf32, #tpu.memory_space<vmem>>, vector<1x16xf32>,
      %get3A_783 = vector.shape_cast %get3A_782 : vector<1x16xf32> to vector<16xf32>
      %mul3A_784 = arith.constant 1.0668962 : f32
      %mul3A_785 = vector.broadcast %mul3A_784 : f32 to vector<16xf32>
      %mul3A_786 = arith.mulf %get3A_783, %mul3A_785 : vector<16xf32>
      %swap3A_787 = arith.index_cast %scan3A_73 : i32 to index
      %swap3A_788 = arith.constant 944 : index
      %swap3A_789 = tpu.vector_load %arg10[%swap3A_787, %swap3A_788] {strides = array<i32>} : memref<32x1024xf32, #tpu.memory_space<vmem>>, vector<1x16xf32>,
      %swap3A_790 = vector.shape_cast %swap3A_789 : vector<1x16xf32> to vector<16xf32>
      %swap3A_791 = vector.shape_cast %mul3A_786 : vector<16xf32> to vector<1x16xf32>
      tpu.vector_store %arg10[%swap3A_787, %swap3A_788], %swap3A_791 {strides = array<i32>} : memref<32x1024xf32, #tpu.memory_space<vmem>>, vector<1x16xf32>,
      %get3A_792 = arith.index_cast %scan3A_73 : i32 to index
      %get3A_793 = arith.constant 960 : index
      %get3A_794 = tpu.vector_load %arg10[%get3A_792, %get3A_793] {strides = array<i32>} : memref<32x1024xf32, #tpu.memory_space<vmem>>, vector<1x16xf32>,
      %get3A_795 = vector.shape_cast %get3A_794 : vector<1x16xf32> to vector<16xf32>
      %mul3A_796 = arith.constant 1.0668962 : f32
      %mul3A_797 = vector.broadcast %mul3A_796 : f32 to vector<16xf32>
      %mul3A_798 = arith.mulf %get3A_795, %mul3A_797 : vector<16xf32>
      %swap3A_799 = arith.index_cast %scan3A_73 : i32 to index
      %swap3A_800 = arith.constant 960 : index
      %swap3A_801 = tpu.vector_load %arg10[%swap3A_799, %swap3A_800] {strides = array<i32>} : memref<32x1024xf32, #tpu.memory_space<vmem>>, vector<1x16xf32>,
      %swap3A_802 = vector.shape_cast %swap3A_801 : vector<1x16xf32> to vector<16xf32>
      %swap3A_803 = vector.shape_cast %mul3A_798 : vector<16xf32> to vector<1x16xf32>
      tpu.vector_store %arg10[%swap3A_799, %swap3A_800], %swap3A_803 {strides = array<i32>} : memref<32x1024xf32, #tpu.memory_space<vmem>>, vector<1x16xf32>,
      %get3A_804 = arith.index_cast %scan3A_73 : i32 to index
      %get3A_805 = arith.constant 976 : index
      %get3A_806 = tpu.vector_load %arg10[%get3A_804, %get3A_805] {strides = array<i32>} : memref<32x1024xf32, #tpu.memory_space<vmem>>, vector<1x16xf32>,
      %get3A_807 = vector.shape_cast %get3A_806 : vector<1x16xf32> to vector<16xf32>
      %mul3A_808 = arith.constant 1.0668962 : f32
      %mul3A_809 = vector.broadcast %mul3A_808 : f32 to vector<16xf32>
      %mul3A_810 = arith.mulf %get3A_807, %mul3A_809 : vector<16xf32>
      %swap3A_811 = arith.index_cast %scan3A_73 : i32 to index
      %swap3A_812 = arith.constant 976 : index
      %swap3A_813 = tpu.vector_load %arg10[%swap3A_811, %swap3A_812] {strides = array<i32>} : memref<32x1024xf32, #tpu.memory_space<vmem>>, vector<1x16xf32>,
      %swap3A_814 = vector.shape_cast %swap3A_813 : vector<1x16xf32> to vector<16xf32>
      %swap3A_815 = vector.shape_cast %mul3A_810 : vector<16xf32> to vector<1x16xf32>
      tpu.vector_store %arg10[%swap3A_811, %swap3A_812], %swap3A_815 {strides = array<i32>} : memref<32x1024xf32, #tpu.memory_space<vmem>>, vector<1x16xf32>,
      %get3A_816 = arith.index_cast %scan3A_73 : i32 to index
      %get3A_817 = arith.constant 992 : index
      %get3A_818 = tpu.vector_load %arg10[%get3A_816, %get3A_817] {strides = array<i32>} : memref<32x1024xf32, #tpu.memory_space<vmem>>, vector<1x16xf32>,
      %get3A_819 = vector.shape_cast %get3A_818 : vector<1x16xf32> to vector<16xf32>
      %mul3A_820 = arith.constant 1.0668962 : f32
      %mul3A_821 = vector.broadcast %mul3A_820 : f32 to vector<16xf32>
      %mul3A_822 = arith.mulf %get3A_819, %mul3A_821 : vector<16xf32>
      %swap3A_823 = arith.index_cast %scan3A_73 : i32 to index
      %swap3A_824 = arith.constant 992 : index
      %swap3A_825 = tpu.vector_load %arg10[%swap3A_823, %swap3A_824] {strides = array<i32>} : memref<32x1024xf32, #tpu.memory_space<vmem>>, vector<1x16xf32>,
      %swap3A_826 = vector.shape_cast %swap3A_825 : vector<1x16xf32> to vector<16xf32>
      %swap3A_827 = vector.shape_cast %mul3A_822 : vector<16xf32> to vector<1x16xf32>
      tpu.vector_store %arg10[%swap3A_823, %swap3A_824], %swap3A_827 {strides = array<i32>} : memref<32x1024xf32, #tpu.memory_space<vmem>>, vector<1x16xf32>,
      %get3A_828 = arith.index_cast %scan3A_73 : i32 to index
      %get3A_829 = arith.constant 1008 : index
      %get3A_830 = tpu.vector_load %arg10[%get3A_828, %get3A_829] {strides = array<i32>} : memref<32x1024xf32, #tpu.memory_space<vmem>>, vector<1x16xf32>,
      %get3A_831 = vector.shape_cast %get3A_830 : vector<1x16xf32> to vector<16xf32>
      %mul3A_832 = arith.constant 1.0668962 : f32
      %mul3A_833 = vector.broadcast %mul3A_832 : f32 to vector<16xf32>
      %mul3A_834 = arith.mulf %get3A_831, %mul3A_833 : vector<16xf32>
      %swap3A_835 = arith.index_cast %scan3A_73 : i32 to index
      %swap3A_836 = arith.constant 1008 : index
      %swap3A_837 = tpu.vector_load %arg10[%swap3A_835, %swap3A_836] {strides = array<i32>} : memref<32x1024xf32, #tpu.memory_space<vmem>>, vector<1x16xf32>,
      %swap3A_838 = vector.shape_cast %swap3A_837 : vector<1x16xf32> to vector<16xf32>
      %swap3A_839 = vector.shape_cast %mul3A_834 : vector<16xf32> to vector<1x16xf32>
      tpu.vector_store %arg10[%swap3A_835, %swap3A_836], %swap3A_839 {strides = array<i32>} : memref<32x1024xf32, #tpu.memory_space<vmem>>, vector<1x16xf32>,
    }
    %scan3A_51 = arith.constant 32 : i32
    %dma_start3A_52 = arith.constant 0 : i32
    %dma_start3A_53 = arith.constant 0 : i32
    %dma_start3A_54 = tpu.memref_slice %arg5[%dma_start3A_52, %dma_start3A_53] : memref<65536x1024xf32, #tpu.memory_space<hbm>> -> memref<65536x1024xf32, #tpu.memory_space<hbm>>
    tpu.enqueue_indirect_dma source(%arg10 : memref<32x1024xf32, #tpu.memory_space<vmem>>) target(%dma_start3A_54 : memref<65536x1024xf32, #tpu.memory_space<hbm>>) offsets(%arg8 : memref<32xi32, #tpu.memory_space<vmem>>) semaphore(%arg14 : memref<!tpu.dma_semaphore, #tpu.memory_space<semaphore_mem>>)
    %dma_wait3A_55 = arith.constant 0 : i32
    %dma_wait3A_56 = arith.constant 0 : i32
    %dma_wait3A_57 = tpu.memref_slice %arg3[%dma_wait3A_55, %dma_wait3A_56] : memref<65536x1024xf32, #tpu.memory_space<hbm>> -> memref<65536x1024xf32, #tpu.memory_space<hbm>>
    tpu.wait_indirect_dma semaphore(%arg13 : memref<!tpu.dma_semaphore, #tpu.memory_space<semaphore_mem>>) src(%dma_wait3A_57 : memref<65536x1024xf32, #tpu.memory_space<hbm>>) dst(%arg11 : memref<32x1024xf32, #tpu.memory_space<vmem>>)
    %scan3A_58 = arith.constant 0 : i32
    %scan3A_59 = arith.constant 0 : i32
    %scan3A_60 = arith.constant 32 : i32
    %scan3A_61 = arith.addi %scan3A_59, %scan3A_60 : i32
    %scan3A_62 = arith.constant 1 : i32
    scf.for %scan3A_73 = %scan3A_59 to %scan3A_61 step %scan3A_62  : i32 {
      %get3A = arith.index_cast %scan3A_73 : i32 to index
      %get3A_74 = arith.constant 0 : index
      %get3A_75 = tpu.vector_load %arg11[%get3A, %get3A_74] {strides = array<i32>} : memref<32x1024xf32, #tpu.memory_space<vmem>>, vector<1x16xf32>,
      %get3A_76 = vector.shape_cast %get3A_75 : vector<1x16xf32> to vector<16xf32>
      %mul3A_77 = arith.constant 1.0668962 : f32
      %mul3A_78 = vector.broadcast %mul3A_77 : f32 to vector<16xf32>
      %mul3A_79 = arith.mulf %get3A_76, %mul3A_78 : vector<16xf32>
      %swap3A = arith.index_cast %scan3A_73 : i32 to index
      %swap3A_80 = arith.constant 0 : index
      %swap3A_81 = tpu.vector_load %arg11[%swap3A, %swap3A_80] {strides = array<i32>} : memref<32x1024xf32, #tpu.memory_space<vmem>>, vector<1x16xf32>,
      %swap3A_82 = vector.shape_cast %swap3A_81 : vector<1x16xf32> to vector<16xf32>
      %swap3A_83 = vector.shape_cast %mul3A_79 : vector<16xf32> to vector<1x16xf32>
      tpu.vector_store %arg11[%swap3A, %swap3A_80], %swap3A_83 {strides = array<i32>} : memref<32x1024xf32, #tpu.memory_space<vmem>>, vector<1x16xf32>,
      %get3A_84 = arith.index_cast %scan3A_73 : i32 to index
      %get3A_85 = arith.constant 16 : index
      %get3A_86 = tpu.vector_load %arg11[%get3A_84, %get3A_85] {strides = array<i32>} : memref<32x1024xf32, #tpu.memory_space<vmem>>, vector<1x16xf32>,
      %get3A_87 = vector.shape_cast %get3A_86 : vector<1x16xf32> to vector<16xf32>
      %mul3A_88 = arith.constant 1.0668962 : f32
      %mul3A_89 = vector.broadcast %mul3A_88 : f32 to vector<16xf32>
      %mul3A_90 = arith.mulf %get3A_87, %mul3A_89 : vector<16xf32>
      %swap3A_91 = arith.index_cast %scan3A_73 : i32 to index
      %swap3A_92 = arith.constant 16 : index
      %swap3A_93 = tpu.vector_load %arg11[%swap3A_91, %swap3A_92] {strides = array<i32>} : memref<32x1024xf32, #tpu.memory_space<vmem>>, vector<1x16xf32>,
      %swap3A_94 = vector.shape_cast %swap3A_93 : vector<1x16xf32> to vector<16xf32>
      %swap3A_95 = vector.shape_cast %mul3A_90 : vector<16xf32> to vector<1x16xf32>
      tpu.vector_store %arg11[%swap3A_91, %swap3A_92], %swap3A_95 {strides = array<i32>} : memref<32x1024xf32, #tpu.memory_space<vmem>>, vector<1x16xf32>,
      %get3A_96 = arith.index_cast %scan3A_73 : i32 to index
      %get3A_97 = arith.constant 32 : index
      %get3A_98 = tpu.vector_load %arg11[%get3A_96, %get3A_97] {strides = array<i32>} : memref<32x1024xf32, #tpu.memory_space<vmem>>, vector<1x16xf32>,
      %get3A_99 = vector.shape_cast %get3A_98 : vector<1x16xf32> to vector<16xf32>
      %mul3A_100 = arith.constant 1.0668962 : f32
      %mul3A_101 = vector.broadcast %mul3A_100 : f32 to vector<16xf32>
      %mul3A_102 = arith.mulf %get3A_99, %mul3A_101 : vector<16xf32>
      %swap3A_103 = arith.index_cast %scan3A_73 : i32 to index
      %swap3A_104 = arith.constant 32 : index
      %swap3A_105 = tpu.vector_load %arg11[%swap3A_103, %swap3A_104] {strides = array<i32>} : memref<32x1024xf32, #tpu.memory_space<vmem>>, vector<1x16xf32>,
      %swap3A_106 = vector.shape_cast %swap3A_105 : vector<1x16xf32> to vector<16xf32>
      %swap3A_107 = vector.shape_cast %mul3A_102 : vector<16xf32> to vector<1x16xf32>
      tpu.vector_store %arg11[%swap3A_103, %swap3A_104], %swap3A_107 {strides = array<i32>} : memref<32x1024xf32, #tpu.memory_space<vmem>>, vector<1x16xf32>,
      %get3A_108 = arith.index_cast %scan3A_73 : i32 to index
      %get3A_109 = arith.constant 48 : index
      %get3A_110 = tpu.vector_load %arg11[%get3A_108, %get3A_109] {strides = array<i32>} : memref<32x1024xf32, #tpu.memory_space<vmem>>, vector<1x16xf32>,
      %get3A_111 = vector.shape_cast %get3A_110 : vector<1x16xf32> to vector<16xf32>
      %mul3A_112 = arith.constant 1.0668962 : f32
      %mul3A_113 = vector.broadcast %mul3A_112 : f32 to vector<16xf32>
      %mul3A_114 = arith.mulf %get3A_111, %mul3A_113 : vector<16xf32>
      %swap3A_115 = arith.index_cast %scan3A_73 : i32 to index
      %swap3A_116 = arith.constant 48 : index
      %swap3A_117 = tpu.vector_load %arg11[%swap3A_115, %swap3A_116] {strides = array<i32>} : memref<32x1024xf32, #tpu.memory_space<vmem>>, vector<1x16xf32>,
      %swap3A_118 = vector.shape_cast %swap3A_117 : vector<1x16xf32> to vector<16xf32>
      %swap3A_119 = vector.shape_cast %mul3A_114 : vector<16xf32> to vector<1x16xf32>
      tpu.vector_store %arg11[%swap3A_115, %swap3A_116], %swap3A_119 {strides = array<i32>} : memref<32x1024xf32, #tpu.memory_space<vmem>>, vector<1x16xf32>,
      %get3A_120 = arith.index_cast %scan3A_73 : i32 to index
      %get3A_121 = arith.constant 64 : index
      %get3A_122 = tpu.vector_load %arg11[%get3A_120, %get3A_121] {strides = array<i32>} : memref<32x1024xf32, #tpu.memory_space<vmem>>, vector<1x16xf32>,
      %get3A_123 = vector.shape_cast %get3A_122 : vector<1x16xf32> to vector<16xf32>
      %mul3A_124 = arith.constant 1.0668962 : f32
      %mul3A_125 = vector.broadcast %mul3A_124 : f32 to vector<16xf32>
      %mul3A_126 = arith.mulf %get3A_123, %mul3A_125 : vector<16xf32>
      %swap3A_127 = arith.index_cast %scan3A_73 : i32 to index
      %swap3A_128 = arith.constant 64 : index
      %swap3A_129 = tpu.vector_load %arg11[%swap3A_127, %swap3A_128] {strides = array<i32>} : memref<32x1024xf32, #tpu.memory_space<vmem>>, vector<1x16xf32>,
      %swap3A_130 = vector.shape_cast %swap3A_129 : vector<1x16xf32> to vector<16xf32>
      %swap3A_131 = vector.shape_cast %mul3A_126 : vector<16xf32> to vector<1x16xf32>
      tpu.vector_store %arg11[%swap3A_127, %swap3A_128], %swap3A_131 {strides = array<i32>} : memref<32x1024xf32, #tpu.memory_space<vmem>>, vector<1x16xf32>,
      %get3A_132 = arith.index_cast %scan3A_73 : i32 to index
      %get3A_133 = arith.constant 80 : index
      %get3A_134 = tpu.vector_load %arg11[%get3A_132, %get3A_133] {strides = array<i32>} : memref<32x1024xf32, #tpu.memory_space<vmem>>, vector<1x16xf32>,
      %get3A_135 = vector.shape_cast %get3A_134 : vector<1x16xf32> to vector<16xf32>
      %mul3A_136 = arith.constant 1.0668962 : f32
      %mul3A_137 = vector.broadcast %mul3A_136 : f32 to vector<16xf32>
      %mul3A_138 = arith.mulf %get3A_135, %mul3A_137 : vector<16xf32>
      %swap3A_139 = arith.index_cast %scan3A_73 : i32 to index
      %swap3A_140 = arith.constant 80 : index
      %swap3A_141 = tpu.vector_load %arg11[%swap3A_139, %swap3A_140] {strides = array<i32>} : memref<32x1024xf32, #tpu.memory_space<vmem>>, vector<1x16xf32>,
      %swap3A_142 = vector.shape_cast %swap3A_141 : vector<1x16xf32> to vector<16xf32>
      %swap3A_143 = vector.shape_cast %mul3A_138 : vector<16xf32> to vector<1x16xf32>
      tpu.vector_store %arg11[%swap3A_139, %swap3A_140], %swap3A_143 {strides = array<i32>} : memref<32x1024xf32, #tpu.memory_space<vmem>>, vector<1x16xf32>,
      %get3A_144 = arith.index_cast %scan3A_73 : i32 to index
      %get3A_145 = arith.constant 96 : index
      %get3A_146 = tpu.vector_load %arg11[%get3A_144, %get3A_145] {strides = array<i32>} : memref<32x1024xf32, #tpu.memory_space<vmem>>, vector<1x16xf32>,
      %get3A_147 = vector.shape_cast %get3A_146 : vector<1x16xf32> to vector<16xf32>
      %mul3A_148 = arith.constant 1.0668962 : f32
      %mul3A_149 = vector.broadcast %mul3A_148 : f32 to vector<16xf32>
      %mul3A_150 = arith.mulf %get3A_147, %mul3A_149 : vector<16xf32>
      %swap3A_151 = arith.index_cast %scan3A_73 : i32 to index
      %swap3A_152 = arith.constant 96 : index
      %swap3A_153 = tpu.vector_load %arg11[%swap3A_151, %swap3A_152] {strides = array<i32>} : memref<32x1024xf32, #tpu.memory_space<vmem>>, vector<1x16xf32>,
      %swap3A_154 = vector.shape_cast %swap3A_153 : vector<1x16xf32> to vector<16xf32>
      %swap3A_155 = vector.shape_cast %mul3A_150 : vector<16xf32> to vector<1x16xf32>
      tpu.vector_store %arg11[%swap3A_151, %swap3A_152], %swap3A_155 {strides = array<i32>} : memref<32x1024xf32, #tpu.memory_space<vmem>>, vector<1x16xf32>,
      %get3A_156 = arith.index_cast %scan3A_73 : i32 to index
      %get3A_157 = arith.constant 112 : index
      %get3A_158 = tpu.vector_load %arg11[%get3A_156, %get3A_157] {strides = array<i32>} : memref<32x1024xf32, #tpu.memory_space<vmem>>, vector<1x16xf32>,
      %get3A_159 = vector.shape_cast %get3A_158 : vector<1x16xf32> to vector<16xf32>
      %mul3A_160 = arith.constant 1.0668962 : f32
      %mul3A_161 = vector.broadcast %mul3A_160 : f32 to vector<16xf32>
      %mul3A_162 = arith.mulf %get3A_159, %mul3A_161 : vector<16xf32>
      %swap3A_163 = arith.index_cast %scan3A_73 : i32 to index
      %swap3A_164 = arith.constant 112 : index
      %swap3A_165 = tpu.vector_load %arg11[%swap3A_163, %swap3A_164] {strides = array<i32>} : memref<32x1024xf32, #tpu.memory_space<vmem>>, vector<1x16xf32>,
      %swap3A_166 = vector.shape_cast %swap3A_165 : vector<1x16xf32> to vector<16xf32>
      %swap3A_167 = vector.shape_cast %mul3A_162 : vector<16xf32> to vector<1x16xf32>
      tpu.vector_store %arg11[%swap3A_163, %swap3A_164], %swap3A_167 {strides = array<i32>} : memref<32x1024xf32, #tpu.memory_space<vmem>>, vector<1x16xf32>,
      %get3A_168 = arith.index_cast %scan3A_73 : i32 to index
      %get3A_169 = arith.constant 128 : index
      %get3A_170 = tpu.vector_load %arg11[%get3A_168, %get3A_169] {strides = array<i32>} : memref<32x1024xf32, #tpu.memory_space<vmem>>, vector<1x16xf32>,
      %get3A_171 = vector.shape_cast %get3A_170 : vector<1x16xf32> to vector<16xf32>
      %mul3A_172 = arith.constant 1.0668962 : f32
      %mul3A_173 = vector.broadcast %mul3A_172 : f32 to vector<16xf32>
      %mul3A_174 = arith.mulf %get3A_171, %mul3A_173 : vector<16xf32>
      %swap3A_175 = arith.index_cast %scan3A_73 : i32 to index
      %swap3A_176 = arith.constant 128 : index
      %swap3A_177 = tpu.vector_load %arg11[%swap3A_175, %swap3A_176] {strides = array<i32>} : memref<32x1024xf32, #tpu.memory_space<vmem>>, vector<1x16xf32>,
      %swap3A_178 = vector.shape_cast %swap3A_177 : vector<1x16xf32> to vector<16xf32>
      %swap3A_179 = vector.shape_cast %mul3A_174 : vector<16xf32> to vector<1x16xf32>
      tpu.vector_store %arg11[%swap3A_175, %swap3A_176], %swap3A_179 {strides = array<i32>} : memref<32x1024xf32, #tpu.memory_space<vmem>>, vector<1x16xf32>,
      %get3A_180 = arith.index_cast %scan3A_73 : i32 to index
      %get3A_181 = arith.constant 144 : index
      %get3A_182 = tpu.vector_load %arg11[%get3A_180, %get3A_181] {strides = array<i32>} : memref<32x1024xf32, #tpu.memory_space<vmem>>, vector<1x16xf32>,
      %get3A_183 = vector.shape_cast %get3A_182 : vector<1x16xf32> to vector<16xf32>
      %mul3A_184 = arith.constant 1.0668962 : f32
      %mul3A_185 = vector.broadcast %mul3A_184 : f32 to vector<16xf32>
      %mul3A_186 = arith.mulf %get3A_183, %mul3A_185 : vector<16xf32>
      %swap3A_187 = arith.index_cast %scan3A_73 : i32 to index
      %swap3A_188 = arith.constant 144 : index
      %swap3A_189 = tpu.vector_load %arg11[%swap3A_187, %swap3A_188] {strides = array<i32>} : memref<32x1024xf32, #tpu.memory_space<vmem>>, vector<1x16xf32>,
      %swap3A_190 = vector.shape_cast %swap3A_189 : vector<1x16xf32> to vector<16xf32>
      %swap3A_191 = vector.shape_cast %mul3A_186 : vector<16xf32> to vector<1x16xf32>
      tpu.vector_store %arg11[%swap3A_187, %swap3A_188], %swap3A_191 {strides = array<i32>} : memref<32x1024xf32, #tpu.memory_space<vmem>>, vector<1x16xf32>,
      %get3A_192 = arith.index_cast %scan3A_73 : i32 to index
      %get3A_193 = arith.constant 160 : index
      %get3A_194 = tpu.vector_load %arg11[%get3A_192, %get3A_193] {strides = array<i32>} : memref<32x1024xf32, #tpu.memory_space<vmem>>, vector<1x16xf32>,
      %get3A_195 = vector.shape_cast %get3A_194 : vector<1x16xf32> to vector<16xf32>
      %mul3A_196 = arith.constant 1.0668962 : f32
      %mul3A_197 = vector.broadcast %mul3A_196 : f32 to vector<16xf32>
      %mul3A_198 = arith.mulf %get3A_195, %mul3A_197 : vector<16xf32>
      %swap3A_199 = arith.index_cast %scan3A_73 : i32 to index
      %swap3A_200 = arith.constant 160 : index
      %swap3A_201 = tpu.vector_load %arg11[%swap3A_199, %swap3A_200] {strides = array<i32>} : memref<32x1024xf32, #tpu.memory_space<vmem>>, vector<1x16xf32>,
      %swap3A_202 = vector.shape_cast %swap3A_201 : vector<1x16xf32> to vector<16xf32>
      %swap3A_203 = vector.shape_cast %mul3A_198 : vector<16xf32> to vector<1x16xf32>
      tpu.vector_store %arg11[%swap3A_199, %swap3A_200], %swap3A_203 {strides = array<i32>} : memref<32x1024xf32, #tpu.memory_space<vmem>>, vector<1x16xf32>,
      %get3A_204 = arith.index_cast %scan3A_73 : i32 to index
      %get3A_205 = arith.constant 176 : index
      %get3A_206 = tpu.vector_load %arg11[%get3A_204, %get3A_205] {strides = array<i32>} : memref<32x1024xf32, #tpu.memory_space<vmem>>, vector<1x16xf32>,
      %get3A_207 = vector.shape_cast %get3A_206 : vector<1x16xf32> to vector<16xf32>
      %mul3A_208 = arith.constant 1.0668962 : f32
      %mul3A_209 = vector.broadcast %mul3A_208 : f32 to vector<16xf32>
      %mul3A_210 = arith.mulf %get3A_207, %mul3A_209 : vector<16xf32>
      %swap3A_211 = arith.index_cast %scan3A_73 : i32 to index
      %swap3A_212 = arith.constant 176 : index
      %swap3A_213 = tpu.vector_load %arg11[%swap3A_211, %swap3A_212] {strides = array<i32>} : memref<32x1024xf32, #tpu.memory_space<vmem>>, vector<1x16xf32>,
      %swap3A_214 = vector.shape_cast %swap3A_213 : vector<1x16xf32> to vector<16xf32>
      %swap3A_215 = vector.shape_cast %mul3A_210 : vector<16xf32> to vector<1x16xf32>
      tpu.vector_store %arg11[%swap3A_211, %swap3A_212], %swap3A_215 {strides = array<i32>} : memref<32x1024xf32, #tpu.memory_space<vmem>>, vector<1x16xf32>,
      %get3A_216 = arith.index_cast %scan3A_73 : i32 to index
      %get3A_217 = arith.constant 192 : index
      %get3A_218 = tpu.vector_load %arg11[%get3A_216, %get3A_217] {strides = array<i32>} : memref<32x1024xf32, #tpu.memory_space<vmem>>, vector<1x16xf32>,
      %get3A_219 = vector.shape_cast %get3A_218 : vector<1x16xf32> to vector<16xf32>
      %mul3A_220 = arith.constant 1.0668962 : f32
      %mul3A_221 = vector.broadcast %mul3A_220 : f32 to vector<16xf32>
      %mul3A_222 = arith.mulf %get3A_219, %mul3A_221 : vector<16xf32>
      %swap3A_223 = arith.index_cast %scan3A_73 : i32 to index
      %swap3A_224 = arith.constant 192 : index
      %swap3A_225 = tpu.vector_load %arg11[%swap3A_223, %swap3A_224] {strides = array<i32>} : memref<32x1024xf32, #tpu.memory_space<vmem>>, vector<1x16xf32>,
      %swap3A_226 = vector.shape_cast %swap3A_225 : vector<1x16xf32> to vector<16xf32>
      %swap3A_227 = vector.shape_cast %mul3A_222 : vector<16xf32> to vector<1x16xf32>
      tpu.vector_store %arg11[%swap3A_223, %swap3A_224], %swap3A_227 {strides = array<i32>} : memref<32x1024xf32, #tpu.memory_space<vmem>>, vector<1x16xf32>,
      %get3A_228 = arith.index_cast %scan3A_73 : i32 to index
      %get3A_229 = arith.constant 208 : index
      %get3A_230 = tpu.vector_load %arg11[%get3A_228, %get3A_229] {strides = array<i32>} : memref<32x1024xf32, #tpu.memory_space<vmem>>, vector<1x16xf32>,
      %get3A_231 = vector.shape_cast %get3A_230 : vector<1x16xf32> to vector<16xf32>
      %mul3A_232 = arith.constant 1.0668962 : f32
      %mul3A_233 = vector.broadcast %mul3A_232 : f32 to vector<16xf32>
      %mul3A_234 = arith.mulf %get3A_231, %mul3A_233 : vector<16xf32>
      %swap3A_235 = arith.index_cast %scan3A_73 : i32 to index
      %swap3A_236 = arith.constant 208 : index
      %swap3A_237 = tpu.vector_load %arg11[%swap3A_235, %swap3A_236] {strides = array<i32>} : memref<32x1024xf32, #tpu.memory_space<vmem>>, vector<1x16xf32>,
      %swap3A_238 = vector.shape_cast %swap3A_237 : vector<1x16xf32> to vector<16xf32>
      %swap3A_239 = vector.shape_cast %mul3A_234 : vector<16xf32> to vector<1x16xf32>
      tpu.vector_store %arg11[%swap3A_235, %swap3A_236], %swap3A_239 {strides = array<i32>} : memref<32x1024xf32, #tpu.memory_space<vmem>>, vector<1x16xf32>,
      %get3A_240 = arith.index_cast %scan3A_73 : i32 to index
      %get3A_241 = arith.constant 224 : index
      %get3A_242 = tpu.vector_load %arg11[%get3A_240, %get3A_241] {strides = array<i32>} : memref<32x1024xf32, #tpu.memory_space<vmem>>, vector<1x16xf32>,
      %get3A_243 = vector.shape_cast %get3A_242 : vector<1x16xf32> to vector<16xf32>
      %mul3A_244 = arith.constant 1.0668962 : f32
      %mul3A_245 = vector.broadcast %mul3A_244 : f32 to vector<16xf32>
      %mul3A_246 = arith.mulf %get3A_243, %mul3A_245 : vector<16xf32>
      %swap3A_247 = arith.index_cast %scan3A_73 : i32 to index
      %swap3A_248 = arith.constant 224 : index
      %swap3A_249 = tpu.vector_load %arg11[%swap3A_247, %swap3A_248] {strides = array<i32>} : memref<32x1024xf32, #tpu.memory_space<vmem>>, vector<1x16xf32>,
      %swap3A_250 = vector.shape_cast %swap3A_249 : vector<1x16xf32> to vector<16xf32>
      %swap3A_251 = vector.shape_cast %mul3A_246 : vector<16xf32> to vector<1x16xf32>
      tpu.vector_store %arg11[%swap3A_247, %swap3A_248], %swap3A_251 {strides = array<i32>} : memref<32x1024xf32, #tpu.memory_space<vmem>>, vector<1x16xf32>,
      %get3A_252 = arith.index_cast %scan3A_73 : i32 to index
      %get3A_253 = arith.constant 240 : index
      %get3A_254 = tpu.vector_load %arg11[%get3A_252, %get3A_253] {strides = array<i32>} : memref<32x1024xf32, #tpu.memory_space<vmem>>, vector<1x16xf32>,
      %get3A_255 = vector.shape_cast %get3A_254 : vector<1x16xf32> to vector<16xf32>
      %mul3A_256 = arith.constant 1.0668962 : f32
      %mul3A_257 = vector.broadcast %mul3A_256 : f32 to vector<16xf32>
      %mul3A_258 = arith.mulf %get3A_255, %mul3A_257 : vector<16xf32>
      %swap3A_259 = arith.index_cast %scan3A_73 : i32 to index
      %swap3A_260 = arith.constant 240 : index
      %swap3A_261 = tpu.vector_load %arg11[%swap3A_259, %swap3A_260] {strides = array<i32>} : memref<32x1024xf32, #tpu.memory_space<vmem>>, vector<1x16xf32>,
      %swap3A_262 = vector.shape_cast %swap3A_261 : vector<1x16xf32> to vector<16xf32>
      %swap3A_263 = vector.shape_cast %mul3A_258 : vector<16xf32> to vector<1x16xf32>
      tpu.vector_store %arg11[%swap3A_259, %swap3A_260], %swap3A_263 {strides = array<i32>} : memref<32x1024xf32, #tpu.memory_space<vmem>>, vector<1x16xf32>,
      %get3A_264 = arith.index_cast %scan3A_73 : i32 to index
      %get3A_265 = arith.constant 256 : index
      %get3A_266 = tpu.vector_load %arg11[%get3A_264, %get3A_265] {strides = array<i32>} : memref<32x1024xf32, #tpu.memory_space<vmem>>, vector<1x16xf32>,
      %get3A_267 = vector.shape_cast %get3A_266 : vector<1x16xf32> to vector<16xf32>
      %mul3A_268 = arith.constant 1.0668962 : f32
      %mul3A_269 = vector.broadcast %mul3A_268 : f32 to vector<16xf32>
      %mul3A_270 = arith.mulf %get3A_267, %mul3A_269 : vector<16xf32>
      %swap3A_271 = arith.index_cast %scan3A_73 : i32 to index
      %swap3A_272 = arith.constant 256 : index
      %swap3A_273 = tpu.vector_load %arg11[%swap3A_271, %swap3A_272] {strides = array<i32>} : memref<32x1024xf32, #tpu.memory_space<vmem>>, vector<1x16xf32>,
      %swap3A_274 = vector.shape_cast %swap3A_273 : vector<1x16xf32> to vector<16xf32>
      %swap3A_275 = vector.shape_cast %mul3A_270 : vector<16xf32> to vector<1x16xf32>
      tpu.vector_store %arg11[%swap3A_271, %swap3A_272], %swap3A_275 {strides = array<i32>} : memref<32x1024xf32, #tpu.memory_space<vmem>>, vector<1x16xf32>,
      %get3A_276 = arith.index_cast %scan3A_73 : i32 to index
      %get3A_277 = arith.constant 272 : index
      %get3A_278 = tpu.vector_load %arg11[%get3A_276, %get3A_277] {strides = array<i32>} : memref<32x1024xf32, #tpu.memory_space<vmem>>, vector<1x16xf32>,
      %get3A_279 = vector.shape_cast %get3A_278 : vector<1x16xf32> to vector<16xf32>
      %mul3A_280 = arith.constant 1.0668962 : f32
      %mul3A_281 = vector.broadcast %mul3A_280 : f32 to vector<16xf32>
      %mul3A_282 = arith.mulf %get3A_279, %mul3A_281 : vector<16xf32>
      %swap3A_283 = arith.index_cast %scan3A_73 : i32 to index
      %swap3A_284 = arith.constant 272 : index
      %swap3A_285 = tpu.vector_load %arg11[%swap3A_283, %swap3A_284] {strides = array<i32>} : memref<32x1024xf32, #tpu.memory_space<vmem>>, vector<1x16xf32>,
      %swap3A_286 = vector.shape_cast %swap3A_285 : vector<1x16xf32> to vector<16xf32>
      %swap3A_287 = vector.shape_cast %mul3A_282 : vector<16xf32> to vector<1x16xf32>
      tpu.vector_store %arg11[%swap3A_283, %swap3A_284], %swap3A_287 {strides = array<i32>} : memref<32x1024xf32, #tpu.memory_space<vmem>>, vector<1x16xf32>,
      %get3A_288 = arith.index_cast %scan3A_73 : i32 to index
      %get3A_289 = arith.constant 288 : index
      %get3A_290 = tpu.vector_load %arg11[%get3A_288, %get3A_289] {strides = array<i32>} : memref<32x1024xf32, #tpu.memory_space<vmem>>, vector<1x16xf32>,
      %get3A_291 = vector.shape_cast %get3A_290 : vector<1x16xf32> to vector<16xf32>
      %mul3A_292 = arith.constant 1.0668962 : f32
      %mul3A_293 = vector.broadcast %mul3A_292 : f32 to vector<16xf32>
      %mul3A_294 = arith.mulf %get3A_291, %mul3A_293 : vector<16xf32>
      %swap3A_295 = arith.index_cast %scan3A_73 : i32 to index
      %swap3A_296 = arith.constant 288 : index
      %swap3A_297 = tpu.vector_load %arg11[%swap3A_295, %swap3A_296] {strides = array<i32>} : memref<32x1024xf32, #tpu.memory_space<vmem>>, vector<1x16xf32>,
      %swap3A_298 = vector.shape_cast %swap3A_297 : vector<1x16xf32> to vector<16xf32>
      %swap3A_299 = vector.shape_cast %mul3A_294 : vector<16xf32> to vector<1x16xf32>
      tpu.vector_store %arg11[%swap3A_295, %swap3A_296], %swap3A_299 {strides = array<i32>} : memref<32x1024xf32, #tpu.memory_space<vmem>>, vector<1x16xf32>,
      %get3A_300 = arith.index_cast %scan3A_73 : i32 to index
      %get3A_301 = arith.constant 304 : index
      %get3A_302 = tpu.vector_load %arg11[%get3A_300, %get3A_301] {strides = array<i32>} : memref<32x1024xf32, #tpu.memory_space<vmem>>, vector<1x16xf32>,
      %get3A_303 = vector.shape_cast %get3A_302 : vector<1x16xf32> to vector<16xf32>
      %mul3A_304 = arith.constant 1.0668962 : f32
      %mul3A_305 = vector.broadcast %mul3A_304 : f32 to vector<16xf32>
      %mul3A_306 = arith.mulf %get3A_303, %mul3A_305 : vector<16xf32>
      %swap3A_307 = arith.index_cast %scan3A_73 : i32 to index
      %swap3A_308 = arith.constant 304 : index
      %swap3A_309 = tpu.vector_load %arg11[%swap3A_307, %swap3A_308] {strides = array<i32>} : memref<32x1024xf32, #tpu.memory_space<vmem>>, vector<1x16xf32>,
      %swap3A_310 = vector.shape_cast %swap3A_309 : vector<1x16xf32> to vector<16xf32>
      %swap3A_311 = vector.shape_cast %mul3A_306 : vector<16xf32> to vector<1x16xf32>
      tpu.vector_store %arg11[%swap3A_307, %swap3A_308], %swap3A_311 {strides = array<i32>} : memref<32x1024xf32, #tpu.memory_space<vmem>>, vector<1x16xf32>,
      %get3A_312 = arith.index_cast %scan3A_73 : i32 to index
      %get3A_313 = arith.constant 320 : index
      %get3A_314 = tpu.vector_load %arg11[%get3A_312, %get3A_313] {strides = array<i32>} : memref<32x1024xf32, #tpu.memory_space<vmem>>, vector<1x16xf32>,
      %get3A_315 = vector.shape_cast %get3A_314 : vector<1x16xf32> to vector<16xf32>
      %mul3A_316 = arith.constant 1.0668962 : f32
      %mul3A_317 = vector.broadcast %mul3A_316 : f32 to vector<16xf32>
      %mul3A_318 = arith.mulf %get3A_315, %mul3A_317 : vector<16xf32>
      %swap3A_319 = arith.index_cast %scan3A_73 : i32 to index
      %swap3A_320 = arith.constant 320 : index
      %swap3A_321 = tpu.vector_load %arg11[%swap3A_319, %swap3A_320] {strides = array<i32>} : memref<32x1024xf32, #tpu.memory_space<vmem>>, vector<1x16xf32>,
      %swap3A_322 = vector.shape_cast %swap3A_321 : vector<1x16xf32> to vector<16xf32>
      %swap3A_323 = vector.shape_cast %mul3A_318 : vector<16xf32> to vector<1x16xf32>
      tpu.vector_store %arg11[%swap3A_319, %swap3A_320], %swap3A_323 {strides = array<i32>} : memref<32x1024xf32, #tpu.memory_space<vmem>>, vector<1x16xf32>,
      %get3A_324 = arith.index_cast %scan3A_73 : i32 to index
      %get3A_325 = arith.constant 336 : index
      %get3A_326 = tpu.vector_load %arg11[%get3A_324, %get3A_325] {strides = array<i32>} : memref<32x1024xf32, #tpu.memory_space<vmem>>, vector<1x16xf32>,
      %get3A_327 = vector.shape_cast %get3A_326 : vector<1x16xf32> to vector<16xf32>
      %mul3A_328 = arith.constant 1.0668962 : f32
      %mul3A_329 = vector.broadcast %mul3A_328 : f32 to vector<16xf32>
      %mul3A_330 = arith.mulf %get3A_327, %mul3A_329 : vector<16xf32>
      %swap3A_331 = arith.index_cast %scan3A_73 : i32 to index
      %swap3A_332 = arith.constant 336 : index
      %swap3A_333 = tpu.vector_load %arg11[%swap3A_331, %swap3A_332] {strides = array<i32>} : memref<32x1024xf32, #tpu.memory_space<vmem>>, vector<1x16xf32>,
      %swap3A_334 = vector.shape_cast %swap3A_333 : vector<1x16xf32> to vector<16xf32>
      %swap3A_335 = vector.shape_cast %mul3A_330 : vector<16xf32> to vector<1x16xf32>
      tpu.vector_store %arg11[%swap3A_331, %swap3A_332], %swap3A_335 {strides = array<i32>} : memref<32x1024xf32, #tpu.memory_space<vmem>>, vector<1x16xf32>,
      %get3A_336 = arith.index_cast %scan3A_73 : i32 to index
      %get3A_337 = arith.constant 352 : index
      %get3A_338 = tpu.vector_load %arg11[%get3A_336, %get3A_337] {strides = array<i32>} : memref<32x1024xf32, #tpu.memory_space<vmem>>, vector<1x16xf32>,
      %get3A_339 = vector.shape_cast %get3A_338 : vector<1x16xf32> to vector<16xf32>
      %mul3A_340 = arith.constant 1.0668962 : f32
      %mul3A_341 = vector.broadcast %mul3A_340 : f32 to vector<16xf32>
      %mul3A_342 = arith.mulf %get3A_339, %mul3A_341 : vector<16xf32>
      %swap3A_343 = arith.index_cast %scan3A_73 : i32 to index
      %swap3A_344 = arith.constant 352 : index
      %swap3A_345 = tpu.vector_load %arg11[%swap3A_343, %swap3A_344] {strides = array<i32>} : memref<32x1024xf32, #tpu.memory_space<vmem>>, vector<1x16xf32>,
      %swap3A_346 = vector.shape_cast %swap3A_345 : vector<1x16xf32> to vector<16xf32>
      %swap3A_347 = vector.shape_cast %mul3A_342 : vector<16xf32> to vector<1x16xf32>
      tpu.vector_store %arg11[%swap3A_343, %swap3A_344], %swap3A_347 {strides = array<i32>} : memref<32x1024xf32, #tpu.memory_space<vmem>>, vector<1x16xf32>,
      %get3A_348 = arith.index_cast %scan3A_73 : i32 to index
      %get3A_349 = arith.constant 368 : index
      %get3A_350 = tpu.vector_load %arg11[%get3A_348, %get3A_349] {strides = array<i32>} : memref<32x1024xf32, #tpu.memory_space<vmem>>, vector<1x16xf32>,
      %get3A_351 = vector.shape_cast %get3A_350 : vector<1x16xf32> to vector<16xf32>
      %mul3A_352 = arith.constant 1.0668962 : f32
      %mul3A_353 = vector.broadcast %mul3A_352 : f32 to vector<16xf32>
      %mul3A_354 = arith.mulf %get3A_351, %mul3A_353 : vector<16xf32>
      %swap3A_355 = arith.index_cast %scan3A_73 : i32 to index
      %swap3A_356 = arith.constant 368 : index
      %swap3A_357 = tpu.vector_load %arg11[%swap3A_355, %swap3A_356] {strides = array<i32>} : memref<32x1024xf32, #tpu.memory_space<vmem>>, vector<1x16xf32>,
      %swap3A_358 = vector.shape_cast %swap3A_357 : vector<1x16xf32> to vector<16xf32>
      %swap3A_359 = vector.shape_cast %mul3A_354 : vector<16xf32> to vector<1x16xf32>
      tpu.vector_store %arg11[%swap3A_355, %swap3A_356], %swap3A_359 {strides = array<i32>} : memref<32x1024xf32, #tpu.memory_space<vmem>>, vector<1x16xf32>,
      %get3A_360 = arith.index_cast %scan3A_73 : i32 to index
      %get3A_361 = arith.constant 384 : index
      %get3A_362 = tpu.vector_load %arg11[%get3A_360, %get3A_361] {strides = array<i32>} : memref<32x1024xf32, #tpu.memory_space<vmem>>, vector<1x16xf32>,
      %get3A_363 = vector.shape_cast %get3A_362 : vector<1x16xf32> to vector<16xf32>
      %mul3A_364 = arith.constant 1.0668962 : f32
      %mul3A_365 = vector.broadcast %mul3A_364 : f32 to vector<16xf32>
      %mul3A_366 = arith.mulf %get3A_363, %mul3A_365 : vector<16xf32>
      %swap3A_367 = arith.index_cast %scan3A_73 : i32 to index
      %swap3A_368 = arith.constant 384 : index
      %swap3A_369 = tpu.vector_load %arg11[%swap3A_367, %swap3A_368] {strides = array<i32>} : memref<32x1024xf32, #tpu.memory_space<vmem>>, vector<1x16xf32>,
      %swap3A_370 = vector.shape_cast %swap3A_369 : vector<1x16xf32> to vector<16xf32>
      %swap3A_371 = vector.shape_cast %mul3A_366 : vector<16xf32> to vector<1x16xf32>
      tpu.vector_store %arg11[%swap3A_367, %swap3A_368], %swap3A_371 {strides = array<i32>} : memref<32x1024xf32, #tpu.memory_space<vmem>>, vector<1x16xf32>,
      %get3A_372 = arith.index_cast %scan3A_73 : i32 to index
      %get3A_373 = arith.constant 400 : index
      %get3A_374 = tpu.vector_load %arg11[%get3A_372, %get3A_373] {strides = array<i32>} : memref<32x1024xf32, #tpu.memory_space<vmem>>, vector<1x16xf32>,
      %get3A_375 = vector.shape_cast %get3A_374 : vector<1x16xf32> to vector<16xf32>
      %mul3A_376 = arith.constant 1.0668962 : f32
      %mul3A_377 = vector.broadcast %mul3A_376 : f32 to vector<16xf32>
      %mul3A_378 = arith.mulf %get3A_375, %mul3A_377 : vector<16xf32>
      %swap3A_379 = arith.index_cast %scan3A_73 : i32 to index
      %swap3A_380 = arith.constant 400 : index
      %swap3A_381 = tpu.vector_load %arg11[%swap3A_379, %swap3A_380] {strides = array<i32>} : memref<32x1024xf32, #tpu.memory_space<vmem>>, vector<1x16xf32>,
      %swap3A_382 = vector.shape_cast %swap3A_381 : vector<1x16xf32> to vector<16xf32>
      %swap3A_383 = vector.shape_cast %mul3A_378 : vector<16xf32> to vector<1x16xf32>
      tpu.vector_store %arg11[%swap3A_379, %swap3A_380], %swap3A_383 {strides = array<i32>} : memref<32x1024xf32, #tpu.memory_space<vmem>>, vector<1x16xf32>,
      %get3A_384 = arith.index_cast %scan3A_73 : i32 to index
      %get3A_385 = arith.constant 416 : index
      %get3A_386 = tpu.vector_load %arg11[%get3A_384, %get3A_385] {strides = array<i32>} : memref<32x1024xf32, #tpu.memory_space<vmem>>, vector<1x16xf32>,
      %get3A_387 = vector.shape_cast %get3A_386 : vector<1x16xf32> to vector<16xf32>
      %mul3A_388 = arith.constant 1.0668962 : f32
      %mul3A_389 = vector.broadcast %mul3A_388 : f32 to vector<16xf32>
      %mul3A_390 = arith.mulf %get3A_387, %mul3A_389 : vector<16xf32>
      %swap3A_391 = arith.index_cast %scan3A_73 : i32 to index
      %swap3A_392 = arith.constant 416 : index
      %swap3A_393 = tpu.vector_load %arg11[%swap3A_391, %swap3A_392] {strides = array<i32>} : memref<32x1024xf32, #tpu.memory_space<vmem>>, vector<1x16xf32>,
      %swap3A_394 = vector.shape_cast %swap3A_393 : vector<1x16xf32> to vector<16xf32>
      %swap3A_395 = vector.shape_cast %mul3A_390 : vector<16xf32> to vector<1x16xf32>
      tpu.vector_store %arg11[%swap3A_391, %swap3A_392], %swap3A_395 {strides = array<i32>} : memref<32x1024xf32, #tpu.memory_space<vmem>>, vector<1x16xf32>,
      %get3A_396 = arith.index_cast %scan3A_73 : i32 to index
      %get3A_397 = arith.constant 432 : index
      %get3A_398 = tpu.vector_load %arg11[%get3A_396, %get3A_397] {strides = array<i32>} : memref<32x1024xf32, #tpu.memory_space<vmem>>, vector<1x16xf32>,
      %get3A_399 = vector.shape_cast %get3A_398 : vector<1x16xf32> to vector<16xf32>
      %mul3A_400 = arith.constant 1.0668962 : f32
      %mul3A_401 = vector.broadcast %mul3A_400 : f32 to vector<16xf32>
      %mul3A_402 = arith.mulf %get3A_399, %mul3A_401 : vector<16xf32>
      %swap3A_403 = arith.index_cast %scan3A_73 : i32 to index
      %swap3A_404 = arith.constant 432 : index
      %swap3A_405 = tpu.vector_load %arg11[%swap3A_403, %swap3A_404] {strides = array<i32>} : memref<32x1024xf32, #tpu.memory_space<vmem>>, vector<1x16xf32>,
      %swap3A_406 = vector.shape_cast %swap3A_405 : vector<1x16xf32> to vector<16xf32>
      %swap3A_407 = vector.shape_cast %mul3A_402 : vector<16xf32> to vector<1x16xf32>
      tpu.vector_store %arg11[%swap3A_403, %swap3A_404], %swap3A_407 {strides = array<i32>} : memref<32x1024xf32, #tpu.memory_space<vmem>>, vector<1x16xf32>,
      %get3A_408 = arith.index_cast %scan3A_73 : i32 to index
      %get3A_409 = arith.constant 448 : index
      %get3A_410 = tpu.vector_load %arg11[%get3A_408, %get3A_409] {strides = array<i32>} : memref<32x1024xf32, #tpu.memory_space<vmem>>, vector<1x16xf32>,
      %get3A_411 = vector.shape_cast %get3A_410 : vector<1x16xf32> to vector<16xf32>
      %mul3A_412 = arith.constant 1.0668962 : f32
      %mul3A_413 = vector.broadcast %mul3A_412 : f32 to vector<16xf32>
      %mul3A_414 = arith.mulf %get3A_411, %mul3A_413 : vector<16xf32>
      %swap3A_415 = arith.index_cast %scan3A_73 : i32 to index
      %swap3A_416 = arith.constant 448 : index
      %swap3A_417 = tpu.vector_load %arg11[%swap3A_415, %swap3A_416] {strides = array<i32>} : memref<32x1024xf32, #tpu.memory_space<vmem>>, vector<1x16xf32>,
      %swap3A_418 = vector.shape_cast %swap3A_417 : vector<1x16xf32> to vector<16xf32>
      %swap3A_419 = vector.shape_cast %mul3A_414 : vector<16xf32> to vector<1x16xf32>
      tpu.vector_store %arg11[%swap3A_415, %swap3A_416], %swap3A_419 {strides = array<i32>} : memref<32x1024xf32, #tpu.memory_space<vmem>>, vector<1x16xf32>,
      %get3A_420 = arith.index_cast %scan3A_73 : i32 to index
      %get3A_421 = arith.constant 464 : index
      %get3A_422 = tpu.vector_load %arg11[%get3A_420, %get3A_421] {strides = array<i32>} : memref<32x1024xf32, #tpu.memory_space<vmem>>, vector<1x16xf32>,
      %get3A_423 = vector.shape_cast %get3A_422 : vector<1x16xf32> to vector<16xf32>
      %mul3A_424 = arith.constant 1.0668962 : f32
      %mul3A_425 = vector.broadcast %mul3A_424 : f32 to vector<16xf32>
      %mul3A_426 = arith.mulf %get3A_423, %mul3A_425 : vector<16xf32>
      %swap3A_427 = arith.index_cast %scan3A_73 : i32 to index
      %swap3A_428 = arith.constant 464 : index
      %swap3A_429 = tpu.vector_load %arg11[%swap3A_427, %swap3A_428] {strides = array<i32>} : memref<32x1024xf32, #tpu.memory_space<vmem>>, vector<1x16xf32>,
      %swap3A_430 = vector.shape_cast %swap3A_429 : vector<1x16xf32> to vector<16xf32>
      %swap3A_431 = vector.shape_cast %mul3A_426 : vector<16xf32> to vector<1x16xf32>
      tpu.vector_store %arg11[%swap3A_427, %swap3A_428], %swap3A_431 {strides = array<i32>} : memref<32x1024xf32, #tpu.memory_space<vmem>>, vector<1x16xf32>,
      %get3A_432 = arith.index_cast %scan3A_73 : i32 to index
      %get3A_433 = arith.constant 480 : index
      %get3A_434 = tpu.vector_load %arg11[%get3A_432, %get3A_433] {strides = array<i32>} : memref<32x1024xf32, #tpu.memory_space<vmem>>, vector<1x16xf32>,
      %get3A_435 = vector.shape_cast %get3A_434 : vector<1x16xf32> to vector<16xf32>
      %mul3A_436 = arith.constant 1.0668962 : f32
      %mul3A_437 = vector.broadcast %mul3A_436 : f32 to vector<16xf32>
      %mul3A_438 = arith.mulf %get3A_435, %mul3A_437 : vector<16xf32>
      %swap3A_439 = arith.index_cast %scan3A_73 : i32 to index
      %swap3A_440 = arith.constant 480 : index
      %swap3A_441 = tpu.vector_load %arg11[%swap3A_439, %swap3A_440] {strides = array<i32>} : memref<32x1024xf32, #tpu.memory_space<vmem>>, vector<1x16xf32>,
      %swap3A_442 = vector.shape_cast %swap3A_441 : vector<1x16xf32> to vector<16xf32>
      %swap3A_443 = vector.shape_cast %mul3A_438 : vector<16xf32> to vector<1x16xf32>
      tpu.vector_store %arg11[%swap3A_439, %swap3A_440], %swap3A_443 {strides = array<i32>} : memref<32x1024xf32, #tpu.memory_space<vmem>>, vector<1x16xf32>,
      %get3A_444 = arith.index_cast %scan3A_73 : i32 to index
      %get3A_445 = arith.constant 496 : index
      %get3A_446 = tpu.vector_load %arg11[%get3A_444, %get3A_445] {strides = array<i32>} : memref<32x1024xf32, #tpu.memory_space<vmem>>, vector<1x16xf32>,
      %get3A_447 = vector.shape_cast %get3A_446 : vector<1x16xf32> to vector<16xf32>
      %mul3A_448 = arith.constant 1.0668962 : f32
      %mul3A_449 = vector.broadcast %mul3A_448 : f32 to vector<16xf32>
      %mul3A_450 = arith.mulf %get3A_447, %mul3A_449 : vector<16xf32>
      %swap3A_451 = arith.index_cast %scan3A_73 : i32 to index
      %swap3A_452 = arith.constant 496 : index
      %swap3A_453 = tpu.vector_load %arg11[%swap3A_451, %swap3A_452] {strides = array<i32>} : memref<32x1024xf32, #tpu.memory_space<vmem>>, vector<1x16xf32>,
      %swap3A_454 = vector.shape_cast %swap3A_453 : vector<1x16xf32> to vector<16xf32>
      %swap3A_455 = vector.shape_cast %mul3A_450 : vector<16xf32> to vector<1x16xf32>
      tpu.vector_store %arg11[%swap3A_451, %swap3A_452], %swap3A_455 {strides = array<i32>} : memref<32x1024xf32, #tpu.memory_space<vmem>>, vector<1x16xf32>,
      %get3A_456 = arith.index_cast %scan3A_73 : i32 to index
      %get3A_457 = arith.constant 512 : index
      %get3A_458 = tpu.vector_load %arg11[%get3A_456, %get3A_457] {strides = array<i32>} : memref<32x1024xf32, #tpu.memory_space<vmem>>, vector<1x16xf32>,
      %get3A_459 = vector.shape_cast %get3A_458 : vector<1x16xf32> to vector<16xf32>
      %mul3A_460 = arith.constant 1.0668962 : f32
      %mul3A_461 = vector.broadcast %mul3A_460 : f32 to vector<16xf32>
      %mul3A_462 = arith.mulf %get3A_459, %mul3A_461 : vector<16xf32>
      %swap3A_463 = arith.index_cast %scan3A_73 : i32 to index
      %swap3A_464 = arith.constant 512 : index
      %swap3A_465 = tpu.vector_load %arg11[%swap3A_463, %swap3A_464] {strides = array<i32>} : memref<32x1024xf32, #tpu.memory_space<vmem>>, vector<1x16xf32>,
      %swap3A_466 = vector.shape_cast %swap3A_465 : vector<1x16xf32> to vector<16xf32>
      %swap3A_467 = vector.shape_cast %mul3A_462 : vector<16xf32> to vector<1x16xf32>
      tpu.vector_store %arg11[%swap3A_463, %swap3A_464], %swap3A_467 {strides = array<i32>} : memref<32x1024xf32, #tpu.memory_space<vmem>>, vector<1x16xf32>,
      %get3A_468 = arith.index_cast %scan3A_73 : i32 to index
      %get3A_469 = arith.constant 528 : index
      %get3A_470 = tpu.vector_load %arg11[%get3A_468, %get3A_469] {strides = array<i32>} : memref<32x1024xf32, #tpu.memory_space<vmem>>, vector<1x16xf32>,
      %get3A_471 = vector.shape_cast %get3A_470 : vector<1x16xf32> to vector<16xf32>
      %mul3A_472 = arith.constant 1.0668962 : f32
      %mul3A_473 = vector.broadcast %mul3A_472 : f32 to vector<16xf32>
      %mul3A_474 = arith.mulf %get3A_471, %mul3A_473 : vector<16xf32>
      %swap3A_475 = arith.index_cast %scan3A_73 : i32 to index
      %swap3A_476 = arith.constant 528 : index
      %swap3A_477 = tpu.vector_load %arg11[%swap3A_475, %swap3A_476] {strides = array<i32>} : memref<32x1024xf32, #tpu.memory_space<vmem>>, vector<1x16xf32>,
      %swap3A_478 = vector.shape_cast %swap3A_477 : vector<1x16xf32> to vector<16xf32>
      %swap3A_479 = vector.shape_cast %mul3A_474 : vector<16xf32> to vector<1x16xf32>
      tpu.vector_store %arg11[%swap3A_475, %swap3A_476], %swap3A_479 {strides = array<i32>} : memref<32x1024xf32, #tpu.memory_space<vmem>>, vector<1x16xf32>,
      %get3A_480 = arith.index_cast %scan3A_73 : i32 to index
      %get3A_481 = arith.constant 544 : index
      %get3A_482 = tpu.vector_load %arg11[%get3A_480, %get3A_481] {strides = array<i32>} : memref<32x1024xf32, #tpu.memory_space<vmem>>, vector<1x16xf32>,
      %get3A_483 = vector.shape_cast %get3A_482 : vector<1x16xf32> to vector<16xf32>
      %mul3A_484 = arith.constant 1.0668962 : f32
      %mul3A_485 = vector.broadcast %mul3A_484 : f32 to vector<16xf32>
      %mul3A_486 = arith.mulf %get3A_483, %mul3A_485 : vector<16xf32>
      %swap3A_487 = arith.index_cast %scan3A_73 : i32 to index
      %swap3A_488 = arith.constant 544 : index
      %swap3A_489 = tpu.vector_load %arg11[%swap3A_487, %swap3A_488] {strides = array<i32>} : memref<32x1024xf32, #tpu.memory_space<vmem>>, vector<1x16xf32>,
      %swap3A_490 = vector.shape_cast %swap3A_489 : vector<1x16xf32> to vector<16xf32>
      %swap3A_491 = vector.shape_cast %mul3A_486 : vector<16xf32> to vector<1x16xf32>
      tpu.vector_store %arg11[%swap3A_487, %swap3A_488], %swap3A_491 {strides = array<i32>} : memref<32x1024xf32, #tpu.memory_space<vmem>>, vector<1x16xf32>,
      %get3A_492 = arith.index_cast %scan3A_73 : i32 to index
      %get3A_493 = arith.constant 560 : index
      %get3A_494 = tpu.vector_load %arg11[%get3A_492, %get3A_493] {strides = array<i32>} : memref<32x1024xf32, #tpu.memory_space<vmem>>, vector<1x16xf32>,
      %get3A_495 = vector.shape_cast %get3A_494 : vector<1x16xf32> to vector<16xf32>
      %mul3A_496 = arith.constant 1.0668962 : f32
      %mul3A_497 = vector.broadcast %mul3A_496 : f32 to vector<16xf32>
      %mul3A_498 = arith.mulf %get3A_495, %mul3A_497 : vector<16xf32>
      %swap3A_499 = arith.index_cast %scan3A_73 : i32 to index
      %swap3A_500 = arith.constant 560 : index
      %swap3A_501 = tpu.vector_load %arg11[%swap3A_499, %swap3A_500] {strides = array<i32>} : memref<32x1024xf32, #tpu.memory_space<vmem>>, vector<1x16xf32>,
      %swap3A_502 = vector.shape_cast %swap3A_501 : vector<1x16xf32> to vector<16xf32>
      %swap3A_503 = vector.shape_cast %mul3A_498 : vector<16xf32> to vector<1x16xf32>
      tpu.vector_store %arg11[%swap3A_499, %swap3A_500], %swap3A_503 {strides = array<i32>} : memref<32x1024xf32, #tpu.memory_space<vmem>>, vector<1x16xf32>,
      %get3A_504 = arith.index_cast %scan3A_73 : i32 to index
      %get3A_505 = arith.constant 576 : index
      %get3A_506 = tpu.vector_load %arg11[%get3A_504, %get3A_505] {strides = array<i32>} : memref<32x1024xf32, #tpu.memory_space<vmem>>, vector<1x16xf32>,
      %get3A_507 = vector.shape_cast %get3A_506 : vector<1x16xf32> to vector<16xf32>
      %mul3A_508 = arith.constant 1.0668962 : f32
      %mul3A_509 = vector.broadcast %mul3A_508 : f32 to vector<16xf32>
      %mul3A_510 = arith.mulf %get3A_507, %mul3A_509 : vector<16xf32>
      %swap3A_511 = arith.index_cast %scan3A_73 : i32 to index
      %swap3A_512 = arith.constant 576 : index
      %swap3A_513 = tpu.vector_load %arg11[%swap3A_511, %swap3A_512] {strides = array<i32>} : memref<32x1024xf32, #tpu.memory_space<vmem>>, vector<1x16xf32>,
      %swap3A_514 = vector.shape_cast %swap3A_513 : vector<1x16xf32> to vector<16xf32>
      %swap3A_515 = vector.shape_cast %mul3A_510 : vector<16xf32> to vector<1x16xf32>
      tpu.vector_store %arg11[%swap3A_511, %swap3A_512], %swap3A_515 {strides = array<i32>} : memref<32x1024xf32, #tpu.memory_space<vmem>>, vector<1x16xf32>,
      %get3A_516 = arith.index_cast %scan3A_73 : i32 to index
      %get3A_517 = arith.constant 592 : index
      %get3A_518 = tpu.vector_load %arg11[%get3A_516, %get3A_517] {strides = array<i32>} : memref<32x1024xf32, #tpu.memory_space<vmem>>, vector<1x16xf32>,
      %get3A_519 = vector.shape_cast %get3A_518 : vector<1x16xf32> to vector<16xf32>
      %mul3A_520 = arith.constant 1.0668962 : f32
      %mul3A_521 = vector.broadcast %mul3A_520 : f32 to vector<16xf32>
      %mul3A_522 = arith.mulf %get3A_519, %mul3A_521 : vector<16xf32>
      %swap3A_523 = arith.index_cast %scan3A_73 : i32 to index
      %swap3A_524 = arith.constant 592 : index
      %swap3A_525 = tpu.vector_load %arg11[%swap3A_523, %swap3A_524] {strides = array<i32>} : memref<32x1024xf32, #tpu.memory_space<vmem>>, vector<1x16xf32>,
      %swap3A_526 = vector.shape_cast %swap3A_525 : vector<1x16xf32> to vector<16xf32>
      %swap3A_527 = vector.shape_cast %mul3A_522 : vector<16xf32> to vector<1x16xf32>
      tpu.vector_store %arg11[%swap3A_523, %swap3A_524], %swap3A_527 {strides = array<i32>} : memref<32x1024xf32, #tpu.memory_space<vmem>>, vector<1x16xf32>,
      %get3A_528 = arith.index_cast %scan3A_73 : i32 to index
      %get3A_529 = arith.constant 608 : index
      %get3A_530 = tpu.vector_load %arg11[%get3A_528, %get3A_529] {strides = array<i32>} : memref<32x1024xf32, #tpu.memory_space<vmem>>, vector<1x16xf32>,
      %get3A_531 = vector.shape_cast %get3A_530 : vector<1x16xf32> to vector<16xf32>
      %mul3A_532 = arith.constant 1.0668962 : f32
      %mul3A_533 = vector.broadcast %mul3A_532 : f32 to vector<16xf32>
      %mul3A_534 = arith.mulf %get3A_531, %mul3A_533 : vector<16xf32>
      %swap3A_535 = arith.index_cast %scan3A_73 : i32 to index
      %swap3A_536 = arith.constant 608 : index
      %swap3A_537 = tpu.vector_load %arg11[%swap3A_535, %swap3A_536] {strides = array<i32>} : memref<32x1024xf32, #tpu.memory_space<vmem>>, vector<1x16xf32>,
      %swap3A_538 = vector.shape_cast %swap3A_537 : vector<1x16xf32> to vector<16xf32>
      %swap3A_539 = vector.shape_cast %mul3A_534 : vector<16xf32> to vector<1x16xf32>
      tpu.vector_store %arg11[%swap3A_535, %swap3A_536], %swap3A_539 {strides = array<i32>} : memref<32x1024xf32, #tpu.memory_space<vmem>>, vector<1x16xf32>,
      %get3A_540 = arith.index_cast %scan3A_73 : i32 to index
      %get3A_541 = arith.constant 624 : index
      %get3A_542 = tpu.vector_load %arg11[%get3A_540, %get3A_541] {strides = array<i32>} : memref<32x1024xf32, #tpu.memory_space<vmem>>, vector<1x16xf32>,
      %get3A_543 = vector.shape_cast %get3A_542 : vector<1x16xf32> to vector<16xf32>
      %mul3A_544 = arith.constant 1.0668962 : f32
      %mul3A_545 = vector.broadcast %mul3A_544 : f32 to vector<16xf32>
      %mul3A_546 = arith.mulf %get3A_543, %mul3A_545 : vector<16xf32>
      %swap3A_547 = arith.index_cast %scan3A_73 : i32 to index
      %swap3A_548 = arith.constant 624 : index
      %swap3A_549 = tpu.vector_load %arg11[%swap3A_547, %swap3A_548] {strides = array<i32>} : memref<32x1024xf32, #tpu.memory_space<vmem>>, vector<1x16xf32>,
      %swap3A_550 = vector.shape_cast %swap3A_549 : vector<1x16xf32> to vector<16xf32>
      %swap3A_551 = vector.shape_cast %mul3A_546 : vector<16xf32> to vector<1x16xf32>
      tpu.vector_store %arg11[%swap3A_547, %swap3A_548], %swap3A_551 {strides = array<i32>} : memref<32x1024xf32, #tpu.memory_space<vmem>>, vector<1x16xf32>,
      %get3A_552 = arith.index_cast %scan3A_73 : i32 to index
      %get3A_553 = arith.constant 640 : index
      %get3A_554 = tpu.vector_load %arg11[%get3A_552, %get3A_553] {strides = array<i32>} : memref<32x1024xf32, #tpu.memory_space<vmem>>, vector<1x16xf32>,
      %get3A_555 = vector.shape_cast %get3A_554 : vector<1x16xf32> to vector<16xf32>
      %mul3A_556 = arith.constant 1.0668962 : f32
      %mul3A_557 = vector.broadcast %mul3A_556 : f32 to vector<16xf32>
      %mul3A_558 = arith.mulf %get3A_555, %mul3A_557 : vector<16xf32>
      %swap3A_559 = arith.index_cast %scan3A_73 : i32 to index
      %swap3A_560 = arith.constant 640 : index
      %swap3A_561 = tpu.vector_load %arg11[%swap3A_559, %swap3A_560] {strides = array<i32>} : memref<32x1024xf32, #tpu.memory_space<vmem>>, vector<1x16xf32>,
      %swap3A_562 = vector.shape_cast %swap3A_561 : vector<1x16xf32> to vector<16xf32>
      %swap3A_563 = vector.shape_cast %mul3A_558 : vector<16xf32> to vector<1x16xf32>
      tpu.vector_store %arg11[%swap3A_559, %swap3A_560], %swap3A_563 {strides = array<i32>} : memref<32x1024xf32, #tpu.memory_space<vmem>>, vector<1x16xf32>,
      %get3A_564 = arith.index_cast %scan3A_73 : i32 to index
      %get3A_565 = arith.constant 656 : index
      %get3A_566 = tpu.vector_load %arg11[%get3A_564, %get3A_565] {strides = array<i32>} : memref<32x1024xf32, #tpu.memory_space<vmem>>, vector<1x16xf32>,
      %get3A_567 = vector.shape_cast %get3A_566 : vector<1x16xf32> to vector<16xf32>
      %mul3A_568 = arith.constant 1.0668962 : f32
      %mul3A_569 = vector.broadcast %mul3A_568 : f32 to vector<16xf32>
      %mul3A_570 = arith.mulf %get3A_567, %mul3A_569 : vector<16xf32>
      %swap3A_571 = arith.index_cast %scan3A_73 : i32 to index
      %swap3A_572 = arith.constant 656 : index
      %swap3A_573 = tpu.vector_load %arg11[%swap3A_571, %swap3A_572] {strides = array<i32>} : memref<32x1024xf32, #tpu.memory_space<vmem>>, vector<1x16xf32>,
      %swap3A_574 = vector.shape_cast %swap3A_573 : vector<1x16xf32> to vector<16xf32>
      %swap3A_575 = vector.shape_cast %mul3A_570 : vector<16xf32> to vector<1x16xf32>
      tpu.vector_store %arg11[%swap3A_571, %swap3A_572], %swap3A_575 {strides = array<i32>} : memref<32x1024xf32, #tpu.memory_space<vmem>>, vector<1x16xf32>,
      %get3A_576 = arith.index_cast %scan3A_73 : i32 to index
      %get3A_577 = arith.constant 672 : index
      %get3A_578 = tpu.vector_load %arg11[%get3A_576, %get3A_577] {strides = array<i32>} : memref<32x1024xf32, #tpu.memory_space<vmem>>, vector<1x16xf32>,
      %get3A_579 = vector.shape_cast %get3A_578 : vector<1x16xf32> to vector<16xf32>
      %mul3A_580 = arith.constant 1.0668962 : f32
      %mul3A_581 = vector.broadcast %mul3A_580 : f32 to vector<16xf32>
      %mul3A_582 = arith.mulf %get3A_579, %mul3A_581 : vector<16xf32>
      %swap3A_583 = arith.index_cast %scan3A_73 : i32 to index
      %swap3A_584 = arith.constant 672 : index
      %swap3A_585 = tpu.vector_load %arg11[%swap3A_583, %swap3A_584] {strides = array<i32>} : memref<32x1024xf32, #tpu.memory_space<vmem>>, vector<1x16xf32>,
      %swap3A_586 = vector.shape_cast %swap3A_585 : vector<1x16xf32> to vector<16xf32>
      %swap3A_587 = vector.shape_cast %mul3A_582 : vector<16xf32> to vector<1x16xf32>
      tpu.vector_store %arg11[%swap3A_583, %swap3A_584], %swap3A_587 {strides = array<i32>} : memref<32x1024xf32, #tpu.memory_space<vmem>>, vector<1x16xf32>,
      %get3A_588 = arith.index_cast %scan3A_73 : i32 to index
      %get3A_589 = arith.constant 688 : index
      %get3A_590 = tpu.vector_load %arg11[%get3A_588, %get3A_589] {strides = array<i32>} : memref<32x1024xf32, #tpu.memory_space<vmem>>, vector<1x16xf32>,
      %get3A_591 = vector.shape_cast %get3A_590 : vector<1x16xf32> to vector<16xf32>
      %mul3A_592 = arith.constant 1.0668962 : f32
      %mul3A_593 = vector.broadcast %mul3A_592 : f32 to vector<16xf32>
      %mul3A_594 = arith.mulf %get3A_591, %mul3A_593 : vector<16xf32>
      %swap3A_595 = arith.index_cast %scan3A_73 : i32 to index
      %swap3A_596 = arith.constant 688 : index
      %swap3A_597 = tpu.vector_load %arg11[%swap3A_595, %swap3A_596] {strides = array<i32>} : memref<32x1024xf32, #tpu.memory_space<vmem>>, vector<1x16xf32>,
      %swap3A_598 = vector.shape_cast %swap3A_597 : vector<1x16xf32> to vector<16xf32>
      %swap3A_599 = vector.shape_cast %mul3A_594 : vector<16xf32> to vector<1x16xf32>
      tpu.vector_store %arg11[%swap3A_595, %swap3A_596], %swap3A_599 {strides = array<i32>} : memref<32x1024xf32, #tpu.memory_space<vmem>>, vector<1x16xf32>,
      %get3A_600 = arith.index_cast %scan3A_73 : i32 to index
      %get3A_601 = arith.constant 704 : index
      %get3A_602 = tpu.vector_load %arg11[%get3A_600, %get3A_601] {strides = array<i32>} : memref<32x1024xf32, #tpu.memory_space<vmem>>, vector<1x16xf32>,
      %get3A_603 = vector.shape_cast %get3A_602 : vector<1x16xf32> to vector<16xf32>
      %mul3A_604 = arith.constant 1.0668962 : f32
      %mul3A_605 = vector.broadcast %mul3A_604 : f32 to vector<16xf32>
      %mul3A_606 = arith.mulf %get3A_603, %mul3A_605 : vector<16xf32>
      %swap3A_607 = arith.index_cast %scan3A_73 : i32 to index
      %swap3A_608 = arith.constant 704 : index
      %swap3A_609 = tpu.vector_load %arg11[%swap3A_607, %swap3A_608] {strides = array<i32>} : memref<32x1024xf32, #tpu.memory_space<vmem>>, vector<1x16xf32>,
      %swap3A_610 = vector.shape_cast %swap3A_609 : vector<1x16xf32> to vector<16xf32>
      %swap3A_611 = vector.shape_cast %mul3A_606 : vector<16xf32> to vector<1x16xf32>
      tpu.vector_store %arg11[%swap3A_607, %swap3A_608], %swap3A_611 {strides = array<i32>} : memref<32x1024xf32, #tpu.memory_space<vmem>>, vector<1x16xf32>,
      %get3A_612 = arith.index_cast %scan3A_73 : i32 to index
      %get3A_613 = arith.constant 720 : index
      %get3A_614 = tpu.vector_load %arg11[%get3A_612, %get3A_613] {strides = array<i32>} : memref<32x1024xf32, #tpu.memory_space<vmem>>, vector<1x16xf32>,
      %get3A_615 = vector.shape_cast %get3A_614 : vector<1x16xf32> to vector<16xf32>
      %mul3A_616 = arith.constant 1.0668962 : f32
      %mul3A_617 = vector.broadcast %mul3A_616 : f32 to vector<16xf32>
      %mul3A_618 = arith.mulf %get3A_615, %mul3A_617 : vector<16xf32>
      %swap3A_619 = arith.index_cast %scan3A_73 : i32 to index
      %swap3A_620 = arith.constant 720 : index
      %swap3A_621 = tpu.vector_load %arg11[%swap3A_619, %swap3A_620] {strides = array<i32>} : memref<32x1024xf32, #tpu.memory_space<vmem>>, vector<1x16xf32>,
      %swap3A_622 = vector.shape_cast %swap3A_621 : vector<1x16xf32> to vector<16xf32>
      %swap3A_623 = vector.shape_cast %mul3A_618 : vector<16xf32> to vector<1x16xf32>
      tpu.vector_store %arg11[%swap3A_619, %swap3A_620], %swap3A_623 {strides = array<i32>} : memref<32x1024xf32, #tpu.memory_space<vmem>>, vector<1x16xf32>,
      %get3A_624 = arith.index_cast %scan3A_73 : i32 to index
      %get3A_625 = arith.constant 736 : index
      %get3A_626 = tpu.vector_load %arg11[%get3A_624, %get3A_625] {strides = array<i32>} : memref<32x1024xf32, #tpu.memory_space<vmem>>, vector<1x16xf32>,
      %get3A_627 = vector.shape_cast %get3A_626 : vector<1x16xf32> to vector<16xf32>
      %mul3A_628 = arith.constant 1.0668962 : f32
      %mul3A_629 = vector.broadcast %mul3A_628 : f32 to vector<16xf32>
      %mul3A_630 = arith.mulf %get3A_627, %mul3A_629 : vector<16xf32>
      %swap3A_631 = arith.index_cast %scan3A_73 : i32 to index
      %swap3A_632 = arith.constant 736 : index
      %swap3A_633 = tpu.vector_load %arg11[%swap3A_631, %swap3A_632] {strides = array<i32>} : memref<32x1024xf32, #tpu.memory_space<vmem>>, vector<1x16xf32>,
      %swap3A_634 = vector.shape_cast %swap3A_633 : vector<1x16xf32> to vector<16xf32>
      %swap3A_635 = vector.shape_cast %mul3A_630 : vector<16xf32> to vector<1x16xf32>
      tpu.vector_store %arg11[%swap3A_631, %swap3A_632], %swap3A_635 {strides = array<i32>} : memref<32x1024xf32, #tpu.memory_space<vmem>>, vector<1x16xf32>,
      %get3A_636 = arith.index_cast %scan3A_73 : i32 to index
      %get3A_637 = arith.constant 752 : index
      %get3A_638 = tpu.vector_load %arg11[%get3A_636, %get3A_637] {strides = array<i32>} : memref<32x1024xf32, #tpu.memory_space<vmem>>, vector<1x16xf32>,
      %get3A_639 = vector.shape_cast %get3A_638 : vector<1x16xf32> to vector<16xf32>
      %mul3A_640 = arith.constant 1.0668962 : f32
      %mul3A_641 = vector.broadcast %mul3A_640 : f32 to vector<16xf32>
      %mul3A_642 = arith.mulf %get3A_639, %mul3A_641 : vector<16xf32>
      %swap3A_643 = arith.index_cast %scan3A_73 : i32 to index
      %swap3A_644 = arith.constant 752 : index
      %swap3A_645 = tpu.vector_load %arg11[%swap3A_643, %swap3A_644] {strides = array<i32>} : memref<32x1024xf32, #tpu.memory_space<vmem>>, vector<1x16xf32>,
      %swap3A_646 = vector.shape_cast %swap3A_645 : vector<1x16xf32> to vector<16xf32>
      %swap3A_647 = vector.shape_cast %mul3A_642 : vector<16xf32> to vector<1x16xf32>
      tpu.vector_store %arg11[%swap3A_643, %swap3A_644], %swap3A_647 {strides = array<i32>} : memref<32x1024xf32, #tpu.memory_space<vmem>>, vector<1x16xf32>,
      %get3A_648 = arith.index_cast %scan3A_73 : i32 to index
      %get3A_649 = arith.constant 768 : index
      %get3A_650 = tpu.vector_load %arg11[%get3A_648, %get3A_649] {strides = array<i32>} : memref<32x1024xf32, #tpu.memory_space<vmem>>, vector<1x16xf32>,
      %get3A_651 = vector.shape_cast %get3A_650 : vector<1x16xf32> to vector<16xf32>
      %mul3A_652 = arith.constant 1.0668962 : f32
      %mul3A_653 = vector.broadcast %mul3A_652 : f32 to vector<16xf32>
      %mul3A_654 = arith.mulf %get3A_651, %mul3A_653 : vector<16xf32>
      %swap3A_655 = arith.index_cast %scan3A_73 : i32 to index
      %swap3A_656 = arith.constant 768 : index
      %swap3A_657 = tpu.vector_load %arg11[%swap3A_655, %swap3A_656] {strides = array<i32>} : memref<32x1024xf32, #tpu.memory_space<vmem>>, vector<1x16xf32>,
      %swap3A_658 = vector.shape_cast %swap3A_657 : vector<1x16xf32> to vector<16xf32>
      %swap3A_659 = vector.shape_cast %mul3A_654 : vector<16xf32> to vector<1x16xf32>
      tpu.vector_store %arg11[%swap3A_655, %swap3A_656], %swap3A_659 {strides = array<i32>} : memref<32x1024xf32, #tpu.memory_space<vmem>>, vector<1x16xf32>,
      %get3A_660 = arith.index_cast %scan3A_73 : i32 to index
      %get3A_661 = arith.constant 784 : index
      %get3A_662 = tpu.vector_load %arg11[%get3A_660, %get3A_661] {strides = array<i32>} : memref<32x1024xf32, #tpu.memory_space<vmem>>, vector<1x16xf32>,
      %get3A_663 = vector.shape_cast %get3A_662 : vector<1x16xf32> to vector<16xf32>
      %mul3A_664 = arith.constant 1.0668962 : f32
      %mul3A_665 = vector.broadcast %mul3A_664 : f32 to vector<16xf32>
      %mul3A_666 = arith.mulf %get3A_663, %mul3A_665 : vector<16xf32>
      %swap3A_667 = arith.index_cast %scan3A_73 : i32 to index
      %swap3A_668 = arith.constant 784 : index
      %swap3A_669 = tpu.vector_load %arg11[%swap3A_667, %swap3A_668] {strides = array<i32>} : memref<32x1024xf32, #tpu.memory_space<vmem>>, vector<1x16xf32>,
      %swap3A_670 = vector.shape_cast %swap3A_669 : vector<1x16xf32> to vector<16xf32>
      %swap3A_671 = vector.shape_cast %mul3A_666 : vector<16xf32> to vector<1x16xf32>
      tpu.vector_store %arg11[%swap3A_667, %swap3A_668], %swap3A_671 {strides = array<i32>} : memref<32x1024xf32, #tpu.memory_space<vmem>>, vector<1x16xf32>,
      %get3A_672 = arith.index_cast %scan3A_73 : i32 to index
      %get3A_673 = arith.constant 800 : index
      %get3A_674 = tpu.vector_load %arg11[%get3A_672, %get3A_673] {strides = array<i32>} : memref<32x1024xf32, #tpu.memory_space<vmem>>, vector<1x16xf32>,
      %get3A_675 = vector.shape_cast %get3A_674 : vector<1x16xf32> to vector<16xf32>
      %mul3A_676 = arith.constant 1.0668962 : f32
      %mul3A_677 = vector.broadcast %mul3A_676 : f32 to vector<16xf32>
      %mul3A_678 = arith.mulf %get3A_675, %mul3A_677 : vector<16xf32>
      %swap3A_679 = arith.index_cast %scan3A_73 : i32 to index
      %swap3A_680 = arith.constant 800 : index
      %swap3A_681 = tpu.vector_load %arg11[%swap3A_679, %swap3A_680] {strides = array<i32>} : memref<32x1024xf32, #tpu.memory_space<vmem>>, vector<1x16xf32>,
      %swap3A_682 = vector.shape_cast %swap3A_681 : vector<1x16xf32> to vector<16xf32>
      %swap3A_683 = vector.shape_cast %mul3A_678 : vector<16xf32> to vector<1x16xf32>
      tpu.vector_store %arg11[%swap3A_679, %swap3A_680], %swap3A_683 {strides = array<i32>} : memref<32x1024xf32, #tpu.memory_space<vmem>>, vector<1x16xf32>,
      %get3A_684 = arith.index_cast %scan3A_73 : i32 to index
      %get3A_685 = arith.constant 816 : index
      %get3A_686 = tpu.vector_load %arg11[%get3A_684, %get3A_685] {strides = array<i32>} : memref<32x1024xf32, #tpu.memory_space<vmem>>, vector<1x16xf32>,
      %get3A_687 = vector.shape_cast %get3A_686 : vector<1x16xf32> to vector<16xf32>
      %mul3A_688 = arith.constant 1.0668962 : f32
      %mul3A_689 = vector.broadcast %mul3A_688 : f32 to vector<16xf32>
      %mul3A_690 = arith.mulf %get3A_687, %mul3A_689 : vector<16xf32>
      %swap3A_691 = arith.index_cast %scan3A_73 : i32 to index
      %swap3A_692 = arith.constant 816 : index
      %swap3A_693 = tpu.vector_load %arg11[%swap3A_691, %swap3A_692] {strides = array<i32>} : memref<32x1024xf32, #tpu.memory_space<vmem>>, vector<1x16xf32>,
      %swap3A_694 = vector.shape_cast %swap3A_693 : vector<1x16xf32> to vector<16xf32>
      %swap3A_695 = vector.shape_cast %mul3A_690 : vector<16xf32> to vector<1x16xf32>
      tpu.vector_store %arg11[%swap3A_691, %swap3A_692], %swap3A_695 {strides = array<i32>} : memref<32x1024xf32, #tpu.memory_space<vmem>>, vector<1x16xf32>,
      %get3A_696 = arith.index_cast %scan3A_73 : i32 to index
      %get3A_697 = arith.constant 832 : index
      %get3A_698 = tpu.vector_load %arg11[%get3A_696, %get3A_697] {strides = array<i32>} : memref<32x1024xf32, #tpu.memory_space<vmem>>, vector<1x16xf32>,
      %get3A_699 = vector.shape_cast %get3A_698 : vector<1x16xf32> to vector<16xf32>
      %mul3A_700 = arith.constant 1.0668962 : f32
      %mul3A_701 = vector.broadcast %mul3A_700 : f32 to vector<16xf32>
      %mul3A_702 = arith.mulf %get3A_699, %mul3A_701 : vector<16xf32>
      %swap3A_703 = arith.index_cast %scan3A_73 : i32 to index
      %swap3A_704 = arith.constant 832 : index
      %swap3A_705 = tpu.vector_load %arg11[%swap3A_703, %swap3A_704] {strides = array<i32>} : memref<32x1024xf32, #tpu.memory_space<vmem>>, vector<1x16xf32>,
      %swap3A_706 = vector.shape_cast %swap3A_705 : vector<1x16xf32> to vector<16xf32>
      %swap3A_707 = vector.shape_cast %mul3A_702 : vector<16xf32> to vector<1x16xf32>
      tpu.vector_store %arg11[%swap3A_703, %swap3A_704], %swap3A_707 {strides = array<i32>} : memref<32x1024xf32, #tpu.memory_space<vmem>>, vector<1x16xf32>,
      %get3A_708 = arith.index_cast %scan3A_73 : i32 to index
      %get3A_709 = arith.constant 848 : index
      %get3A_710 = tpu.vector_load %arg11[%get3A_708, %get3A_709] {strides = array<i32>} : memref<32x1024xf32, #tpu.memory_space<vmem>>, vector<1x16xf32>,
      %get3A_711 = vector.shape_cast %get3A_710 : vector<1x16xf32> to vector<16xf32>
      %mul3A_712 = arith.constant 1.0668962 : f32
      %mul3A_713 = vector.broadcast %mul3A_712 : f32 to vector<16xf32>
      %mul3A_714 = arith.mulf %get3A_711, %mul3A_713 : vector<16xf32>
      %swap3A_715 = arith.index_cast %scan3A_73 : i32 to index
      %swap3A_716 = arith.constant 848 : index
      %swap3A_717 = tpu.vector_load %arg11[%swap3A_715, %swap3A_716] {strides = array<i32>} : memref<32x1024xf32, #tpu.memory_space<vmem>>, vector<1x16xf32>,
      %swap3A_718 = vector.shape_cast %swap3A_717 : vector<1x16xf32> to vector<16xf32>
      %swap3A_719 = vector.shape_cast %mul3A_714 : vector<16xf32> to vector<1x16xf32>
      tpu.vector_store %arg11[%swap3A_715, %swap3A_716], %swap3A_719 {strides = array<i32>} : memref<32x1024xf32, #tpu.memory_space<vmem>>, vector<1x16xf32>,
      %get3A_720 = arith.index_cast %scan3A_73 : i32 to index
      %get3A_721 = arith.constant 864 : index
      %get3A_722 = tpu.vector_load %arg11[%get3A_720, %get3A_721] {strides = array<i32>} : memref<32x1024xf32, #tpu.memory_space<vmem>>, vector<1x16xf32>,
      %get3A_723 = vector.shape_cast %get3A_722 : vector<1x16xf32> to vector<16xf32>
      %mul3A_724 = arith.constant 1.0668962 : f32
      %mul3A_725 = vector.broadcast %mul3A_724 : f32 to vector<16xf32>
      %mul3A_726 = arith.mulf %get3A_723, %mul3A_725 : vector<16xf32>
      %swap3A_727 = arith.index_cast %scan3A_73 : i32 to index
      %swap3A_728 = arith.constant 864 : index
      %swap3A_729 = tpu.vector_load %arg11[%swap3A_727, %swap3A_728] {strides = array<i32>} : memref<32x1024xf32, #tpu.memory_space<vmem>>, vector<1x16xf32>,
      %swap3A_730 = vector.shape_cast %swap3A_729 : vector<1x16xf32> to vector<16xf32>
      %swap3A_731 = vector.shape_cast %mul3A_726 : vector<16xf32> to vector<1x16xf32>
      tpu.vector_store %arg11[%swap3A_727, %swap3A_728], %swap3A_731 {strides = array<i32>} : memref<32x1024xf32, #tpu.memory_space<vmem>>, vector<1x16xf32>,
      %get3A_732 = arith.index_cast %scan3A_73 : i32 to index
      %get3A_733 = arith.constant 880 : index
      %get3A_734 = tpu.vector_load %arg11[%get3A_732, %get3A_733] {strides = array<i32>} : memref<32x1024xf32, #tpu.memory_space<vmem>>, vector<1x16xf32>,
      %get3A_735 = vector.shape_cast %get3A_734 : vector<1x16xf32> to vector<16xf32>
      %mul3A_736 = arith.constant 1.0668962 : f32
      %mul3A_737 = vector.broadcast %mul3A_736 : f32 to vector<16xf32>
      %mul3A_738 = arith.mulf %get3A_735, %mul3A_737 : vector<16xf32>
      %swap3A_739 = arith.index_cast %scan3A_73 : i32 to index
      %swap3A_740 = arith.constant 880 : index
      %swap3A_741 = tpu.vector_load %arg11[%swap3A_739, %swap3A_740] {strides = array<i32>} : memref<32x1024xf32, #tpu.memory_space<vmem>>, vector<1x16xf32>,
      %swap3A_742 = vector.shape_cast %swap3A_741 : vector<1x16xf32> to vector<16xf32>
      %swap3A_743 = vector.shape_cast %mul3A_738 : vector<16xf32> to vector<1x16xf32>
      tpu.vector_store %arg11[%swap3A_739, %swap3A_740], %swap3A_743 {strides = array<i32>} : memref<32x1024xf32, #tpu.memory_space<vmem>>, vector<1x16xf32>,
      %get3A_744 = arith.index_cast %scan3A_73 : i32 to index
      %get3A_745 = arith.constant 896 : index
      %get3A_746 = tpu.vector_load %arg11[%get3A_744, %get3A_745] {strides = array<i32>} : memref<32x1024xf32, #tpu.memory_space<vmem>>, vector<1x16xf32>,
      %get3A_747 = vector.shape_cast %get3A_746 : vector<1x16xf32> to vector<16xf32>
      %mul3A_748 = arith.constant 1.0668962 : f32
      %mul3A_749 = vector.broadcast %mul3A_748 : f32 to vector<16xf32>
      %mul3A_750 = arith.mulf %get3A_747, %mul3A_749 : vector<16xf32>
      %swap3A_751 = arith.index_cast %scan3A_73 : i32 to index
      %swap3A_752 = arith.constant 896 : index
      %swap3A_753 = tpu.vector_load %arg11[%swap3A_751, %swap3A_752] {strides = array<i32>} : memref<32x1024xf32, #tpu.memory_space<vmem>>, vector<1x16xf32>,
      %swap3A_754 = vector.shape_cast %swap3A_753 : vector<1x16xf32> to vector<16xf32>
      %swap3A_755 = vector.shape_cast %mul3A_750 : vector<16xf32> to vector<1x16xf32>
      tpu.vector_store %arg11[%swap3A_751, %swap3A_752], %swap3A_755 {strides = array<i32>} : memref<32x1024xf32, #tpu.memory_space<vmem>>, vector<1x16xf32>,
      %get3A_756 = arith.index_cast %scan3A_73 : i32 to index
      %get3A_757 = arith.constant 912 : index
      %get3A_758 = tpu.vector_load %arg11[%get3A_756, %get3A_757] {strides = array<i32>} : memref<32x1024xf32, #tpu.memory_space<vmem>>, vector<1x16xf32>,
      %get3A_759 = vector.shape_cast %get3A_758 : vector<1x16xf32> to vector<16xf32>
      %mul3A_760 = arith.constant 1.0668962 : f32
      %mul3A_761 = vector.broadcast %mul3A_760 : f32 to vector<16xf32>
      %mul3A_762 = arith.mulf %get3A_759, %mul3A_761 : vector<16xf32>
      %swap3A_763 = arith.index_cast %scan3A_73 : i32 to index
      %swap3A_764 = arith.constant 912 : index
      %swap3A_765 = tpu.vector_load %arg11[%swap3A_763, %swap3A_764] {strides = array<i32>} : memref<32x1024xf32, #tpu.memory_space<vmem>>, vector<1x16xf32>,
      %swap3A_766 = vector.shape_cast %swap3A_765 : vector<1x16xf32> to vector<16xf32>
      %swap3A_767 = vector.shape_cast %mul3A_762 : vector<16xf32> to vector<1x16xf32>
      tpu.vector_store %arg11[%swap3A_763, %swap3A_764], %swap3A_767 {strides = array<i32>} : memref<32x1024xf32, #tpu.memory_space<vmem>>, vector<1x16xf32>,
      %get3A_768 = arith.index_cast %scan3A_73 : i32 to index
      %get3A_769 = arith.constant 928 : index
      %get3A_770 = tpu.vector_load %arg11[%get3A_768, %get3A_769] {strides = array<i32>} : memref<32x1024xf32, #tpu.memory_space<vmem>>, vector<1x16xf32>,
      %get3A_771 = vector.shape_cast %get3A_770 : vector<1x16xf32> to vector<16xf32>
      %mul3A_772 = arith.constant 1.0668962 : f32
      %mul3A_773 = vector.broadcast %mul3A_772 : f32 to vector<16xf32>
      %mul3A_774 = arith.mulf %get3A_771, %mul3A_773 : vector<16xf32>
      %swap3A_775 = arith.index_cast %scan3A_73 : i32 to index
      %swap3A_776 = arith.constant 928 : index
      %swap3A_777 = tpu.vector_load %arg11[%swap3A_775, %swap3A_776] {strides = array<i32>} : memref<32x1024xf32, #tpu.memory_space<vmem>>, vector<1x16xf32>,
      %swap3A_778 = vector.shape_cast %swap3A_777 : vector<1x16xf32> to vector<16xf32>
      %swap3A_779 = vector.shape_cast %mul3A_774 : vector<16xf32> to vector<1x16xf32>
      tpu.vector_store %arg11[%swap3A_775, %swap3A_776], %swap3A_779 {strides = array<i32>} : memref<32x1024xf32, #tpu.memory_space<vmem>>, vector<1x16xf32>,
      %get3A_780 = arith.index_cast %scan3A_73 : i32 to index
      %get3A_781 = arith.constant 944 : index
      %get3A_782 = tpu.vector_load %arg11[%get3A_780, %get3A_781] {strides = array<i32>} : memref<32x1024xf32, #tpu.memory_space<vmem>>, vector<1x16xf32>,
      %get3A_783 = vector.shape_cast %get3A_782 : vector<1x16xf32> to vector<16xf32>
      %mul3A_784 = arith.constant 1.0668962 : f32
      %mul3A_785 = vector.broadcast %mul3A_784 : f32 to vector<16xf32>
      %mul3A_786 = arith.mulf %get3A_783, %mul3A_785 : vector<16xf32>
      %swap3A_787 = arith.index_cast %scan3A_73 : i32 to index
      %swap3A_788 = arith.constant 944 : index
      %swap3A_789 = tpu.vector_load %arg11[%swap3A_787, %swap3A_788] {strides = array<i32>} : memref<32x1024xf32, #tpu.memory_space<vmem>>, vector<1x16xf32>,
      %swap3A_790 = vector.shape_cast %swap3A_789 : vector<1x16xf32> to vector<16xf32>
      %swap3A_791 = vector.shape_cast %mul3A_786 : vector<16xf32> to vector<1x16xf32>
      tpu.vector_store %arg11[%swap3A_787, %swap3A_788], %swap3A_791 {strides = array<i32>} : memref<32x1024xf32, #tpu.memory_space<vmem>>, vector<1x16xf32>,
      %get3A_792 = arith.index_cast %scan3A_73 : i32 to index
      %get3A_793 = arith.constant 960 : index
      %get3A_794 = tpu.vector_load %arg11[%get3A_792, %get3A_793] {strides = array<i32>} : memref<32x1024xf32, #tpu.memory_space<vmem>>, vector<1x16xf32>,
      %get3A_795 = vector.shape_cast %get3A_794 : vector<1x16xf32> to vector<16xf32>
      %mul3A_796 = arith.constant 1.0668962 : f32
      %mul3A_797 = vector.broadcast %mul3A_796 : f32 to vector<16xf32>
      %mul3A_798 = arith.mulf %get3A_795, %mul3A_797 : vector<16xf32>
      %swap3A_799 = arith.index_cast %scan3A_73 : i32 to index
      %swap3A_800 = arith.constant 960 : index
      %swap3A_801 = tpu.vector_load %arg11[%swap3A_799, %swap3A_800] {strides = array<i32>} : memref<32x1024xf32, #tpu.memory_space<vmem>>, vector<1x16xf32>,
      %swap3A_802 = vector.shape_cast %swap3A_801 : vector<1x16xf32> to vector<16xf32>
      %swap3A_803 = vector.shape_cast %mul3A_798 : vector<16xf32> to vector<1x16xf32>
      tpu.vector_store %arg11[%swap3A_799, %swap3A_800], %swap3A_803 {strides = array<i32>} : memref<32x1024xf32, #tpu.memory_space<vmem>>, vector<1x16xf32>,
      %get3A_804 = arith.index_cast %scan3A_73 : i32 to index
      %get3A_805 = arith.constant 976 : index
      %get3A_806 = tpu.vector_load %arg11[%get3A_804, %get3A_805] {strides = array<i32>} : memref<32x1024xf32, #tpu.memory_space<vmem>>, vector<1x16xf32>,
      %get3A_807 = vector.shape_cast %get3A_806 : vector<1x16xf32> to vector<16xf32>
      %mul3A_808 = arith.constant 1.0668962 : f32
      %mul3A_809 = vector.broadcast %mul3A_808 : f32 to vector<16xf32>
      %mul3A_810 = arith.mulf %get3A_807, %mul3A_809 : vector<16xf32>
      %swap3A_811 = arith.index_cast %scan3A_73 : i32 to index
      %swap3A_812 = arith.constant 976 : index
      %swap3A_813 = tpu.vector_load %arg11[%swap3A_811, %swap3A_812] {strides = array<i32>} : memref<32x1024xf32, #tpu.memory_space<vmem>>, vector<1x16xf32>,
      %swap3A_814 = vector.shape_cast %swap3A_813 : vector<1x16xf32> to vector<16xf32>
      %swap3A_815 = vector.shape_cast %mul3A_810 : vector<16xf32> to vector<1x16xf32>
      tpu.vector_store %arg11[%swap3A_811, %swap3A_812], %swap3A_815 {strides = array<i32>} : memref<32x1024xf32, #tpu.memory_space<vmem>>, vector<1x16xf32>,
      %get3A_816 = arith.index_cast %scan3A_73 : i32 to index
      %get3A_817 = arith.constant 992 : index
      %get3A_818 = tpu.vector_load %arg11[%get3A_816, %get3A_817] {strides = array<i32>} : memref<32x1024xf32, #tpu.memory_space<vmem>>, vector<1x16xf32>,
      %get3A_819 = vector.shape_cast %get3A_818 : vector<1x16xf32> to vector<16xf32>
      %mul3A_820 = arith.constant 1.0668962 : f32
      %mul3A_821 = vector.broadcast %mul3A_820 : f32 to vector<16xf32>
      %mul3A_822 = arith.mulf %get3A_819, %mul3A_821 : vector<16xf32>
      %swap3A_823 = arith.index_cast %scan3A_73 : i32 to index
      %swap3A_824 = arith.constant 992 : index
      %swap3A_825 = tpu.vector_load %arg11[%swap3A_823, %swap3A_824] {strides = array<i32>} : memref<32x1024xf32, #tpu.memory_space<vmem>>, vector<1x16xf32>,
      %swap3A_826 = vector.shape_cast %swap3A_825 : vector<1x16xf32> to vector<16xf32>
      %swap3A_827 = vector.shape_cast %mul3A_822 : vector<16xf32> to vector<1x16xf32>
      tpu.vector_store %arg11[%swap3A_823, %swap3A_824], %swap3A_827 {strides = array<i32>} : memref<32x1024xf32, #tpu.memory_space<vmem>>, vector<1x16xf32>,
      %get3A_828 = arith.index_cast %scan3A_73 : i32 to index
      %get3A_829 = arith.constant 1008 : index
      %get3A_830 = tpu.vector_load %arg11[%get3A_828, %get3A_829] {strides = array<i32>} : memref<32x1024xf32, #tpu.memory_space<vmem>>, vector<1x16xf32>,
      %get3A_831 = vector.shape_cast %get3A_830 : vector<1x16xf32> to vector<16xf32>
      %mul3A_832 = arith.constant 1.0668962 : f32
      %mul3A_833 = vector.broadcast %mul3A_832 : f32 to vector<16xf32>
      %mul3A_834 = arith.mulf %get3A_831, %mul3A_833 : vector<16xf32>
      %swap3A_835 = arith.index_cast %scan3A_73 : i32 to index
      %swap3A_836 = arith.constant 1008 : index
      %swap3A_837 = tpu.vector_load %arg11[%swap3A_835, %swap3A_836] {strides = array<i32>} : memref<32x1024xf32, #tpu.memory_space<vmem>>, vector<1x16xf32>,
      %swap3A_838 = vector.shape_cast %swap3A_837 : vector<1x16xf32> to vector<16xf32>
      %swap3A_839 = vector.shape_cast %mul3A_834 : vector<16xf32> to vector<1x16xf32>
      tpu.vector_store %arg11[%swap3A_835, %swap3A_836], %swap3A_839 {strides = array<i32>} : memref<32x1024xf32, #tpu.memory_space<vmem>>, vector<1x16xf32>,
    }
    %scan3A_63 = arith.constant 32 : i32
    %dma_start3A_64 = arith.constant 0 : i32
    %dma_start3A_65 = arith.constant 0 : i32
    %dma_start3A_66 = tpu.memref_slice %arg5[%dma_start3A_64, %dma_start3A_65] : memref<65536x1024xf32, #tpu.memory_space<hbm>> -> memref<65536x1024xf32, #tpu.memory_space<hbm>>
    tpu.enqueue_indirect_dma source(%arg11 : memref<32x1024xf32, #tpu.memory_space<vmem>>) target(%dma_start3A_66 : memref<65536x1024xf32, #tpu.memory_space<hbm>>) offsets(%arg9 : memref<32xi32, #tpu.memory_space<vmem>>) semaphore(%arg15 : memref<!tpu.dma_semaphore, #tpu.memory_space<semaphore_mem>>)
    %dma_wait3A_67 = arith.constant 0 : i32
    %dma_wait3A_68 = arith.constant 0 : i32
    %dma_wait3A_69 = tpu.memref_slice %arg5[%dma_wait3A_67, %dma_wait3A_68] : memref<65536x1024xf32, #tpu.memory_space<hbm>> -> memref<65536x1024xf32, #tpu.memory_space<hbm>>
    tpu.wait_indirect_dma semaphore(%arg14 : memref<!tpu.dma_semaphore, #tpu.memory_space<semaphore_mem>>) src(%arg10 : memref<32x1024xf32, #tpu.memory_space<vmem>>) dst(%dma_wait3A_69 : memref<65536x1024xf32, #tpu.memory_space<hbm>>)
    %dma_wait3A_70 = arith.constant 0 : i32
    %dma_wait3A_71 = arith.constant 0 : i32
    %dma_wait3A_72 = tpu.memref_slice %arg5[%dma_wait3A_70, %dma_wait3A_71] : memref<65536x1024xf32, #tpu.memory_space<hbm>> -> memref<65536x1024xf32, #tpu.memory_space<hbm>>
    tpu.wait_indirect_dma semaphore(%arg15 : memref<!tpu.dma_semaphore, #tpu.memory_space<semaphore_mem>>) src(%arg11 : memref<32x1024xf32, #tpu.memory_space<vmem>>) dst(%dma_wait3A_72 : memref<65536x1024xf32, #tpu.memory_space<hbm>>)
    return
  }
}

module attributes {stable_mosaic.version = 14 : i64} {
  func.func @_tc_copy_body(%arg0: i32, %arg1: memref<2048x1024xf32, #tpu.memory_space<vmem>>, %arg2: memref<2048x1024xf32, #tpu.memory_space<vmem>>) attributes {dimension_semantics = [#tpu.dimension_semantics<arbitrary>], iteration_bounds = array<i64: 32>, scalar_prefetch = 0 : i64, scratch_operands = 0 : i64, tpu.core_type = #tpu.core_type<tc>, window_params = [{transform_indices = @transform_0, window_bounds = array<i64: 2048, 1024>}, {transform_indices = @transform_1, window_bounds = array<i64: 2048, 1024>}]} {
    %get3A = arith.constant 0 : index
    %get3A_0 = arith.constant 0 : index
    %get3A_1 = vector.load %arg1[%get3A, %get3A_0] : memref<2048x1024xf32, #tpu.memory_space<vmem>>, vector<2048x1024xf32>
    %swap3A = arith.constant 0 : index
    %swap3A_2 = arith.constant 0 : index
    %swap3A_3 = vector.load %arg2[%swap3A, %swap3A_2] : memref<2048x1024xf32, #tpu.memory_space<vmem>>, vector<2048x1024xf32>
    tpu.vector_store %arg2[%swap3A, %swap3A_2], %get3A_1 {strides = array<i32>} : memref<2048x1024xf32, #tpu.memory_space<vmem>>, vector<2048x1024xf32>,
    return
  }
  func.func @transform_0(%arg0: i32) -> (i32, i32) {
    %c0_i32 = arith.constant 0 : i32
    %c0_i32_0 = arith.constant 0 : i32
    return %arg0, %c0_i32 : i32, i32
  }
  func.func @transform_1(%arg0: i32) -> (i32, i32) {
    %c0_i32 = arith.constant 0 : i32
    %c0_i32_0 = arith.constant 0 : i32
    return %arg0, %c0_i32 : i32, i32
  }
}

</mosaic_0001>

<sc_bundles>
// kernel: kernel.4.cloned.1.call-start
scs
__scs_entry_jumppad:
0x0: {  	(pc) =	sbr.rel $0x88, $3  }
0x1: {  	(tag) =	ssettag $0x0;
	lr =	simm.s32 $0x1  }
0x2: {  	[smem:$0x3FA0] =	sst lr;
	_ =	strace $0xD0000000  }
0x3: {  	_ = 	snop  }
0x4: {  	_ = 	snop  }
0x5: {  	_ = 	snop  }
0x6: {  	_ = 	snop  }
0x7: {  	_ = 	snop  }
__scs_overlays_trampoline_lowered:
0x8: {  	[smem:$0x3FAF] =	sst s0  }
0x9: {  	[smem:$0x3FB0] =	sst s1  }
0xa: {  	[smem:$0x3FB1] =	sst s2  }
0xb: {  	[smem:$0x3FB2] =	sst s3  }
0xc: {  	[smem:$0x3FB3] =	sst s4  }
0xd: {  	[smem:$0x3FB4] =	sst s5  }
0xe: {  	[smem:$0x3FB5] =	sst s6  }
0xf: {  	[smem:$0x3FB6] =	sst s7  }
0x10: {  	[smem:$0x3FB7] =	sst s8  }
0x11: {  	[smem:$0x3FB8] =	sst s9;
	s0 =	simm.s32 @!p0 $0x0  }
0x12: {  	s1 =	sld [smem:$0x3F9E];
	s0 =	simm.s32 @p0 $0x1  }
0x13: {  	[smem:$0x3FB9] =	sst s0;
	s0 =	simm.s32 @!p1 $0x0  }
0x14: {  	s2 =	sld [smem:$0x3F9D];
	s0 =	simm.s32 @p1 $0x1  }
0x15: {  	[smem:$0x3FBA] =	sst s0;
	s0 =	simm.s32 @!p2 $0x0  }
0x16: {  	s3 =	sld [smem:$0x3FDB];
	s0 =	simm.s32 @p2 $0x1  }
0x17: {  	s4 =	simm.s32 $0x1BF5;
	[smem:$0x3FBC] =	sst s0  }
0x18: {  	s0 =	sld [smem:$0x3F9F];
	_ =	swait.ge [sflag:s4], $0x0  }
0x19: {  	s7 =	sld [smem:$0x3FA0]  }
0x1a: {  	s8 =	sadd.s32 $0xFFFFE003, lr  }
0x1b: {  	s9 =	sadd.s32 $0xFFFFFEF7, lr;
	s5 =	simm.s32 $0xFFFFFFFF;
	p2 =	slt.u32 s8, $0xFFFFF086  }
0x1c: {  	p1 =	slt.u32 s9, $0xF7A;
	s5 =	simm.s32 @!p2 $0x0  }
0x1d: {  	s5 =	simm.s32 @p1 $0x1;
	p0 =	seq.s32 s7, s2  }
0x1e: {  	s7 =	smul.u32 @!p0 $0xF7A, s2;
	p2 =	seq.s32 @!p0 s5, $0x0  }
0x1f: {  	s9 =	smul.u32 $0xF7A, s1;
	s8 =	simm.s32 @!p0 $0x1BF5;
	p2 =	por !p2, p0  }
0x20: {  	[sflag:s8] =	ssyncset.s32 @!p0 $0xFFFFF086;
	s6 =	sadd.s32 @!p0 s3, s7;
	s7 =	simm.s32 @!p0 $0x108  }
0x21: {  	s3 =	sadd.s32 s3, s9;
	s6 =	sadd.s32 @!p0 $0x88, s6;
	s7 =	simm.s32 @p2 $0x1082  }
0x22: {  	[simem:s7], [sflag:s8] =	dma.local @!p0 [hbm:s6], $0xF7A  }
0x23: {  	s9 =	sor.u32 $0xD0000000, s2;
	s6 =	simm.s32 $0x108;
	_ =	swait.ge @!p0 [sflag:s8], $0x0  }
0x24: {  	s3 =	sadd.s32 $0x88, s3;
	s6 =	simm.s32 @!p1 $0x1082;
	[sflag:s4] =	ssyncset.s32 $0xFFFFF086  }
0x25: {  	[simem:s6], [sflag:s4] =	dma.local [hbm:s3], $0xF7A  }
0x26: {  	[smem:$0x3FA0] =	sst s1;
	(tag) =	ssettag s2;
	_ =	strace s9  }
0x27: {  	s1 =	sld [smem:$0x3FB0]  }
0x28: {  	s2 =	sld [smem:$0x3FB1]  }
0x29: {  	s4 =	sld [smem:$0x3FB3]  }
0x2a: {  	p0 =	seq.s32 s5, $0x0;
	s5 =	sld [smem:$0x3FB4]  }
0x2b: {  	s6 =	sld [smem:$0x3FB5]  }
0x2c: {  	s7 =	sld [smem:$0x3FB6]  }
0x2d: {  	s3 =	simm.s32 $0x108;
	s8 =	sld [smem:$0x3FB7]  }
0x2e: {  	s3 =	simm.s32 @!p0 $0x1082;
	s9 =	sld [smem:$0x3FB8]  }
0x2f: {  	lr =	sadd.s32 s0, s3;
	s0 =	sld [smem:$0x3FAF]  }
0x30: {  	s3 =	sld [smem:$0x3FB2]  }
0x31: {  	[smem:$0x3FBB] =	sst s10  }
0x32: {  	s10 =	sld [smem:$0x3FB9];
	_ =	sdelay $0x3  }
0x33: {  	p0 =	seq.s32 s10, $0x1;
	s10 =	sld [smem:$0x3FBB];
	_ =	sdelay $0x3  }
0x34: {  	[smem:$0x3FBB] =	sst s10  }
0x35: {  	s10 =	sld [smem:$0x3FBA];
	_ =	sdelay $0x3  }
0x36: {  	p1 =	seq.s32 s10, $0x1;
	s10 =	sld [smem:$0x3FBB];
	_ =	sdelay $0x3  }
0x37: {  	[smem:$0x3FBB] =	sst s10  }
0x38: {  	s10 =	sld [smem:$0x3FBC]  }
0x39: {  	_ = 	snop;
	(pc) =	sbr.ind lr, $3  }
0x3a: {  	_ = 	snop  }
0x3b: {  	_ = 	snop  }
0x3c: {  	p2 =	seq.s32 s10, $0x1;
	s10 =	sld [smem:$0x3FBB]  }
0x3d: {  	_ =	shalt  }
0x3e: {  	_ =	shalt  }
0x3f: {  	_ =	shalt  }
0x40: {  	_ =	shalt  }
0x41: {  	_ =	shalt  }
0x42: {  	_ =	shalt  }
0x43: {  	_ =	shalt  }
0x44: {  	_ =	shalt  }
0x45: {  	_ =	shalt  }
0x46: {  	_ =	shalt  }
0x47: {  	_ =	shalt  }
0x48: {  	_ =	shalt  }
0x49: {  	_ =	shalt  }
0x4a: {  	_ =	shalt  }
0x4b: {  	_ =	shalt  }
0x4c: {  	_ =	shalt  }
0x4d: {  	_ =	shalt  }
0x4e: {  	_ =	shalt  }
0x4f: {  	_ =	shalt  }
0x50: {  	_ =	shalt  }
0x51: {  	_ =	shalt  }
0x52: {  	_ =	shalt  }
0x53: {  	_ =	shalt  }
0x54: {  	_ =	shalt  }
0x55: {  	_ =	shalt  }
0x56: {  	_ =	shalt  }
0x57: {  	_ =	shalt  }
0x58: {  	_ =	shalt  }
0x59: {  	_ =	shalt  }
0x5a: {  	_ =	shalt  }
0x5b: {  	_ =	shalt  }
0x5c: {  	_ =	shalt  }
0x5d: {  	_ =	shalt  }
0x5e: {  	_ =	shalt  }
0x5f: {  	_ =	shalt  }
0x60: {  	_ =	shalt  }
0x61: {  	_ =	shalt  }
0x62: {  	_ =	shalt  }
0x63: {  	_ =	shalt  }
0x64: {  	_ =	shalt  }
0x65: {  	_ =	shalt  }
0x66: {  	_ =	shalt  }
0x67: {  	_ =	shalt  }
0x68: {  	_ =	shalt  }
0x69: {  	_ =	shalt  }
0x6a: {  	_ =	shalt  }
0x6b: {  	_ =	shalt  }
0x6c: {  	_ =	shalt  }
0x6d: {  	_ =	shalt  }
0x6e: {  	_ =	shalt  }
0x6f: {  	_ =	shalt  }
0x70: {  	_ =	shalt  }
0x71: {  	_ =	shalt  }
0x72: {  	_ =	shalt  }
0x73: {  	_ =	shalt  }
0x74: {  	_ =	shalt  }
0x75: {  	_ =	shalt  }
0x76: {  	_ =	shalt  }
0x77: {  	_ =	shalt  }
0x78: {  	_ =	shalt  }
0x79: {  	_ =	shalt  }
0x7a: {  	_ =	shalt  }
0x7b: {  	_ =	shalt  }
0x7c: {  	_ =	shalt  }
0x7d: {  	_ =	shalt  }
0x7e: {  	_ =	shalt  }
0x7f: {  	_ =	shalt  }
0x80: {  	_ =	shalt  }
0x81: {  	_ =	shalt  }
0x82: {  	_ =	shalt  }
0x83: {  	_ =	shalt  }
0x84: {  	_ =	shalt  }
0x85: {  	_ =	shalt  }
0x86: {  	_ =	shalt  }
0x87: {  	_ =	shalt  }
.Lfunc_end0:
.L_simem_size_0:
called_computation_lowered:
.L_overlay_start_0:
0x88: {  	s2 =	sld [smem:$0x3FD9]  }
0x89: {  	s3 =	sld [smem:$0x3FFE];
	_ =	sdelay $0x1  }
0x8a: {  	s1 =	srdreg.scid  }
0x8b: {  	s0 =	sand.u32 $0x1, s1  }
0x8c: {  	s17 =	sshll.u32 s0, $0xA;
	s2 =	sadd.s32 s3, s2  }
0x8d: {  	s2 =	sadd.s32 s2, s17  }
0x8e: {  	[smem:$0x3FC7] =	sst s2  }
0x8f: {  	_ = 	snop  }
0x90: {  	s2 =	sld [smem:$0x3FC9]  }
0x91: {  	s18 =	sld [smem:$0x3FD0];
	(tm) =	ssettm $0x1  }
0x92: {  	s4 =	sld [smem:$0x3FFB];
	_ =	sdelay $0x3  }
0x93: {  	_ =	strace s4  }
0x94: {  	s4 =	sld [smem:$0x3FFC];
	_ =	sdelay $0x3  }
0x95: {  	_ =	strace s4  }
0x96: {  	s4 =	sld [smem:$0x3FFD];
	_ =	sdelay $0x3  }
0x97: {  	_ =	strace s4  }
0x98: {  	_ =	strace $0x8FFFFFFF  }
0x99: {  	s19 =	sld [smem:$0x3FDB];
	_ =	sdelay $0x1  }
0x9a: {  	s5 =	simm.s32 $_scs_section_size  }
0x9b: {  	s6 =	simm.s32 $_size__tile_overlayer_lowered;
	s7 =	simm.s32 $_tile_overlayer_lowered  }
0x9c: {  	s22 =	simm.s32 $0x1BFF;
	s21 =	sshll.u32 s7, $0x1;
	s4 =	sadd.s32 s5, s19  }
0x9d: {  	s8 =	simm.s32 $0x0;
	s20 =	sshll.u32 s6, $0x1;
	s6 =	sadd.s32 s21, s4  }
0x9e: {  	[timem:s8], [sflag:s22] =	dma.local [hbm:s6], s20  }
0x9f: {  	_ =	swait.ge [sflag:s22], s20  }
0xa0: {  	s5 =	ssub.s32 $0x0, s20;
	[sflag:s22] =	ssyncset.done $0x0  }
0xa1: {  	[sflag:s22] =	ssyncadd.s32 s5;
	_ =	sdelay $0x1  }
0xa2: {  	s23 =	simm.s32 $0x1B8B  }
0xa3: {  	_ =	swait.ge [sflag:s23], $0x1  }
0xa4: {  	[sflag:s23] =	ssyncset.done $0x0  }
0xa5: {  	s25 =	simm.s32 $0x1B8E;
	s24 =	sld [smem:$0x3FFE];
	[sflag:s23] =	ssyncadd.s32 $0xFFFFFFFF  }
0xa6: {  	s26 =	simm.s32 $execute0_lowered;
	[smem:$0x3FD2] =	sst s25  }
0xa7: {  	s6 =	sshll.u32 s26, $0x1;
	_ =	strace $0x80000046;
	[dreg:$0x1] =	wrdreg $0xFFFFFFFF  }
0xa8: {  	s28 =	simm.s32 $_size_execute0_lowered;
	s4 =	sadd.s32 s4, s6;
	[dreg:$0x0] =	wrdreg $0x0  }
0xa9: {  	s6 =	sshll.u32 s28, $0x1;
	[dreg:$0x2] =	wrdreg s4  }
0xaa: {  	[dreg:$0x3] =	wrdreg s6  }
0xab: {  	[dreg:$0x4] =	wrdreg $0xC0  }
0xac: {  	_ =	task [dreg:s8], $0x5FFFF  }
0xad: {  	[dreg:$0x1] =	wrdreg $0xFFFFFFFF  }
0xae: {  	[dreg:$0x0] =	wrdreg $0x60  }
0xaf: {  	[dreg:$0x2] =	wrdreg s2  }
0xb0: {  	[dreg:$0x3] =	wrdreg s24  }
0xb1: {  	[dreg:$0x4] =	wrdreg s18  }
0xb2: {  	[dreg:$0x5] =	wrdreg $0x9  }
0xb3: {  	_ =	task.clear_ibuf [dreg:s8], $0x6FFFF;
	_ =	strace $0x90000046  }
0xb4: {  	s29 =	simm.s32 $0x9;
	_ =	strace $0x80000048  }
0xb5: {  	_ =	swait.ge [sflag:s29], $0x1  }
0xb6: {  	[sflag:s29] =	ssyncadd.s32 $0xFFFFFFFF  }
0xb7: {  	_ =	strace $0x90000048  }
0xb8: {  	_ =	sfence  }
0xb9: {  	s30 =	sld [smem:$0x0];
	_ =	sdelay $0x2  }
0xba: {  	s31 =	sshll.u32 s1, $0xD;
	s1 =	sshrl.u32 s1, $0x2  }
0xbb: {  	s3 =	sand.u32 $0x4000, s31;
	s1 =	sadd.s32 s1, s30  }
0xbc: {  	s0 =	sor.u32 s3, s0;
	s1 =	sshll.u32 s1, $0x11  }
0xbd: {  	s0 =	sor.u32 s1, s0  }
0xbe: {  	s0 =	sadd.s32 $0x8F2B, s0  }
0xbf: {  	[sflag:s0] =	ssyncadd.remote.s32 $0x1  }
0xc0: {  	_ =	sfence.sel $0xFFFF  }
0xc1: {  	[dreg:$0x0] =	wrdreg $0xFFFFFFFF;
	(pc) =	sbr.abs _section_cstart, $3  }
0xc2: {  	[dreg:$0x1] =	wrdreg $0xFFFFFFFF  }
0xc3: {  	_ =	task.clear_ibuf [dreg:s8], $0x2FFFF;
	_ =	strace $0x9FFFFFFF  }
0xc4: {  	(tm) =	ssettm $0x7FFFFFFF  }
0xc5: {  	_ =	shalt  }
tec
execute0_lowered:
.L_overlay_start_1:
0x0: {  	(tag) =	ssettag $0x1  }
0x1: {  	s2 =	rddreg [dreg:$0x0]  }
0x2: {  	s0 =	rddreg [dreg:$0x1]  }
0x3: {  	s1 =	srdreg.scid;
	s3 =	rddreg [dreg:$0x2]  }
0x4: {  	s4 =	stileid.u32;
	s16 =	simm.s32 $0x5;
	s31 =	simm.s32 $0x3A00  }
0x5: {  	s17 =	simm.s32 $0x5A00;
	s23 =	simm.s32 $0x6A00;
	s24 =	simm.s32 $0x7200  }
0x6: {  	s8 =	simm.s32 $0x8200;
	s15 =	simm.s32 $0x8A00;
	s20 =	simm.s32 $0x9200  }
0x7: {  	s21 =	simm.s32 $0x9A00;
	s22 =	simm.s32 $0xA200;
	s19 =	simm.s32 $0x0  }
0x8: {  	s1 =	sand.u32 $0x1, s1;
	s5 =	sshll.u32 s4, $0x7;
	s4 =	simm.s32 $0x0  }
0x9: {  	s9 =	sadd.s32 $0x100, s2;
	s10 =	sadd.s32 $0x200, s2;
	s6 =	sshll.u32 s1, $0x6  }
0xa: {  	s11 =	sadd.s32 $0x300, s2;
	s12 =	sadd.s32 $0x100, s3;
	s5 =	sor.u32 s6, s5  }
0xb: {  	s13 =	sadd.s32 $0x200, s3;
	s14 =	sadd.s32 $0x300, s3;
	s0 =	sadd.s32 s5, s0  }
0xc: {  	s1 =	ssub.s32 $0x2, s1;
	[smem:$0x7FF] =	sst s4;
	s26 =	sadd.s32 $0x600, s0  }
0xd: {  	_ =	strace $0x80000047;
	s28 =	sadd.s32 $0x610, s0;
	[dreg:$0x4] =	wrdreg s26  }
0xe: {  	s25 =	sshrl.u32 s1, $0x1;
	s29 =	sadd.s32 $0x620, s0;
	[dreg:$0x5] =	wrdreg s28  }
0xf: {  	v2 =	vlaneseq.u32;
	s1 =	ssub.s32 s1, s25;
	s0 =	sadd.s32 $0x630, s0;
	[dreg:$0x6] =	wrdreg s29  }
0x10: {  	vm0 =	vmmov $0xffff;
	v1 =	vshrl.u32 v2, $0x3;
	s5 =	simm.s32 $0x4A00;
	s30 =	smax.u32 s1, $0x1;
	[dreg:$0x7] =	wrdreg s0  }
0x11: {  	v0 =	vand.u32 $0x7, v2;
	v2 =	vor.u32 $0x8, v2;
	v1 =	vmul.u32 $0x8, v1;
	s25 =	simm.s32 $0x7A00;
	[dreg:$0x8] =	wrdreg s30;
	s0 =	simm.s32 $0x6200  }
.LBB2_1:
0x12: {  	s6 =	rddreg [dreg:$0x4]  }
0x13: {  	[tilespmem:s4], [sflag:$0x5] =	stream.linear.gather [hbm4b:s6+s4], $0x80, $0x38;
	[tilespmem:$0x10200] =	vst v63  }
0x14: {  	_ =	swait.ge [sflag:s16], $0x80  }
0x15: {  	[sflag:s16] =	ssyncset.done $0x0  }
0x16: {  	s7 =	simm.s32 $0x80;
	s6 =	rddreg [dreg:$0x5];
	[sflag:s16] =	ssyncadd.s32 $0xFFFFFF80  }
0x17: {  	[tilespmem:s7], [sflag:$0x5] =	stream.linear.gather [hbm4b:s6+s4], $0x80, $0x38;
	[tilespmem:$0x10200] =	vst v63  }
0x18: {  	_ =	swait.ge [sflag:s16], $0x80  }
0x19: {  	[sflag:s16] =	ssyncset.done $0x0  }
0x1a: {  	s7 =	simm.s32 $0x100;
	s6 =	rddreg [dreg:$0x6];
	[sflag:s16] =	ssyncadd.s32 $0xFFFFFF80  }
0x1b: {  	[tilespmem:s7], [sflag:$0x5] =	stream.linear.gather [hbm4b:s6+s4], $0x80, $0x38;
	[tilespmem:$0x10200] =	vst v63  }
0x1c: {  	_ =	swait.ge [sflag:s16], $0x80  }
0x1d: {  	[sflag:s16] =	ssyncset.done $0x0  }
0x1e: {  	s7 =	simm.s32 $0x180;
	s6 =	rddreg [dreg:$0x7];
	[sflag:s16] =	ssyncadd.s32 $0xFFFFFF80  }
0x1f: {  	[tilespmem:s7], [sflag:$0x5] =	stream.linear.gather [hbm4b:s6+s4], $0x80, $0x38;
	[tilespmem:$0x10200] =	vst v63  }
0x20: {  	_ =	swait.ge [sflag:s16], $0x80  }
0x21: {  	[sflag:s16] =	ssyncset.done $0x0  }
0x22: {  	[sflag:s16] =	ssyncadd.s32 $0xFFFFFF80  }
0x23: {  	v3 =	vld [tilespmem:$0x0];
	_ =	sdelay $0x4  }
0x24: {  	v4 =	vshll.u32 v3, $0x3  }
0x25: {  	v3 =	vand.u32 $0x7, v3;
	v4 =	vand.u32 $0xFFFFFFC0, v4  }
0x26: {  	v3 =	vor.u32 v3, v4  }
0x27: {  	v4 =	vperm.xlane v3, v0;
	_ =	sdelay $0x1  }
0x28: {  	v4 =	vadd.s32 v1, v4;
	_ =	sdelay $0x3  }
0x29: {  	s7 =	simm.s32 $0x200  }
0x2a: {  	[tilespmem:s7], [sflag:$0x1] =	stream.indirect_vreg.gather [hbm4b:s2+s4], $0x80, v4, vm0, $0xb8;
	[tilespmem:$0x10200] =	vst v63  }
0x2b: {  	v3 =	vperm.xlane v3, v2;
	s7 =	simm.s32 $0xA00  }
0x2c: {  	[tilespmem:s7], [sflag:$0x1] =	stream.indirect_vreg.gather [hbm4b:s9+s4], $0x80, v4, vm0, $0xb8;
	[tilespmem:$0x10200] =	vst v63  }
0x2d: {  	v3 =	vadd.s32 v1, v3;
	s7 =	simm.s32 $0x1200  }
0x2e: {  	[tilespmem:s7], [sflag:$0x1] =	stream.indirect_vreg.gather [hbm4b:s10+s4], $0x80, v4, vm0, $0xb8;
	[tilespmem:$0x10200] =	vst v63  }
0x2f: {  	s7 =	simm.s32 $0x1A00  }
0x30: {  	[tilespmem:s7], [sflag:$0x1] =	stream.indirect_vreg.gather [hbm4b:s11+s4], $0x80, v4, vm0, $0xb8;
	[tilespmem:$0x10200] =	vst v63  }
0x31: {  	s7 =	simm.s32 $0x2200  }
0x32: {  	[tilespmem:s7], [sflag:$0x1] =	stream.indirect_vreg.gather [hbm4b:s2+s4], $0x80, v3, vm0, $0xb8;
	[tilespmem:$0x10200] =	vst v63  }
0x33: {  	s7 =	simm.s32 $0x2A00  }
0x34: {  	[tilespmem:s7], [sflag:$0x1] =	stream.indirect_vreg.gather [hbm4b:s9+s4], $0x80, v3, vm0, $0xb8;
	[tilespmem:$0x10200] =	vst v63  }
0x35: {  	s7 =	simm.s32 $0x3200  }
0x36: {  	[tilespmem:s7], [sflag:$0x1] =	stream.indirect_vreg.gather [hbm4b:s10+s4], $0x80, v3, vm0, $0xb8;
	[tilespmem:$0x10200] =	vst v63  }
0x37: {  	_ = 	snop  }
0x38: {  	[tilespmem:s31], [sflag:$0x1] =	stream.indirect_vreg.gather [hbm4b:s11+s4], $0x80, v3, vm0, $0xb8;
	[tilespmem:$0x10200] =	vst v63  }
0x39: {  	v3 =	vld [tilespmem:$0x10];
	_ =	sdelay $0x4  }
0x3a: {  	v61 =	vshll.u32 v3, $0x3  }
0x3b: {  	v3 =	vand.u32 $0x7, v3;
	v4 =	vand.u32 $0xFFFFFFC0, v61  }
0x3c: {  	v3 =	vor.u32 v3, v4  }
0x3d: {  	v4 =	vperm.xlane v3, v0;
	_ =	sdelay $0x1  }
0x3e: {  	v4 =	vadd.s32 v1, v4;
	_ =	sdelay $0x3  }
0x3f: {  	s31 =	simm.s32 $0x4200  }
0x40: {  	[tilespmem:s31], [sflag:$0x1] =	stream.indirect_vreg.gather [hbm4b:s2+s4], $0x80, v4, vm0, $0xb8;
	[tilespmem:$0x10200] =	vst v63  }
0x41: {  	v3 =	vperm.xlane v3, v2  }
0x42: {  	[tilespmem:s5], [sflag:$0x1] =	stream.indirect_vreg.gather [hbm4b:s9+s4], $0x80, v4, vm0, $0xb8;
	[tilespmem:$0x10200] =	vst v63  }
0x43: {  	s7 =	simm.s32 $0x5200;
	v3 =	vadd.s32 v1, v3  }
0x44: {  	[tilespmem:s7], [sflag:$0x1] =	stream.indirect_vreg.gather [hbm4b:s10+s4], $0x80, v4, vm0, $0xb8;
	[tilespmem:$0x10200] =	vst v63  }
0x45: {  	_ = 	snop  }
0x46: {  	[tilespmem:s17], [sflag:$0x1] =	stream.indirect_vreg.gather [hbm4b:s11+s4], $0x80, v4, vm0, $0xb8;
	[tilespmem:$0x10200] =	vst v63  }
0x47: {  	_ = 	snop  }
0x48: {  	[tilespmem:s0], [sflag:$0x1] =	stream.indirect_vreg.gather [hbm4b:s2+s4], $0x80, v3, vm0, $0xb8;
	[tilespmem:$0x10200] =	vst v63  }
0x49: {  	_ = 	snop  }
0x4a: {  	[tilespmem:s23], [sflag:$0x1] =	stream.indirect_vreg.gather [hbm4b:s9+s4], $0x80, v3, vm0, $0xb8;
	[tilespmem:$0x10200] =	vst v63  }
0x4b: {  	_ = 	snop  }
0x4c: {  	[tilespmem:s24], [sflag:$0x1] =	stream.indirect_vreg.gather [hbm4b:s10+s4], $0x80, v3, vm0, $0xb8;
	[tilespmem:$0x10200] =	vst v63  }
0x4d: {  	_ = 	snop  }
0x4e: {  	[tilespmem:s25], [sflag:$0x1] =	stream.indirect_vreg.gather [hbm4b:s11+s4], $0x80, v3, vm0, $0xb8;
	[tilespmem:$0x10200] =	vst v63  }
0x4f: {  	s25 =	simm.s32 $0x1  }
0x50: {  	_ =	swait.ge [sflag:s25], $0x8000  }
0x51: {  	[sflag:s25] =	ssyncset.done $0x0  }
0x52: {  	[sflag:s25] =	ssyncadd.s32 $0xFFFF8000  }
0x53: {  	v3 =	vld [tilespmem:$0x80];
	_ =	sdelay $0x4  }
0x54: {  	v62 =	vshll.u32 v3, $0x3  }
0x55: {  	v3 =	vand.u32 $0x7, v3;
	v4 =	vand.u32 $0xFFFFFFC0, v62  }
0x56: {  	v3 =	vor.u32 v3, v4  }
0x57: {  	v4 =	vperm.xlane v3, v0;
	_ =	sdelay $0x1  }
0x58: {  	v4 =	vadd.s32 v1, v4;
	_ =	sdelay $0x4  }
0x59: {  	[tilespmem:s8], [sflag:$0x2] =	stream.indirect_vreg.gather [hbm4b:s2+s4], $0x80, v4, vm0, $0xb8;
	[tilespmem:$0x10200] =	vst v63  }
0x5a: {  	v3 =	vperm.xlane v3, v2  }
0x5b: {  	[tilespmem:s15], [sflag:$0x2] =	stream.indirect_vreg.gather [hbm4b:s9+s4], $0x80, v4, vm0, $0xb8;
	[tilespmem:$0x10200] =	vst v63  }
0x5c: {  	v3 =	vadd.s32 v1, v3  }
0x5d: {  	[tilespmem:s20], [sflag:$0x2] =	stream.indirect_vreg.gather [hbm4b:s10+s4], $0x80, v4, vm0, $0xb8;
	[tilespmem:$0x10200] =	vst v63  }
0x5e: {  	_ = 	snop  }
0x5f: {  	[tilespmem:s21], [sflag:$0x2] =	stream.indirect_vreg.gather [hbm4b:s11+s4], $0x80, v4, vm0, $0xb8;
	[tilespmem:$0x10200] =	vst v63  }
0x60: {  	_ = 	snop  }
0x61: {  	[tilespmem:s22], [sflag:$0x2] =	stream.indirect_vreg.gather [hbm4b:s2+s4], $0x80, v3, vm0, $0xb8;
	[tilespmem:$0x10200] =	vst v63  }
0x62: {  	s26 =	simm.s32 $0xAA00  }
0x63: {  	[tilespmem:s26], [sflag:$0x2] =	stream.indirect_vreg.gather [hbm4b:s9+s4], $0x80, v3, vm0, $0xb8;
	[tilespmem:$0x10200] =	vst v63  }
0x64: {  	s26 =	simm.s32 $0xB200  }
0x65: {  	[tilespmem:s26], [sflag:$0x2] =	stream.indirect_vreg.gather [hbm4b:s10+s4], $0x80, v3, vm0, $0xb8;
	[tilespmem:$0x10200] =	vst v63  }
0x66: {  	s28 =	simm.s32 $0xBA00  }
0x67: {  	[tilespmem:s28], [sflag:$0x2] =	stream.indirect_vreg.gather [hbm4b:s11+s4], $0x80, v3, vm0, $0xb8;
	[tilespmem:$0x10200] =	vst v63  }
0x68: {  	v3 =	vld [tilespmem:$0x90];
	_ =	sdelay $0x4  }
0x69: {  	v63 =	vshll.u32 v3, $0x3  }
0x6a: {  	v3 =	vand.u32 $0x7, v3;
	v4 =	vand.u32 $0xFFFFFFC0, v63  }
0x6b: {  	v3 =	vor.u32 v3, v4  }
0x6c: {  	v4 =	vperm.xlane v3, v0;
	_ =	sdelay $0x1  }
0x6d: {  	v4 =	vadd.s32 v1, v4;
	_ =	sdelay $0x3  }
0x6e: {  	s28 =	simm.s32 $0xC200  }
0x6f: {  	[tilespmem:s28], [sflag:$0x2] =	stream.indirect_vreg.gather [hbm4b:s2+s4], $0x80, v4, vm0, $0xb8;
	[tilespmem:$0x10200] =	vst v63  }
0x70: {  	s29 =	simm.s32 $0xCA00;
	v3 =	vperm.xlane v3, v2  }
0x71: {  	[tilespmem:s29], [sflag:$0x2] =	stream.indirect_vreg.gather [hbm4b:s9+s4], $0x80, v4, vm0, $0xb8;
	[tilespmem:$0x10200] =	vst v63  }
0x72: {  	v3 =	vadd.s32 v1, v3;
	s29 =	simm.s32 $0xD200  }
0x73: {  	[tilespmem:s29], [sflag:$0x2] =	stream.indirect_vreg.gather [hbm4b:s10+s4], $0x80, v4, vm0, $0xb8;
	[tilespmem:$0x10200] =	vst v63  }
0x74: {  	s30 =	simm.s32 $0xDA00  }
0x75: {  	[tilespmem:s30], [sflag:$0x2] =	stream.indirect_vreg.gather [hbm4b:s11+s4], $0x80, v4, vm0, $0xb8;
	[tilespmem:$0x10200] =	vst v63  }
0x76: {  	s30 =	simm.s32 $0xE200  }
0x77: {  	[tilespmem:s30], [sflag:$0x2] =	stream.indirect_vreg.gather [hbm4b:s2+s4], $0x80, v3, vm0, $0xb8;
	[tilespmem:$0x10200] =	vst v63  }
0x78: {  	s1 =	simm.s32 $0xEA00  }
0x79: {  	[tilespmem:s1], [sflag:$0x2] =	stream.indirect_vreg.gather [hbm4b:s9+s4], $0x80, v3, vm0, $0xb8;
	[tilespmem:$0x10200] =	vst v63  }
0x7a: {  	s18 =	simm.s32 $0xF200;
	s6 =	simm.s32 $0xFFFF8000;
	s31 =	simm.s32 $0xFA00  }
0x7b: {  	[tilespmem:s18], [sflag:$0x2] =	stream.indirect_vreg.gather [hbm4b:s10+s4], $0x80, v3, vm0, $0xb8;
	[tilespmem:$0x10200] =	vst v63  }
0x7c: {  	s7 =	simm.s32 $0x0;
	s8 =	simm.s32 $0x0;
	s15 =	simm.s32 $0x0  }
0x7d: {  	[tilespmem:s31], [sflag:$0x2] =	stream.indirect_vreg.gather [hbm4b:s11+s4], $0x80, v3, vm0, $0xb8;
	[tilespmem:$0x10200] =	vst v63  }
.LBB2_2:
0x7e: {  	s20 =	sadd.s32 $0x8000, s6  }
0x7f: {  	s21 =	sand.u32 $0x380, s15;
	s20 =	sand.u32 $0x6000, s20  }
0x80: {  	s20 =	sor.u32 s21, s20  }
0x81: {  	v3 =	vld [tilespmem:s20+$0x200]  }
0x82: {  	v4 =	vld [tilespmem:s20+$0x210]  }
0x83: {  	v6 =	vld [tilespmem:s20+$0x230]  }
0x84: {  	v8 =	vld [tilespmem:s20+$0x260]  }
0x85: {  	v5 =	vld [tilespmem:s20+$0x220]  }
0x86: {  	v43 =	vld [tilespmem:s20+$0x600];
	v3 =	vmul.f32 $1.066896200e+00, v3  }
0x87: {  	v7 =	vld [tilespmem:s20+$0x250];
	v4 =	vmul.f32 $1.066896200e+00, v4  }
0x88: {  	v46 =	vld [tilespmem:s20+$0x620];
	v44 =	vmul.f32 $1.066896200e+00, v6;
	[tilespmem:s20+$0x200] =	vst v3  }
0x89: {  	v9 =	vld [tilespmem:s20+$0x270];
	v47 =	vmul.f32 $1.066896200e+00, v8;
	[tilespmem:s20+$0x210] =	vst v4  }
0x8a: {  	v49 =	vld [tilespmem:s20+$0x650];
	v3 =	vmul.f32 $1.066896200e+00, v5;
	[tilespmem:s20+$0x230] =	vst v44  }
0x8b: {  	v45 =	vld [tilespmem:s20+$0x610];
	v50 =	vmul.f32 $1.066896200e+00, v43;
	[tilespmem:s20+$0x260] =	vst v47  }
0x8c: {  	v52 =	vld [tilespmem:s20+$0x670];
	[tilespmem:s20+$0x220] =	vst v3;
	v3 =	vmul.f32 $1.066896200e+00, v7  }
0x8d: {  	v48 =	vld [tilespmem:s20+$0x630];
	v53 =	vmul.f32 $1.066896200e+00, v46;
	[tilespmem:s20+$0x600] =	vst v50  }
0x8e: {  	v55 =	vld [tilespmem:s20+$0xA10];
	[tilespmem:s20+$0x250] =	vst v3;
	v3 =	vmul.f32 $1.066896200e+00, v9  }
0x8f: {  	v51 =	vld [tilespmem:s20+$0x660];
	v56 =	vmul.f32 $1.066896200e+00, v49;
	[tilespmem:s20+$0x620] =	vst v53  }
0x90: {  	v58 =	vld [tilespmem:s20+$0xA30];
	[tilespmem:s20+$0x270] =	vst v3;
	v3 =	vmul.f32 $1.066896200e+00, v45  }
0x91: {  	v54 =	vld [tilespmem:s20+$0xA00];
	v59 =	vmul.f32 $1.066896200e+00, v52;
	[tilespmem:s20+$0x650] =	vst v56  }
0x92: {  	v61 =	vld [tilespmem:s20+$0xA60];
	[tilespmem:s20+$0x610] =	vst v3;
	v3 =	vmul.f32 $1.066896200e+00, v48  }
0x93: {  	v57 =	vld [tilespmem:s20+$0xA20];
	v62 =	vmul.f32 $1.066896200e+00, v55;
	[tilespmem:s20+$0x670] =	vst v59  }
0x94: {  	v12 =	vld [tilespmem:s20+$0xE00];
	[tilespmem:s20+$0x630] =	vst v3;
	v3 =	vmul.f32 $1.066896200e+00, v51  }
0x95: {  	v60 =	vld [tilespmem:s20+$0xA50];
	v13 =	vmul.f32 $1.066896200e+00, v58;
	[tilespmem:s20+$0xA10] =	vst v62  }
0x96: {  	v15 =	vld [tilespmem:s20+$0xE20];
	[tilespmem:s20+$0x660] =	vst v3;
	v3 =	vmul.f32 $1.066896200e+00, v54  }
0x97: {  	v63 =	vld [tilespmem:s20+$0xA70];
	v16 =	vmul.f32 $1.066896200e+00, v61;
	[tilespmem:s20+$0xA30] =	vst v13  }
0x98: {  	v18 =	vld [tilespmem:s20+$0xE50];
	[tilespmem:s20+$0xA00] =	vst v3;
	v3 =	vmul.f32 $1.066896200e+00, v57  }
0x99: {  	v14 =	vld [tilespmem:s20+$0xE10];
	v19 =	vmul.f32 $1.066896200e+00, v12;
	[tilespmem:s20+$0xA60] =	vst v16  }
0x9a: {  	v21 =	vld [tilespmem:s20+$0xE70];
	[tilespmem:s20+$0xA20] =	vst v3;
	v3 =	vmul.f32 $1.066896200e+00, v60  }
0x9b: {  	v17 =	vld [tilespmem:s20+$0xE30];
	v22 =	vmul.f32 $1.066896200e+00, v15;
	[tilespmem:s20+$0xE00] =	vst v19  }
0x9c: {  	v24 =	vld [tilespmem:s20+$0x1210];
	[tilespmem:s20+$0xA50] =	vst v3;
	v3 =	vmul.f32 $1.066896200e+00, v63  }
0x9d: {  	v20 =	vld [tilespmem:s20+$0xE60];
	v25 =	vmul.f32 $1.066896200e+00, v18;
	[tilespmem:s20+$0xE20] =	vst v22  }
0x9e: {  	v27 =	vld [tilespmem:s20+$0x1230];
	[tilespmem:s20+$0xA70] =	vst v3;
	v3 =	vmul.f32 $1.066896200e+00, v14  }
0x9f: {  	v23 =	vld [tilespmem:s20+$0x1200];
	v28 =	vmul.f32 $1.066896200e+00, v21;
	[tilespmem:s20+$0xE50] =	vst v25  }
0xa0: {  	v30 =	vld [tilespmem:s20+$0x1260];
	[tilespmem:s20+$0xE10] =	vst v3;
	v3 =	vmul.f32 $1.066896200e+00, v17  }
0xa1: {  	v26 =	vld [tilespmem:s20+$0x1220];
	v31 =	vmul.f32 $1.066896200e+00, v24;
	[tilespmem:s20+$0xE70] =	vst v28  }
0xa2: {  	v33 =	vld [tilespmem:s20+$0x1600];
	[tilespmem:s20+$0xE30] =	vst v3;
	v3 =	vmul.f32 $1.066896200e+00, v20  }
0xa3: {  	v29 =	vld [tilespmem:s20+$0x1250];
	v34 =	vmul.f32 $1.066896200e+00, v27;
	[tilespmem:s20+$0x1210] =	vst v31  }
0xa4: {  	v36 =	vld [tilespmem:s20+$0x1620];
	[tilespmem:s20+$0xE60] =	vst v3;
	v3 =	vmul.f32 $1.066896200e+00, v23  }
0xa5: {  	v32 =	vld [tilespmem:s20+$0x1270];
	v37 =	vmul.f32 $1.066896200e+00, v30;
	[tilespmem:s20+$0x1230] =	vst v34  }
0xa6: {  	v39 =	vld [tilespmem:s20+$0x1650];
	[tilespmem:s20+$0x1200] =	vst v3;
	v3 =	vmul.f32 $1.066896200e+00, v26  }
0xa7: {  	v35 =	vld [tilespmem:s20+$0x1610];
	v40 =	vmul.f32 $1.066896200e+00, v33;
	[tilespmem:s20+$0x1260] =	vst v37  }
0xa8: {  	v42 =	vld [tilespmem:s20+$0x1670];
	[tilespmem:s20+$0x1220] =	vst v3;
	v3 =	vmul.f32 $1.066896200e+00, v29  }
0xa9: {  	v38 =	vld [tilespmem:s20+$0x1630];
	v43 =	vmul.f32 $1.066896200e+00, v36;
	[tilespmem:s20+$0x1600] =	vst v40  }
0xaa: {  	v47 =	vld [tilespmem:s20+$0x1A20];
	[tilespmem:s20+$0x1250] =	vst v3;
	v3 =	vmul.f32 $1.066896200e+00, v32  }
0xab: {  	v41 =	vld [tilespmem:s20+$0x1660];
	v46 =	vmul.f32 $1.066896200e+00, v39;
	[tilespmem:s20+$0x1620] =	vst v43  }
0xac: {  	v50 =	vld [tilespmem:s20+$0x1A50];
	[tilespmem:s20+$0x1270] =	vst v3;
	v3 =	vmul.f32 $1.066896200e+00, v35  }
0xad: {  	v49 =	vmul.f32 $1.066896200e+00, v42;
	v44 =	vld [tilespmem:s20+$0x1A00];
	[tilespmem:s20+$0x1650] =	vst v46  }
0xae: {  	v53 =	vld [tilespmem:s20+$0x1A70];
	[tilespmem:s20+$0x1610] =	vst v3;
	v3 =	vmul.f32 $1.066896200e+00, v38  }
0xaf: {  	[tilespmem:s20+$0x1670] =	vst v49;
	v7 =	vmul.f32 $1.066896200e+00, v47;
	v45 =	vld [tilespmem:s20+$0x1A10]  }
0xb0: {  	v48 =	vld [tilespmem:s20+$0x1A30];
	[tilespmem:s20+$0x1630] =	vst v3;
	v3 =	vmul.f32 $1.066896200e+00, v41  }
0xb1: {  	v9 =	vmul.f32 $1.066896200e+00, v50;
	[tilespmem:s20+$0x1A20] =	vst v7;
	v51 =	vld [tilespmem:s20+$0x1A60]  }
0xb2: {  	[tilespmem:s20+$0x1660] =	vst v3;
	v3 =	vmul.f32 $1.066896200e+00, v44  }
0xb3: {  	v58 =	vld [tilespmem:s20+$0x1640];
	v6 =	vmul.f32 $1.066896200e+00, v53;
	[tilespmem:s20+$0x1A50] =	vst v9  }
0xb4: {  	v52 =	vmul.f32 $1.066896200e+00, v45;
	[tilespmem:s20+$0x1A00] =	vst v3;
	v3 =	vld [tilespmem:s20+$0x240]  }
0xb5: {  	s23 =	sand.u32 $0x7, s7;
	v56 =	vld [tilespmem:s20+$0xE40];
	[tilespmem:s20+$0x1A70] =	vst v6;
	v8 =	vmul.f32 $1.066896200e+00, v48  }
0xb6: {  	s21 =	sshll.u32 s23, $0x7;
	v55 =	vld [tilespmem:s20+$0xA40];
	[tilespmem:s20+$0x1A10] =	vst v52;
	v5 =	vmul.f32 $1.066896200e+00, v51  }
0xb7: {  	s21 =	sadd.s32 s21, s8;
	v54 =	vld [tilespmem:s20+$0x640];
	[tilespmem:s20+$0x1A30] =	vst v8  }
0xb8: {  	s22 =	sor.u32 $0x1C00, s21;
	v62 =	vmul.f32 $1.066896200e+00, v58;
	v57 =	vld [tilespmem:s20+$0x1240];
	[tilespmem:s20+$0x1A60] =	vst v5  }
0xb9: {  	v60 =	vld [tilespmem:s22+$0x200];
	v3 =	vmul.f32 $1.066896200e+00, v3  }
0xba: {  	v59 =	vld [tilespmem:s20+$0x1A40];
	v61 =	vmul.f32 $1.066896200e+00, v56;
	[tilespmem:s20+$0x1640] =	vst v62  }
0xbb: {  	[tilespmem:s20+$0x240] =	vst v3;
	v3 =	vmul.f32 $1.066896200e+00, v55  }
0xbc: {  	[tilespmem:s20+$0xE40] =	vst v61;
	v4 =	vmul.f32 $1.066896200e+00, v54  }
0xbd: {  	[tilespmem:s20+$0xA40] =	vst v3;
	v3 =	vmul.f32 $1.066896200e+00, v57  }
0xbe: {  	[tilespmem:s20+$0x640] =	vst v4;
	v63 =	vmul.f32 $1.066896200e+00, v60  }
0xbf: {  	[tilespmem:s20+$0x1240] =	vst v3;
	v3 =	vmul.f32 $1.066896200e+00, v59  }
0xc0: {  	[tilespmem:s22+$0x200] =	vst v63  }
0xc1: {  	s24 =	sor.u32 $0x1C10, s21;
	[tilespmem:s20+$0x1A40] =	vst v3  }
0xc2: {  	v3 =	vld [tilespmem:s24+$0x200];
	_ =	sdelay $0x4  }
0xc3: {  	v3 =	vmul.f32 $1.066896200e+00, v3;
	_ =	sdelay $0x1  }
0xc4: {  	s25 =	sor.u32 $0x1C20, s21;
	[tilespmem:s24+$0x200] =	vst v3  }
0xc5: {  	v3 =	vld [tilespmem:s25+$0x200];
	_ =	sdelay $0x4  }
0xc6: {  	v3 =	vmul.f32 $1.066896200e+00, v3;
	_ =	sdelay $0x1  }
0xc7: {  	s26 =	sor.u32 $0x1C30, s21;
	[tilespmem:s25+$0x200] =	vst v3  }
0xc8: {  	v3 =	vld [tilespmem:s26+$0x200];
	_ =	sdelay $0x4  }
0xc9: {  	v3 =	vmul.f32 $1.066896200e+00, v3;
	_ =	sdelay $0x1  }
0xca: {  	s28 =	sor.u32 $0x1C40, s21;
	[tilespmem:s26+$0x200] =	vst v3  }
0xcb: {  	v3 =	vld [tilespmem:s28+$0x200];
	_ =	sdelay $0x4  }
0xcc: {  	v3 =	vmul.f32 $1.066896200e+00, v3;
	_ =	sdelay $0x1  }
0xcd: {  	s29 =	sor.u32 $0x1C50, s21;
	[tilespmem:s28+$0x200] =	vst v3  }
0xce: {  	v3 =	vld [tilespmem:s29+$0x200];
	_ =	sdelay $0x4  }
0xcf: {  	v3 =	vmul.f32 $1.066896200e+00, v3;
	_ =	sdelay $0x1  }
0xd0: {  	s30 =	sor.u32 $0x1C60, s21;
	[tilespmem:s29+$0x200] =	vst v3  }
0xd1: {  	v3 =	vld [tilespmem:s30+$0x200];
	_ =	sdelay $0x4  }
0xd2: {  	v3 =	vmul.f32 $1.066896200e+00, v3;
	_ =	sdelay $0x1  }
0xd3: {  	s31 =	sor.u32 $0x1C70, s21;
	[tilespmem:s30+$0x200] =	vst v3  }
0xd4: {  	v3 =	vld [tilespmem:s31+$0x200];
	_ =	sdelay $0x1  }
0xd5: {  	p0 =	sne.s32 s15, $0xF80  }
.Ltmp0:
0xd6: {  	_ = 	snop;
	(pc) =	sbr.rel @p0 .LBB2_2-.Ltmp0, $4  }
0xd7: {  	_ = 	snop  }
0xd8: {  	v3 =	vmul.f32 $1.066896200e+00, v3  }
0xd9: {  	s7 =	sadd.s32 $0x1, s7  }
0xda: {  	s6 =	sadd.s32 $0x400, s6;
	s15 =	sadd.s32 $0x80, s15;
	s8 =	sadd.s32 $0x400, s8;
	[tilespmem:s31+$0x200] =	vst v3  }
0xdb: {  	v3 =	vld [tilespmem:$0x0];
	_ =	sdelay $0x4  }
0xdc: {  	v4 =	vshll.u32 v3, $0x3  }
0xdd: {  	v3 =	vand.u32 $0x7, v3;
	v4 =	vand.u32 $0xFFFFFFC0, v4  }
0xde: {  	v3 =	vor.u32 v3, v4  }
0xdf: {  	v4 =	vperm.xlane v3, v0;
	_ =	sdelay $0x1  }
0xe0: {  	v4 =	vadd.s32 v1, v4;
	_ =	sdelay $0x3  }
0xe1: {  	s6 =	simm.s32 $0x0;
	s7 =	simm.s32 $0x200  }
0xe2: {  	[hbm4b:s3+s6] =	stream.indirect_vreg.scatter [tilespmem:s7], [sflag:$0x3], $0x80, v4, vm0, $0xb8;
	[tilespmem:$0x10200] =	vst v63  }
0xe3: {  	s8 =	simm.s32 $0xA00;
	v3 =	vperm.xlane v3, v2  }
0xe4: {  	[hbm4b:s12+s6] =	stream.indirect_vreg.scatter [tilespmem:s8], [sflag:$0x3], $0x80, v4, vm0, $0xb8;
	[tilespmem:$0x10200] =	vst v63  }
0xe5: {  	s15 =	simm.s32 $0x1200;
	v3 =	vadd.s32 v1, v3  }
0xe6: {  	[hbm4b:s13+s6] =	stream.indirect_vreg.scatter [tilespmem:s15], [sflag:$0x3], $0x80, v4, vm0, $0xb8;
	[tilespmem:$0x10200] =	vst v63  }
0xe7: {  	s20 =	simm.s32 $0x1A00  }
0xe8: {  	[hbm4b:s14+s6] =	stream.indirect_vreg.scatter [tilespmem:s20], [sflag:$0x3], $0x80, v4, vm0, $0xb8;
	[tilespmem:$0x10200] =	vst v63  }
0xe9: {  	s21 =	simm.s32 $0x2200  }
0xea: {  	[hbm4b:s3+s6] =	stream.indirect_vreg.scatter [tilespmem:s21], [sflag:$0x3], $0x80, v3, vm0, $0xb8;
	[tilespmem:$0x10200] =	vst v63  }
0xeb: {  	s22 =	simm.s32 $0x2A00  }
0xec: {  	[hbm4b:s12+s6] =	stream.indirect_vreg.scatter [tilespmem:s22], [sflag:$0x3], $0x80, v3, vm0, $0xb8;
	[tilespmem:$0x10200] =	vst v63  }
0xed: {  	s31 =	simm.s32 $0x3200  }
0xee: {  	[hbm4b:s13+s6] =	stream.indirect_vreg.scatter [tilespmem:s31], [sflag:$0x3], $0x80, v3, vm0, $0xb8;
	[tilespmem:$0x10200] =	vst v63  }
0xef: {  	s23 =	simm.s32 $0x3A00  }
0xf0: {  	[hbm4b:s14+s6] =	stream.indirect_vreg.scatter [tilespmem:s23], [sflag:$0x3], $0x80, v3, vm0, $0xb8;
	[tilespmem:$0x10200] =	vst v63  }
0xf1: {  	v3 =	vld [tilespmem:$0x10];
	_ =	sdelay $0x4  }
0xf2: {  	v61 =	vshll.u32 v3, $0x3  }
0xf3: {  	v3 =	vand.u32 $0x7, v3;
	v4 =	vand.u32 $0xFFFFFFC0, v61  }
0xf4: {  	v3 =	vor.u32 v3, v4  }
0xf5: {  	v4 =	vperm.xlane v3, v0;
	_ =	sdelay $0x1  }
0xf6: {  	v4 =	vadd.s32 v1, v4;
	_ =	sdelay $0x3  }
0xf7: {  	s5 =	simm.s32 $0x4200  }
0xf8: {  	[hbm4b:s3+s6] =	stream.indirect_vreg.scatter [tilespmem:s5], [sflag:$0x3], $0x80, v4, vm0, $0xb8;
	[tilespmem:$0x10200] =	vst v63  }
0xf9: {  	s0 =	simm.s32 $0x4A00;
	v3 =	vperm.xlane v3, v2  }
0xfa: {  	[hbm4b:s12+s6] =	stream.indirect_vreg.scatter [tilespmem:s0], [sflag:$0x3], $0x80, v4, vm0, $0xb8;
	[tilespmem:$0x10200] =	vst v63  }
0xfb: {  	s17 =	simm.s32 $0x5200;
	v3 =	vadd.s32 v1, v3  }
0xfc: {  	[hbm4b:s13+s6] =	stream.indirect_vreg.scatter [tilespmem:s17], [sflag:$0x3], $0x80, v4, vm0, $0xb8;
	[tilespmem:$0x10200] =	vst v63  }
0xfd: {  	s23 =	simm.s32 $0x5A00  }
0xfe: {  	[hbm4b:s14+s6] =	stream.indirect_vreg.scatter [tilespmem:s23], [sflag:$0x3], $0x80, v4, vm0, $0xb8;
	[tilespmem:$0x10200] =	vst v63  }
0xff: {  	s24 =	simm.s32 $0x6200  }
0x100: {  	[hbm4b:s3+s6] =	stream.indirect_vreg.scatter [tilespmem:s24], [sflag:$0x3], $0x80, v3, vm0, $0xb8;
	[tilespmem:$0x10200] =	vst v63  }
0x101: {  	s26 =	simm.s32 $0x6A00  }
0x102: {  	[hbm4b:s12+s6] =	stream.indirect_vreg.scatter [tilespmem:s26], [sflag:$0x3], $0x80, v3, vm0, $0xb8;
	[tilespmem:$0x10200] =	vst v63  }
0x103: {  	s25 =	simm.s32 $0x7200  }
0x104: {  	[hbm4b:s13+s6] =	stream.indirect_vreg.scatter [tilespmem:s25], [sflag:$0x3], $0x80, v3, vm0, $0xb8;
	[tilespmem:$0x10200] =	vst v63  }
0x105: {  	s28 =	simm.s32 $0x7A00;
	s29 =	simm.s32 $0x2  }
0x106: {  	[hbm4b:s14+s6] =	stream.indirect_vreg.scatter [tilespmem:s28], [sflag:$0x3], $0x80, v3, vm0, $0xb8;
	[tilespmem:$0x10200] =	vst v63  }
0x107: {  	_ =	swait.ge [sflag:s29], $0x8000  }
0x108: {  	[sflag:s29] =	ssyncset.done $0x0  }
0x109: {  	s30 =	simm.s32 $0x3;
	[sflag:s29] =	ssyncadd.s32 $0xFFFF8000  }
0x10a: {  	_ =	swait.ge [sflag:s30], $0x8000  }
0x10b: {  	[sflag:s30] =	ssyncset.done $0x0  }
0x10c: {  	[sflag:s30] =	ssyncadd.s32 $0xFFFF8000  }
0x10d: {  	v3 =	vld [tilespmem:$0x100];
	_ =	sdelay $0x4  }
0x10e: {  	v62 =	vshll.u32 v3, $0x3  }
0x10f: {  	v3 =	vand.u32 $0x7, v3;
	v4 =	vand.u32 $0xFFFFFFC0, v62  }
0x110: {  	v3 =	vor.u32 v3, v4  }
0x111: {  	v4 =	vperm.xlane v3, v0;
	_ =	sdelay $0x1  }
0x112: {  	v4 =	vadd.s32 v1, v4;
	_ =	sdelay $0x4  }
0x113: {  	[tilespmem:s7], [sflag:$0x1] =	stream.indirect_vreg.gather [hbm4b:s2+s6], $0x80, v4, vm0, $0xb8;
	[tilespmem:$0x10200] =	vst v63  }
0x114: {  	v3 =	vperm.xlane v3, v2  }
0x115: {  	[tilespmem:s8], [sflag:$0x1] =	stream.indirect_vreg.gather [hbm4b:s9+s6], $0x80, v4, vm0, $0xb8;
	[tilespmem:$0x10200] =	vst v63  }
0x116: {  	v3 =	vadd.s32 v1, v3  }
0x117: {  	[tilespmem:s15], [sflag:$0x1] =	stream.indirect_vreg.gather [hbm4b:s10+s6], $0x80, v4, vm0, $0xb8;
	[tilespmem:$0x10200] =	vst v63  }
0x118: {  	_ = 	snop  }
0x119: {  	[tilespmem:s20], [sflag:$0x1] =	stream.indirect_vreg.gather [hbm4b:s11+s6], $0x80, v4, vm0, $0xb8;
	[tilespmem:$0x10200] =	vst v63  }
0x11a: {  	_ = 	snop  }
0x11b: {  	[tilespmem:s21], [sflag:$0x1] =	stream.indirect_vreg.gather [hbm4b:s2+s6], $0x80, v3, vm0, $0xb8;
	[tilespmem:$0x10200] =	vst v63  }
0x11c: {  	_ = 	snop  }
0x11d: {  	[tilespmem:s22], [sflag:$0x1] =	stream.indirect_vreg.gather [hbm4b:s9+s6], $0x80, v3, vm0, $0xb8;
	[tilespmem:$0x10200] =	vst v63  }
0x11e: {  	_ = 	snop  }
0x11f: {  	[tilespmem:s31], [sflag:$0x1] =	stream.indirect_vreg.gather [hbm4b:s10+s6], $0x80, v3, vm0, $0xb8;
	[tilespmem:$0x10200] =	vst v63  }
0x120: {  	s31 =	simm.s32 $0x3A00  }
0x121: {  	[tilespmem:s31], [sflag:$0x1] =	stream.indirect_vreg.gather [hbm4b:s11+s6], $0x80, v3, vm0, $0xb8;
	[tilespmem:$0x10200] =	vst v63  }
0x122: {  	v3 =	vld [tilespmem:$0x110];
	_ =	sdelay $0x4  }
0x123: {  	v63 =	vshll.u32 v3, $0x3  }
0x124: {  	v3 =	vand.u32 $0x7, v3;
	v4 =	vand.u32 $0xFFFFFFC0, v63  }
0x125: {  	v3 =	vor.u32 v3, v4  }
0x126: {  	v4 =	vperm.xlane v3, v0;
	_ =	sdelay $0x1  }
0x127: {  	v4 =	vadd.s32 v1, v4;
	_ =	sdelay $0x4  }
0x128: {  	[tilespmem:s5], [sflag:$0x1] =	stream.indirect_vreg.gather [hbm4b:s2+s6], $0x80, v4, vm0, $0xb8;
	[tilespmem:$0x10200] =	vst v63  }
0x129: {  	v3 =	vperm.xlane v3, v2;
	s5 =	simm.s32 $0x4A00  }
0x12a: {  	[tilespmem:s5], [sflag:$0x1] =	stream.indirect_vreg.gather [hbm4b:s9+s6], $0x80, v4, vm0, $0xb8;
	[tilespmem:$0x10200] =	vst v63  }
0x12b: {  	v3 =	vadd.s32 v1, v3  }
0x12c: {  	[tilespmem:s17], [sflag:$0x1] =	stream.indirect_vreg.gather [hbm4b:s10+s6], $0x80, v4, vm0, $0xb8;
	[tilespmem:$0x10200] =	vst v63  }
0x12d: {  	s17 =	simm.s32 $0x5A00  }
0x12e: {  	[tilespmem:s17], [sflag:$0x1] =	stream.indirect_vreg.gather [hbm4b:s11+s6], $0x80, v4, vm0, $0xb8;
	[tilespmem:$0x10200] =	vst v63  }
0x12f: {  	_ = 	snop  }
0x130: {  	[tilespmem:s24], [sflag:$0x1] =	stream.indirect_vreg.gather [hbm4b:s2+s6], $0x80, v3, vm0, $0xb8;
	[tilespmem:$0x10200] =	vst v63  }
0x131: {  	s23 =	simm.s32 $0x6A00  }
0x132: {  	[tilespmem:s23], [sflag:$0x1] =	stream.indirect_vreg.gather [hbm4b:s9+s6], $0x80, v3, vm0, $0xb8;
	[tilespmem:$0x10200] =	vst v63  }
0x133: {  	s0 =	simm.s32 $0x6200;
	s7 =	simm.s32 $0xFFFF8000;
	s8 =	simm.s32 $0x0  }
0x134: {  	[tilespmem:s25], [sflag:$0x1] =	stream.indirect_vreg.gather [hbm4b:s10+s6], $0x80, v3, vm0, $0xb8;
	[tilespmem:$0x10200] =	vst v63  }
0x135: {  	s15 =	simm.s32 $0x0;
	s24 =	simm.s32 $0x7200;
	s25 =	simm.s32 $0x7A00  }
0x136: {  	[tilespmem:s25], [sflag:$0x1] =	stream.indirect_vreg.gather [hbm4b:s11+s6], $0x80, v3, vm0, $0xb8;
	[tilespmem:$0x10200] =	vst v63  }
.LBB2_4:
0x137: {  	s20 =	sadd.s32 $0x8000, s7  }
0x138: {  	s21 =	sand.u32 $0x380, s15;
	s20 =	sand.u32 $0x6000, s20  }
0x139: {  	s20 =	sor.u32 s21, s20  }
0x13a: {  	v3 =	vld [tilespmem:s20+$0x8200]  }
0x13b: {  	v4 =	vld [tilespmem:s20+$0x8210]  }
0x13c: {  	v6 =	vld [tilespmem:s20+$0x8230]  }
0x13d: {  	v8 =	vld [tilespmem:s20+$0x8260]  }
0x13e: {  	v5 =	vld [tilespmem:s20+$0x8220]  }
0x13f: {  	v43 =	vld [tilespmem:s20+$0x8600];
	v3 =	vmul.f32 $1.066896200e+00, v3  }
0x140: {  	v7 =	vld [tilespmem:s20+$0x8250];
	v4 =	vmul.f32 $1.066896200e+00, v4  }
0x141: {  	v46 =	vld [tilespmem:s20+$0x8620];
	v44 =	vmul.f32 $1.066896200e+00, v6;
	[tilespmem:s20+$0x8200] =	vst v3  }
0x142: {  	v9 =	vld [tilespmem:s20+$0x8270];
	v47 =	vmul.f32 $1.066896200e+00, v8;
	[tilespmem:s20+$0x8210] =	vst v4  }
0x143: {  	v49 =	vld [tilespmem:s20+$0x8650];
	v3 =	vmul.f32 $1.066896200e+00, v5;
	[tilespmem:s20+$0x8230] =	vst v44  }
0x144: {  	v45 =	vld [tilespmem:s20+$0x8610];
	v50 =	vmul.f32 $1.066896200e+00, v43;
	[tilespmem:s20+$0x8260] =	vst v47  }
0x145: {  	v52 =	vld [tilespmem:s20+$0x8670];
	[tilespmem:s20+$0x8220] =	vst v3;
	v3 =	vmul.f32 $1.066896200e+00, v7  }
0x146: {  	v48 =	vld [tilespmem:s20+$0x8630];
	v53 =	vmul.f32 $1.066896200e+00, v46;
	[tilespmem:s20+$0x8600] =	vst v50  }
0x147: {  	v55 =	vld [tilespmem:s20+$0x8A10];
	[tilespmem:s20+$0x8250] =	vst v3;
	v3 =	vmul.f32 $1.066896200e+00, v9  }
0x148: {  	v51 =	vld [tilespmem:s20+$0x8660];
	v56 =	vmul.f32 $1.066896200e+00, v49;
	[tilespmem:s20+$0x8620] =	vst v53  }
0x149: {  	v58 =	vld [tilespmem:s20+$0x8A30];
	[tilespmem:s20+$0x8270] =	vst v3;
	v3 =	vmul.f32 $1.066896200e+00, v45  }
0x14a: {  	v54 =	vld [tilespmem:s20+$0x8A00];
	v59 =	vmul.f32 $1.066896200e+00, v52;
	[tilespmem:s20+$0x8650] =	vst v56  }
0x14b: {  	v61 =	vld [tilespmem:s20+$0x8A60];
	[tilespmem:s20+$0x8610] =	vst v3;
	v3 =	vmul.f32 $1.066896200e+00, v48  }
0x14c: {  	v57 =	vld [tilespmem:s20+$0x8A20];
	v62 =	vmul.f32 $1.066896200e+00, v55;
	[tilespmem:s20+$0x8670] =	vst v59  }
0x14d: {  	v12 =	vld [tilespmem:s20+$0x8E00];
	[tilespmem:s20+$0x8630] =	vst v3;
	v3 =	vmul.f32 $1.066896200e+00, v51  }
0x14e: {  	v60 =	vld [tilespmem:s20+$0x8A50];
	v13 =	vmul.f32 $1.066896200e+00, v58;
	[tilespmem:s20+$0x8A10] =	vst v62  }
0x14f: {  	v15 =	vld [tilespmem:s20+$0x8E20];
	[tilespmem:s20+$0x8660] =	vst v3;
	v3 =	vmul.f32 $1.066896200e+00, v54  }
0x150: {  	v63 =	vld [tilespmem:s20+$0x8A70];
	v16 =	vmul.f32 $1.066896200e+00, v61;
	[tilespmem:s20+$0x8A30] =	vst v13  }
0x151: {  	v18 =	vld [tilespmem:s20+$0x8E50];
	[tilespmem:s20+$0x8A00] =	vst v3;
	v3 =	vmul.f32 $1.066896200e+00, v57  }
0x152: {  	v14 =	vld [tilespmem:s20+$0x8E10];
	v19 =	vmul.f32 $1.066896200e+00, v12;
	[tilespmem:s20+$0x8A60] =	vst v16  }
0x153: {  	v21 =	vld [tilespmem:s20+$0x8E70];
	[tilespmem:s20+$0x8A20] =	vst v3;
	v3 =	vmul.f32 $1.066896200e+00, v60  }
0x154: {  	v17 =	vld [tilespmem:s20+$0x8E30];
	v22 =	vmul.f32 $1.066896200e+00, v15;
	[tilespmem:s20+$0x8E00] =	vst v19  }
0x155: {  	v24 =	vld [tilespmem:s20+$0x9210];
	[tilespmem:s20+$0x8A50] =	vst v3;
	v3 =	vmul.f32 $1.066896200e+00, v63  }
0x156: {  	v20 =	vld [tilespmem:s20+$0x8E60];
	v25 =	vmul.f32 $1.066896200e+00, v18;
	[tilespmem:s20+$0x8E20] =	vst v22  }
0x157: {  	v27 =	vld [tilespmem:s20+$0x9230];
	[tilespmem:s20+$0x8A70] =	vst v3;
	v3 =	vmul.f32 $1.066896200e+00, v14  }
0x158: {  	v23 =	vld [tilespmem:s20+$0x9200];
	v28 =	vmul.f32 $1.066896200e+00, v21;
	[tilespmem:s20+$0x8E50] =	vst v25  }
0x159: {  	v30 =	vld [tilespmem:s20+$0x9260];
	[tilespmem:s20+$0x8E10] =	vst v3;
	v3 =	vmul.f32 $1.066896200e+00, v17  }
0x15a: {  	v26 =	vld [tilespmem:s20+$0x9220];
	v31 =	vmul.f32 $1.066896200e+00, v24;
	[tilespmem:s20+$0x8E70] =	vst v28  }
0x15b: {  	v33 =	vld [tilespmem:s20+$0x9600];
	[tilespmem:s20+$0x8E30] =	vst v3;
	v3 =	vmul.f32 $1.066896200e+00, v20  }
0x15c: {  	v29 =	vld [tilespmem:s20+$0x9250];
	v34 =	vmul.f32 $1.066896200e+00, v27;
	[tilespmem:s20+$0x9210] =	vst v31  }
0x15d: {  	v36 =	vld [tilespmem:s20+$0x9620];
	[tilespmem:s20+$0x8E60] =	vst v3;
	v3 =	vmul.f32 $1.066896200e+00, v23  }
0x15e: {  	v32 =	vld [tilespmem:s20+$0x9270];
	v37 =	vmul.f32 $1.066896200e+00, v30;
	[tilespmem:s20+$0x9230] =	vst v34  }
0x15f: {  	v39 =	vld [tilespmem:s20+$0x9650];
	[tilespmem:s20+$0x9200] =	vst v3;
	v3 =	vmul.f32 $1.066896200e+00, v26  }
0x160: {  	v35 =	vld [tilespmem:s20+$0x9610];
	v40 =	vmul.f32 $1.066896200e+00, v33;
	[tilespmem:s20+$0x9260] =	vst v37  }
0x161: {  	v42 =	vld [tilespmem:s20+$0x9670];
	[tilespmem:s20+$0x9220] =	vst v3;
	v3 =	vmul.f32 $1.066896200e+00, v29  }
0x162: {  	v38 =	vld [tilespmem:s20+$0x9630];
	v43 =	vmul.f32 $1.066896200e+00, v36;
	[tilespmem:s20+$0x9600] =	vst v40  }
0x163: {  	v47 =	vld [tilespmem:s20+$0x9A20];
	[tilespmem:s20+$0x9250] =	vst v3;
	v3 =	vmul.f32 $1.066896200e+00, v32  }
0x164: {  	v41 =	vld [tilespmem:s20+$0x9660];
	v46 =	vmul.f32 $1.066896200e+00, v39;
	[tilespmem:s20+$0x9620] =	vst v43  }
0x165: {  	v50 =	vld [tilespmem:s20+$0x9A50];
	[tilespmem:s20+$0x9270] =	vst v3;
	v3 =	vmul.f32 $1.066896200e+00, v35  }
0x166: {  	v49 =	vmul.f32 $1.066896200e+00, v42;
	v44 =	vld [tilespmem:s20+$0x9A00];
	[tilespmem:s20+$0x9650] =	vst v46  }
0x167: {  	v53 =	vld [tilespmem:s20+$0x9A70];
	[tilespmem:s20+$0x9610] =	vst v3;
	v3 =	vmul.f32 $1.066896200e+00, v38  }
0x168: {  	[tilespmem:s20+$0x9670] =	vst v49;
	v7 =	vmul.f32 $1.066896200e+00, v47;
	v45 =	vld [tilespmem:s20+$0x9A10]  }
0x169: {  	v48 =	vld [tilespmem:s20+$0x9A30];
	[tilespmem:s20+$0x9630] =	vst v3;
	v3 =	vmul.f32 $1.066896200e+00, v41  }
0x16a: {  	v9 =	vmul.f32 $1.066896200e+00, v50;
	[tilespmem:s20+$0x9A20] =	vst v7;
	v51 =	vld [tilespmem:s20+$0x9A60]  }
0x16b: {  	[tilespmem:s20+$0x9660] =	vst v3;
	v3 =	vmul.f32 $1.066896200e+00, v44  }
0x16c: {  	v58 =	vld [tilespmem:s20+$0x9640];
	v6 =	vmul.f32 $1.066896200e+00, v53;
	[tilespmem:s20+$0x9A50] =	vst v9  }
0x16d: {  	v52 =	vmul.f32 $1.066896200e+00, v45;
	[tilespmem:s20+$0x9A00] =	vst v3;
	v3 =	vld [tilespmem:s20+$0x8240]  }
0x16e: {  	s30 =	sand.u32 $0x7, s6;
	v56 =	vld [tilespmem:s20+$0x8E40];
	[tilespmem:s20+$0x9A70] =	vst v6;
	v8 =	vmul.f32 $1.066896200e+00, v48  }
0x16f: {  	s21 =	sshll.u32 s30, $0x7;
	v55 =	vld [tilespmem:s20+$0x8A40];
	[tilespmem:s20+$0x9A10] =	vst v52;
	v5 =	vmul.f32 $1.066896200e+00, v51  }
0x170: {  	s21 =	sadd.s32 s21, s8;
	v54 =	vld [tilespmem:s20+$0x8640];
	[tilespmem:s20+$0x9A30] =	vst v8  }
0x171: {  	s22 =	sor.u32 $0x1C00, s21;
	v62 =	vmul.f32 $1.066896200e+00, v58;
	v57 =	vld [tilespmem:s20+$0x9240];
	[tilespmem:s20+$0x9A60] =	vst v5  }
0x172: {  	v60 =	vld [tilespmem:s22+$0x8200];
	v3 =	vmul.f32 $1.066896200e+00, v3  }
0x173: {  	v59 =	vld [tilespmem:s20+$0x9A40];
	v61 =	vmul.f32 $1.066896200e+00, v56;
	[tilespmem:s20+$0x9640] =	vst v62  }
0x174: {  	[tilespmem:s20+$0x8240] =	vst v3;
	v3 =	vmul.f32 $1.066896200e+00, v55  }
0x175: {  	[tilespmem:s20+$0x8E40] =	vst v61;
	v4 =	vmul.f32 $1.066896200e+00, v54  }
0x176: {  	[tilespmem:s20+$0x8A40] =	vst v3;
	v3 =	vmul.f32 $1.066896200e+00, v57  }
0x177: {  	[tilespmem:s20+$0x8640] =	vst v4;
	v63 =	vmul.f32 $1.066896200e+00, v60  }
0x178: {  	[tilespmem:s20+$0x9240] =	vst v3;
	v3 =	vmul.f32 $1.066896200e+00, v59  }
0x179: {  	[tilespmem:s22+$0x8200] =	vst v63  }
0x17a: {  	s1 =	sor.u32 $0x1C10, s21;
	[tilespmem:s20+$0x9A40] =	vst v3  }
0x17b: {  	v3 =	vld [tilespmem:s1+$0x8200];
	_ =	sdelay $0x4  }
0x17c: {  	v3 =	vmul.f32 $1.066896200e+00, v3;
	_ =	sdelay $0x1  }
0x17d: {  	s18 =	sor.u32 $0x1C20, s21;
	[tilespmem:s1+$0x8200] =	vst v3  }
0x17e: {  	v3 =	vld [tilespmem:s18+$0x8200];
	_ =	sdelay $0x4  }
0x17f: {  	v3 =	vmul.f32 $1.066896200e+00, v3;
	_ =	sdelay $0x1  }
0x180: {  	s22 =	sor.u32 $0x1C30, s21;
	[tilespmem:s18+$0x8200] =	vst v3  }
0x181: {  	v3 =	vld [tilespmem:s22+$0x8200];
	_ =	sdelay $0x4  }
0x182: {  	v3 =	vmul.f32 $1.066896200e+00, v3;
	_ =	sdelay $0x1  }
0x183: {  	s26 =	sor.u32 $0x1C40, s21;
	[tilespmem:s22+$0x8200] =	vst v3  }
0x184: {  	v3 =	vld [tilespmem:s26+$0x8200];
	_ =	sdelay $0x4  }
0x185: {  	v3 =	vmul.f32 $1.066896200e+00, v3;
	_ =	sdelay $0x1  }
0x186: {  	s28 =	sor.u32 $0x1C50, s21;
	[tilespmem:s26+$0x8200] =	vst v3  }
0x187: {  	v3 =	vld [tilespmem:s28+$0x8200];
	_ =	sdelay $0x4  }
0x188: {  	v3 =	vmul.f32 $1.066896200e+00, v3;
	_ =	sdelay $0x1  }
0x189: {  	s29 =	sor.u32 $0x1C60, s21;
	[tilespmem:s28+$0x8200] =	vst v3  }
0x18a: {  	v3 =	vld [tilespmem:s29+$0x8200];
	_ =	sdelay $0x4  }
0x18b: {  	v3 =	vmul.f32 $1.066896200e+00, v3;
	_ =	sdelay $0x1  }
0x18c: {  	s30 =	sor.u32 $0x1C70, s21;
	[tilespmem:s29+$0x8200] =	vst v3  }
0x18d: {  	v3 =	vld [tilespmem:s30+$0x8200];
	_ =	sdelay $0x1  }
0x18e: {  	p0 =	sne.s32 s15, $0xF80  }
.Ltmp1:
0x18f: {  	_ = 	snop;
	(pc) =	sbr.rel @p0 .LBB2_4-.Ltmp1, $4  }
0x190: {  	_ = 	snop  }
0x191: {  	v3 =	vmul.f32 $1.066896200e+00, v3  }
0x192: {  	s6 =	sadd.s32 $0x1, s6  }
0x193: {  	s7 =	sadd.s32 $0x400, s7;
	s15 =	sadd.s32 $0x80, s15;
	s8 =	sadd.s32 $0x400, s8;
	[tilespmem:s30+$0x8200] =	vst v3  }
0x194: {  	v3 =	vld [tilespmem:$0x80];
	_ =	sdelay $0x4  }
0x195: {  	v4 =	vshll.u32 v3, $0x3  }
0x196: {  	v3 =	vand.u32 $0x7, v3;
	v4 =	vand.u32 $0xFFFFFFC0, v4  }
0x197: {  	v3 =	vor.u32 v3, v4  }
0x198: {  	v4 =	vperm.xlane v3, v0;
	_ =	sdelay $0x1  }
0x199: {  	v4 =	vadd.s32 v1, v4;
	_ =	sdelay $0x3  }
0x19a: {  	s6 =	simm.s32 $0x0;
	s8 =	simm.s32 $0x8200  }
0x19b: {  	[hbm4b:s3+s6] =	stream.indirect_vreg.scatter [tilespmem:s8], [sflag:$0x4], $0x80, v4, vm0, $0xb8;
	[tilespmem:$0x10200] =	vst v63  }
0x19c: {  	s15 =	simm.s32 $0x8A00;
	v3 =	vperm.xlane v3, v2  }
0x19d: {  	[hbm4b:s12+s6] =	stream.indirect_vreg.scatter [tilespmem:s15], [sflag:$0x4], $0x80, v4, vm0, $0xb8;
	[tilespmem:$0x10200] =	vst v63  }
0x19e: {  	s20 =	simm.s32 $0x9200;
	v3 =	vadd.s32 v1, v3  }
0x19f: {  	[hbm4b:s13+s6] =	stream.indirect_vreg.scatter [tilespmem:s20], [sflag:$0x4], $0x80, v4, vm0, $0xb8;
	[tilespmem:$0x10200] =	vst v63  }
0x1a0: {  	s21 =	simm.s32 $0x9A00  }
0x1a1: {  	[hbm4b:s14+s6] =	stream.indirect_vreg.scatter [tilespmem:s21], [sflag:$0x4], $0x80, v4, vm0, $0xb8;
	[tilespmem:$0x10200] =	vst v63  }
0x1a2: {  	s22 =	simm.s32 $0xA200  }
0x1a3: {  	[hbm4b:s3+s6] =	stream.indirect_vreg.scatter [tilespmem:s22], [sflag:$0x4], $0x80, v3, vm0, $0xb8;
	[tilespmem:$0x10200] =	vst v63  }
0x1a4: {  	s26 =	simm.s32 $0xAA00  }
0x1a5: {  	[hbm4b:s12+s6] =	stream.indirect_vreg.scatter [tilespmem:s26], [sflag:$0x4], $0x80, v3, vm0, $0xb8;
	[tilespmem:$0x10200] =	vst v63  }
0x1a6: {  	s7 =	simm.s32 $0xB200  }
0x1a7: {  	[hbm4b:s13+s6] =	stream.indirect_vreg.scatter [tilespmem:s7], [sflag:$0x4], $0x80, v3, vm0, $0xb8;
	[tilespmem:$0x10200] =	vst v63  }
0x1a8: {  	s28 =	simm.s32 $0xBA00  }
0x1a9: {  	[hbm4b:s14+s6] =	stream.indirect_vreg.scatter [tilespmem:s28], [sflag:$0x4], $0x80, v3, vm0, $0xb8;
	[tilespmem:$0x10200] =	vst v63  }
0x1aa: {  	v3 =	vld [tilespmem:$0x90];
	_ =	sdelay $0x4  }
0x1ab: {  	v61 =	vshll.u32 v3, $0x3  }
0x1ac: {  	v3 =	vand.u32 $0x7, v3;
	v4 =	vand.u32 $0xFFFFFFC0, v61  }
0x1ad: {  	v3 =	vor.u32 v3, v4  }
0x1ae: {  	v4 =	vperm.xlane v3, v0;
	_ =	sdelay $0x1  }
0x1af: {  	v4 =	vadd.s32 v1, v4;
	_ =	sdelay $0x3  }
0x1b0: {  	s18 =	simm.s32 $0xC200  }
0x1b1: {  	[hbm4b:s3+s6] =	stream.indirect_vreg.scatter [tilespmem:s18], [sflag:$0x4], $0x80, v4, vm0, $0xb8;
	[tilespmem:$0x10200] =	vst v63  }
0x1b2: {  	s29 =	simm.s32 $0xCA00;
	v3 =	vperm.xlane v3, v2  }
0x1b3: {  	[hbm4b:s12+s6] =	stream.indirect_vreg.scatter [tilespmem:s29], [sflag:$0x4], $0x80, v4, vm0, $0xb8;
	[tilespmem:$0x10200] =	vst v63  }
0x1b4: {  	s1 =	simm.s32 $0xD200;
	v3 =	vadd.s32 v1, v3  }
0x1b5: {  	[hbm4b:s13+s6] =	stream.indirect_vreg.scatter [tilespmem:s1], [sflag:$0x4], $0x80, v4, vm0, $0xb8;
	[tilespmem:$0x10200] =	vst v63  }
0x1b6: {  	s30 =	simm.s32 $0xDA00  }
0x1b7: {  	[hbm4b:s14+s6] =	stream.indirect_vreg.scatter [tilespmem:s30], [sflag:$0x4], $0x80, v4, vm0, $0xb8;
	[tilespmem:$0x10200] =	vst v63  }
0x1b8: {  	s18 =	simm.s32 $0xE200  }
0x1b9: {  	[hbm4b:s3+s6] =	stream.indirect_vreg.scatter [tilespmem:s18], [sflag:$0x4], $0x80, v3, vm0, $0xb8;
	[tilespmem:$0x10200] =	vst v63  }
0x1ba: {  	s1 =	simm.s32 $0xEA00  }
0x1bb: {  	[hbm4b:s12+s6] =	stream.indirect_vreg.scatter [tilespmem:s1], [sflag:$0x4], $0x80, v3, vm0, $0xb8;
	[tilespmem:$0x10200] =	vst v63  }
0x1bc: {  	s18 =	simm.s32 $0xF200  }
0x1bd: {  	[hbm4b:s13+s6] =	stream.indirect_vreg.scatter [tilespmem:s18], [sflag:$0x4], $0x80, v3, vm0, $0xb8;
	[tilespmem:$0x10200] =	vst v63  }
0x1be: {  	s7 =	simm.s32 $0xFA00  }
0x1bf: {  	[hbm4b:s14+s6] =	stream.indirect_vreg.scatter [tilespmem:s7], [sflag:$0x4], $0x80, v3, vm0, $0xb8;
	[tilespmem:$0x10200] =	vst v63  }
0x1c0: {  	s7 =	simm.s32 $0x1  }
0x1c1: {  	_ =	swait.ge [sflag:s7], $0x8000  }
0x1c2: {  	[sflag:s7] =	ssyncset.done $0x0  }
0x1c3: {  	[sflag:s7] =	ssyncadd.s32 $0xFFFF8000;
	s7 =	simm.s32 $0x4  }
0x1c4: {  	_ =	swait.ge [sflag:s7], $0x8000  }
0x1c5: {  	[sflag:s7] =	ssyncset.done $0x0  }
0x1c6: {  	[sflag:s7] =	ssyncadd.s32 $0xFFFF8000  }
0x1c7: {  	v3 =	vld [tilespmem:$0x180];
	_ =	sdelay $0x4  }
0x1c8: {  	v62 =	vshll.u32 v3, $0x3  }
0x1c9: {  	v3 =	vand.u32 $0x7, v3;
	v4 =	vand.u32 $0xFFFFFFC0, v62  }
0x1ca: {  	v3 =	vor.u32 v3, v4  }
0x1cb: {  	v4 =	vperm.xlane v3, v0;
	_ =	sdelay $0x1  }
0x1cc: {  	v4 =	vadd.s32 v1, v4;
	_ =	sdelay $0x4  }
0x1cd: {  	[tilespmem:s8], [sflag:$0x2] =	stream.indirect_vreg.gather [hbm4b:s2+s6], $0x80, v4, vm0, $0xb8;
	[tilespmem:$0x10200] =	vst v63  }
0x1ce: {  	v3 =	vperm.xlane v3, v2  }
0x1cf: {  	[tilespmem:s15], [sflag:$0x2] =	stream.indirect_vreg.gather [hbm4b:s9+s6], $0x80, v4, vm0, $0xb8;
	[tilespmem:$0x10200] =	vst v63  }
0x1d0: {  	v3 =	vadd.s32 v1, v3  }
0x1d1: {  	[tilespmem:s20], [sflag:$0x2] =	stream.indirect_vreg.gather [hbm4b:s10+s6], $0x80, v4, vm0, $0xb8;
	[tilespmem:$0x10200] =	vst v63  }
0x1d2: {  	_ = 	snop  }
0x1d3: {  	[tilespmem:s21], [sflag:$0x2] =	stream.indirect_vreg.gather [hbm4b:s11+s6], $0x80, v4, vm0, $0xb8;
	[tilespmem:$0x10200] =	vst v63  }
0x1d4: {  	_ = 	snop  }
0x1d5: {  	[tilespmem:s22], [sflag:$0x2] =	stream.indirect_vreg.gather [hbm4b:s2+s6], $0x80, v3, vm0, $0xb8;
	[tilespmem:$0x10200] =	vst v63  }
0x1d6: {  	_ = 	snop  }
0x1d7: {  	[tilespmem:s26], [sflag:$0x2] =	stream.indirect_vreg.gather [hbm4b:s9+s6], $0x80, v3, vm0, $0xb8;
	[tilespmem:$0x10200] =	vst v63  }
0x1d8: {  	s26 =	simm.s32 $0xB200  }
0x1d9: {  	[tilespmem:s26], [sflag:$0x2] =	stream.indirect_vreg.gather [hbm4b:s10+s6], $0x80, v3, vm0, $0xb8;
	[tilespmem:$0x10200] =	vst v63  }
0x1da: {  	_ = 	snop  }
0x1db: {  	[tilespmem:s28], [sflag:$0x2] =	stream.indirect_vreg.gather [hbm4b:s11+s6], $0x80, v3, vm0, $0xb8;
	[tilespmem:$0x10200] =	vst v63  }
0x1dc: {  	v3 =	vld [tilespmem:$0x190];
	_ =	sdelay $0x4  }
0x1dd: {  	v63 =	vshll.u32 v3, $0x3  }
0x1de: {  	v3 =	vand.u32 $0x7, v3;
	v4 =	vand.u32 $0xFFFFFFC0, v63  }
0x1df: {  	v3 =	vor.u32 v3, v4  }
0x1e0: {  	v4 =	vperm.xlane v3, v0;
	_ =	sdelay $0x1  }
0x1e1: {  	v4 =	vadd.s32 v1, v4;
	_ =	sdelay $0x3  }
0x1e2: {  	s28 =	simm.s32 $0xC200  }
0x1e3: {  	[tilespmem:s28], [sflag:$0x2] =	stream.indirect_vreg.gather [hbm4b:s2+s6], $0x80, v4, vm0, $0xb8;
	[tilespmem:$0x10200] =	vst v63  }
0x1e4: {  	v3 =	vperm.xlane v3, v2  }
0x1e5: {  	[tilespmem:s29], [sflag:$0x2] =	stream.indirect_vreg.gather [hbm4b:s9+s6], $0x80, v4, vm0, $0xb8;
	[tilespmem:$0x10200] =	vst v63  }
0x1e6: {  	v3 =	vadd.s32 v1, v3;
	s29 =	simm.s32 $0xD200  }
0x1e7: {  	[tilespmem:s29], [sflag:$0x2] =	stream.indirect_vreg.gather [hbm4b:s10+s6], $0x80, v4, vm0, $0xb8;
	[tilespmem:$0x10200] =	vst v63  }
0x1e8: {  	_ = 	snop  }
0x1e9: {  	[tilespmem:s30], [sflag:$0x2] =	stream.indirect_vreg.gather [hbm4b:s11+s6], $0x80, v4, vm0, $0xb8;
	[tilespmem:$0x10200] =	vst v63  }
0x1ea: {  	s30 =	simm.s32 $0xE200  }
0x1eb: {  	[tilespmem:s30], [sflag:$0x2] =	stream.indirect_vreg.gather [hbm4b:s2+s6], $0x80, v3, vm0, $0xb8;
	[tilespmem:$0x10200] =	vst v63  }
0x1ec: {  	_ = 	snop  }
0x1ed: {  	[tilespmem:s1], [sflag:$0x2] =	stream.indirect_vreg.gather [hbm4b:s9+s6], $0x80, v3, vm0, $0xb8;
	[tilespmem:$0x10200] =	vst v63  }
0x1ee: {  	s7 =	simm.s32 $0xFFFF8000  }
0x1ef: {  	[tilespmem:s18], [sflag:$0x2] =	stream.indirect_vreg.gather [hbm4b:s10+s6], $0x80, v3, vm0, $0xb8;
	[tilespmem:$0x10200] =	vst v63  }
0x1f0: {  	s8 =	simm.s32 $0x0;
	s15 =	simm.s32 $0x0;
	s18 =	simm.s32 $0xFA00  }
0x1f1: {  	[tilespmem:s18], [sflag:$0x2] =	stream.indirect_vreg.gather [hbm4b:s11+s6], $0x80, v3, vm0, $0xb8;
	[tilespmem:$0x10200] =	vst v63  }
.LBB2_6:
0x1f2: {  	s20 =	sadd.s32 $0x8000, s7  }
0x1f3: {  	s21 =	sand.u32 $0x380, s15;
	s20 =	sand.u32 $0x6000, s20  }
0x1f4: {  	s20 =	sor.u32 s21, s20  }
0x1f5: {  	v3 =	vld [tilespmem:s20+$0x200]  }
0x1f6: {  	v4 =	vld [tilespmem:s20+$0x210]  }
0x1f7: {  	v6 =	vld [tilespmem:s20+$0x230]  }
0x1f8: {  	v8 =	vld [tilespmem:s20+$0x260]  }
0x1f9: {  	v5 =	vld [tilespmem:s20+$0x220]  }
0x1fa: {  	v43 =	vld [tilespmem:s20+$0x600];
	v3 =	vmul.f32 $1.066896200e+00, v3  }
0x1fb: {  	v7 =	vld [tilespmem:s20+$0x250];
	v4 =	vmul.f32 $1.066896200e+00, v4  }
0x1fc: {  	v46 =	vld [tilespmem:s20+$0x620];
	v44 =	vmul.f32 $1.066896200e+00, v6;
	[tilespmem:s20+$0x200] =	vst v3  }
0x1fd: {  	v9 =	vld [tilespmem:s20+$0x270];
	v47 =	vmul.f32 $1.066896200e+00, v8;
	[tilespmem:s20+$0x210] =	vst v4  }
0x1fe: {  	v49 =	vld [tilespmem:s20+$0x650];
	v3 =	vmul.f32 $1.066896200e+00, v5;
	[tilespmem:s20+$0x230] =	vst v44  }
0x1ff: {  	v45 =	vld [tilespmem:s20+$0x610];
	v50 =	vmul.f32 $1.066896200e+00, v43;
	[tilespmem:s20+$0x260] =	vst v47  }
0x200: {  	v52 =	vld [tilespmem:s20+$0x670];
	[tilespmem:s20+$0x220] =	vst v3;
	v3 =	vmul.f32 $1.066896200e+00, v7  }
0x201: {  	v48 =	vld [tilespmem:s20+$0x630];
	v53 =	vmul.f32 $1.066896200e+00, v46;
	[tilespmem:s20+$0x600] =	vst v50  }
0x202: {  	v55 =	vld [tilespmem:s20+$0xA10];
	[tilespmem:s20+$0x250] =	vst v3;
	v3 =	vmul.f32 $1.066896200e+00, v9  }
0x203: {  	v51 =	vld [tilespmem:s20+$0x660];
	v56 =	vmul.f32 $1.066896200e+00, v49;
	[tilespmem:s20+$0x620] =	vst v53  }
0x204: {  	v58 =	vld [tilespmem:s20+$0xA30];
	[tilespmem:s20+$0x270] =	vst v3;
	v3 =	vmul.f32 $1.066896200e+00, v45  }
0x205: {  	v54 =	vld [tilespmem:s20+$0xA00];
	v59 =	vmul.f32 $1.066896200e+00, v52;
	[tilespmem:s20+$0x650] =	vst v56  }
0x206: {  	v61 =	vld [tilespmem:s20+$0xA60];
	[tilespmem:s20+$0x610] =	vst v3;
	v3 =	vmul.f32 $1.066896200e+00, v48  }
0x207: {  	v57 =	vld [tilespmem:s20+$0xA20];
	v62 =	vmul.f32 $1.066896200e+00, v55;
	[tilespmem:s20+$0x670] =	vst v59  }
0x208: {  	v12 =	vld [tilespmem:s20+$0xE00];
	[tilespmem:s20+$0x630] =	vst v3;
	v3 =	vmul.f32 $1.066896200e+00, v51  }
0x209: {  	v60 =	vld [tilespmem:s20+$0xA50];
	v13 =	vmul.f32 $1.066896200e+00, v58;
	[tilespmem:s20+$0xA10] =	vst v62  }
0x20a: {  	v15 =	vld [tilespmem:s20+$0xE20];
	[tilespmem:s20+$0x660] =	vst v3;
	v3 =	vmul.f32 $1.066896200e+00, v54  }
0x20b: {  	v63 =	vld [tilespmem:s20+$0xA70];
	v16 =	vmul.f32 $1.066896200e+00, v61;
	[tilespmem:s20+$0xA30] =	vst v13  }
0x20c: {  	v18 =	vld [tilespmem:s20+$0xE50];
	[tilespmem:s20+$0xA00] =	vst v3;
	v3 =	vmul.f32 $1.066896200e+00, v57  }
0x20d: {  	v14 =	vld [tilespmem:s20+$0xE10];
	v19 =	vmul.f32 $1.066896200e+00, v12;
	[tilespmem:s20+$0xA60] =	vst v16  }
0x20e: {  	v21 =	vld [tilespmem:s20+$0xE70];
	[tilespmem:s20+$0xA20] =	vst v3;
	v3 =	vmul.f32 $1.066896200e+00, v60  }
0x20f: {  	v17 =	vld [tilespmem:s20+$0xE30];
	v22 =	vmul.f32 $1.066896200e+00, v15;
	[tilespmem:s20+$0xE00] =	vst v19  }
0x210: {  	v24 =	vld [tilespmem:s20+$0x1210];
	[tilespmem:s20+$0xA50] =	vst v3;
	v3 =	vmul.f32 $1.066896200e+00, v63  }
0x211: {  	v20 =	vld [tilespmem:s20+$0xE60];
	v25 =	vmul.f32 $1.066896200e+00, v18;
	[tilespmem:s20+$0xE20] =	vst v22  }
0x212: {  	v27 =	vld [tilespmem:s20+$0x1230];
	[tilespmem:s20+$0xA70] =	vst v3;
	v3 =	vmul.f32 $1.066896200e+00, v14  }
0x213: {  	v23 =	vld [tilespmem:s20+$0x1200];
	v28 =	vmul.f32 $1.066896200e+00, v21;
	[tilespmem:s20+$0xE50] =	vst v25  }
0x214: {  	v30 =	vld [tilespmem:s20+$0x1260];
	[tilespmem:s20+$0xE10] =	vst v3;
	v3 =	vmul.f32 $1.066896200e+00, v17  }
0x215: {  	v26 =	vld [tilespmem:s20+$0x1220];
	v31 =	vmul.f32 $1.066896200e+00, v24;
	[tilespmem:s20+$0xE70] =	vst v28  }
0x216: {  	v33 =	vld [tilespmem:s20+$0x1600];
	[tilespmem:s20+$0xE30] =	vst v3;
	v3 =	vmul.f32 $1.066896200e+00, v20  }
0x217: {  	v29 =	vld [tilespmem:s20+$0x1250];
	v34 =	vmul.f32 $1.066896200e+00, v27;
	[tilespmem:s20+$0x1210] =	vst v31  }
0x218: {  	v36 =	vld [tilespmem:s20+$0x1620];
	[tilespmem:s20+$0xE60] =	vst v3;
	v3 =	vmul.f32 $1.066896200e+00, v23  }
0x219: {  	v32 =	vld [tilespmem:s20+$0x1270];
	v37 =	vmul.f32 $1.066896200e+00, v30;
	[tilespmem:s20+$0x1230] =	vst v34  }
0x21a: {  	v39 =	vld [tilespmem:s20+$0x1650];
	[tilespmem:s20+$0x1200] =	vst v3;
	v3 =	vmul.f32 $1.066896200e+00, v26  }
0x21b: {  	v35 =	vld [tilespmem:s20+$0x1610];
	v40 =	vmul.f32 $1.066896200e+00, v33;
	[tilespmem:s20+$0x1260] =	vst v37  }
0x21c: {  	v42 =	vld [tilespmem:s20+$0x1670];
	[tilespmem:s20+$0x1220] =	vst v3;
	v3 =	vmul.f32 $1.066896200e+00, v29  }
0x21d: {  	v38 =	vld [tilespmem:s20+$0x1630];
	v43 =	vmul.f32 $1.066896200e+00, v36;
	[tilespmem:s20+$0x1600] =	vst v40  }
0x21e: {  	v47 =	vld [tilespmem:s20+$0x1A20];
	[tilespmem:s20+$0x1250] =	vst v3;
	v3 =	vmul.f32 $1.066896200e+00, v32  }
0x21f: {  	v41 =	vld [tilespmem:s20+$0x1660];
	v46 =	vmul.f32 $1.066896200e+00, v39;
	[tilespmem:s20+$0x1620] =	vst v43  }
0x220: {  	v50 =	vld [tilespmem:s20+$0x1A50];
	[tilespmem:s20+$0x1270] =	vst v3;
	v3 =	vmul.f32 $1.066896200e+00, v35  }
0x221: {  	v49 =	vmul.f32 $1.066896200e+00, v42;
	v44 =	vld [tilespmem:s20+$0x1A00];
	[tilespmem:s20+$0x1650] =	vst v46  }
0x222: {  	v53 =	vld [tilespmem:s20+$0x1A70];
	[tilespmem:s20+$0x1610] =	vst v3;
	v3 =	vmul.f32 $1.066896200e+00, v38  }
0x223: {  	[tilespmem:s20+$0x1670] =	vst v49;
	v7 =	vmul.f32 $1.066896200e+00, v47;
	v45 =	vld [tilespmem:s20+$0x1A10]  }
0x224: {  	v48 =	vld [tilespmem:s20+$0x1A30];
	[tilespmem:s20+$0x1630] =	vst v3;
	v3 =	vmul.f32 $1.066896200e+00, v41  }
0x225: {  	v9 =	vmul.f32 $1.066896200e+00, v50;
	[tilespmem:s20+$0x1A20] =	vst v7;
	v51 =	vld [tilespmem:s20+$0x1A60]  }
0x226: {  	[tilespmem:s20+$0x1660] =	vst v3;
	v3 =	vmul.f32 $1.066896200e+00, v44  }
0x227: {  	v58 =	vld [tilespmem:s20+$0x1640];
	v6 =	vmul.f32 $1.066896200e+00, v53;
	[tilespmem:s20+$0x1A50] =	vst v9  }
0x228: {  	v52 =	vmul.f32 $1.066896200e+00, v45;
	[tilespmem:s20+$0x1A00] =	vst v3;
	v3 =	vld [tilespmem:s20+$0x240]  }
0x229: {  	s1 =	sand.u32 $0x7, s6;
	v56 =	vld [tilespmem:s20+$0xE40];
	[tilespmem:s20+$0x1A70] =	vst v6;
	v8 =	vmul.f32 $1.066896200e+00, v48  }
0x22a: {  	s21 =	sshll.u32 s1, $0x7;
	v55 =	vld [tilespmem:s20+$0xA40];
	[tilespmem:s20+$0x1A10] =	vst v52;
	v5 =	vmul.f32 $1.066896200e+00, v51  }
0x22b: {  	s21 =	sadd.s32 s21, s8;
	v54 =	vld [tilespmem:s20+$0x640];
	[tilespmem:s20+$0x1A30] =	vst v8  }
0x22c: {  	s22 =	sor.u32 $0x1C00, s21;
	v62 =	vmul.f32 $1.066896200e+00, v58;
	v57 =	vld [tilespmem:s20+$0x1240];
	[tilespmem:s20+$0x1A60] =	vst v5  }
0x22d: {  	v60 =	vld [tilespmem:s22+$0x200];
	v3 =	vmul.f32 $1.066896200e+00, v3  }
0x22e: {  	v59 =	vld [tilespmem:s20+$0x1A40];
	v61 =	vmul.f32 $1.066896200e+00, v56;
	[tilespmem:s20+$0x1640] =	vst v62  }
0x22f: {  	[tilespmem:s20+$0x240] =	vst v3;
	v3 =	vmul.f32 $1.066896200e+00, v55  }
0x230: {  	[tilespmem:s20+$0xE40] =	vst v61;
	v4 =	vmul.f32 $1.066896200e+00, v54  }
0x231: {  	[tilespmem:s20+$0xA40] =	vst v3;
	v3 =	vmul.f32 $1.066896200e+00, v57  }
0x232: {  	[tilespmem:s20+$0x640] =	vst v4;
	v63 =	vmul.f32 $1.066896200e+00, v60  }
0x233: {  	[tilespmem:s20+$0x1240] =	vst v3;
	v3 =	vmul.f32 $1.066896200e+00, v59  }
0x234: {  	[tilespmem:s22+$0x200] =	vst v63  }
0x235: {  	s22 =	sor.u32 $0x1C10, s21;
	[tilespmem:s20+$0x1A40] =	vst v3  }
0x236: {  	v3 =	vld [tilespmem:s22+$0x200];
	_ =	sdelay $0x4  }
0x237: {  	v3 =	vmul.f32 $1.066896200e+00, v3;
	_ =	sdelay $0x1  }
0x238: {  	s1 =	sor.u32 $0x1C20, s21;
	[tilespmem:s22+$0x200] =	vst v3  }
0x239: {  	v3 =	vld [tilespmem:s1+$0x200];
	_ =	sdelay $0x4  }
0x23a: {  	v3 =	vmul.f32 $1.066896200e+00, v3;
	_ =	sdelay $0x1  }
0x23b: {  	s22 =	sor.u32 $0x1C30, s21;
	[tilespmem:s1+$0x200] =	vst v3  }
0x23c: {  	v3 =	vld [tilespmem:s22+$0x200];
	_ =	sdelay $0x4  }
0x23d: {  	v3 =	vmul.f32 $1.066896200e+00, v3;
	_ =	sdelay $0x1  }
0x23e: {  	s1 =	sor.u32 $0x1C40, s21;
	[tilespmem:s22+$0x200] =	vst v3  }
0x23f: {  	v3 =	vld [tilespmem:s1+$0x200];
	_ =	sdelay $0x4  }
0x240: {  	v3 =	vmul.f32 $1.066896200e+00, v3;
	_ =	sdelay $0x1  }
0x241: {  	s22 =	sor.u32 $0x1C50, s21;
	[tilespmem:s1+$0x200] =	vst v3  }
0x242: {  	v3 =	vld [tilespmem:s22+$0x200];
	_ =	sdelay $0x4  }
0x243: {  	v3 =	vmul.f32 $1.066896200e+00, v3;
	_ =	sdelay $0x1  }
0x244: {  	s1 =	sor.u32 $0x1C60, s21;
	[tilespmem:s22+$0x200] =	vst v3  }
0x245: {  	v3 =	vld [tilespmem:s1+$0x200];
	_ =	sdelay $0x4  }
0x246: {  	v3 =	vmul.f32 $1.066896200e+00, v3;
	_ =	sdelay $0x1  }
0x247: {  	s22 =	sor.u32 $0x1C70, s21;
	[tilespmem:s1+$0x200] =	vst v3  }
0x248: {  	v3 =	vld [tilespmem:s22+$0x200];
	_ =	sdelay $0x1  }
0x249: {  	p0 =	sne.s32 s15, $0xF80  }
.Ltmp2:
0x24a: {  	_ = 	snop;
	(pc) =	sbr.rel @p0 .LBB2_6-.Ltmp2, $4  }
0x24b: {  	_ = 	snop  }
0x24c: {  	v3 =	vmul.f32 $1.066896200e+00, v3  }
0x24d: {  	s6 =	sadd.s32 $0x1, s6  }
0x24e: {  	s7 =	sadd.s32 $0x400, s7;
	s15 =	sadd.s32 $0x80, s15;
	s8 =	sadd.s32 $0x400, s8;
	[tilespmem:s22+$0x200] =	vst v3  }
0x24f: {  	v3 =	vld [tilespmem:$0x100];
	_ =	sdelay $0x4  }
0x250: {  	v4 =	vshll.u32 v3, $0x3  }
0x251: {  	v3 =	vand.u32 $0x7, v3;
	v4 =	vand.u32 $0xFFFFFFC0, v4  }
0x252: {  	v3 =	vor.u32 v3, v4  }
0x253: {  	v4 =	vperm.xlane v3, v0;
	_ =	sdelay $0x1  }
0x254: {  	v4 =	vadd.s32 v1, v4;
	_ =	sdelay $0x3  }
0x255: {  	s6 =	simm.s32 $0x0;
	s7 =	simm.s32 $0x200  }
0x256: {  	[hbm4b:s3+s6] =	stream.indirect_vreg.scatter [tilespmem:s7], [sflag:$0x3], $0x80, v4, vm0, $0xb8;
	[tilespmem:$0x10200] =	vst v63  }
0x257: {  	s21 =	simm.s32 $0xA00;
	v3 =	vperm.xlane v3, v2  }
0x258: {  	[hbm4b:s12+s6] =	stream.indirect_vreg.scatter [tilespmem:s21], [sflag:$0x3], $0x80, v4, vm0, $0xb8;
	[tilespmem:$0x10200] =	vst v63  }
0x259: {  	s22 =	simm.s32 $0x1200;
	v3 =	vadd.s32 v1, v3  }
0x25a: {  	[hbm4b:s13+s6] =	stream.indirect_vreg.scatter [tilespmem:s22], [sflag:$0x3], $0x80, v4, vm0, $0xb8;
	[tilespmem:$0x10200] =	vst v63  }
0x25b: {  	s1 =	simm.s32 $0x1A00  }
0x25c: {  	[hbm4b:s14+s6] =	stream.indirect_vreg.scatter [tilespmem:s1], [sflag:$0x3], $0x80, v4, vm0, $0xb8;
	[tilespmem:$0x10200] =	vst v63  }
0x25d: {  	s8 =	simm.s32 $0x2200  }
0x25e: {  	[hbm4b:s3+s6] =	stream.indirect_vreg.scatter [tilespmem:s8], [sflag:$0x3], $0x80, v3, vm0, $0xb8;
	[tilespmem:$0x10200] =	vst v63  }
0x25f: {  	s15 =	simm.s32 $0x2A00  }
0x260: {  	[hbm4b:s12+s6] =	stream.indirect_vreg.scatter [tilespmem:s15], [sflag:$0x3], $0x80, v3, vm0, $0xb8;
	[tilespmem:$0x10200] =	vst v63  }
0x261: {  	s20 =	simm.s32 $0x3200  }
0x262: {  	[hbm4b:s13+s6] =	stream.indirect_vreg.scatter [tilespmem:s20], [sflag:$0x3], $0x80, v3, vm0, $0xb8;
	[tilespmem:$0x10200] =	vst v63  }
0x263: {  	_ = 	snop  }
0x264: {  	[hbm4b:s14+s6] =	stream.indirect_vreg.scatter [tilespmem:s31], [sflag:$0x3], $0x80, v3, vm0, $0xb8;
	[tilespmem:$0x10200] =	vst v63  }
0x265: {  	v3 =	vld [tilespmem:$0x110];
	_ =	sdelay $0x4  }
0x266: {  	v63 =	vshll.u32 v3, $0x3  }
0x267: {  	v3 =	vand.u32 $0x7, v3;
	v4 =	vand.u32 $0xFFFFFFC0, v63  }
0x268: {  	v3 =	vor.u32 v3, v4  }
0x269: {  	v4 =	vperm.xlane v3, v0;
	_ =	sdelay $0x1  }
0x26a: {  	v4 =	vadd.s32 v1, v4;
	_ =	sdelay $0x3  }
0x26b: {  	s1 =	simm.s32 $0x4200  }
0x26c: {  	[hbm4b:s3+s6] =	stream.indirect_vreg.scatter [tilespmem:s1], [sflag:$0x3], $0x80, v4, vm0, $0xb8;
	[tilespmem:$0x10200] =	vst v63  }
0x26d: {  	v3 =	vperm.xlane v3, v2  }
0x26e: {  	[hbm4b:s12+s6] =	stream.indirect_vreg.scatter [tilespmem:s5], [sflag:$0x3], $0x80, v4, vm0, $0xb8;
	[tilespmem:$0x10200] =	vst v63  }
0x26f: {  	s21 =	simm.s32 $0x5200;
	v3 =	vadd.s32 v1, v3  }
0x270: {  	[hbm4b:s13+s6] =	stream.indirect_vreg.scatter [tilespmem:s21], [sflag:$0x3], $0x80, v4, vm0, $0xb8;
	[tilespmem:$0x10200] =	vst v63  }
0x271: {  	_ = 	snop  }
0x272: {  	[hbm4b:s14+s6] =	stream.indirect_vreg.scatter [tilespmem:s17], [sflag:$0x3], $0x80, v4, vm0, $0xb8;
	[tilespmem:$0x10200] =	vst v63  }
0x273: {  	_ = 	snop  }
0x274: {  	[hbm4b:s3+s6] =	stream.indirect_vreg.scatter [tilespmem:s0], [sflag:$0x3], $0x80, v3, vm0, $0xb8;
	[tilespmem:$0x10200] =	vst v63  }
0x275: {  	_ = 	snop  }
0x276: {  	[hbm4b:s12+s6] =	stream.indirect_vreg.scatter [tilespmem:s23], [sflag:$0x3], $0x80, v3, vm0, $0xb8;
	[tilespmem:$0x10200] =	vst v63  }
0x277: {  	_ = 	snop  }
0x278: {  	[hbm4b:s13+s6] =	stream.indirect_vreg.scatter [tilespmem:s24], [sflag:$0x3], $0x80, v3, vm0, $0xb8;
	[tilespmem:$0x10200] =	vst v63  }
0x279: {  	s22 =	simm.s32 $0x2  }
0x27a: {  	[hbm4b:s14+s6] =	stream.indirect_vreg.scatter [tilespmem:s25], [sflag:$0x3], $0x80, v3, vm0, $0xb8;
	[tilespmem:$0x10200] =	vst v63  }
0x27b: {  	_ =	swait.ge [sflag:s22], $0x8000  }
0x27c: {  	s7 =	simm.s32 $0xFFFF8000;
	[sflag:s22] =	ssyncset.done $0x0  }
0x27d: {  	s8 =	simm.s32 $0x0;
	s15 =	simm.s32 $0x0;
	[sflag:s22] =	ssyncadd.s32 $0xFFFF8000  }
.LBB2_8:
0x27e: {  	s20 =	sadd.s32 $0x8000, s7  }
0x27f: {  	s21 =	sand.u32 $0x380, s15;
	s20 =	sand.u32 $0x6000, s20  }
0x280: {  	s20 =	sor.u32 s21, s20  }
0x281: {  	v3 =	vld [tilespmem:s20+$0x8200]  }
0x282: {  	v4 =	vld [tilespmem:s20+$0x8210]  }
0x283: {  	v6 =	vld [tilespmem:s20+$0x8230]  }
0x284: {  	v8 =	vld [tilespmem:s20+$0x8260]  }
0x285: {  	v5 =	vld [tilespmem:s20+$0x8220]  }
0x286: {  	v43 =	vld [tilespmem:s20+$0x8600];
	v3 =	vmul.f32 $1.066896200e+00, v3  }
0x287: {  	v7 =	vld [tilespmem:s20+$0x8250];
	v4 =	vmul.f32 $1.066896200e+00, v4  }
0x288: {  	v46 =	vld [tilespmem:s20+$0x8620];
	v44 =	vmul.f32 $1.066896200e+00, v6;
	[tilespmem:s20+$0x8200] =	vst v3  }
0x289: {  	v9 =	vld [tilespmem:s20+$0x8270];
	v47 =	vmul.f32 $1.066896200e+00, v8;
	[tilespmem:s20+$0x8210] =	vst v4  }
0x28a: {  	v49 =	vld [tilespmem:s20+$0x8650];
	v3 =	vmul.f32 $1.066896200e+00, v5;
	[tilespmem:s20+$0x8230] =	vst v44  }
0x28b: {  	v45 =	vld [tilespmem:s20+$0x8610];
	v50 =	vmul.f32 $1.066896200e+00, v43;
	[tilespmem:s20+$0x8260] =	vst v47  }
0x28c: {  	v52 =	vld [tilespmem:s20+$0x8670];
	[tilespmem:s20+$0x8220] =	vst v3;
	v3 =	vmul.f32 $1.066896200e+00, v7  }
0x28d: {  	v48 =	vld [tilespmem:s20+$0x8630];
	v53 =	vmul.f32 $1.066896200e+00, v46;
	[tilespmem:s20+$0x8600] =	vst v50  }
0x28e: {  	v55 =	vld [tilespmem:s20+$0x8A10];
	[tilespmem:s20+$0x8250] =	vst v3;
	v3 =	vmul.f32 $1.066896200e+00, v9  }
0x28f: {  	v51 =	vld [tilespmem:s20+$0x8660];
	v56 =	vmul.f32 $1.066896200e+00, v49;
	[tilespmem:s20+$0x8620] =	vst v53  }
0x290: {  	v58 =	vld [tilespmem:s20+$0x8A30];
	[tilespmem:s20+$0x8270] =	vst v3;
	v3 =	vmul.f32 $1.066896200e+00, v45  }
0x291: {  	v54 =	vld [tilespmem:s20+$0x8A00];
	v59 =	vmul.f32 $1.066896200e+00, v52;
	[tilespmem:s20+$0x8650] =	vst v56  }
0x292: {  	v61 =	vld [tilespmem:s20+$0x8A60];
	[tilespmem:s20+$0x8610] =	vst v3;
	v3 =	vmul.f32 $1.066896200e+00, v48  }
0x293: {  	v57 =	vld [tilespmem:s20+$0x8A20];
	v62 =	vmul.f32 $1.066896200e+00, v55;
	[tilespmem:s20+$0x8670] =	vst v59  }
0x294: {  	v12 =	vld [tilespmem:s20+$0x8E00];
	[tilespmem:s20+$0x8630] =	vst v3;
	v3 =	vmul.f32 $1.066896200e+00, v51  }
0x295: {  	v60 =	vld [tilespmem:s20+$0x8A50];
	v13 =	vmul.f32 $1.066896200e+00, v58;
	[tilespmem:s20+$0x8A10] =	vst v62  }
0x296: {  	v15 =	vld [tilespmem:s20+$0x8E20];
	[tilespmem:s20+$0x8660] =	vst v3;
	v3 =	vmul.f32 $1.066896200e+00, v54  }
0x297: {  	v63 =	vld [tilespmem:s20+$0x8A70];
	v16 =	vmul.f32 $1.066896200e+00, v61;
	[tilespmem:s20+$0x8A30] =	vst v13  }
0x298: {  	v18 =	vld [tilespmem:s20+$0x8E50];
	[tilespmem:s20+$0x8A00] =	vst v3;
	v3 =	vmul.f32 $1.066896200e+00, v57  }
0x299: {  	v14 =	vld [tilespmem:s20+$0x8E10];
	v19 =	vmul.f32 $1.066896200e+00, v12;
	[tilespmem:s20+$0x8A60] =	vst v16  }
0x29a: {  	v21 =	vld [tilespmem:s20+$0x8E70];
	[tilespmem:s20+$0x8A20] =	vst v3;
	v3 =	vmul.f32 $1.066896200e+00, v60  }
0x29b: {  	v17 =	vld [tilespmem:s20+$0x8E30];
	v22 =	vmul.f32 $1.066896200e+00, v15;
	[tilespmem:s20+$0x8E00] =	vst v19  }
0x29c: {  	v24 =	vld [tilespmem:s20+$0x9210];
	[tilespmem:s20+$0x8A50] =	vst v3;
	v3 =	vmul.f32 $1.066896200e+00, v63  }
0x29d: {  	v20 =	vld [tilespmem:s20+$0x8E60];
	v25 =	vmul.f32 $1.066896200e+00, v18;
	[tilespmem:s20+$0x8E20] =	vst v22  }
0x29e: {  	v27 =	vld [tilespmem:s20+$0x9230];
	[tilespmem:s20+$0x8A70] =	vst v3;
	v3 =	vmul.f32 $1.066896200e+00, v14  }
0x29f: {  	v23 =	vld [tilespmem:s20+$0x9200];
	v28 =	vmul.f32 $1.066896200e+00, v21;
	[tilespmem:s20+$0x8E50] =	vst v25  }
0x2a0: {  	v30 =	vld [tilespmem:s20+$0x9260];
	[tilespmem:s20+$0x8E10] =	vst v3;
	v3 =	vmul.f32 $1.066896200e+00, v17  }
0x2a1: {  	v26 =	vld [tilespmem:s20+$0x9220];
	v31 =	vmul.f32 $1.066896200e+00, v24;
	[tilespmem:s20+$0x8E70] =	vst v28  }
0x2a2: {  	v33 =	vld [tilespmem:s20+$0x9600];
	[tilespmem:s20+$0x8E30] =	vst v3;
	v3 =	vmul.f32 $1.066896200e+00, v20  }
0x2a3: {  	v29 =	vld [tilespmem:s20+$0x9250];
	v34 =	vmul.f32 $1.066896200e+00, v27;
	[tilespmem:s20+$0x9210] =	vst v31  }
0x2a4: {  	v36 =	vld [tilespmem:s20+$0x9620];
	[tilespmem:s20+$0x8E60] =	vst v3;
	v3 =	vmul.f32 $1.066896200e+00, v23  }
0x2a5: {  	v32 =	vld [tilespmem:s20+$0x9270];
	v37 =	vmul.f32 $1.066896200e+00, v30;
	[tilespmem:s20+$0x9230] =	vst v34  }
0x2a6: {  	v39 =	vld [tilespmem:s20+$0x9650];
	[tilespmem:s20+$0x9200] =	vst v3;
	v3 =	vmul.f32 $1.066896200e+00, v26  }
0x2a7: {  	v35 =	vld [tilespmem:s20+$0x9610];
	v40 =	vmul.f32 $1.066896200e+00, v33;
	[tilespmem:s20+$0x9260] =	vst v37  }
0x2a8: {  	v42 =	vld [tilespmem:s20+$0x9670];
	[tilespmem:s20+$0x9220] =	vst v3;
	v3 =	vmul.f32 $1.066896200e+00, v29  }
0x2a9: {  	v38 =	vld [tilespmem:s20+$0x9630];
	v43 =	vmul.f32 $1.066896200e+00, v36;
	[tilespmem:s20+$0x9600] =	vst v40  }
0x2aa: {  	v47 =	vld [tilespmem:s20+$0x9A20];
	[tilespmem:s20+$0x9250] =	vst v3;
	v3 =	vmul.f32 $1.066896200e+00, v32  }
0x2ab: {  	v41 =	vld [tilespmem:s20+$0x9660];
	v46 =	vmul.f32 $1.066896200e+00, v39;
	[tilespmem:s20+$0x9620] =	vst v43  }
0x2ac: {  	v50 =	vld [tilespmem:s20+$0x9A50];
	[tilespmem:s20+$0x9270] =	vst v3;
	v3 =	vmul.f32 $1.066896200e+00, v35  }
0x2ad: {  	v49 =	vmul.f32 $1.066896200e+00, v42;
	v44 =	vld [tilespmem:s20+$0x9A00];
	[tilespmem:s20+$0x9650] =	vst v46  }
0x2ae: {  	v53 =	vld [tilespmem:s20+$0x9A70];
	[tilespmem:s20+$0x9610] =	vst v3;
	v3 =	vmul.f32 $1.066896200e+00, v38  }
0x2af: {  	[tilespmem:s20+$0x9670] =	vst v49;
	v7 =	vmul.f32 $1.066896200e+00, v47;
	v45 =	vld [tilespmem:s20+$0x9A10]  }
0x2b0: {  	v48 =	vld [tilespmem:s20+$0x9A30];
	[tilespmem:s20+$0x9630] =	vst v3;
	v3 =	vmul.f32 $1.066896200e+00, v41  }
0x2b1: {  	v9 =	vmul.f32 $1.066896200e+00, v50;
	[tilespmem:s20+$0x9A20] =	vst v7;
	v51 =	vld [tilespmem:s20+$0x9A60]  }
0x2b2: {  	[tilespmem:s20+$0x9660] =	vst v3;
	v3 =	vmul.f32 $1.066896200e+00, v44  }
0x2b3: {  	v58 =	vld [tilespmem:s20+$0x9640];
	v6 =	vmul.f32 $1.066896200e+00, v53;
	[tilespmem:s20+$0x9A50] =	vst v9  }
0x2b4: {  	v52 =	vmul.f32 $1.066896200e+00, v45;
	[tilespmem:s20+$0x9A00] =	vst v3;
	v3 =	vld [tilespmem:s20+$0x8240]  }
0x2b5: {  	s1 =	sand.u32 $0x7, s6;
	v56 =	vld [tilespmem:s20+$0x8E40];
	[tilespmem:s20+$0x9A70] =	vst v6;
	v8 =	vmul.f32 $1.066896200e+00, v48  }
0x2b6: {  	s21 =	sshll.u32 s1, $0x7;
	v55 =	vld [tilespmem:s20+$0x8A40];
	[tilespmem:s20+$0x9A10] =	vst v52;
	v5 =	vmul.f32 $1.066896200e+00, v51  }
0x2b7: {  	s21 =	sadd.s32 s21, s8;
	v54 =	vld [tilespmem:s20+$0x8640];
	[tilespmem:s20+$0x9A30] =	vst v8  }
0x2b8: {  	s22 =	sor.u32 $0x1C00, s21;
	v62 =	vmul.f32 $1.066896200e+00, v58;
	v57 =	vld [tilespmem:s20+$0x9240];
	[tilespmem:s20+$0x9A60] =	vst v5  }
0x2b9: {  	v60 =	vld [tilespmem:s22+$0x8200];
	v3 =	vmul.f32 $1.066896200e+00, v3  }
0x2ba: {  	v59 =	vld [tilespmem:s20+$0x9A40];
	v61 =	vmul.f32 $1.066896200e+00, v56;
	[tilespmem:s20+$0x9640] =	vst v62  }
0x2bb: {  	[tilespmem:s20+$0x8240] =	vst v3;
	v3 =	vmul.f32 $1.066896200e+00, v55  }
0x2bc: {  	[tilespmem:s20+$0x8E40] =	vst v61;
	v4 =	vmul.f32 $1.066896200e+00, v54  }
0x2bd: {  	[tilespmem:s20+$0x8A40] =	vst v3;
	v3 =	vmul.f32 $1.066896200e+00, v57  }
0x2be: {  	[tilespmem:s20+$0x8640] =	vst v4;
	v63 =	vmul.f32 $1.066896200e+00, v60  }
0x2bf: {  	[tilespmem:s20+$0x9240] =	vst v3;
	v3 =	vmul.f32 $1.066896200e+00, v59  }
0x2c0: {  	[tilespmem:s22+$0x8200] =	vst v63  }
0x2c1: {  	s22 =	sor.u32 $0x1C10, s21;
	[tilespmem:s20+$0x9A40] =	vst v3  }
0x2c2: {  	v3 =	vld [tilespmem:s22+$0x8200];
	_ =	sdelay $0x4  }
0x2c3: {  	v3 =	vmul.f32 $1.066896200e+00, v3;
	_ =	sdelay $0x1  }
0x2c4: {  	s1 =	sor.u32 $0x1C20, s21;
	[tilespmem:s22+$0x8200] =	vst v3  }
0x2c5: {  	v3 =	vld [tilespmem:s1+$0x8200];
	_ =	sdelay $0x4  }
0x2c6: {  	v3 =	vmul.f32 $1.066896200e+00, v3;
	_ =	sdelay $0x1  }
0x2c7: {  	s22 =	sor.u32 $0x1C30, s21;
	[tilespmem:s1+$0x8200] =	vst v3  }
0x2c8: {  	v3 =	vld [tilespmem:s22+$0x8200];
	_ =	sdelay $0x4  }
0x2c9: {  	v3 =	vmul.f32 $1.066896200e+00, v3;
	_ =	sdelay $0x1  }
0x2ca: {  	s1 =	sor.u32 $0x1C40, s21;
	[tilespmem:s22+$0x8200] =	vst v3  }
0x2cb: {  	v3 =	vld [tilespmem:s1+$0x8200];
	_ =	sdelay $0x4  }
0x2cc: {  	v3 =	vmul.f32 $1.066896200e+00, v3;
	_ =	sdelay $0x1  }
0x2cd: {  	s22 =	sor.u32 $0x1C50, s21;
	[tilespmem:s1+$0x8200] =	vst v3  }
0x2ce: {  	v3 =	vld [tilespmem:s22+$0x8200];
	_ =	sdelay $0x4  }
0x2cf: {  	v3 =	vmul.f32 $1.066896200e+00, v3;
	_ =	sdelay $0x1  }
0x2d0: {  	s1 =	sor.u32 $0x1C60, s21;
	[tilespmem:s22+$0x8200] =	vst v3  }
0x2d1: {  	v3 =	vld [tilespmem:s1+$0x8200];
	_ =	sdelay $0x4  }
0x2d2: {  	v3 =	vmul.f32 $1.066896200e+00, v3;
	_ =	sdelay $0x1  }
0x2d3: {  	s22 =	sor.u32 $0x1C70, s21;
	[tilespmem:s1+$0x8200] =	vst v3  }
0x2d4: {  	v3 =	vld [tilespmem:s22+$0x8200];
	_ =	sdelay $0x1  }
0x2d5: {  	p0 =	sne.s32 s15, $0xF80  }
.Ltmp3:
0x2d6: {  	_ = 	snop;
	(pc) =	sbr.rel @p0 .LBB2_8-.Ltmp3, $4  }
0x2d7: {  	_ = 	snop  }
0x2d8: {  	v3 =	vmul.f32 $1.066896200e+00, v3  }
0x2d9: {  	s6 =	sadd.s32 $0x1, s6  }
0x2da: {  	s7 =	sadd.s32 $0x400, s7;
	s15 =	sadd.s32 $0x80, s15;
	s8 =	sadd.s32 $0x400, s8;
	[tilespmem:s22+$0x8200] =	vst v3  }
0x2db: {  	v3 =	vld [tilespmem:$0x180];
	_ =	sdelay $0x4  }
0x2dc: {  	v4 =	vshll.u32 v3, $0x3  }
0x2dd: {  	v3 =	vand.u32 $0x7, v3;
	v4 =	vand.u32 $0xFFFFFFC0, v4  }
0x2de: {  	v3 =	vor.u32 v3, v4  }
0x2df: {  	v4 =	vperm.xlane v3, v0;
	_ =	sdelay $0x1  }
0x2e0: {  	v4 =	vadd.s32 v1, v4;
	_ =	sdelay $0x3  }
0x2e1: {  	s8 =	simm.s32 $0x8200  }
0x2e2: {  	[hbm4b:s3+s4] =	stream.indirect_vreg.scatter [tilespmem:s8], [sflag:$0x4], $0x80, v4, vm0, $0xb8;
	[tilespmem:$0x10200] =	vst v63  }
0x2e3: {  	s15 =	simm.s32 $0x8A00;
	v3 =	vperm.xlane v3, v2  }
0x2e4: {  	[hbm4b:s12+s4] =	stream.indirect_vreg.scatter [tilespmem:s15], [sflag:$0x4], $0x80, v4, vm0, $0xb8;
	[tilespmem:$0x10200] =	vst v63  }
0x2e5: {  	s20 =	simm.s32 $0x9200;
	v3 =	vadd.s32 v1, v3  }
0x2e6: {  	[hbm4b:s13+s4] =	stream.indirect_vreg.scatter [tilespmem:s20], [sflag:$0x4], $0x80, v4, vm0, $0xb8;
	[tilespmem:$0x10200] =	vst v63  }
0x2e7: {  	s21 =	simm.s32 $0x9A00  }
0x2e8: {  	[hbm4b:s14+s4] =	stream.indirect_vreg.scatter [tilespmem:s21], [sflag:$0x4], $0x80, v4, vm0, $0xb8;
	[tilespmem:$0x10200] =	vst v63  }
0x2e9: {  	s22 =	simm.s32 $0xA200  }
0x2ea: {  	[hbm4b:s3+s4] =	stream.indirect_vreg.scatter [tilespmem:s22], [sflag:$0x4], $0x80, v3, vm0, $0xb8;
	[tilespmem:$0x10200] =	vst v63  }
0x2eb: {  	s6 =	simm.s32 $0xAA00  }
0x2ec: {  	[hbm4b:s12+s4] =	stream.indirect_vreg.scatter [tilespmem:s6], [sflag:$0x4], $0x80, v3, vm0, $0xb8;
	[tilespmem:$0x10200] =	vst v63  }
0x2ed: {  	_ = 	snop  }
0x2ee: {  	[hbm4b:s13+s4] =	stream.indirect_vreg.scatter [tilespmem:s26], [sflag:$0x4], $0x80, v3, vm0, $0xb8;
	[tilespmem:$0x10200] =	vst v63  }
0x2ef: {  	s26 =	simm.s32 $0xBA00  }
0x2f0: {  	[hbm4b:s14+s4] =	stream.indirect_vreg.scatter [tilespmem:s26], [sflag:$0x4], $0x80, v3, vm0, $0xb8;
	[tilespmem:$0x10200] =	vst v63  }
0x2f1: {  	v3 =	vld [tilespmem:$0x190];
	_ =	sdelay $0x4  }
0x2f2: {  	v63 =	vshll.u32 v3, $0x3  }
0x2f3: {  	v3 =	vand.u32 $0x7, v3;
	v4 =	vand.u32 $0xFFFFFFC0, v63  }
0x2f4: {  	v3 =	vor.u32 v3, v4  }
0x2f5: {  	v4 =	vperm.xlane v3, v0;
	_ =	sdelay $0x1  }
0x2f6: {  	v4 =	vadd.s32 v1, v4;
	_ =	sdelay $0x4  }
0x2f7: {  	[hbm4b:s3+s4] =	stream.indirect_vreg.scatter [tilespmem:s28], [sflag:$0x4], $0x80, v4, vm0, $0xb8;
	[tilespmem:$0x10200] =	vst v63  }
0x2f8: {  	s1 =	simm.s32 $0xCA00;
	v3 =	vperm.xlane v3, v2  }
0x2f9: {  	[hbm4b:s12+s4] =	stream.indirect_vreg.scatter [tilespmem:s1], [sflag:$0x4], $0x80, v4, vm0, $0xb8;
	[tilespmem:$0x10200] =	vst v63  }
0x2fa: {  	v3 =	vadd.s32 v1, v3  }
0x2fb: {  	[hbm4b:s13+s4] =	stream.indirect_vreg.scatter [tilespmem:s29], [sflag:$0x4], $0x80, v4, vm0, $0xb8;
	[tilespmem:$0x10200] =	vst v63  }
0x2fc: {  	s7 =	simm.s32 $0xDA00  }
0x2fd: {  	[hbm4b:s14+s4] =	stream.indirect_vreg.scatter [tilespmem:s7], [sflag:$0x4], $0x80, v4, vm0, $0xb8;
	[tilespmem:$0x10200] =	vst v63  }
0x2fe: {  	_ = 	snop  }
0x2ff: {  	[hbm4b:s3+s4] =	stream.indirect_vreg.scatter [tilespmem:s30], [sflag:$0x4], $0x80, v3, vm0, $0xb8;
	[tilespmem:$0x10200] =	vst v63  }
0x300: {  	s1 =	simm.s32 $0xEA00  }
0x301: {  	[hbm4b:s12+s4] =	stream.indirect_vreg.scatter [tilespmem:s1], [sflag:$0x4], $0x80, v3, vm0, $0xb8;
	[tilespmem:$0x10200] =	vst v63  }
0x302: {  	s26 =	simm.s32 $0xF200  }
0x303: {  	[hbm4b:s13+s4] =	stream.indirect_vreg.scatter [tilespmem:s26], [sflag:$0x4], $0x80, v3, vm0, $0xb8;
	[tilespmem:$0x10200] =	vst v63  }
0x304: {  	s28 =	simm.s32 $0x3  }
0x305: {  	[hbm4b:s14+s4] =	stream.indirect_vreg.scatter [tilespmem:s18], [sflag:$0x4], $0x80, v3, vm0, $0xb8;
	[tilespmem:$0x10200] =	vst v63  }
0x306: {  	_ =	swait.ge [sflag:s28], $0x8000  }
0x307: {  	[sflag:s28] =	ssyncset.done $0x0  }
0x308: {  	s29 =	simm.s32 $0x4;
	[sflag:s28] =	ssyncadd.s32 $0xFFFF8000  }
0x309: {  	_ =	swait.ge [sflag:s29], $0x8000  }
0x30a: {  	s19 =	sadd.s32 $0x1, s19;
	s30 =	rddreg [dreg:$0x8]  }
0x30b: {  	p0 =	sne.s32 s19, s30  }
.Ltmp4:
0x30c: {  	_ = 	snop;
	(pc) =	sbr.rel @p0 .LBB2_1-.Ltmp4, $3  }
0x30d: {  	_ =	sdelay $0x1  }
0x30e: {  	[sflag:s29] =	ssyncset.done $0x0  }
0x30f: {  	[sflag:s29] =	ssyncadd.s32 $0xFFFF8000  }
0x310: {  	_ =	sfence.sel $0x180000  }
0x311: {  	[bflag:$0x0] =	sbarrier.arrive $0xFFFF  }
0x312: {  	_ =	strace $0x90000047  }
0x313: {  	s0 =	stileid.u32;
	[bflag:$0x2] =	sbarrier.arrive $0xFFFF  }
0x314: {  	p0 =	sne.s32 s0, $0x0;
	s0 =	rddreg [dreg:$0x3]  }
0x315: {  	s0 =	sadd.s32 @!p0 $0x100000, s0  }
0x316: {  	[sflag:s0] =	ssyncadd.tile.s32 @!p0 $0x1;
	_ =	shalt  }
.Lfunc_end2:
_tile_overlayer_lowered:
.L_overlay_start_2:
0x317: {  	(tag) =	ssettag $0x2  }
0x318: {  	s0 =	rddreg [dreg:$0x0];
	s2 =	stileid.u32  }
0x319: {  	s1 =	rddreg [dreg:$0x1];
	p0 =	sne.s32 s2, $0x0  }
0x31a: {  	s3 =	rddreg [dreg:$0x2];
	[bflag:$0x3] =	sbarrier.arrive $0xFFFF;
	s2 =	simm.s32 @!p0 $0x1C05  }
0x31b: {  	[timem:s3], [sflag:s2] =	dma.local @!p0 [hbm:s0], s1  }
0x31c: {  	s0 =	simm.s32 @!p0 $0x5  }
0x31d: {  	_ =	swait.ge @!p0 [sflag:s0], s1  }
0x31e: {  	s1 =	ssub.s32 @!p0 $0x0, s1;
	[sflag:s0] =	ssyncset.done @!p0 $0x0  }
0x31f: {  	[sflag:s0] =	ssyncadd.s32 @!p0 s1  }
0x320: {  	[bflag:$0x3] =	sbarrier.arrive $0xFFFF  }
0x321: {  	_ =	shalt  }

</sc_bundles>
